<compile_context>
chip_gen: v7x
topology: tpu7x:2x2x1
jax: 0.10.2.dev20260603
libtpu: 0.0.44.dev20260713+nightly
codegen_flags: <defaults>
</compile_context>

<pallas_src>
import functools

import jax
import jax.numpy as jnp
from jax import lax
from jax.experimental import pallas as pl
from jax.experimental.pallas import tpu as pltpu
from jax.experimental.pallas import tpu_sc as plsc

N = 10000
E = 320000
IN_DIM = 128
H = 256
HH = 128
OUT_DIM = 128
NUM_LAYERS = 3

NCORES = 2
NTILES = 16
CHUNK = 128
EPAD = 327680
CPT16 = EPAD // (NTILES * CHUNK)
CPT32 = EPAD // (2 * NTILES * CHUNK)
GC = 32
NG = CPT16 // GC
NACC = 10112
FLUSH = NACC // NTILES
BLK = 1000

_MESH = plsc.VectorSubcoreMesh(core_axis_name="c", subcore_axis_name="s")



def _agg_body(xsplit, srcb, dstb, zrows, out, idx_s, idx_d, rows0, rows1,
              acc, gsem):
    c = lax.axis_index("c")
    s = lax.axis_index("s")
    pltpu.sync_copy(zrows, acc.at[pl.ds(s * FLUSH, FLUSH)])
    plsc.subcore_barrier()

    table = xsplit.at[c]

    def group(g, carry):
        pltpu.sync_copy(srcb.at[s, g], idx_s)
        pltpu.sync_copy(dstb.at[s, g], idx_d)
        pltpu.make_async_copy(table.at[idx_s.at[0]], rows0, gsem).start()

        def pair(t, cc):
            j = t * 2
            pltpu.make_async_copy(table.at[idx_s.at[j]], rows0, gsem).wait()
            pltpu.make_async_copy(table.at[idx_s.at[j + 1]], rows1,
                                  gsem).start()
            pltpu.sync_copy(rows0, acc.at[idx_d.at[j]], add=True)
            pltpu.make_async_copy(table.at[idx_s.at[j + 1]], rows1,
                                  gsem).wait()

            @pl.when(t < GC // 2 - 1)
            def _():
                pltpu.make_async_copy(table.at[idx_s.at[j + 2]], rows0,
                                      gsem).start()

            pltpu.sync_copy(rows1, acc.at[idx_d.at[j + 1]], add=True)
            return cc

        lax.fori_loop(0, GC // 2, pair, 0)
        return carry

    lax.fori_loop(0, NG, group, 0)
    plsc.subcore_barrier()
    r0 = s * FLUSH
    pltpu.sync_copy(acc.at[pl.ds(r0, FLUSH)], out.at[c, pl.ds(r0, FLUSH)])


_agg_call = pl.kernel(
    _agg_body,
    out_type=jax.ShapeDtypeStruct((NCORES, NACC, HH), jnp.float32),
    mesh=_MESH,
    scratch_types=[
        pltpu.VMEM((GC, CHUNK), jnp.int32),
        pltpu.VMEM((GC, CHUNK), jnp.int32),
        pltpu.VMEM((CHUNK, HH), jnp.float32),
        pltpu.VMEM((CHUNK, HH), jnp.float32),
        pltpu.VMEM_SHARED((NACC, HH), jnp.float32),
        pltpu.SemaphoreType.DMA,
    ],
)


def _deg_body(dstb, ones_hbm, zrows, out, idx_d, ones_v, acc):
    c = lax.axis_index("c")
    s = lax.axis_index("s")
    w = c * NTILES + s
    pltpu.sync_copy(ones_hbm, ones_v)
    pltpu.sync_copy(zrows, acc.at[pl.ds(s * FLUSH, FLUSH)])
    plsc.subcore_barrier()

    pltpu.sync_copy(dstb.at[w], idx_d)

    def step(k, cc):
        pltpu.sync_copy(ones_v, acc.at[idx_d.at[k]], add=True)
        return cc

    lax.fori_loop(0, CPT32, step, 0)
    plsc.subcore_barrier()
    r0 = s * FLUSH
    pltpu.sync_copy(acc.at[pl.ds(r0, FLUSH)], out.at[c, pl.ds(r0, FLUSH)])


_deg_call = pl.kernel(
    _deg_body,
    out_type=jax.ShapeDtypeStruct((NCORES, NACC, HH), jnp.float32),
    mesh=_MESH,
    scratch_types=[
        pltpu.VMEM((CPT32, CHUNK), jnp.int32),
        pltpu.VMEM((CHUNK, HH), jnp.float32),
        pltpu.VMEM_SHARED((NACC, HH), jnp.float32),
    ],
)



def _pre_body(x_ref, w_ref, b_ref, xs_ref, m_ref):
    h = jnp.dot(x_ref[...], w_ref[...],
                preferred_element_type=jnp.float32) + b_ref[...]
    xs_ref[0] = h[:, :HH]
    xs_ref[1] = h[:, HH:]
    m_ref[...] = jnp.maximum(h, 0.0)


def _pre_call(x, w, b):
    return pl.pallas_call(
        _pre_body,
        grid=(N // BLK,),
        in_specs=[
            pl.BlockSpec((BLK, IN_DIM), lambda i: (i, 0)),
            pl.BlockSpec((IN_DIM, H), lambda i: (0, 0)),
            pl.BlockSpec((1, H), lambda i: (0, 0)),
        ],
        out_specs=[
            pl.BlockSpec((2, BLK, HH), lambda i: (0, i, 0)),
            pl.BlockSpec((BLK, H), lambda i: (i, 0)),
        ],
        out_shape=[
            jax.ShapeDtypeStruct((2, N, HH), jnp.float32),
            jax.ShapeDtypeStruct((N, H), jnp.float32),
        ],
    )(x, w, b)


def _layer_body(xs, a0, a1, a2, d0, d1, d2, ws, wn, w2, b2, m_in,
                xs_o, m_o):
    xc = jnp.concatenate([xs[0], xs[1]], axis=1)
    tot = b2[...]
    for j, (ag, dg) in enumerate(((a0, d0), (a1, d1), (a2, d2))):
        inv = 1.0 / jnp.maximum(dg[0, :, 0:1] + dg[1, :, 0:1], 1.0)
        mean = jnp.concatenate([ag[0], ag[1]], axis=1) * inv
        o = jnp.maximum(
            jnp.dot(xc, ws[j], preferred_element_type=jnp.float32)
            + jnp.dot(mean, wn[j], preferred_element_type=jnp.float32), 0.0)
        tot = tot + jnp.dot(o, w2[j * H:(j + 1) * H],
                            preferred_element_type=jnp.float32)
    xn = jnp.maximum(tot, 0.0)
    xs_o[0] = xn[:, :HH]
    xs_o[1] = xn[:, HH:]
    m_o[...] = jnp.maximum(m_in[...], xn)


def _layer_call(xs, aggs, degs, ws, wn, w2, b2, m):
    full = lambda shape: pl.BlockSpec(shape, lambda i: tuple(0 for _ in shape))
    return pl.pallas_call(
        _layer_body,
        grid=(N // BLK,),
        in_specs=[
            pl.BlockSpec((2, BLK, HH), lambda i: (0, i, 0)),
            pl.BlockSpec((2, BLK, HH), lambda i: (0, i, 0)),
            pl.BlockSpec((2, BLK, HH), lambda i: (0, i, 0)),
            pl.BlockSpec((2, BLK, HH), lambda i: (0, i, 0)),
            pl.BlockSpec((2, BLK, HH), lambda i: (0, i, 0)),
            pl.BlockSpec((2, BLK, HH), lambda i: (0, i, 0)),
            pl.BlockSpec((2, BLK, HH), lambda i: (0, i, 0)),
            full((3, H, H)),
            full((3, H, H)),
            full((3 * H, H)),
            full((1, H)),
            pl.BlockSpec((BLK, H), lambda i: (i, 0)),
        ],
        out_specs=[
            pl.BlockSpec((2, BLK, HH), lambda i: (0, i, 0)),
            pl.BlockSpec((BLK, H), lambda i: (i, 0)),
        ],
        out_shape=[
            jax.ShapeDtypeStruct((2, N, HH), jnp.float32),
            jax.ShapeDtypeStruct((N, H), jnp.float32),
        ],
    )(xs, aggs[0], aggs[1], aggs[2], degs[0], degs[1], degs[2],
      ws, wn, w2, b2, m)


def _cls_body(m_ref, w1, b1, w2, b2, out_ref):
    hc = jnp.maximum(
        jnp.dot(m_ref[...], w1[...], preferred_element_type=jnp.float32)
        + b1[...], 0.0)
    out_ref[...] = jnp.dot(hc, w2[...],
                           preferred_element_type=jnp.float32) + b2[...]


def _cls_call(m, w1, b1, w2, b2):
    return pl.pallas_call(
        _cls_body,
        grid=(N // BLK,),
        in_specs=[
            pl.BlockSpec((BLK, H), lambda i: (i, 0)),
            pl.BlockSpec((H, H), lambda i: (0, 0)),
            pl.BlockSpec((1, H), lambda i: (0, 0)),
            pl.BlockSpec((H, OUT_DIM), lambda i: (0, 0)),
            pl.BlockSpec((1, OUT_DIM), lambda i: (0, 0)),
        ],
        out_specs=pl.BlockSpec((BLK, OUT_DIM), lambda i: (i, 0)),
        out_shape=jax.ShapeDtypeStruct((N, OUT_DIM), jnp.float32),
    )(m, w1, b1, w2, b2)



def kernel(x, edge_index, lin1_w, lin1_b, lin2_w, lin2_b, w_self, w_neigh,
           cls_w1, cls_b1, cls_w2, cls_b2):
    src = edge_index[:, 0, :]
    dst = edge_index[:, 1, :]
    pad = EPAD - E
    srcp = jnp.pad(src, ((0, 0), (0, pad)))
    dstp = jnp.pad(dst, ((0, 0), (0, pad)), constant_values=N)
    src16 = srcp.reshape(3, NTILES, NG, GC, CHUNK)
    dst16 = dstp.reshape(3, NTILES, NG, GC, CHUNK)

    zrows = jnp.zeros((FLUSH, HH), jnp.float32)
    b1 = lin1_b.reshape(1, H)
    b2 = lin2_b.reshape(1, H)
    cb1 = cls_b1.reshape(1, H)
    cb2 = cls_b2.reshape(1, OUT_DIM)

    dst32 = dstp.reshape(3, 2 * NTILES, CPT32, CHUNK)
    ones128 = jnp.ones((CHUNK, HH), jnp.float32)
    degs = [_deg_call(dst32[j], ones128, zrows) for j in range(3)]

    xs, m = _pre_call(x, lin1_w, b1)
    for i in range(NUM_LAYERS):
        aggs = [_agg_call(xs, src16[j], dst16[j], zrows) for j in range(3)]
        xs, m = _layer_call(xs, aggs, degs,
                            w_self[3 * i:3 * i + 3],
                            w_neigh[3 * i:3 * i + 3],
                            lin2_w, b2, m)
    logits = _cls_call(m, cls_w1, cb1, cls_w2, cb2)
    return (logits, m)

# --- scband reference (transcript-rebuilt; emitter-appended) ---
"""Pipeline reference for scband-network-gnn-50457275793685 (READ-ONLY COPY).

The authoritative reference and input builder live on the scoring server;
editing this copy changes nothing except your own understanding.
"""

import jax, jax.numpy as jnp
import numpy as np

N = 10000
E = 320000
IN_DIM = 128
H = 256
OUT_DIM = 128
NUM_LAYERS = 3
NUM_NA = NUM_LAYERS * 3


def setup_inputs(seed: int = 0) -> dict:
    key = jax.random.key(seed)
    ks = jax.random.split(key, 14)
    s = 0.05
    x = jax.random.normal(ks[0], (N, IN_DIM), dtype=jnp.float32)
    # three edge_index tensors (one per NA branch), values in [0, N)
    edge_index = jax.random.randint(ks[1], (3, 2, E), 0, N, dtype=jnp.int32)
    lin1_w = jax.random.normal(ks[2], (IN_DIM, H), dtype=jnp.float32) * s
    lin1_b = jnp.zeros((H,), dtype=jnp.float32)
    lin2_w = jax.random.normal(ks[3], (3 * H, H), dtype=jnp.float32) * s
    lin2_b = jnp.zeros((H,), dtype=jnp.float32)
    w_self = jax.random.normal(ks[4], (NUM_NA, H, H), dtype=jnp.float32) * s
    w_neigh = jax.random.normal(ks[5], (NUM_NA, H, H), dtype=jnp.float32) * s
    cls_w1 = jax.random.normal(ks[6], (H, H), dtype=jnp.float32) * s
    cls_b1 = jnp.zeros((H,), dtype=jnp.float32)
    cls_w2 = jax.random.normal(ks[7], (H, OUT_DIM), dtype=jnp.float32) * s
    cls_b2 = jnp.zeros((OUT_DIM,), dtype=jnp.float32)
    return {"x": x, "edge_index": edge_index, "lin1_w": lin1_w, "lin1_b": lin1_b,
            "lin2_w": lin2_w, "lin2_b": lin2_b, "w_self": w_self, "w_neigh": w_neigh,
            "cls_w1": cls_w1, "cls_b1": cls_b1, "cls_w2": cls_w2, "cls_b2": cls_b2}


def _sage(x, ei, w_s, w_n):
    # GraphSAGE-mean NA op: x @ W_self + mean_neighbor @ W_neigh
    src = ei[0]
    dst = ei[1]
    msg = jnp.take(x, src, axis=0)                                   # gather [E, H]
    agg = jax.ops.segment_sum(msg, dst, num_segments=N)              # scatter-add [N, H]
    deg = jax.ops.segment_sum(jnp.ones((ei.shape[1],), x.dtype), dst, num_segments=N)
    mean = agg / jnp.clip(deg, 1.0)[:, None]
    return x @ w_s + mean @ w_n


def reference(x, edge_index, lin1_w, lin1_b, lin2_w, lin2_b, w_self, w_neigh,
              cls_w1, cls_b1, cls_w2, cls_b2):
    # lin1 (dropout p used in eval mode -> identity)
    h = x @ lin1_w + lin1_b
    js = [jax.nn.relu(h)]
    xcur = h
    for i in range(NUM_LAYERS):
        outs = []
        for j in range(3):
            idx = i * 3 + j
            o = jax.nn.relu(_sage(xcur, edge_index[j], w_self[idx], w_neigh[idx]))
            outs.append(o)
        xcur = jnp.concatenate(outs, axis=1) @ lin2_w + lin2_b
        xcur = jax.nn.relu(xcur)
        js.append(xcur)  # sc op 'skip' = identity (fix_last: last layer appended directly)
    # layer aggregator 'l_max': elementwise max over jump connections
    x5 = js[0]
    for t in js[1:]:
        x5 = jnp.maximum(x5, t)
    # classifier: Linear -> ReLU -> Linear
    logits = jax.nn.relu(x5 @ cls_w1 + cls_b1) @ cls_w2 + cls_b2
    return (logits, x5)

if __name__ == "__main__":
    import jax
    _d = setup_inputs()
    print(jax.jit(kernel)(*tuple(_d.values())))

</pallas_src>

<mosaic_0001>
#map = affine_map<(d0, d1) -> (0, 0, 0)>
#map1 = affine_map<(d0, d1) -> (0, 0)>
module attributes {stable_mosaic.version = 14 : i64} {
  func.func @_deg_body(%arg0: i32, %arg1: i32, %arg2: memref<32x80x128xi32, #tpu.memory_space<hbm>>, %arg3: memref<128x128xf32, #tpu.memory_space<hbm>>, %arg4: memref<632x128xf32, #tpu.memory_space<hbm>>, %arg5: memref<2x10112x128xf32, #tpu.memory_space<hbm>>, %arg6: memref<80x128xi32, #tpu.memory_space<vmem>>, %arg7: memref<128x128xf32, #tpu.memory_space<vmem>>, %arg8: memref<10112x128xf32, #tpu.memory_space<vmem_shared>>) attributes {dimension_semantics = [#tpu.dimension_semantics<core_parallel>, #tpu.dimension_semantics<subcore_parallel>], iteration_bounds = array<i64: 2, 16>, scalar_prefetch = 0 : i64, scratch_operands = 3 : i64, tpu.core_type = #tpu.core_type<sc_vector_subcore>, window_params = [{transform_indices = #map}, {transform_indices = #map1}, {transform_indices = #map1}, {transform_indices = #map}]} {
    %mul3A = arith.constant 16 : i32
    %mul3A_0 = arith.muli %arg0, %mul3A : i32
    %add3A = arith.addi %mul3A_0, %arg1 : i32
    "tpu.region"() ({
      %run_scoped3A = tpu.sem_alloc : memref<!tpu.dma_semaphore, #tpu.memory_space<semaphore_mem>>
      tpu.enqueue_dma source(%arg3 : memref<128x128xf32, #tpu.memory_space<hbm>>) target(%arg7 : memref<128x128xf32, #tpu.memory_space<vmem>>) target_semaphore(%run_scoped3A : memref<!tpu.dma_semaphore, #tpu.memory_space<semaphore_mem>>)
      tpu.wait_dma2 semaphore(%run_scoped3A : memref<!tpu.dma_semaphore, #tpu.memory_space<semaphore_mem>>) src(%arg3 : memref<128x128xf32, #tpu.memory_space<hbm>>) dst(%arg7 : memref<128x128xf32, #tpu.memory_space<vmem>>)
      tpu.yield
    }) : () -> ()
    %mul3A_1 = arith.constant 632 : i32
    %mul3A_2 = arith.muli %arg1, %mul3A_1 : i32
    "tpu.region"() ({
      %run_scoped3A = tpu.sem_alloc : memref<!tpu.dma_semaphore, #tpu.memory_space<semaphore_mem>>
      %dma_start3A = arith.constant 0 : i32
      %dma_start3A_11 = tpu.memref_slice %arg8[%mul3A_2, %dma_start3A] : memref<10112x128xf32, #tpu.memory_space<vmem_shared>> -> memref<632x128xf32, #tpu.memory_space<vmem_shared>>
      tpu.enqueue_dma source(%arg4 : memref<632x128xf32, #tpu.memory_space<hbm>>) target(%dma_start3A_11 : memref<632x128xf32, #tpu.memory_space<vmem_shared>>) target_semaphore(%run_scoped3A : memref<!tpu.dma_semaphore, #tpu.memory_space<semaphore_mem>>)
      %dma_wait3A = arith.constant 0 : i32
      %dma_wait3A_12 = tpu.memref_slice %arg8[%mul3A_2, %dma_wait3A] : memref<10112x128xf32, #tpu.memory_space<vmem_shared>> -> memref<632x128xf32, #tpu.memory_space<vmem_shared>>
      tpu.wait_dma2 semaphore(%run_scoped3A : memref<!tpu.dma_semaphore, #tpu.memory_space<semaphore_mem>>) src(%arg4 : memref<632x128xf32, #tpu.memory_space<hbm>>) dst(%dma_wait3A_12 : memref<632x128xf32, #tpu.memory_space<vmem_shared>>)
      tpu.yield
    }) : () -> ()
    %barrier3A = arith.constant 0 : index
    tpu.barrier barrier_id(%barrier3A)
    "tpu.region"() ({
      %run_scoped3A = tpu.sem_alloc : memref<!tpu.dma_semaphore, #tpu.memory_space<semaphore_mem>>
      %dma_start3A = arith.constant 0 : i32
      %dma_start3A_11 = arith.constant 0 : i32
      %dma_start3A_12 = tpu.memref_slice %arg2[%add3A, %dma_start3A, %dma_start3A_11] : memref<32x80x128xi32, #tpu.memory_space<hbm>> -> memref<1x80x128xi32, #tpu.memory_space<hbm>>
      %dma_start3A_13 = tpu.memref_squeeze %dma_start3A_12 : memref<1x80x128xi32, #tpu.memory_space<hbm>> -> memref<80x128xi32, #tpu.memory_space<hbm>>
      %dma_start3A_14 = arith.constant 0 : i32
      %dma_start3A_15 = arith.constant 0 : i32
      %dma_start3A_16 = tpu.memref_slice %arg2[%add3A, %dma_start3A_14, %dma_start3A_15] : memref<32x80x128xi32, #tpu.memory_space<hbm>> -> memref<1x80x128xi32, #tpu.memory_space<hbm>>
      %dma_start3A_17 = tpu.memref_squeeze %dma_start3A_16 : memref<1x80x128xi32, #tpu.memory_space<hbm>> -> memref<80x128xi32, #tpu.memory_space<hbm>>
      tpu.enqueue_dma source(%dma_start3A_17 : memref<80x128xi32, #tpu.memory_space<hbm>>) target(%arg6 : memref<80x128xi32, #tpu.memory_space<vmem>>) target_semaphore(%run_scoped3A : memref<!tpu.dma_semaphore, #tpu.memory_space<semaphore_mem>>)
      %dma_wait3A = arith.constant 0 : i32
      %dma_wait3A_18 = arith.constant 0 : i32
      %dma_wait3A_19 = tpu.memref_slice %arg2[%add3A, %dma_wait3A, %dma_wait3A_18] : memref<32x80x128xi32, #tpu.memory_space<hbm>> -> memref<1x80x128xi32, #tpu.memory_space<hbm>>
      %dma_wait3A_20 = tpu.memref_squeeze %dma_wait3A_19 : memref<1x80x128xi32, #tpu.memory_space<hbm>> -> memref<80x128xi32, #tpu.memory_space<hbm>>
      %dma_wait3A_21 = arith.constant 0 : i32
      %dma_wait3A_22 = arith.constant 0 : i32
      %dma_wait3A_23 = tpu.memref_slice %arg2[%add3A, %dma_wait3A_21, %dma_wait3A_22] : memref<32x80x128xi32, #tpu.memory_space<hbm>> -> memref<1x80x128xi32, #tpu.memory_space<hbm>>
      %dma_wait3A_24 = tpu.memref_squeeze %dma_wait3A_23 : memref<1x80x128xi32, #tpu.memory_space<hbm>> -> memref<80x128xi32, #tpu.memory_space<hbm>>
      tpu.wait_dma2 semaphore(%run_scoped3A : memref<!tpu.dma_semaphore, #tpu.memory_space<semaphore_mem>>) src(%dma_wait3A_24 : memref<80x128xi32, #tpu.memory_space<hbm>>) dst(%arg6 : memref<80x128xi32, #tpu.memory_space<vmem>>)
      tpu.yield
    }) : () -> ()
    %scan3A = arith.constant 0 : i32
    %scan3A_3 = arith.constant 0 : i32
    %scan3A_4 = arith.constant 80 : i32
    %scan3A_5 = arith.addi %scan3A_3, %scan3A_4 : i32
    %scan3A_6 = arith.constant 1 : i32
    scf.for %scan3A_11 = %scan3A_3 to %scan3A_5 step %scan3A_6  : i32 {
      "tpu.region"() ({
        %run_scoped3A = tpu.sem_alloc : memref<!tpu.dma_semaphore, #tpu.memory_space<semaphore_mem>>
        %dma_start3A = arith.constant 0 : i32
        %dma_start3A_12 = tpu.memref_slice %arg6[%scan3A_11, %dma_start3A] : memref<80x128xi32, #tpu.memory_space<vmem>> -> memref<1x128xi32, #tpu.memory_space<vmem>>
        %dma_start3A_13 = tpu.memref_squeeze %dma_start3A_12 : memref<1x128xi32, #tpu.memory_space<vmem>> -> memref<128xi32, #tpu.memory_space<vmem>>
        %dma_start3A_14 = arith.constant 0 : i32
        %dma_start3A_15 = arith.constant 0 : i32
        %dma_start3A_16 = tpu.memref_slice %arg8[%dma_start3A_14, %dma_start3A_15] : memref<10112x128xf32, #tpu.memory_space<vmem_shared>> -> memref<10112x128xf32, #tpu.memory_space<vmem_shared>>
        tpu.enqueue_indirect_dma source(%arg7 : memref<128x128xf32, #tpu.memory_space<vmem>>) target(%dma_start3A_16 : memref<10112x128xf32, #tpu.memory_space<vmem_shared>>) offsets(%dma_start3A_13 : memref<128xi32, #tpu.memory_space<vmem>>) semaphore(%run_scoped3A : memref<!tpu.dma_semaphore, #tpu.memory_space<semaphore_mem>>) {add = true}
        %dma_wait3A = arith.constant 0 : i32
        %dma_wait3A_17 = tpu.memref_slice %arg6[%scan3A_11, %dma_wait3A] : memref<80x128xi32, #tpu.memory_space<vmem>> -> memref<1x128xi32, #tpu.memory_space<vmem>>
        %dma_wait3A_18 = tpu.memref_squeeze %dma_wait3A_17 : memref<1x128xi32, #tpu.memory_space<vmem>> -> memref<128xi32, #tpu.memory_space<vmem>>
        %dma_wait3A_19 = arith.constant 0 : i32
        %dma_wait3A_20 = arith.constant 0 : i32
        %dma_wait3A_21 = tpu.memref_slice %arg8[%dma_wait3A_19, %dma_wait3A_20] : memref<10112x128xf32, #tpu.memory_space<vmem_shared>> -> memref<10112x128xf32, #tpu.memory_space<vmem_shared>>
        tpu.wait_indirect_dma semaphore(%run_scoped3A : memref<!tpu.dma_semaphore, #tpu.memory_space<semaphore_mem>>) src(%arg7 : memref<128x128xf32, #tpu.memory_space<vmem>>) dst(%dma_wait3A_21 : memref<10112x128xf32, #tpu.memory_space<vmem_shared>>)
        tpu.yield
      }) : () -> ()
    }
    %scan3A_7 = arith.constant 80 : i32
    %barrier3A_8 = arith.constant 0 : index
    tpu.barrier barrier_id(%barrier3A_8)
    %mul3A_9 = arith.constant 632 : i32
    %mul3A_10 = arith.muli %arg1, %mul3A_9 : i32
    "tpu.region"() ({
      %run_scoped3A = tpu.sem_alloc : memref<!tpu.dma_semaphore, #tpu.memory_space<semaphore_mem>>
      %dma_start3A = arith.constant 0 : i32
      %dma_start3A_11 = tpu.memref_slice %arg5[%arg0, %mul3A_10, %dma_start3A] : memref<2x10112x128xf32, #tpu.memory_space<hbm>> -> memref<1x632x128xf32, #tpu.memory_space<hbm>>
      %dma_start3A_12 = tpu.memref_squeeze %dma_start3A_11 : memref<1x632x128xf32, #tpu.memory_space<hbm>> -> memref<632x128xf32, #tpu.memory_space<hbm>>
      %dma_start3A_13 = arith.constant 0 : i32
      %dma_start3A_14 = tpu.memref_slice %arg8[%mul3A_10, %dma_start3A_13] : memref<10112x128xf32, #tpu.memory_space<vmem_shared>> -> memref<632x128xf32, #tpu.memory_space<vmem_shared>>
      tpu.enqueue_dma source(%dma_start3A_14 : memref<632x128xf32, #tpu.memory_space<vmem_shared>>) target(%dma_start3A_12 : memref<632x128xf32, #tpu.memory_space<hbm>>) target_semaphore(%run_scoped3A : memref<!tpu.dma_semaphore, #tpu.memory_space<semaphore_mem>>)
      %dma_wait3A = arith.constant 0 : i32
      %dma_wait3A_15 = tpu.memref_slice %arg5[%arg0, %mul3A_10, %dma_wait3A] : memref<2x10112x128xf32, #tpu.memory_space<hbm>> -> memref<1x632x128xf32, #tpu.memory_space<hbm>>
      %dma_wait3A_16 = tpu.memref_squeeze %dma_wait3A_15 : memref<1x632x128xf32, #tpu.memory_space<hbm>> -> memref<632x128xf32, #tpu.memory_space<hbm>>
      %dma_wait3A_17 = arith.constant 0 : i32
      %dma_wait3A_18 = tpu.memref_slice %arg8[%mul3A_10, %dma_wait3A_17] : memref<10112x128xf32, #tpu.memory_space<vmem_shared>> -> memref<632x128xf32, #tpu.memory_space<vmem_shared>>
      tpu.wait_dma2 semaphore(%run_scoped3A : memref<!tpu.dma_semaphore, #tpu.memory_space<semaphore_mem>>) src(%dma_wait3A_18 : memref<632x128xf32, #tpu.memory_space<vmem_shared>>) dst(%dma_wait3A_16 : memref<632x128xf32, #tpu.memory_space<hbm>>)
      tpu.yield
    }) : () -> ()
    return
  }
}

#map = affine_map<(d0, d1) -> (0, 0, 0)>
#map1 = affine_map<(d0, d1) -> (0, 0)>
module attributes {stable_mosaic.version = 14 : i64} {
  func.func @_deg_body(%arg0: i32, %arg1: i32, %arg2: memref<32x80x128xi32, #tpu.memory_space<hbm>>, %arg3: memref<128x128xf32, #tpu.memory_space<hbm>>, %arg4: memref<632x128xf32, #tpu.memory_space<hbm>>, %arg5: memref<2x10112x128xf32, #tpu.memory_space<hbm>>, %arg6: memref<80x128xi32, #tpu.memory_space<vmem>>, %arg7: memref<128x128xf32, #tpu.memory_space<vmem>>, %arg8: memref<10112x128xf32, #tpu.memory_space<vmem_shared>>) attributes {dimension_semantics = [#tpu.dimension_semantics<core_parallel>, #tpu.dimension_semantics<subcore_parallel>], iteration_bounds = array<i64: 2, 16>, scalar_prefetch = 0 : i64, scratch_operands = 3 : i64, tpu.core_type = #tpu.core_type<sc_vector_subcore>, window_params = [{transform_indices = #map}, {transform_indices = #map1}, {transform_indices = #map1}, {transform_indices = #map}]} {
    %mul3A = arith.constant 16 : i32
    %mul3A_0 = arith.muli %arg0, %mul3A : i32
    %add3A = arith.addi %mul3A_0, %arg1 : i32
    "tpu.region"() ({
      %run_scoped3A = tpu.sem_alloc : memref<!tpu.dma_semaphore, #tpu.memory_space<semaphore_mem>>
      tpu.enqueue_dma source(%arg3 : memref<128x128xf32, #tpu.memory_space<hbm>>) target(%arg7 : memref<128x128xf32, #tpu.memory_space<vmem>>) target_semaphore(%run_scoped3A : memref<!tpu.dma_semaphore, #tpu.memory_space<semaphore_mem>>)
      tpu.wait_dma2 semaphore(%run_scoped3A : memref<!tpu.dma_semaphore, #tpu.memory_space<semaphore_mem>>) src(%arg3 : memref<128x128xf32, #tpu.memory_space<hbm>>) dst(%arg7 : memref<128x128xf32, #tpu.memory_space<vmem>>)
      tpu.yield
    }) : () -> ()
    %mul3A_1 = arith.constant 632 : i32
    %mul3A_2 = arith.muli %arg1, %mul3A_1 : i32
    "tpu.region"() ({
      %run_scoped3A = tpu.sem_alloc : memref<!tpu.dma_semaphore, #tpu.memory_space<semaphore_mem>>
      %dma_start3A = arith.constant 0 : i32
      %dma_start3A_11 = tpu.memref_slice %arg8[%mul3A_2, %dma_start3A] : memref<10112x128xf32, #tpu.memory_space<vmem_shared>> -> memref<632x128xf32, #tpu.memory_space<vmem_shared>>
      tpu.enqueue_dma source(%arg4 : memref<632x128xf32, #tpu.memory_space<hbm>>) target(%dma_start3A_11 : memref<632x128xf32, #tpu.memory_space<vmem_shared>>) target_semaphore(%run_scoped3A : memref<!tpu.dma_semaphore, #tpu.memory_space<semaphore_mem>>)
      %dma_wait3A = arith.constant 0 : i32
      %dma_wait3A_12 = tpu.memref_slice %arg8[%mul3A_2, %dma_wait3A] : memref<10112x128xf32, #tpu.memory_space<vmem_shared>> -> memref<632x128xf32, #tpu.memory_space<vmem_shared>>
      tpu.wait_dma2 semaphore(%run_scoped3A : memref<!tpu.dma_semaphore, #tpu.memory_space<semaphore_mem>>) src(%arg4 : memref<632x128xf32, #tpu.memory_space<hbm>>) dst(%dma_wait3A_12 : memref<632x128xf32, #tpu.memory_space<vmem_shared>>)
      tpu.yield
    }) : () -> ()
    %barrier3A = arith.constant 0 : index
    tpu.barrier barrier_id(%barrier3A)
    "tpu.region"() ({
      %run_scoped3A = tpu.sem_alloc : memref<!tpu.dma_semaphore, #tpu.memory_space<semaphore_mem>>
      %dma_start3A = arith.constant 0 : i32
      %dma_start3A_11 = arith.constant 0 : i32
      %dma_start3A_12 = tpu.memref_slice %arg2[%add3A, %dma_start3A, %dma_start3A_11] : memref<32x80x128xi32, #tpu.memory_space<hbm>> -> memref<1x80x128xi32, #tpu.memory_space<hbm>>
      %dma_start3A_13 = tpu.memref_squeeze %dma_start3A_12 : memref<1x80x128xi32, #tpu.memory_space<hbm>> -> memref<80x128xi32, #tpu.memory_space<hbm>>
      %dma_start3A_14 = arith.constant 0 : i32
      %dma_start3A_15 = arith.constant 0 : i32
      %dma_start3A_16 = tpu.memref_slice %arg2[%add3A, %dma_start3A_14, %dma_start3A_15] : memref<32x80x128xi32, #tpu.memory_space<hbm>> -> memref<1x80x128xi32, #tpu.memory_space<hbm>>
      %dma_start3A_17 = tpu.memref_squeeze %dma_start3A_16 : memref<1x80x128xi32, #tpu.memory_space<hbm>> -> memref<80x128xi32, #tpu.memory_space<hbm>>
      tpu.enqueue_dma source(%dma_start3A_17 : memref<80x128xi32, #tpu.memory_space<hbm>>) target(%arg6 : memref<80x128xi32, #tpu.memory_space<vmem>>) target_semaphore(%run_scoped3A : memref<!tpu.dma_semaphore, #tpu.memory_space<semaphore_mem>>)
      %dma_wait3A = arith.constant 0 : i32
      %dma_wait3A_18 = arith.constant 0 : i32
      %dma_wait3A_19 = tpu.memref_slice %arg2[%add3A, %dma_wait3A, %dma_wait3A_18] : memref<32x80x128xi32, #tpu.memory_space<hbm>> -> memref<1x80x128xi32, #tpu.memory_space<hbm>>
      %dma_wait3A_20 = tpu.memref_squeeze %dma_wait3A_19 : memref<1x80x128xi32, #tpu.memory_space<hbm>> -> memref<80x128xi32, #tpu.memory_space<hbm>>
      %dma_wait3A_21 = arith.constant 0 : i32
      %dma_wait3A_22 = arith.constant 0 : i32
      %dma_wait3A_23 = tpu.memref_slice %arg2[%add3A, %dma_wait3A_21, %dma_wait3A_22] : memref<32x80x128xi32, #tpu.memory_space<hbm>> -> memref<1x80x128xi32, #tpu.memory_space<hbm>>
      %dma_wait3A_24 = tpu.memref_squeeze %dma_wait3A_23 : memref<1x80x128xi32, #tpu.memory_space<hbm>> -> memref<80x128xi32, #tpu.memory_space<hbm>>
      tpu.wait_dma2 semaphore(%run_scoped3A : memref<!tpu.dma_semaphore, #tpu.memory_space<semaphore_mem>>) src(%dma_wait3A_24 : memref<80x128xi32, #tpu.memory_space<hbm>>) dst(%arg6 : memref<80x128xi32, #tpu.memory_space<vmem>>)
      tpu.yield
    }) : () -> ()
    %scan3A = arith.constant 0 : i32
    %scan3A_3 = arith.constant 0 : i32
    %scan3A_4 = arith.constant 80 : i32
    %scan3A_5 = arith.addi %scan3A_3, %scan3A_4 : i32
    %scan3A_6 = arith.constant 1 : i32
    scf.for %scan3A_11 = %scan3A_3 to %scan3A_5 step %scan3A_6  : i32 {
      "tpu.region"() ({
        %run_scoped3A = tpu.sem_alloc : memref<!tpu.dma_semaphore, #tpu.memory_space<semaphore_mem>>
        %dma_start3A = arith.constant 0 : i32
        %dma_start3A_12 = tpu.memref_slice %arg6[%scan3A_11, %dma_start3A] : memref<80x128xi32, #tpu.memory_space<vmem>> -> memref<1x128xi32, #tpu.memory_space<vmem>>
        %dma_start3A_13 = tpu.memref_squeeze %dma_start3A_12 : memref<1x128xi32, #tpu.memory_space<vmem>> -> memref<128xi32, #tpu.memory_space<vmem>>
        %dma_start3A_14 = arith.constant 0 : i32
        %dma_start3A_15 = arith.constant 0 : i32
        %dma_start3A_16 = tpu.memref_slice %arg8[%dma_start3A_14, %dma_start3A_15] : memref<10112x128xf32, #tpu.memory_space<vmem_shared>> -> memref<10112x128xf32, #tpu.memory_space<vmem_shared>>
        tpu.enqueue_indirect_dma source(%arg7 : memref<128x128xf32, #tpu.memory_space<vmem>>) target(%dma_start3A_16 : memref<10112x128xf32, #tpu.memory_space<vmem_shared>>) offsets(%dma_start3A_13 : memref<128xi32, #tpu.memory_space<vmem>>) semaphore(%run_scoped3A : memref<!tpu.dma_semaphore, #tpu.memory_space<semaphore_mem>>) {add = true}
        %dma_wait3A = arith.constant 0 : i32
        %dma_wait3A_17 = tpu.memref_slice %arg6[%scan3A_11, %dma_wait3A] : memref<80x128xi32, #tpu.memory_space<vmem>> -> memref<1x128xi32, #tpu.memory_space<vmem>>
        %dma_wait3A_18 = tpu.memref_squeeze %dma_wait3A_17 : memref<1x128xi32, #tpu.memory_space<vmem>> -> memref<128xi32, #tpu.memory_space<vmem>>
        %dma_wait3A_19 = arith.constant 0 : i32
        %dma_wait3A_20 = arith.constant 0 : i32
        %dma_wait3A_21 = tpu.memref_slice %arg8[%dma_wait3A_19, %dma_wait3A_20] : memref<10112x128xf32, #tpu.memory_space<vmem_shared>> -> memref<10112x128xf32, #tpu.memory_space<vmem_shared>>
        tpu.wait_indirect_dma semaphore(%run_scoped3A : memref<!tpu.dma_semaphore, #tpu.memory_space<semaphore_mem>>) src(%arg7 : memref<128x128xf32, #tpu.memory_space<vmem>>) dst(%dma_wait3A_21 : memref<10112x128xf32, #tpu.memory_space<vmem_shared>>)
        tpu.yield
      }) : () -> ()
    }
    %scan3A_7 = arith.constant 80 : i32
    %barrier3A_8 = arith.constant 0 : index
    tpu.barrier barrier_id(%barrier3A_8)
    %mul3A_9 = arith.constant 632 : i32
    %mul3A_10 = arith.muli %arg1, %mul3A_9 : i32
    "tpu.region"() ({
      %run_scoped3A = tpu.sem_alloc : memref<!tpu.dma_semaphore, #tpu.memory_space<semaphore_mem>>
      %dma_start3A = arith.constant 0 : i32
      %dma_start3A_11 = tpu.memref_slice %arg5[%arg0, %mul3A_10, %dma_start3A] : memref<2x10112x128xf32, #tpu.memory_space<hbm>> -> memref<1x632x128xf32, #tpu.memory_space<hbm>>
      %dma_start3A_12 = tpu.memref_squeeze %dma_start3A_11 : memref<1x632x128xf32, #tpu.memory_space<hbm>> -> memref<632x128xf32, #tpu.memory_space<hbm>>
      %dma_start3A_13 = arith.constant 0 : i32
      %dma_start3A_14 = tpu.memref_slice %arg8[%mul3A_10, %dma_start3A_13] : memref<10112x128xf32, #tpu.memory_space<vmem_shared>> -> memref<632x128xf32, #tpu.memory_space<vmem_shared>>
      tpu.enqueue_dma source(%dma_start3A_14 : memref<632x128xf32, #tpu.memory_space<vmem_shared>>) target(%dma_start3A_12 : memref<632x128xf32, #tpu.memory_space<hbm>>) target_semaphore(%run_scoped3A : memref<!tpu.dma_semaphore, #tpu.memory_space<semaphore_mem>>)
      %dma_wait3A = arith.constant 0 : i32
      %dma_wait3A_15 = tpu.memref_slice %arg5[%arg0, %mul3A_10, %dma_wait3A] : memref<2x10112x128xf32, #tpu.memory_space<hbm>> -> memref<1x632x128xf32, #tpu.memory_space<hbm>>
      %dma_wait3A_16 = tpu.memref_squeeze %dma_wait3A_15 : memref<1x632x128xf32, #tpu.memory_space<hbm>> -> memref<632x128xf32, #tpu.memory_space<hbm>>
      %dma_wait3A_17 = arith.constant 0 : i32
      %dma_wait3A_18 = tpu.memref_slice %arg8[%mul3A_10, %dma_wait3A_17] : memref<10112x128xf32, #tpu.memory_space<vmem_shared>> -> memref<632x128xf32, #tpu.memory_space<vmem_shared>>
      tpu.wait_dma2 semaphore(%run_scoped3A : memref<!tpu.dma_semaphore, #tpu.memory_space<semaphore_mem>>) src(%dma_wait3A_18 : memref<632x128xf32, #tpu.memory_space<vmem_shared>>) dst(%dma_wait3A_16 : memref<632x128xf32, #tpu.memory_space<hbm>>)
      tpu.yield
    }) : () -> ()
    return
  }
}

#map = affine_map<(d0, d1) -> (0, 0, 0)>
#map1 = affine_map<(d0, d1) -> (0, 0)>
module attributes {stable_mosaic.version = 14 : i64} {
  func.func @_deg_body(%arg0: i32, %arg1: i32, %arg2: memref<32x80x128xi32, #tpu.memory_space<hbm>>, %arg3: memref<128x128xf32, #tpu.memory_space<hbm>>, %arg4: memref<632x128xf32, #tpu.memory_space<hbm>>, %arg5: memref<2x10112x128xf32, #tpu.memory_space<hbm>>, %arg6: memref<80x128xi32, #tpu.memory_space<vmem>>, %arg7: memref<128x128xf32, #tpu.memory_space<vmem>>, %arg8: memref<10112x128xf32, #tpu.memory_space<vmem_shared>>) attributes {dimension_semantics = [#tpu.dimension_semantics<core_parallel>, #tpu.dimension_semantics<subcore_parallel>], iteration_bounds = array<i64: 2, 16>, scalar_prefetch = 0 : i64, scratch_operands = 3 : i64, tpu.core_type = #tpu.core_type<sc_vector_subcore>, window_params = [{transform_indices = #map}, {transform_indices = #map1}, {transform_indices = #map1}, {transform_indices = #map}]} {
    %mul3A = arith.constant 16 : i32
    %mul3A_0 = arith.muli %arg0, %mul3A : i32
    %add3A = arith.addi %mul3A_0, %arg1 : i32
    "tpu.region"() ({
      %run_scoped3A = tpu.sem_alloc : memref<!tpu.dma_semaphore, #tpu.memory_space<semaphore_mem>>
      tpu.enqueue_dma source(%arg3 : memref<128x128xf32, #tpu.memory_space<hbm>>) target(%arg7 : memref<128x128xf32, #tpu.memory_space<vmem>>) target_semaphore(%run_scoped3A : memref<!tpu.dma_semaphore, #tpu.memory_space<semaphore_mem>>)
      tpu.wait_dma2 semaphore(%run_scoped3A : memref<!tpu.dma_semaphore, #tpu.memory_space<semaphore_mem>>) src(%arg3 : memref<128x128xf32, #tpu.memory_space<hbm>>) dst(%arg7 : memref<128x128xf32, #tpu.memory_space<vmem>>)
      tpu.yield
    }) : () -> ()
    %mul3A_1 = arith.constant 632 : i32
    %mul3A_2 = arith.muli %arg1, %mul3A_1 : i32
    "tpu.region"() ({
      %run_scoped3A = tpu.sem_alloc : memref<!tpu.dma_semaphore, #tpu.memory_space<semaphore_mem>>
      %dma_start3A = arith.constant 0 : i32
      %dma_start3A_11 = tpu.memref_slice %arg8[%mul3A_2, %dma_start3A] : memref<10112x128xf32, #tpu.memory_space<vmem_shared>> -> memref<632x128xf32, #tpu.memory_space<vmem_shared>>
      tpu.enqueue_dma source(%arg4 : memref<632x128xf32, #tpu.memory_space<hbm>>) target(%dma_start3A_11 : memref<632x128xf32, #tpu.memory_space<vmem_shared>>) target_semaphore(%run_scoped3A : memref<!tpu.dma_semaphore, #tpu.memory_space<semaphore_mem>>)
      %dma_wait3A = arith.constant 0 : i32
      %dma_wait3A_12 = tpu.memref_slice %arg8[%mul3A_2, %dma_wait3A] : memref<10112x128xf32, #tpu.memory_space<vmem_shared>> -> memref<632x128xf32, #tpu.memory_space<vmem_shared>>
      tpu.wait_dma2 semaphore(%run_scoped3A : memref<!tpu.dma_semaphore, #tpu.memory_space<semaphore_mem>>) src(%arg4 : memref<632x128xf32, #tpu.memory_space<hbm>>) dst(%dma_wait3A_12 : memref<632x128xf32, #tpu.memory_space<vmem_shared>>)
      tpu.yield
    }) : () -> ()
    %barrier3A = arith.constant 0 : index
    tpu.barrier barrier_id(%barrier3A)
    "tpu.region"() ({
      %run_scoped3A = tpu.sem_alloc : memref<!tpu.dma_semaphore, #tpu.memory_space<semaphore_mem>>
      %dma_start3A = arith.constant 0 : i32
      %dma_start3A_11 = arith.constant 0 : i32
      %dma_start3A_12 = tpu.memref_slice %arg2[%add3A, %dma_start3A, %dma_start3A_11] : memref<32x80x128xi32, #tpu.memory_space<hbm>> -> memref<1x80x128xi32, #tpu.memory_space<hbm>>
      %dma_start3A_13 = tpu.memref_squeeze %dma_start3A_12 : memref<1x80x128xi32, #tpu.memory_space<hbm>> -> memref<80x128xi32, #tpu.memory_space<hbm>>
      %dma_start3A_14 = arith.constant 0 : i32
      %dma_start3A_15 = arith.constant 0 : i32
      %dma_start3A_16 = tpu.memref_slice %arg2[%add3A, %dma_start3A_14, %dma_start3A_15] : memref<32x80x128xi32, #tpu.memory_space<hbm>> -> memref<1x80x128xi32, #tpu.memory_space<hbm>>
      %dma_start3A_17 = tpu.memref_squeeze %dma_start3A_16 : memref<1x80x128xi32, #tpu.memory_space<hbm>> -> memref<80x128xi32, #tpu.memory_space<hbm>>
      tpu.enqueue_dma source(%dma_start3A_17 : memref<80x128xi32, #tpu.memory_space<hbm>>) target(%arg6 : memref<80x128xi32, #tpu.memory_space<vmem>>) target_semaphore(%run_scoped3A : memref<!tpu.dma_semaphore, #tpu.memory_space<semaphore_mem>>)
      %dma_wait3A = arith.constant 0 : i32
      %dma_wait3A_18 = arith.constant 0 : i32
      %dma_wait3A_19 = tpu.memref_slice %arg2[%add3A, %dma_wait3A, %dma_wait3A_18] : memref<32x80x128xi32, #tpu.memory_space<hbm>> -> memref<1x80x128xi32, #tpu.memory_space<hbm>>
      %dma_wait3A_20 = tpu.memref_squeeze %dma_wait3A_19 : memref<1x80x128xi32, #tpu.memory_space<hbm>> -> memref<80x128xi32, #tpu.memory_space<hbm>>
      %dma_wait3A_21 = arith.constant 0 : i32
      %dma_wait3A_22 = arith.constant 0 : i32
      %dma_wait3A_23 = tpu.memref_slice %arg2[%add3A, %dma_wait3A_21, %dma_wait3A_22] : memref<32x80x128xi32, #tpu.memory_space<hbm>> -> memref<1x80x128xi32, #tpu.memory_space<hbm>>
      %dma_wait3A_24 = tpu.memref_squeeze %dma_wait3A_23 : memref<1x80x128xi32, #tpu.memory_space<hbm>> -> memref<80x128xi32, #tpu.memory_space<hbm>>
      tpu.wait_dma2 semaphore(%run_scoped3A : memref<!tpu.dma_semaphore, #tpu.memory_space<semaphore_mem>>) src(%dma_wait3A_24 : memref<80x128xi32, #tpu.memory_space<hbm>>) dst(%arg6 : memref<80x128xi32, #tpu.memory_space<vmem>>)
      tpu.yield
    }) : () -> ()
    %scan3A = arith.constant 0 : i32
    %scan3A_3 = arith.constant 0 : i32
    %scan3A_4 = arith.constant 80 : i32
    %scan3A_5 = arith.addi %scan3A_3, %scan3A_4 : i32
    %scan3A_6 = arith.constant 1 : i32
    scf.for %scan3A_11 = %scan3A_3 to %scan3A_5 step %scan3A_6  : i32 {
      "tpu.region"() ({
        %run_scoped3A = tpu.sem_alloc : memref<!tpu.dma_semaphore, #tpu.memory_space<semaphore_mem>>
        %dma_start3A = arith.constant 0 : i32
        %dma_start3A_12 = tpu.memref_slice %arg6[%scan3A_11, %dma_start3A] : memref<80x128xi32, #tpu.memory_space<vmem>> -> memref<1x128xi32, #tpu.memory_space<vmem>>
        %dma_start3A_13 = tpu.memref_squeeze %dma_start3A_12 : memref<1x128xi32, #tpu.memory_space<vmem>> -> memref<128xi32, #tpu.memory_space<vmem>>
        %dma_start3A_14 = arith.constant 0 : i32
        %dma_start3A_15 = arith.constant 0 : i32
        %dma_start3A_16 = tpu.memref_slice %arg8[%dma_start3A_14, %dma_start3A_15] : memref<10112x128xf32, #tpu.memory_space<vmem_shared>> -> memref<10112x128xf32, #tpu.memory_space<vmem_shared>>
        tpu.enqueue_indirect_dma source(%arg7 : memref<128x128xf32, #tpu.memory_space<vmem>>) target(%dma_start3A_16 : memref<10112x128xf32, #tpu.memory_space<vmem_shared>>) offsets(%dma_start3A_13 : memref<128xi32, #tpu.memory_space<vmem>>) semaphore(%run_scoped3A : memref<!tpu.dma_semaphore, #tpu.memory_space<semaphore_mem>>) {add = true}
        %dma_wait3A = arith.constant 0 : i32
        %dma_wait3A_17 = tpu.memref_slice %arg6[%scan3A_11, %dma_wait3A] : memref<80x128xi32, #tpu.memory_space<vmem>> -> memref<1x128xi32, #tpu.memory_space<vmem>>
        %dma_wait3A_18 = tpu.memref_squeeze %dma_wait3A_17 : memref<1x128xi32, #tpu.memory_space<vmem>> -> memref<128xi32, #tpu.memory_space<vmem>>
        %dma_wait3A_19 = arith.constant 0 : i32
        %dma_wait3A_20 = arith.constant 0 : i32
        %dma_wait3A_21 = tpu.memref_slice %arg8[%dma_wait3A_19, %dma_wait3A_20] : memref<10112x128xf32, #tpu.memory_space<vmem_shared>> -> memref<10112x128xf32, #tpu.memory_space<vmem_shared>>
        tpu.wait_indirect_dma semaphore(%run_scoped3A : memref<!tpu.dma_semaphore, #tpu.memory_space<semaphore_mem>>) src(%arg7 : memref<128x128xf32, #tpu.memory_space<vmem>>) dst(%dma_wait3A_21 : memref<10112x128xf32, #tpu.memory_space<vmem_shared>>)
        tpu.yield
      }) : () -> ()
    }
    %scan3A_7 = arith.constant 80 : i32
    %barrier3A_8 = arith.constant 0 : index
    tpu.barrier barrier_id(%barrier3A_8)
    %mul3A_9 = arith.constant 632 : i32
    %mul3A_10 = arith.muli %arg1, %mul3A_9 : i32
    "tpu.region"() ({
      %run_scoped3A = tpu.sem_alloc : memref<!tpu.dma_semaphore, #tpu.memory_space<semaphore_mem>>
      %dma_start3A = arith.constant 0 : i32
      %dma_start3A_11 = tpu.memref_slice %arg5[%arg0, %mul3A_10, %dma_start3A] : memref<2x10112x128xf32, #tpu.memory_space<hbm>> -> memref<1x632x128xf32, #tpu.memory_space<hbm>>
      %dma_start3A_12 = tpu.memref_squeeze %dma_start3A_11 : memref<1x632x128xf32, #tpu.memory_space<hbm>> -> memref<632x128xf32, #tpu.memory_space<hbm>>
      %dma_start3A_13 = arith.constant 0 : i32
      %dma_start3A_14 = tpu.memref_slice %arg8[%mul3A_10, %dma_start3A_13] : memref<10112x128xf32, #tpu.memory_space<vmem_shared>> -> memref<632x128xf32, #tpu.memory_space<vmem_shared>>
      tpu.enqueue_dma source(%dma_start3A_14 : memref<632x128xf32, #tpu.memory_space<vmem_shared>>) target(%dma_start3A_12 : memref<632x128xf32, #tpu.memory_space<hbm>>) target_semaphore(%run_scoped3A : memref<!tpu.dma_semaphore, #tpu.memory_space<semaphore_mem>>)
      %dma_wait3A = arith.constant 0 : i32
      %dma_wait3A_15 = tpu.memref_slice %arg5[%arg0, %mul3A_10, %dma_wait3A] : memref<2x10112x128xf32, #tpu.memory_space<hbm>> -> memref<1x632x128xf32, #tpu.memory_space<hbm>>
      %dma_wait3A_16 = tpu.memref_squeeze %dma_wait3A_15 : memref<1x632x128xf32, #tpu.memory_space<hbm>> -> memref<632x128xf32, #tpu.memory_space<hbm>>
      %dma_wait3A_17 = arith.constant 0 : i32
      %dma_wait3A_18 = tpu.memref_slice %arg8[%mul3A_10, %dma_wait3A_17] : memref<10112x128xf32, #tpu.memory_space<vmem_shared>> -> memref<632x128xf32, #tpu.memory_space<vmem_shared>>
      tpu.wait_dma2 semaphore(%run_scoped3A : memref<!tpu.dma_semaphore, #tpu.memory_space<semaphore_mem>>) src(%dma_wait3A_18 : memref<632x128xf32, #tpu.memory_space<vmem_shared>>) dst(%dma_wait3A_16 : memref<632x128xf32, #tpu.memory_space<hbm>>)
      tpu.yield
    }) : () -> ()
    return
  }
}

#map = affine_map<(d0, d1) -> (0, 0, 0)>
#map1 = affine_map<(d0, d1) -> (0, 0, 0, 0)>
#map2 = affine_map<(d0, d1) -> (0, 0)>
module attributes {stable_mosaic.version = 14 : i64} {
  func.func @_agg_body(%arg0: i32, %arg1: i32, %arg2: memref<2x10000x128xf32, #tpu.memory_space<hbm>>, %arg3: memref<16x5x32x128xi32, #tpu.memory_space<hbm>>, %arg4: memref<16x5x32x128xi32, #tpu.memory_space<hbm>>, %arg5: memref<632x128xf32, #tpu.memory_space<hbm>>, %arg6: memref<2x10112x128xf32, #tpu.memory_space<hbm>>, %arg7: memref<32x128xi32, #tpu.memory_space<vmem>>, %arg8: memref<32x128xi32, #tpu.memory_space<vmem>>, %arg9: memref<128x128xf32, #tpu.memory_space<vmem>>, %arg10: memref<128x128xf32, #tpu.memory_space<vmem>>, %arg11: memref<10112x128xf32, #tpu.memory_space<vmem_shared>>, %arg12: memref<!tpu.dma_semaphore, #tpu.memory_space<semaphore_mem>>) attributes {dimension_semantics = [#tpu.dimension_semantics<core_parallel>, #tpu.dimension_semantics<subcore_parallel>], iteration_bounds = array<i64: 2, 16>, scalar_prefetch = 0 : i64, scratch_operands = 6 : i64, tpu.core_type = #tpu.core_type<sc_vector_subcore>, window_params = [{transform_indices = #map}, {transform_indices = #map1}, {transform_indices = #map1}, {transform_indices = #map2}, {transform_indices = #map}]} {
    %mul3A = arith.constant 632 : i32
    %mul3A_0 = arith.muli %arg1, %mul3A : i32
    "tpu.region"() ({
      %run_scoped3A = tpu.sem_alloc : memref<!tpu.dma_semaphore, #tpu.memory_space<semaphore_mem>>
      %dma_start3A = arith.constant 0 : i32
      %dma_start3A_9 = tpu.memref_slice %arg11[%mul3A_0, %dma_start3A] : memref<10112x128xf32, #tpu.memory_space<vmem_shared>> -> memref<632x128xf32, #tpu.memory_space<vmem_shared>>
      tpu.enqueue_dma source(%arg5 : memref<632x128xf32, #tpu.memory_space<hbm>>) target(%dma_start3A_9 : memref<632x128xf32, #tpu.memory_space<vmem_shared>>) target_semaphore(%run_scoped3A : memref<!tpu.dma_semaphore, #tpu.memory_space<semaphore_mem>>)
      %dma_wait3A = arith.constant 0 : i32
      %dma_wait3A_10 = tpu.memref_slice %arg11[%mul3A_0, %dma_wait3A] : memref<10112x128xf32, #tpu.memory_space<vmem_shared>> -> memref<632x128xf32, #tpu.memory_space<vmem_shared>>
      tpu.wait_dma2 semaphore(%run_scoped3A : memref<!tpu.dma_semaphore, #tpu.memory_space<semaphore_mem>>) src(%arg5 : memref<632x128xf32, #tpu.memory_space<hbm>>) dst(%dma_wait3A_10 : memref<632x128xf32, #tpu.memory_space<vmem_shared>>)
      tpu.yield
    }) : () -> ()
    %barrier3A = arith.constant 0 : index
    tpu.barrier barrier_id(%barrier3A)
    %scan3A = arith.constant 0 : i32
    %scan3A_1 = arith.constant 0 : i32
    %scan3A_2 = arith.constant 5 : i32
    %scan3A_3 = arith.addi %scan3A_1, %scan3A_2 : i32
    %scan3A_4 = arith.constant 1 : i32
    scf.for %scan3A_9 = %scan3A_1 to %scan3A_3 step %scan3A_4  : i32 {
      "tpu.region"() ({
        %run_scoped3A = tpu.sem_alloc : memref<!tpu.dma_semaphore, #tpu.memory_space<semaphore_mem>>
        %dma_start3A_26 = arith.constant 0 : i32
        %dma_start3A_27 = arith.constant 0 : i32
        %dma_start3A_28 = tpu.memref_slice %arg3[%arg1, %scan3A_9, %dma_start3A_26, %dma_start3A_27] : memref<16x5x32x128xi32, #tpu.memory_space<hbm>> -> memref<1x1x32x128xi32, #tpu.memory_space<hbm>>
        %dma_start3A_29 = tpu.memref_squeeze %dma_start3A_28 : memref<1x1x32x128xi32, #tpu.memory_space<hbm>> -> memref<32x128xi32, #tpu.memory_space<hbm>>
        %dma_start3A_30 = arith.constant 0 : i32
        %dma_start3A_31 = arith.constant 0 : i32
        %dma_start3A_32 = tpu.memref_slice %arg3[%arg1, %scan3A_9, %dma_start3A_30, %dma_start3A_31] : memref<16x5x32x128xi32, #tpu.memory_space<hbm>> -> memref<1x1x32x128xi32, #tpu.memory_space<hbm>>
        %dma_start3A_33 = tpu.memref_squeeze %dma_start3A_32 : memref<1x1x32x128xi32, #tpu.memory_space<hbm>> -> memref<32x128xi32, #tpu.memory_space<hbm>>
        tpu.enqueue_dma source(%dma_start3A_33 : memref<32x128xi32, #tpu.memory_space<hbm>>) target(%arg7 : memref<32x128xi32, #tpu.memory_space<vmem>>) target_semaphore(%run_scoped3A : memref<!tpu.dma_semaphore, #tpu.memory_space<semaphore_mem>>)
        %dma_wait3A = arith.constant 0 : i32
        %dma_wait3A_34 = arith.constant 0 : i32
        %dma_wait3A_35 = tpu.memref_slice %arg3[%arg1, %scan3A_9, %dma_wait3A, %dma_wait3A_34] : memref<16x5x32x128xi32, #tpu.memory_space<hbm>> -> memref<1x1x32x128xi32, #tpu.memory_space<hbm>>
        %dma_wait3A_36 = tpu.memref_squeeze %dma_wait3A_35 : memref<1x1x32x128xi32, #tpu.memory_space<hbm>> -> memref<32x128xi32, #tpu.memory_space<hbm>>
        %dma_wait3A_37 = arith.constant 0 : i32
        %dma_wait3A_38 = arith.constant 0 : i32
        %dma_wait3A_39 = tpu.memref_slice %arg3[%arg1, %scan3A_9, %dma_wait3A_37, %dma_wait3A_38] : memref<16x5x32x128xi32, #tpu.memory_space<hbm>> -> memref<1x1x32x128xi32, #tpu.memory_space<hbm>>
        %dma_wait3A_40 = tpu.memref_squeeze %dma_wait3A_39 : memref<1x1x32x128xi32, #tpu.memory_space<hbm>> -> memref<32x128xi32, #tpu.memory_space<hbm>>
        tpu.wait_dma2 semaphore(%run_scoped3A : memref<!tpu.dma_semaphore, #tpu.memory_space<semaphore_mem>>) src(%dma_wait3A_40 : memref<32x128xi32, #tpu.memory_space<hbm>>) dst(%arg7 : memref<32x128xi32, #tpu.memory_space<vmem>>)
        tpu.yield
      }) : () -> ()
      "tpu.region"() ({
        %run_scoped3A = tpu.sem_alloc : memref<!tpu.dma_semaphore, #tpu.memory_space<semaphore_mem>>
        %dma_start3A_26 = arith.constant 0 : i32
        %dma_start3A_27 = arith.constant 0 : i32
        %dma_start3A_28 = tpu.memref_slice %arg4[%arg1, %scan3A_9, %dma_start3A_26, %dma_start3A_27] : memref<16x5x32x128xi32, #tpu.memory_space<hbm>> -> memref<1x1x32x128xi32, #tpu.memory_space<hbm>>
        %dma_start3A_29 = tpu.memref_squeeze %dma_start3A_28 : memref<1x1x32x128xi32, #tpu.memory_space<hbm>> -> memref<32x128xi32, #tpu.memory_space<hbm>>
        %dma_start3A_30 = arith.constant 0 : i32
        %dma_start3A_31 = arith.constant 0 : i32
        %dma_start3A_32 = tpu.memref_slice %arg4[%arg1, %scan3A_9, %dma_start3A_30, %dma_start3A_31] : memref<16x5x32x128xi32, #tpu.memory_space<hbm>> -> memref<1x1x32x128xi32, #tpu.memory_space<hbm>>
        %dma_start3A_33 = tpu.memref_squeeze %dma_start3A_32 : memref<1x1x32x128xi32, #tpu.memory_space<hbm>> -> memref<32x128xi32, #tpu.memory_space<hbm>>
        tpu.enqueue_dma source(%dma_start3A_33 : memref<32x128xi32, #tpu.memory_space<hbm>>) target(%arg8 : memref<32x128xi32, #tpu.memory_space<vmem>>) target_semaphore(%run_scoped3A : memref<!tpu.dma_semaphore, #tpu.memory_space<semaphore_mem>>)
        %dma_wait3A = arith.constant 0 : i32
        %dma_wait3A_34 = arith.constant 0 : i32
        %dma_wait3A_35 = tpu.memref_slice %arg4[%arg1, %scan3A_9, %dma_wait3A, %dma_wait3A_34] : memref<16x5x32x128xi32, #tpu.memory_space<hbm>> -> memref<1x1x32x128xi32, #tpu.memory_space<hbm>>
        %dma_wait3A_36 = tpu.memref_squeeze %dma_wait3A_35 : memref<1x1x32x128xi32, #tpu.memory_space<hbm>> -> memref<32x128xi32, #tpu.memory_space<hbm>>
        %dma_wait3A_37 = arith.constant 0 : i32
        %dma_wait3A_38 = arith.constant 0 : i32
        %dma_wait3A_39 = tpu.memref_slice %arg4[%arg1, %scan3A_9, %dma_wait3A_37, %dma_wait3A_38] : memref<16x5x32x128xi32, #tpu.memory_space<hbm>> -> memref<1x1x32x128xi32, #tpu.memory_space<hbm>>
        %dma_wait3A_40 = tpu.memref_squeeze %dma_wait3A_39 : memref<1x1x32x128xi32, #tpu.memory_space<hbm>> -> memref<32x128xi32, #tpu.memory_space<hbm>>
        tpu.wait_dma2 semaphore(%run_scoped3A : memref<!tpu.dma_semaphore, #tpu.memory_space<semaphore_mem>>) src(%dma_wait3A_40 : memref<32x128xi32, #tpu.memory_space<hbm>>) dst(%arg8 : memref<32x128xi32, #tpu.memory_space<vmem>>)
        tpu.yield
      }) : () -> ()
      %dma_start3A = arith.constant 0 : i32
      %dma_start3A_10 = arith.constant 0 : i32
      %dma_start3A_11 = tpu.memref_slice %arg7[%dma_start3A, %dma_start3A_10] : memref<32x128xi32, #tpu.memory_space<vmem>> -> memref<1x128xi32, #tpu.memory_space<vmem>>
      %dma_start3A_12 = tpu.memref_squeeze %dma_start3A_11 : memref<1x128xi32, #tpu.memory_space<vmem>> -> memref<128xi32, #tpu.memory_space<vmem>>
      %dma_start3A_13 = arith.constant 0 : i32
      %dma_start3A_14 = arith.constant 0 : i32
      %dma_start3A_15 = tpu.memref_slice %arg2[%arg0, %dma_start3A_13, %dma_start3A_14] : memref<2x10000x128xf32, #tpu.memory_space<hbm>> -> memref<1x10000x128xf32, #tpu.memory_space<hbm>>
      %dma_start3A_16 = tpu.memref_squeeze %dma_start3A_15 : memref<1x10000x128xf32, #tpu.memory_space<hbm>> -> memref<10000x128xf32, #tpu.memory_space<hbm>>
      %dma_start3A_17 = arith.constant 0 : i32
      %dma_start3A_18 = arith.constant 0 : i32
      %dma_start3A_19 = tpu.memref_slice %dma_start3A_16[%dma_start3A_17, %dma_start3A_18] : memref<10000x128xf32, #tpu.memory_space<hbm>> -> memref<10000x128xf32, #tpu.memory_space<hbm>>
      tpu.enqueue_indirect_dma source(%dma_start3A_19 : memref<10000x128xf32, #tpu.memory_space<hbm>>) target(%arg9 : memref<128x128xf32, #tpu.memory_space<vmem>>) offsets(%dma_start3A_12 : memref<128xi32, #tpu.memory_space<vmem>>) semaphore(%arg12 : memref<!tpu.dma_semaphore, #tpu.memory_space<semaphore_mem>>)
      %scan3A_20 = arith.constant 0 : i32
      %scan3A_21 = arith.constant 0 : i32
      %scan3A_22 = arith.constant 16 : i32
      %scan3A_23 = arith.addi %scan3A_21, %scan3A_22 : i32
      %scan3A_24 = arith.constant 1 : i32
      scf.for %scan3A_26 = %scan3A_21 to %scan3A_23 step %scan3A_24  : i32 {
        %mul3A_27 = arith.constant 2 : i32
        %mul3A_28 = arith.muli %scan3A_26, %mul3A_27 : i32
        %dma_wait3A = arith.constant 0 : i32
        %dma_wait3A_29 = tpu.memref_slice %arg7[%mul3A_28, %dma_wait3A] : memref<32x128xi32, #tpu.memory_space<vmem>> -> memref<1x128xi32, #tpu.memory_space<vmem>>
        %dma_wait3A_30 = tpu.memref_squeeze %dma_wait3A_29 : memref<1x128xi32, #tpu.memory_space<vmem>> -> memref<128xi32, #tpu.memory_space<vmem>>
        %dma_wait3A_31 = arith.constant 0 : i32
        %dma_wait3A_32 = arith.constant 0 : i32
        %dma_wait3A_33 = tpu.memref_slice %arg2[%arg0, %dma_wait3A_31, %dma_wait3A_32] : memref<2x10000x128xf32, #tpu.memory_space<hbm>> -> memref<1x10000x128xf32, #tpu.memory_space<hbm>>
        %dma_wait3A_34 = tpu.memref_squeeze %dma_wait3A_33 : memref<1x10000x128xf32, #tpu.memory_space<hbm>> -> memref<10000x128xf32, #tpu.memory_space<hbm>>
        %dma_wait3A_35 = arith.constant 0 : i32
        %dma_wait3A_36 = arith.constant 0 : i32
        %dma_wait3A_37 = tpu.memref_slice %dma_wait3A_34[%dma_wait3A_35, %dma_wait3A_36] : memref<10000x128xf32, #tpu.memory_space<hbm>> -> memref<10000x128xf32, #tpu.memory_space<hbm>>
        tpu.wait_indirect_dma semaphore(%arg12 : memref<!tpu.dma_semaphore, #tpu.memory_space<semaphore_mem>>) src(%dma_wait3A_37 : memref<10000x128xf32, #tpu.memory_space<hbm>>) dst(%arg9 : memref<128x128xf32, #tpu.memory_space<vmem>>)
        %add3A = arith.constant 1 : i32
        %add3A_38 = arith.addi %mul3A_28, %add3A : i32
        %dma_start3A_39 = arith.constant 0 : i32
        %dma_start3A_40 = tpu.memref_slice %arg7[%add3A_38, %dma_start3A_39] : memref<32x128xi32, #tpu.memory_space<vmem>> -> memref<1x128xi32, #tpu.memory_space<vmem>>
        %dma_start3A_41 = tpu.memref_squeeze %dma_start3A_40 : memref<1x128xi32, #tpu.memory_space<vmem>> -> memref<128xi32, #tpu.memory_space<vmem>>
        %dma_start3A_42 = arith.constant 0 : i32
        %dma_start3A_43 = arith.constant 0 : i32
        %dma_start3A_44 = tpu.memref_slice %arg2[%arg0, %dma_start3A_42, %dma_start3A_43] : memref<2x10000x128xf32, #tpu.memory_space<hbm>> -> memref<1x10000x128xf32, #tpu.memory_space<hbm>>
        %dma_start3A_45 = tpu.memref_squeeze %dma_start3A_44 : memref<1x10000x128xf32, #tpu.memory_space<hbm>> -> memref<10000x128xf32, #tpu.memory_space<hbm>>
        %dma_start3A_46 = arith.constant 0 : i32
        %dma_start3A_47 = arith.constant 0 : i32
        %dma_start3A_48 = tpu.memref_slice %dma_start3A_45[%dma_start3A_46, %dma_start3A_47] : memref<10000x128xf32, #tpu.memory_space<hbm>> -> memref<10000x128xf32, #tpu.memory_space<hbm>>
        tpu.enqueue_indirect_dma source(%dma_start3A_48 : memref<10000x128xf32, #tpu.memory_space<hbm>>) target(%arg10 : memref<128x128xf32, #tpu.memory_space<vmem>>) offsets(%dma_start3A_41 : memref<128xi32, #tpu.memory_space<vmem>>) semaphore(%arg12 : memref<!tpu.dma_semaphore, #tpu.memory_space<semaphore_mem>>)
        "tpu.region"() ({
          %run_scoped3A = tpu.sem_alloc : memref<!tpu.dma_semaphore, #tpu.memory_space<semaphore_mem>>
          %dma_start3A_65 = arith.constant 0 : i32
          %dma_start3A_66 = tpu.memref_slice %arg8[%mul3A_28, %dma_start3A_65] : memref<32x128xi32, #tpu.memory_space<vmem>> -> memref<1x128xi32, #tpu.memory_space<vmem>>
          %dma_start3A_67 = tpu.memref_squeeze %dma_start3A_66 : memref<1x128xi32, #tpu.memory_space<vmem>> -> memref<128xi32, #tpu.memory_space<vmem>>
          %dma_start3A_68 = arith.constant 0 : i32
          %dma_start3A_69 = arith.constant 0 : i32
          %dma_start3A_70 = tpu.memref_slice %arg11[%dma_start3A_68, %dma_start3A_69] : memref<10112x128xf32, #tpu.memory_space<vmem_shared>> -> memref<10112x128xf32, #tpu.memory_space<vmem_shared>>
          tpu.enqueue_indirect_dma source(%arg9 : memref<128x128xf32, #tpu.memory_space<vmem>>) target(%dma_start3A_70 : memref<10112x128xf32, #tpu.memory_space<vmem_shared>>) offsets(%dma_start3A_67 : memref<128xi32, #tpu.memory_space<vmem>>) semaphore(%run_scoped3A : memref<!tpu.dma_semaphore, #tpu.memory_space<semaphore_mem>>) {add = true}
          %dma_wait3A_71 = arith.constant 0 : i32
          %dma_wait3A_72 = tpu.memref_slice %arg8[%mul3A_28, %dma_wait3A_71] : memref<32x128xi32, #tpu.memory_space<vmem>> -> memref<1x128xi32, #tpu.memory_space<vmem>>
          %dma_wait3A_73 = tpu.memref_squeeze %dma_wait3A_72 : memref<1x128xi32, #tpu.memory_space<vmem>> -> memref<128xi32, #tpu.memory_space<vmem>>
          %dma_wait3A_74 = arith.constant 0 : i32
          %dma_wait3A_75 = arith.constant 0 : i32
          %dma_wait3A_76 = tpu.memref_slice %arg11[%dma_wait3A_74, %dma_wait3A_75] : memref<10112x128xf32, #tpu.memory_space<vmem_shared>> -> memref<10112x128xf32, #tpu.memory_space<vmem_shared>>
          tpu.wait_indirect_dma semaphore(%run_scoped3A : memref<!tpu.dma_semaphore, #tpu.memory_space<semaphore_mem>>) src(%arg9 : memref<128x128xf32, #tpu.memory_space<vmem>>) dst(%dma_wait3A_76 : memref<10112x128xf32, #tpu.memory_space<vmem_shared>>)
          tpu.yield
        }) : () -> ()
        %add3A_49 = arith.constant 1 : i32
        %add3A_50 = arith.addi %mul3A_28, %add3A_49 : i32
        %dma_wait3A_51 = arith.constant 0 : i32
        %dma_wait3A_52 = tpu.memref_slice %arg7[%add3A_50, %dma_wait3A_51] : memref<32x128xi32, #tpu.memory_space<vmem>> -> memref<1x128xi32, #tpu.memory_space<vmem>>
        %dma_wait3A_53 = tpu.memref_squeeze %dma_wait3A_52 : memref<1x128xi32, #tpu.memory_space<vmem>> -> memref<128xi32, #tpu.memory_space<vmem>>
        %dma_wait3A_54 = arith.constant 0 : i32
        %dma_wait3A_55 = arith.constant 0 : i32
        %dma_wait3A_56 = tpu.memref_slice %arg2[%arg0, %dma_wait3A_54, %dma_wait3A_55] : memref<2x10000x128xf32, #tpu.memory_space<hbm>> -> memref<1x10000x128xf32, #tpu.memory_space<hbm>>
        %dma_wait3A_57 = tpu.memref_squeeze %dma_wait3A_56 : memref<1x10000x128xf32, #tpu.memory_space<hbm>> -> memref<10000x128xf32, #tpu.memory_space<hbm>>
        %dma_wait3A_58 = arith.constant 0 : i32
        %dma_wait3A_59 = arith.constant 0 : i32
        %dma_wait3A_60 = tpu.memref_slice %dma_wait3A_57[%dma_wait3A_58, %dma_wait3A_59] : memref<10000x128xf32, #tpu.memory_space<hbm>> -> memref<10000x128xf32, #tpu.memory_space<hbm>>
        tpu.wait_indirect_dma semaphore(%arg12 : memref<!tpu.dma_semaphore, #tpu.memory_space<semaphore_mem>>) src(%dma_wait3A_60 : memref<10000x128xf32, #tpu.memory_space<hbm>>) dst(%arg10 : memref<128x128xf32, #tpu.memory_space<vmem>>)
        %lt3A = arith.constant 15 : i32
        %lt3A_61 = arith.cmpi slt, %scan3A_26, %lt3A : i32
        %convert_element_type3A = arith.extui %lt3A_61 : i1 to i32
        %cond3A = arith.constant 0 : i32
        %cond3A_62 = arith.cmpi ne, %convert_element_type3A, %cond3A : i32
        scf.if %cond3A_62 {
          %add3A_65 = arith.constant 2 : i32
          %add3A_66 = arith.addi %mul3A_28, %add3A_65 : i32
          %dma_start3A_67 = arith.constant 0 : i32
          %dma_start3A_68 = tpu.memref_slice %arg7[%add3A_66, %dma_start3A_67] : memref<32x128xi32, #tpu.memory_space<vmem>> -> memref<1x128xi32, #tpu.memory_space<vmem>>
          %dma_start3A_69 = tpu.memref_squeeze %dma_start3A_68 : memref<1x128xi32, #tpu.memory_space<vmem>> -> memref<128xi32, #tpu.memory_space<vmem>>
          %dma_start3A_70 = arith.constant 0 : i32
          %dma_start3A_71 = arith.constant 0 : i32
          %dma_start3A_72 = tpu.memref_slice %arg2[%arg0, %dma_start3A_70, %dma_start3A_71] : memref<2x10000x128xf32, #tpu.memory_space<hbm>> -> memref<1x10000x128xf32, #tpu.memory_space<hbm>>
          %dma_start3A_73 = tpu.memref_squeeze %dma_start3A_72 : memref<1x10000x128xf32, #tpu.memory_space<hbm>> -> memref<10000x128xf32, #tpu.memory_space<hbm>>
          %dma_start3A_74 = arith.constant 0 : i32
          %dma_start3A_75 = arith.constant 0 : i32
          %dma_start3A_76 = tpu.memref_slice %dma_start3A_73[%dma_start3A_74, %dma_start3A_75] : memref<10000x128xf32, #tpu.memory_space<hbm>> -> memref<10000x128xf32, #tpu.memory_space<hbm>>
          tpu.enqueue_indirect_dma source(%dma_start3A_76 : memref<10000x128xf32, #tpu.memory_space<hbm>>) target(%arg9 : memref<128x128xf32, #tpu.memory_space<vmem>>) offsets(%dma_start3A_69 : memref<128xi32, #tpu.memory_space<vmem>>) semaphore(%arg12 : memref<!tpu.dma_semaphore, #tpu.memory_space<semaphore_mem>>)
        } else {
        }
        %add3A_63 = arith.constant 1 : i32
        %add3A_64 = arith.addi %mul3A_28, %add3A_63 : i32
        "tpu.region"() ({
          %run_scoped3A = tpu.sem_alloc : memref<!tpu.dma_semaphore, #tpu.memory_space<semaphore_mem>>
          %dma_start3A_65 = arith.constant 0 : i32
          %dma_start3A_66 = tpu.memref_slice %arg8[%add3A_64, %dma_start3A_65] : memref<32x128xi32, #tpu.memory_space<vmem>> -> memref<1x128xi32, #tpu.memory_space<vmem>>
          %dma_start3A_67 = tpu.memref_squeeze %dma_start3A_66 : memref<1x128xi32, #tpu.memory_space<vmem>> -> memref<128xi32, #tpu.memory_space<vmem>>
          %dma_start3A_68 = arith.constant 0 : i32
          %dma_start3A_69 = arith.constant 0 : i32
          %dma_start3A_70 = tpu.memref_slice %arg11[%dma_start3A_68, %dma_start3A_69] : memref<10112x128xf32, #tpu.memory_space<vmem_shared>> -> memref<10112x128xf32, #tpu.memory_space<vmem_shared>>
          tpu.enqueue_indirect_dma source(%arg10 : memref<128x128xf32, #tpu.memory_space<vmem>>) target(%dma_start3A_70 : memref<10112x128xf32, #tpu.memory_space<vmem_shared>>) offsets(%dma_start3A_67 : memref<128xi32, #tpu.memory_space<vmem>>) semaphore(%run_scoped3A : memref<!tpu.dma_semaphore, #tpu.memory_space<semaphore_mem>>) {add = true}
          %dma_wait3A_71 = arith.constant 0 : i32
          %dma_wait3A_72 = tpu.memref_slice %arg8[%add3A_64, %dma_wait3A_71] : memref<32x128xi32, #tpu.memory_space<vmem>> -> memref<1x128xi32, #tpu.memory_space<vmem>>
          %dma_wait3A_73 = tpu.memref_squeeze %dma_wait3A_72 : memref<1x128xi32, #tpu.memory_space<vmem>> -> memref<128xi32, #tpu.memory_space<vmem>>
          %dma_wait3A_74 = arith.constant 0 : i32
          %dma_wait3A_75 = arith.constant 0 : i32
          %dma_wait3A_76 = tpu.memref_slice %arg11[%dma_wait3A_74, %dma_wait3A_75] : memref<10112x128xf32, #tpu.memory_space<vmem_shared>> -> memref<10112x128xf32, #tpu.memory_space<vmem_shared>>
          tpu.wait_indirect_dma semaphore(%run_scoped3A : memref<!tpu.dma_semaphore, #tpu.memory_space<semaphore_mem>>) src(%arg10 : memref<128x128xf32, #tpu.memory_space<vmem>>) dst(%dma_wait3A_76 : memref<10112x128xf32, #tpu.memory_space<vmem_shared>>)
          tpu.yield
        }) : () -> ()
      }
      %scan3A_25 = arith.constant 16 : i32
    }
    %scan3A_5 = arith.constant 5 : i32
    %barrier3A_6 = arith.constant 0 : index
    tpu.barrier barrier_id(%barrier3A_6)
    %mul3A_7 = arith.constant 632 : i32
    %mul3A_8 = arith.muli %arg1, %mul3A_7 : i32
    "tpu.region"() ({
      %run_scoped3A = tpu.sem_alloc : memref<!tpu.dma_semaphore, #tpu.memory_space<semaphore_mem>>
      %dma_start3A = arith.constant 0 : i32
      %dma_start3A_9 = tpu.memref_slice %arg6[%arg0, %mul3A_8, %dma_start3A] : memref<2x10112x128xf32, #tpu.memory_space<hbm>> -> memref<1x632x128xf32, #tpu.memory_space<hbm>>
      %dma_start3A_10 = tpu.memref_squeeze %dma_start3A_9 : memref<1x632x128xf32, #tpu.memory_space<hbm>> -> memref<632x128xf32, #tpu.memory_space<hbm>>
      %dma_start3A_11 = arith.constant 0 : i32
      %dma_start3A_12 = tpu.memref_slice %arg11[%mul3A_8, %dma_start3A_11] : memref<10112x128xf32, #tpu.memory_space<vmem_shared>> -> memref<632x128xf32, #tpu.memory_space<vmem_shared>>
      tpu.enqueue_dma source(%dma_start3A_12 : memref<632x128xf32, #tpu.memory_space<vmem_shared>>) target(%dma_start3A_10 : memref<632x128xf32, #tpu.memory_space<hbm>>) target_semaphore(%run_scoped3A : memref<!tpu.dma_semaphore, #tpu.memory_space<semaphore_mem>>)
      %dma_wait3A = arith.constant 0 : i32
      %dma_wait3A_13 = tpu.memref_slice %arg6[%arg0, %mul3A_8, %dma_wait3A] : memref<2x10112x128xf32, #tpu.memory_space<hbm>> -> memref<1x632x128xf32, #tpu.memory_space<hbm>>
      %dma_wait3A_14 = tpu.memref_squeeze %dma_wait3A_13 : memref<1x632x128xf32, #tpu.memory_space<hbm>> -> memref<632x128xf32, #tpu.memory_space<hbm>>
      %dma_wait3A_15 = arith.constant 0 : i32
      %dma_wait3A_16 = tpu.memref_slice %arg11[%mul3A_8, %dma_wait3A_15] : memref<10112x128xf32, #tpu.memory_space<vmem_shared>> -> memref<632x128xf32, #tpu.memory_space<vmem_shared>>
      tpu.wait_dma2 semaphore(%run_scoped3A : memref<!tpu.dma_semaphore, #tpu.memory_space<semaphore_mem>>) src(%dma_wait3A_16 : memref<632x128xf32, #tpu.memory_space<vmem_shared>>) dst(%dma_wait3A_14 : memref<632x128xf32, #tpu.memory_space<hbm>>)
      tpu.yield
    }) : () -> ()
    return
  }
}

#map = affine_map<(d0, d1) -> (0, 0, 0)>
#map1 = affine_map<(d0, d1) -> (0, 0, 0, 0)>
#map2 = affine_map<(d0, d1) -> (0, 0)>
module attributes {stable_mosaic.version = 14 : i64} {
  func.func @_agg_body(%arg0: i32, %arg1: i32, %arg2: memref<2x10000x128xf32, #tpu.memory_space<hbm>>, %arg3: memref<16x5x32x128xi32, #tpu.memory_space<hbm>>, %arg4: memref<16x5x32x128xi32, #tpu.memory_space<hbm>>, %arg5: memref<632x128xf32, #tpu.memory_space<hbm>>, %arg6: memref<2x10112x128xf32, #tpu.memory_space<hbm>>, %arg7: memref<32x128xi32, #tpu.memory_space<vmem>>, %arg8: memref<32x128xi32, #tpu.memory_space<vmem>>, %arg9: memref<128x128xf32, #tpu.memory_space<vmem>>, %arg10: memref<128x128xf32, #tpu.memory_space<vmem>>, %arg11: memref<10112x128xf32, #tpu.memory_space<vmem_shared>>, %arg12: memref<!tpu.dma_semaphore, #tpu.memory_space<semaphore_mem>>) attributes {dimension_semantics = [#tpu.dimension_semantics<core_parallel>, #tpu.dimension_semantics<subcore_parallel>], iteration_bounds = array<i64: 2, 16>, scalar_prefetch = 0 : i64, scratch_operands = 6 : i64, tpu.core_type = #tpu.core_type<sc_vector_subcore>, window_params = [{transform_indices = #map}, {transform_indices = #map1}, {transform_indices = #map1}, {transform_indices = #map2}, {transform_indices = #map}]} {
    %mul3A = arith.constant 632 : i32
    %mul3A_0 = arith.muli %arg1, %mul3A : i32
    "tpu.region"() ({
      %run_scoped3A = tpu.sem_alloc : memref<!tpu.dma_semaphore, #tpu.memory_space<semaphore_mem>>
      %dma_start3A = arith.constant 0 : i32
      %dma_start3A_9 = tpu.memref_slice %arg11[%mul3A_0, %dma_start3A] : memref<10112x128xf32, #tpu.memory_space<vmem_shared>> -> memref<632x128xf32, #tpu.memory_space<vmem_shared>>
      tpu.enqueue_dma source(%arg5 : memref<632x128xf32, #tpu.memory_space<hbm>>) target(%dma_start3A_9 : memref<632x128xf32, #tpu.memory_space<vmem_shared>>) target_semaphore(%run_scoped3A : memref<!tpu.dma_semaphore, #tpu.memory_space<semaphore_mem>>)
      %dma_wait3A = arith.constant 0 : i32
      %dma_wait3A_10 = tpu.memref_slice %arg11[%mul3A_0, %dma_wait3A] : memref<10112x128xf32, #tpu.memory_space<vmem_shared>> -> memref<632x128xf32, #tpu.memory_space<vmem_shared>>
      tpu.wait_dma2 semaphore(%run_scoped3A : memref<!tpu.dma_semaphore, #tpu.memory_space<semaphore_mem>>) src(%arg5 : memref<632x128xf32, #tpu.memory_space<hbm>>) dst(%dma_wait3A_10 : memref<632x128xf32, #tpu.memory_space<vmem_shared>>)
      tpu.yield
    }) : () -> ()
    %barrier3A = arith.constant 0 : index
    tpu.barrier barrier_id(%barrier3A)
    %scan3A = arith.constant 0 : i32
    %scan3A_1 = arith.constant 0 : i32
    %scan3A_2 = arith.constant 5 : i32
    %scan3A_3 = arith.addi %scan3A_1, %scan3A_2 : i32
    %scan3A_4 = arith.constant 1 : i32
    scf.for %scan3A_9 = %scan3A_1 to %scan3A_3 step %scan3A_4  : i32 {
      "tpu.region"() ({
        %run_scoped3A = tpu.sem_alloc : memref<!tpu.dma_semaphore, #tpu.memory_space<semaphore_mem>>
        %dma_start3A_26 = arith.constant 0 : i32
        %dma_start3A_27 = arith.constant 0 : i32
        %dma_start3A_28 = tpu.memref_slice %arg3[%arg1, %scan3A_9, %dma_start3A_26, %dma_start3A_27] : memref<16x5x32x128xi32, #tpu.memory_space<hbm>> -> memref<1x1x32x128xi32, #tpu.memory_space<hbm>>
        %dma_start3A_29 = tpu.memref_squeeze %dma_start3A_28 : memref<1x1x32x128xi32, #tpu.memory_space<hbm>> -> memref<32x128xi32, #tpu.memory_space<hbm>>
        %dma_start3A_30 = arith.constant 0 : i32
        %dma_start3A_31 = arith.constant 0 : i32
        %dma_start3A_32 = tpu.memref_slice %arg3[%arg1, %scan3A_9, %dma_start3A_30, %dma_start3A_31] : memref<16x5x32x128xi32, #tpu.memory_space<hbm>> -> memref<1x1x32x128xi32, #tpu.memory_space<hbm>>
        %dma_start3A_33 = tpu.memref_squeeze %dma_start3A_32 : memref<1x1x32x128xi32, #tpu.memory_space<hbm>> -> memref<32x128xi32, #tpu.memory_space<hbm>>
        tpu.enqueue_dma source(%dma_start3A_33 : memref<32x128xi32, #tpu.memory_space<hbm>>) target(%arg7 : memref<32x128xi32, #tpu.memory_space<vmem>>) target_semaphore(%run_scoped3A : memref<!tpu.dma_semaphore, #tpu.memory_space<semaphore_mem>>)
        %dma_wait3A = arith.constant 0 : i32
        %dma_wait3A_34 = arith.constant 0 : i32
        %dma_wait3A_35 = tpu.memref_slice %arg3[%arg1, %scan3A_9, %dma_wait3A, %dma_wait3A_34] : memref<16x5x32x128xi32, #tpu.memory_space<hbm>> -> memref<1x1x32x128xi32, #tpu.memory_space<hbm>>
        %dma_wait3A_36 = tpu.memref_squeeze %dma_wait3A_35 : memref<1x1x32x128xi32, #tpu.memory_space<hbm>> -> memref<32x128xi32, #tpu.memory_space<hbm>>
        %dma_wait3A_37 = arith.constant 0 : i32
        %dma_wait3A_38 = arith.constant 0 : i32
        %dma_wait3A_39 = tpu.memref_slice %arg3[%arg1, %scan3A_9, %dma_wait3A_37, %dma_wait3A_38] : memref<16x5x32x128xi32, #tpu.memory_space<hbm>> -> memref<1x1x32x128xi32, #tpu.memory_space<hbm>>
        %dma_wait3A_40 = tpu.memref_squeeze %dma_wait3A_39 : memref<1x1x32x128xi32, #tpu.memory_space<hbm>> -> memref<32x128xi32, #tpu.memory_space<hbm>>
        tpu.wait_dma2 semaphore(%run_scoped3A : memref<!tpu.dma_semaphore, #tpu.memory_space<semaphore_mem>>) src(%dma_wait3A_40 : memref<32x128xi32, #tpu.memory_space<hbm>>) dst(%arg7 : memref<32x128xi32, #tpu.memory_space<vmem>>)
        tpu.yield
      }) : () -> ()
      "tpu.region"() ({
        %run_scoped3A = tpu.sem_alloc : memref<!tpu.dma_semaphore, #tpu.memory_space<semaphore_mem>>
        %dma_start3A_26 = arith.constant 0 : i32
        %dma_start3A_27 = arith.constant 0 : i32
        %dma_start3A_28 = tpu.memref_slice %arg4[%arg1, %scan3A_9, %dma_start3A_26, %dma_start3A_27] : memref<16x5x32x128xi32, #tpu.memory_space<hbm>> -> memref<1x1x32x128xi32, #tpu.memory_space<hbm>>
        %dma_start3A_29 = tpu.memref_squeeze %dma_start3A_28 : memref<1x1x32x128xi32, #tpu.memory_space<hbm>> -> memref<32x128xi32, #tpu.memory_space<hbm>>
        %dma_start3A_30 = arith.constant 0 : i32
        %dma_start3A_31 = arith.constant 0 : i32
        %dma_start3A_32 = tpu.memref_slice %arg4[%arg1, %scan3A_9, %dma_start3A_30, %dma_start3A_31] : memref<16x5x32x128xi32, #tpu.memory_space<hbm>> -> memref<1x1x32x128xi32, #tpu.memory_space<hbm>>
        %dma_start3A_33 = tpu.memref_squeeze %dma_start3A_32 : memref<1x1x32x128xi32, #tpu.memory_space<hbm>> -> memref<32x128xi32, #tpu.memory_space<hbm>>
        tpu.enqueue_dma source(%dma_start3A_33 : memref<32x128xi32, #tpu.memory_space<hbm>>) target(%arg8 : memref<32x128xi32, #tpu.memory_space<vmem>>) target_semaphore(%run_scoped3A : memref<!tpu.dma_semaphore, #tpu.memory_space<semaphore_mem>>)
        %dma_wait3A = arith.constant 0 : i32
        %dma_wait3A_34 = arith.constant 0 : i32
        %dma_wait3A_35 = tpu.memref_slice %arg4[%arg1, %scan3A_9, %dma_wait3A, %dma_wait3A_34] : memref<16x5x32x128xi32, #tpu.memory_space<hbm>> -> memref<1x1x32x128xi32, #tpu.memory_space<hbm>>
        %dma_wait3A_36 = tpu.memref_squeeze %dma_wait3A_35 : memref<1x1x32x128xi32, #tpu.memory_space<hbm>> -> memref<32x128xi32, #tpu.memory_space<hbm>>
        %dma_wait3A_37 = arith.constant 0 : i32
        %dma_wait3A_38 = arith.constant 0 : i32
        %dma_wait3A_39 = tpu.memref_slice %arg4[%arg1, %scan3A_9, %dma_wait3A_37, %dma_wait3A_38] : memref<16x5x32x128xi32, #tpu.memory_space<hbm>> -> memref<1x1x32x128xi32, #tpu.memory_space<hbm>>
        %dma_wait3A_40 = tpu.memref_squeeze %dma_wait3A_39 : memref<1x1x32x128xi32, #tpu.memory_space<hbm>> -> memref<32x128xi32, #tpu.memory_space<hbm>>
        tpu.wait_dma2 semaphore(%run_scoped3A : memref<!tpu.dma_semaphore, #tpu.memory_space<semaphore_mem>>) src(%dma_wait3A_40 : memref<32x128xi32, #tpu.memory_space<hbm>>) dst(%arg8 : memref<32x128xi32, #tpu.memory_space<vmem>>)
        tpu.yield
      }) : () -> ()
      %dma_start3A = arith.constant 0 : i32
      %dma_start3A_10 = arith.constant 0 : i32
      %dma_start3A_11 = tpu.memref_slice %arg7[%dma_start3A, %dma_start3A_10] : memref<32x128xi32, #tpu.memory_space<vmem>> -> memref<1x128xi32, #tpu.memory_space<vmem>>
      %dma_start3A_12 = tpu.memref_squeeze %dma_start3A_11 : memref<1x128xi32, #tpu.memory_space<vmem>> -> memref<128xi32, #tpu.memory_space<vmem>>
      %dma_start3A_13 = arith.constant 0 : i32
      %dma_start3A_14 = arith.constant 0 : i32
      %dma_start3A_15 = tpu.memref_slice %arg2[%arg0, %dma_start3A_13, %dma_start3A_14] : memref<2x10000x128xf32, #tpu.memory_space<hbm>> -> memref<1x10000x128xf32, #tpu.memory_space<hbm>>
      %dma_start3A_16 = tpu.memref_squeeze %dma_start3A_15 : memref<1x10000x128xf32, #tpu.memory_space<hbm>> -> memref<10000x128xf32, #tpu.memory_space<hbm>>
      %dma_start3A_17 = arith.constant 0 : i32
      %dma_start3A_18 = arith.constant 0 : i32
      %dma_start3A_19 = tpu.memref_slice %dma_start3A_16[%dma_start3A_17, %dma_start3A_18] : memref<10000x128xf32, #tpu.memory_space<hbm>> -> memref<10000x128xf32, #tpu.memory_space<hbm>>
      tpu.enqueue_indirect_dma source(%dma_start3A_19 : memref<10000x128xf32, #tpu.memory_space<hbm>>) target(%arg9 : memref<128x128xf32, #tpu.memory_space<vmem>>) offsets(%dma_start3A_12 : memref<128xi32, #tpu.memory_space<vmem>>) semaphore(%arg12 : memref<!tpu.dma_semaphore, #tpu.memory_space<semaphore_mem>>)
      %scan3A_20 = arith.constant 0 : i32
      %scan3A_21 = arith.constant 0 : i32
      %scan3A_22 = arith.constant 16 : i32
      %scan3A_23 = arith.addi %scan3A_21, %scan3A_22 : i32
      %scan3A_24 = arith.constant 1 : i32
      scf.for %scan3A_26 = %scan3A_21 to %scan3A_23 step %scan3A_24  : i32 {
        %mul3A_27 = arith.constant 2 : i32
        %mul3A_28 = arith.muli %scan3A_26, %mul3A_27 : i32
        %dma_wait3A = arith.constant 0 : i32
        %dma_wait3A_29 = tpu.memref_slice %arg7[%mul3A_28, %dma_wait3A] : memref<32x128xi32, #tpu.memory_space<vmem>> -> memref<1x128xi32, #tpu.memory_space<vmem>>
        %dma_wait3A_30 = tpu.memref_squeeze %dma_wait3A_29 : memref<1x128xi32, #tpu.memory_space<vmem>> -> memref<128xi32, #tpu.memory_space<vmem>>
        %dma_wait3A_31 = arith.constant 0 : i32
        %dma_wait3A_32 = arith.constant 0 : i32
        %dma_wait3A_33 = tpu.memref_slice %arg2[%arg0, %dma_wait3A_31, %dma_wait3A_32] : memref<2x10000x128xf32, #tpu.memory_space<hbm>> -> memref<1x10000x128xf32, #tpu.memory_space<hbm>>
        %dma_wait3A_34 = tpu.memref_squeeze %dma_wait3A_33 : memref<1x10000x128xf32, #tpu.memory_space<hbm>> -> memref<10000x128xf32, #tpu.memory_space<hbm>>
        %dma_wait3A_35 = arith.constant 0 : i32
        %dma_wait3A_36 = arith.constant 0 : i32
        %dma_wait3A_37 = tpu.memref_slice %dma_wait3A_34[%dma_wait3A_35, %dma_wait3A_36] : memref<10000x128xf32, #tpu.memory_space<hbm>> -> memref<10000x128xf32, #tpu.memory_space<hbm>>
        tpu.wait_indirect_dma semaphore(%arg12 : memref<!tpu.dma_semaphore, #tpu.memory_space<semaphore_mem>>) src(%dma_wait3A_37 : memref<10000x128xf32, #tpu.memory_space<hbm>>) dst(%arg9 : memref<128x128xf32, #tpu.memory_space<vmem>>)
        %add3A = arith.constant 1 : i32
        %add3A_38 = arith.addi %mul3A_28, %add3A : i32
        %dma_start3A_39 = arith.constant 0 : i32
        %dma_start3A_40 = tpu.memref_slice %arg7[%add3A_38, %dma_start3A_39] : memref<32x128xi32, #tpu.memory_space<vmem>> -> memref<1x128xi32, #tpu.memory_space<vmem>>
        %dma_start3A_41 = tpu.memref_squeeze %dma_start3A_40 : memref<1x128xi32, #tpu.memory_space<vmem>> -> memref<128xi32, #tpu.memory_space<vmem>>
        %dma_start3A_42 = arith.constant 0 : i32
        %dma_start3A_43 = arith.constant 0 : i32
        %dma_start3A_44 = tpu.memref_slice %arg2[%arg0, %dma_start3A_42, %dma_start3A_43] : memref<2x10000x128xf32, #tpu.memory_space<hbm>> -> memref<1x10000x128xf32, #tpu.memory_space<hbm>>
        %dma_start3A_45 = tpu.memref_squeeze %dma_start3A_44 : memref<1x10000x128xf32, #tpu.memory_space<hbm>> -> memref<10000x128xf32, #tpu.memory_space<hbm>>
        %dma_start3A_46 = arith.constant 0 : i32
        %dma_start3A_47 = arith.constant 0 : i32
        %dma_start3A_48 = tpu.memref_slice %dma_start3A_45[%dma_start3A_46, %dma_start3A_47] : memref<10000x128xf32, #tpu.memory_space<hbm>> -> memref<10000x128xf32, #tpu.memory_space<hbm>>
        tpu.enqueue_indirect_dma source(%dma_start3A_48 : memref<10000x128xf32, #tpu.memory_space<hbm>>) target(%arg10 : memref<128x128xf32, #tpu.memory_space<vmem>>) offsets(%dma_start3A_41 : memref<128xi32, #tpu.memory_space<vmem>>) semaphore(%arg12 : memref<!tpu.dma_semaphore, #tpu.memory_space<semaphore_mem>>)
        "tpu.region"() ({
          %run_scoped3A = tpu.sem_alloc : memref<!tpu.dma_semaphore, #tpu.memory_space<semaphore_mem>>
          %dma_start3A_65 = arith.constant 0 : i32
          %dma_start3A_66 = tpu.memref_slice %arg8[%mul3A_28, %dma_start3A_65] : memref<32x128xi32, #tpu.memory_space<vmem>> -> memref<1x128xi32, #tpu.memory_space<vmem>>
          %dma_start3A_67 = tpu.memref_squeeze %dma_start3A_66 : memref<1x128xi32, #tpu.memory_space<vmem>> -> memref<128xi32, #tpu.memory_space<vmem>>
          %dma_start3A_68 = arith.constant 0 : i32
          %dma_start3A_69 = arith.constant 0 : i32
          %dma_start3A_70 = tpu.memref_slice %arg11[%dma_start3A_68, %dma_start3A_69] : memref<10112x128xf32, #tpu.memory_space<vmem_shared>> -> memref<10112x128xf32, #tpu.memory_space<vmem_shared>>
          tpu.enqueue_indirect_dma source(%arg9 : memref<128x128xf32, #tpu.memory_space<vmem>>) target(%dma_start3A_70 : memref<10112x128xf32, #tpu.memory_space<vmem_shared>>) offsets(%dma_start3A_67 : memref<128xi32, #tpu.memory_space<vmem>>) semaphore(%run_scoped3A : memref<!tpu.dma_semaphore, #tpu.memory_space<semaphore_mem>>) {add = true}
          %dma_wait3A_71 = arith.constant 0 : i32
          %dma_wait3A_72 = tpu.memref_slice %arg8[%mul3A_28, %dma_wait3A_71] : memref<32x128xi32, #tpu.memory_space<vmem>> -> memref<1x128xi32, #tpu.memory_space<vmem>>
          %dma_wait3A_73 = tpu.memref_squeeze %dma_wait3A_72 : memref<1x128xi32, #tpu.memory_space<vmem>> -> memref<128xi32, #tpu.memory_space<vmem>>
          %dma_wait3A_74 = arith.constant 0 : i32
          %dma_wait3A_75 = arith.constant 0 : i32
          %dma_wait3A_76 = tpu.memref_slice %arg11[%dma_wait3A_74, %dma_wait3A_75] : memref<10112x128xf32, #tpu.memory_space<vmem_shared>> -> memref<10112x128xf32, #tpu.memory_space<vmem_shared>>
          tpu.wait_indirect_dma semaphore(%run_scoped3A : memref<!tpu.dma_semaphore, #tpu.memory_space<semaphore_mem>>) src(%arg9 : memref<128x128xf32, #tpu.memory_space<vmem>>) dst(%dma_wait3A_76 : memref<10112x128xf32, #tpu.memory_space<vmem_shared>>)
          tpu.yield
        }) : () -> ()
        %add3A_49 = arith.constant 1 : i32
        %add3A_50 = arith.addi %mul3A_28, %add3A_49 : i32
        %dma_wait3A_51 = arith.constant 0 : i32
        %dma_wait3A_52 = tpu.memref_slice %arg7[%add3A_50, %dma_wait3A_51] : memref<32x128xi32, #tpu.memory_space<vmem>> -> memref<1x128xi32, #tpu.memory_space<vmem>>
        %dma_wait3A_53 = tpu.memref_squeeze %dma_wait3A_52 : memref<1x128xi32, #tpu.memory_space<vmem>> -> memref<128xi32, #tpu.memory_space<vmem>>
        %dma_wait3A_54 = arith.constant 0 : i32
        %dma_wait3A_55 = arith.constant 0 : i32
        %dma_wait3A_56 = tpu.memref_slice %arg2[%arg0, %dma_wait3A_54, %dma_wait3A_55] : memref<2x10000x128xf32, #tpu.memory_space<hbm>> -> memref<1x10000x128xf32, #tpu.memory_space<hbm>>
        %dma_wait3A_57 = tpu.memref_squeeze %dma_wait3A_56 : memref<1x10000x128xf32, #tpu.memory_space<hbm>> -> memref<10000x128xf32, #tpu.memory_space<hbm>>
        %dma_wait3A_58 = arith.constant 0 : i32
        %dma_wait3A_59 = arith.constant 0 : i32
        %dma_wait3A_60 = tpu.memref_slice %dma_wait3A_57[%dma_wait3A_58, %dma_wait3A_59] : memref<10000x128xf32, #tpu.memory_space<hbm>> -> memref<10000x128xf32, #tpu.memory_space<hbm>>
        tpu.wait_indirect_dma semaphore(%arg12 : memref<!tpu.dma_semaphore, #tpu.memory_space<semaphore_mem>>) src(%dma_wait3A_60 : memref<10000x128xf32, #tpu.memory_space<hbm>>) dst(%arg10 : memref<128x128xf32, #tpu.memory_space<vmem>>)
        %lt3A = arith.constant 15 : i32
        %lt3A_61 = arith.cmpi slt, %scan3A_26, %lt3A : i32
        %convert_element_type3A = arith.extui %lt3A_61 : i1 to i32
        %cond3A = arith.constant 0 : i32
        %cond3A_62 = arith.cmpi ne, %convert_element_type3A, %cond3A : i32
        scf.if %cond3A_62 {
          %add3A_65 = arith.constant 2 : i32
          %add3A_66 = arith.addi %mul3A_28, %add3A_65 : i32
          %dma_start3A_67 = arith.constant 0 : i32
          %dma_start3A_68 = tpu.memref_slice %arg7[%add3A_66, %dma_start3A_67] : memref<32x128xi32, #tpu.memory_space<vmem>> -> memref<1x128xi32, #tpu.memory_space<vmem>>
          %dma_start3A_69 = tpu.memref_squeeze %dma_start3A_68 : memref<1x128xi32, #tpu.memory_space<vmem>> -> memref<128xi32, #tpu.memory_space<vmem>>
          %dma_start3A_70 = arith.constant 0 : i32
          %dma_start3A_71 = arith.constant 0 : i32
          %dma_start3A_72 = tpu.memref_slice %arg2[%arg0, %dma_start3A_70, %dma_start3A_71] : memref<2x10000x128xf32, #tpu.memory_space<hbm>> -> memref<1x10000x128xf32, #tpu.memory_space<hbm>>
          %dma_start3A_73 = tpu.memref_squeeze %dma_start3A_72 : memref<1x10000x128xf32, #tpu.memory_space<hbm>> -> memref<10000x128xf32, #tpu.memory_space<hbm>>
          %dma_start3A_74 = arith.constant 0 : i32
          %dma_start3A_75 = arith.constant 0 : i32
          %dma_start3A_76 = tpu.memref_slice %dma_start3A_73[%dma_start3A_74, %dma_start3A_75] : memref<10000x128xf32, #tpu.memory_space<hbm>> -> memref<10000x128xf32, #tpu.memory_space<hbm>>
          tpu.enqueue_indirect_dma source(%dma_start3A_76 : memref<10000x128xf32, #tpu.memory_space<hbm>>) target(%arg9 : memref<128x128xf32, #tpu.memory_space<vmem>>) offsets(%dma_start3A_69 : memref<128xi32, #tpu.memory_space<vmem>>) semaphore(%arg12 : memref<!tpu.dma_semaphore, #tpu.memory_space<semaphore_mem>>)
        } else {
        }
        %add3A_63 = arith.constant 1 : i32
        %add3A_64 = arith.addi %mul3A_28, %add3A_63 : i32
        "tpu.region"() ({
          %run_scoped3A = tpu.sem_alloc : memref<!tpu.dma_semaphore, #tpu.memory_space<semaphore_mem>>
          %dma_start3A_65 = arith.constant 0 : i32
          %dma_start3A_66 = tpu.memref_slice %arg8[%add3A_64, %dma_start3A_65] : memref<32x128xi32, #tpu.memory_space<vmem>> -> memref<1x128xi32, #tpu.memory_space<vmem>>
          %dma_start3A_67 = tpu.memref_squeeze %dma_start3A_66 : memref<1x128xi32, #tpu.memory_space<vmem>> -> memref<128xi32, #tpu.memory_space<vmem>>
          %dma_start3A_68 = arith.constant 0 : i32
          %dma_start3A_69 = arith.constant 0 : i32
          %dma_start3A_70 = tpu.memref_slice %arg11[%dma_start3A_68, %dma_start3A_69] : memref<10112x128xf32, #tpu.memory_space<vmem_shared>> -> memref<10112x128xf32, #tpu.memory_space<vmem_shared>>
          tpu.enqueue_indirect_dma source(%arg10 : memref<128x128xf32, #tpu.memory_space<vmem>>) target(%dma_start3A_70 : memref<10112x128xf32, #tpu.memory_space<vmem_shared>>) offsets(%dma_start3A_67 : memref<128xi32, #tpu.memory_space<vmem>>) semaphore(%run_scoped3A : memref<!tpu.dma_semaphore, #tpu.memory_space<semaphore_mem>>) {add = true}
          %dma_wait3A_71 = arith.constant 0 : i32
          %dma_wait3A_72 = tpu.memref_slice %arg8[%add3A_64, %dma_wait3A_71] : memref<32x128xi32, #tpu.memory_space<vmem>> -> memref<1x128xi32, #tpu.memory_space<vmem>>
          %dma_wait3A_73 = tpu.memref_squeeze %dma_wait3A_72 : memref<1x128xi32, #tpu.memory_space<vmem>> -> memref<128xi32, #tpu.memory_space<vmem>>
          %dma_wait3A_74 = arith.constant 0 : i32
          %dma_wait3A_75 = arith.constant 0 : i32
          %dma_wait3A_76 = tpu.memref_slice %arg11[%dma_wait3A_74, %dma_wait3A_75] : memref<10112x128xf32, #tpu.memory_space<vmem_shared>> -> memref<10112x128xf32, #tpu.memory_space<vmem_shared>>
          tpu.wait_indirect_dma semaphore(%run_scoped3A : memref<!tpu.dma_semaphore, #tpu.memory_space<semaphore_mem>>) src(%arg10 : memref<128x128xf32, #tpu.memory_space<vmem>>) dst(%dma_wait3A_76 : memref<10112x128xf32, #tpu.memory_space<vmem_shared>>)
          tpu.yield
        }) : () -> ()
      }
      %scan3A_25 = arith.constant 16 : i32
    }
    %scan3A_5 = arith.constant 5 : i32
    %barrier3A_6 = arith.constant 0 : index
    tpu.barrier barrier_id(%barrier3A_6)
    %mul3A_7 = arith.constant 632 : i32
    %mul3A_8 = arith.muli %arg1, %mul3A_7 : i32
    "tpu.region"() ({
      %run_scoped3A = tpu.sem_alloc : memref<!tpu.dma_semaphore, #tpu.memory_space<semaphore_mem>>
      %dma_start3A = arith.constant 0 : i32
      %dma_start3A_9 = tpu.memref_slice %arg6[%arg0, %mul3A_8, %dma_start3A] : memref<2x10112x128xf32, #tpu.memory_space<hbm>> -> memref<1x632x128xf32, #tpu.memory_space<hbm>>
      %dma_start3A_10 = tpu.memref_squeeze %dma_start3A_9 : memref<1x632x128xf32, #tpu.memory_space<hbm>> -> memref<632x128xf32, #tpu.memory_space<hbm>>
      %dma_start3A_11 = arith.constant 0 : i32
      %dma_start3A_12 = tpu.memref_slice %arg11[%mul3A_8, %dma_start3A_11] : memref<10112x128xf32, #tpu.memory_space<vmem_shared>> -> memref<632x128xf32, #tpu.memory_space<vmem_shared>>
      tpu.enqueue_dma source(%dma_start3A_12 : memref<632x128xf32, #tpu.memory_space<vmem_shared>>) target(%dma_start3A_10 : memref<632x128xf32, #tpu.memory_space<hbm>>) target_semaphore(%run_scoped3A : memref<!tpu.dma_semaphore, #tpu.memory_space<semaphore_mem>>)
      %dma_wait3A = arith.constant 0 : i32
      %dma_wait3A_13 = tpu.memref_slice %arg6[%arg0, %mul3A_8, %dma_wait3A] : memref<2x10112x128xf32, #tpu.memory_space<hbm>> -> memref<1x632x128xf32, #tpu.memory_space<hbm>>
      %dma_wait3A_14 = tpu.memref_squeeze %dma_wait3A_13 : memref<1x632x128xf32, #tpu.memory_space<hbm>> -> memref<632x128xf32, #tpu.memory_space<hbm>>
      %dma_wait3A_15 = arith.constant 0 : i32
      %dma_wait3A_16 = tpu.memref_slice %arg11[%mul3A_8, %dma_wait3A_15] : memref<10112x128xf32, #tpu.memory_space<vmem_shared>> -> memref<632x128xf32, #tpu.memory_space<vmem_shared>>
      tpu.wait_dma2 semaphore(%run_scoped3A : memref<!tpu.dma_semaphore, #tpu.memory_space<semaphore_mem>>) src(%dma_wait3A_16 : memref<632x128xf32, #tpu.memory_space<vmem_shared>>) dst(%dma_wait3A_14 : memref<632x128xf32, #tpu.memory_space<hbm>>)
      tpu.yield
    }) : () -> ()
    return
  }
}

#map = affine_map<(d0, d1) -> (0, 0, 0)>
#map1 = affine_map<(d0, d1) -> (0, 0, 0, 0)>
#map2 = affine_map<(d0, d1) -> (0, 0)>
module attributes {stable_mosaic.version = 14 : i64} {
  func.func @_agg_body(%arg0: i32, %arg1: i32, %arg2: memref<2x10000x128xf32, #tpu.memory_space<hbm>>, %arg3: memref<16x5x32x128xi32, #tpu.memory_space<hbm>>, %arg4: memref<16x5x32x128xi32, #tpu.memory_space<hbm>>, %arg5: memref<632x128xf32, #tpu.memory_space<hbm>>, %arg6: memref<2x10112x128xf32, #tpu.memory_space<hbm>>, %arg7: memref<32x128xi32, #tpu.memory_space<vmem>>, %arg8: memref<32x128xi32, #tpu.memory_space<vmem>>, %arg9: memref<128x128xf32, #tpu.memory_space<vmem>>, %arg10: memref<128x128xf32, #tpu.memory_space<vmem>>, %arg11: memref<10112x128xf32, #tpu.memory_space<vmem_shared>>, %arg12: memref<!tpu.dma_semaphore, #tpu.memory_space<semaphore_mem>>) attributes {dimension_semantics = [#tpu.dimension_semantics<core_parallel>, #tpu.dimension_semantics<subcore_parallel>], iteration_bounds = array<i64: 2, 16>, scalar_prefetch = 0 : i64, scratch_operands = 6 : i64, tpu.core_type = #tpu.core_type<sc_vector_subcore>, window_params = [{transform_indices = #map}, {transform_indices = #map1}, {transform_indices = #map1}, {transform_indices = #map2}, {transform_indices = #map}]} {
    %mul3A = arith.constant 632 : i32
    %mul3A_0 = arith.muli %arg1, %mul3A : i32
    "tpu.region"() ({
      %run_scoped3A = tpu.sem_alloc : memref<!tpu.dma_semaphore, #tpu.memory_space<semaphore_mem>>
      %dma_start3A = arith.constant 0 : i32
      %dma_start3A_9 = tpu.memref_slice %arg11[%mul3A_0, %dma_start3A] : memref<10112x128xf32, #tpu.memory_space<vmem_shared>> -> memref<632x128xf32, #tpu.memory_space<vmem_shared>>
      tpu.enqueue_dma source(%arg5 : memref<632x128xf32, #tpu.memory_space<hbm>>) target(%dma_start3A_9 : memref<632x128xf32, #tpu.memory_space<vmem_shared>>) target_semaphore(%run_scoped3A : memref<!tpu.dma_semaphore, #tpu.memory_space<semaphore_mem>>)
      %dma_wait3A = arith.constant 0 : i32
      %dma_wait3A_10 = tpu.memref_slice %arg11[%mul3A_0, %dma_wait3A] : memref<10112x128xf32, #tpu.memory_space<vmem_shared>> -> memref<632x128xf32, #tpu.memory_space<vmem_shared>>
      tpu.wait_dma2 semaphore(%run_scoped3A : memref<!tpu.dma_semaphore, #tpu.memory_space<semaphore_mem>>) src(%arg5 : memref<632x128xf32, #tpu.memory_space<hbm>>) dst(%dma_wait3A_10 : memref<632x128xf32, #tpu.memory_space<vmem_shared>>)
      tpu.yield
    }) : () -> ()
    %barrier3A = arith.constant 0 : index
    tpu.barrier barrier_id(%barrier3A)
    %scan3A = arith.constant 0 : i32
    %scan3A_1 = arith.constant 0 : i32
    %scan3A_2 = arith.constant 5 : i32
    %scan3A_3 = arith.addi %scan3A_1, %scan3A_2 : i32
    %scan3A_4 = arith.constant 1 : i32
    scf.for %scan3A_9 = %scan3A_1 to %scan3A_3 step %scan3A_4  : i32 {
      "tpu.region"() ({
        %run_scoped3A = tpu.sem_alloc : memref<!tpu.dma_semaphore, #tpu.memory_space<semaphore_mem>>
        %dma_start3A_26 = arith.constant 0 : i32
        %dma_start3A_27 = arith.constant 0 : i32
        %dma_start3A_28 = tpu.memref_slice %arg3[%arg1, %scan3A_9, %dma_start3A_26, %dma_start3A_27] : memref<16x5x32x128xi32, #tpu.memory_space<hbm>> -> memref<1x1x32x128xi32, #tpu.memory_space<hbm>>
        %dma_start3A_29 = tpu.memref_squeeze %dma_start3A_28 : memref<1x1x32x128xi32, #tpu.memory_space<hbm>> -> memref<32x128xi32, #tpu.memory_space<hbm>>
        %dma_start3A_30 = arith.constant 0 : i32
        %dma_start3A_31 = arith.constant 0 : i32
        %dma_start3A_32 = tpu.memref_slice %arg3[%arg1, %scan3A_9, %dma_start3A_30, %dma_start3A_31] : memref<16x5x32x128xi32, #tpu.memory_space<hbm>> -> memref<1x1x32x128xi32, #tpu.memory_space<hbm>>
        %dma_start3A_33 = tpu.memref_squeeze %dma_start3A_32 : memref<1x1x32x128xi32, #tpu.memory_space<hbm>> -> memref<32x128xi32, #tpu.memory_space<hbm>>
        tpu.enqueue_dma source(%dma_start3A_33 : memref<32x128xi32, #tpu.memory_space<hbm>>) target(%arg7 : memref<32x128xi32, #tpu.memory_space<vmem>>) target_semaphore(%run_scoped3A : memref<!tpu.dma_semaphore, #tpu.memory_space<semaphore_mem>>)
        %dma_wait3A = arith.constant 0 : i32
        %dma_wait3A_34 = arith.constant 0 : i32
        %dma_wait3A_35 = tpu.memref_slice %arg3[%arg1, %scan3A_9, %dma_wait3A, %dma_wait3A_34] : memref<16x5x32x128xi32, #tpu.memory_space<hbm>> -> memref<1x1x32x128xi32, #tpu.memory_space<hbm>>
        %dma_wait3A_36 = tpu.memref_squeeze %dma_wait3A_35 : memref<1x1x32x128xi32, #tpu.memory_space<hbm>> -> memref<32x128xi32, #tpu.memory_space<hbm>>
        %dma_wait3A_37 = arith.constant 0 : i32
        %dma_wait3A_38 = arith.constant 0 : i32
        %dma_wait3A_39 = tpu.memref_slice %arg3[%arg1, %scan3A_9, %dma_wait3A_37, %dma_wait3A_38] : memref<16x5x32x128xi32, #tpu.memory_space<hbm>> -> memref<1x1x32x128xi32, #tpu.memory_space<hbm>>
        %dma_wait3A_40 = tpu.memref_squeeze %dma_wait3A_39 : memref<1x1x32x128xi32, #tpu.memory_space<hbm>> -> memref<32x128xi32, #tpu.memory_space<hbm>>
        tpu.wait_dma2 semaphore(%run_scoped3A : memref<!tpu.dma_semaphore, #tpu.memory_space<semaphore_mem>>) src(%dma_wait3A_40 : memref<32x128xi32, #tpu.memory_space<hbm>>) dst(%arg7 : memref<32x128xi32, #tpu.memory_space<vmem>>)
        tpu.yield
      }) : () -> ()
      "tpu.region"() ({
        %run_scoped3A = tpu.sem_alloc : memref<!tpu.dma_semaphore, #tpu.memory_space<semaphore_mem>>
        %dma_start3A_26 = arith.constant 0 : i32
        %dma_start3A_27 = arith.constant 0 : i32
        %dma_start3A_28 = tpu.memref_slice %arg4[%arg1, %scan3A_9, %dma_start3A_26, %dma_start3A_27] : memref<16x5x32x128xi32, #tpu.memory_space<hbm>> -> memref<1x1x32x128xi32, #tpu.memory_space<hbm>>
        %dma_start3A_29 = tpu.memref_squeeze %dma_start3A_28 : memref<1x1x32x128xi32, #tpu.memory_space<hbm>> -> memref<32x128xi32, #tpu.memory_space<hbm>>
        %dma_start3A_30 = arith.constant 0 : i32
        %dma_start3A_31 = arith.constant 0 : i32
        %dma_start3A_32 = tpu.memref_slice %arg4[%arg1, %scan3A_9, %dma_start3A_30, %dma_start3A_31] : memref<16x5x32x128xi32, #tpu.memory_space<hbm>> -> memref<1x1x32x128xi32, #tpu.memory_space<hbm>>
        %dma_start3A_33 = tpu.memref_squeeze %dma_start3A_32 : memref<1x1x32x128xi32, #tpu.memory_space<hbm>> -> memref<32x128xi32, #tpu.memory_space<hbm>>
        tpu.enqueue_dma source(%dma_start3A_33 : memref<32x128xi32, #tpu.memory_space<hbm>>) target(%arg8 : memref<32x128xi32, #tpu.memory_space<vmem>>) target_semaphore(%run_scoped3A : memref<!tpu.dma_semaphore, #tpu.memory_space<semaphore_mem>>)
        %dma_wait3A = arith.constant 0 : i32
        %dma_wait3A_34 = arith.constant 0 : i32
        %dma_wait3A_35 = tpu.memref_slice %arg4[%arg1, %scan3A_9, %dma_wait3A, %dma_wait3A_34] : memref<16x5x32x128xi32, #tpu.memory_space<hbm>> -> memref<1x1x32x128xi32, #tpu.memory_space<hbm>>
        %dma_wait3A_36 = tpu.memref_squeeze %dma_wait3A_35 : memref<1x1x32x128xi32, #tpu.memory_space<hbm>> -> memref<32x128xi32, #tpu.memory_space<hbm>>
        %dma_wait3A_37 = arith.constant 0 : i32
        %dma_wait3A_38 = arith.constant 0 : i32
        %dma_wait3A_39 = tpu.memref_slice %arg4[%arg1, %scan3A_9, %dma_wait3A_37, %dma_wait3A_38] : memref<16x5x32x128xi32, #tpu.memory_space<hbm>> -> memref<1x1x32x128xi32, #tpu.memory_space<hbm>>
        %dma_wait3A_40 = tpu.memref_squeeze %dma_wait3A_39 : memref<1x1x32x128xi32, #tpu.memory_space<hbm>> -> memref<32x128xi32, #tpu.memory_space<hbm>>
        tpu.wait_dma2 semaphore(%run_scoped3A : memref<!tpu.dma_semaphore, #tpu.memory_space<semaphore_mem>>) src(%dma_wait3A_40 : memref<32x128xi32, #tpu.memory_space<hbm>>) dst(%arg8 : memref<32x128xi32, #tpu.memory_space<vmem>>)
        tpu.yield
      }) : () -> ()
      %dma_start3A = arith.constant 0 : i32
      %dma_start3A_10 = arith.constant 0 : i32
      %dma_start3A_11 = tpu.memref_slice %arg7[%dma_start3A, %dma_start3A_10] : memref<32x128xi32, #tpu.memory_space<vmem>> -> memref<1x128xi32, #tpu.memory_space<vmem>>
      %dma_start3A_12 = tpu.memref_squeeze %dma_start3A_11 : memref<1x128xi32, #tpu.memory_space<vmem>> -> memref<128xi32, #tpu.memory_space<vmem>>
      %dma_start3A_13 = arith.constant 0 : i32
      %dma_start3A_14 = arith.constant 0 : i32
      %dma_start3A_15 = tpu.memref_slice %arg2[%arg0, %dma_start3A_13, %dma_start3A_14] : memref<2x10000x128xf32, #tpu.memory_space<hbm>> -> memref<1x10000x128xf32, #tpu.memory_space<hbm>>
      %dma_start3A_16 = tpu.memref_squeeze %dma_start3A_15 : memref<1x10000x128xf32, #tpu.memory_space<hbm>> -> memref<10000x128xf32, #tpu.memory_space<hbm>>
      %dma_start3A_17 = arith.constant 0 : i32
      %dma_start3A_18 = arith.constant 0 : i32
      %dma_start3A_19 = tpu.memref_slice %dma_start3A_16[%dma_start3A_17, %dma_start3A_18] : memref<10000x128xf32, #tpu.memory_space<hbm>> -> memref<10000x128xf32, #tpu.memory_space<hbm>>
      tpu.enqueue_indirect_dma source(%dma_start3A_19 : memref<10000x128xf32, #tpu.memory_space<hbm>>) target(%arg9 : memref<128x128xf32, #tpu.memory_space<vmem>>) offsets(%dma_start3A_12 : memref<128xi32, #tpu.memory_space<vmem>>) semaphore(%arg12 : memref<!tpu.dma_semaphore, #tpu.memory_space<semaphore_mem>>)
      %scan3A_20 = arith.constant 0 : i32
      %scan3A_21 = arith.constant 0 : i32
      %scan3A_22 = arith.constant 16 : i32
      %scan3A_23 = arith.addi %scan3A_21, %scan3A_22 : i32
      %scan3A_24 = arith.constant 1 : i32
      scf.for %scan3A_26 = %scan3A_21 to %scan3A_23 step %scan3A_24  : i32 {
        %mul3A_27 = arith.constant 2 : i32
        %mul3A_28 = arith.muli %scan3A_26, %mul3A_27 : i32
        %dma_wait3A = arith.constant 0 : i32
        %dma_wait3A_29 = tpu.memref_slice %arg7[%mul3A_28, %dma_wait3A] : memref<32x128xi32, #tpu.memory_space<vmem>> -> memref<1x128xi32, #tpu.memory_space<vmem>>
        %dma_wait3A_30 = tpu.memref_squeeze %dma_wait3A_29 : memref<1x128xi32, #tpu.memory_space<vmem>> -> memref<128xi32, #tpu.memory_space<vmem>>
        %dma_wait3A_31 = arith.constant 0 : i32
        %dma_wait3A_32 = arith.constant 0 : i32
        %dma_wait3A_33 = tpu.memref_slice %arg2[%arg0, %dma_wait3A_31, %dma_wait3A_32] : memref<2x10000x128xf32, #tpu.memory_space<hbm>> -> memref<1x10000x128xf32, #tpu.memory_space<hbm>>
        %dma_wait3A_34 = tpu.memref_squeeze %dma_wait3A_33 : memref<1x10000x128xf32, #tpu.memory_space<hbm>> -> memref<10000x128xf32, #tpu.memory_space<hbm>>
        %dma_wait3A_35 = arith.constant 0 : i32
        %dma_wait3A_36 = arith.constant 0 : i32
        %dma_wait3A_37 = tpu.memref_slice %dma_wait3A_34[%dma_wait3A_35, %dma_wait3A_36] : memref<10000x128xf32, #tpu.memory_space<hbm>> -> memref<10000x128xf32, #tpu.memory_space<hbm>>
        tpu.wait_indirect_dma semaphore(%arg12 : memref<!tpu.dma_semaphore, #tpu.memory_space<semaphore_mem>>) src(%dma_wait3A_37 : memref<10000x128xf32, #tpu.memory_space<hbm>>) dst(%arg9 : memref<128x128xf32, #tpu.memory_space<vmem>>)
        %add3A = arith.constant 1 : i32
        %add3A_38 = arith.addi %mul3A_28, %add3A : i32
        %dma_start3A_39 = arith.constant 0 : i32
        %dma_start3A_40 = tpu.memref_slice %arg7[%add3A_38, %dma_start3A_39] : memref<32x128xi32, #tpu.memory_space<vmem>> -> memref<1x128xi32, #tpu.memory_space<vmem>>
        %dma_start3A_41 = tpu.memref_squeeze %dma_start3A_40 : memref<1x128xi32, #tpu.memory_space<vmem>> -> memref<128xi32, #tpu.memory_space<vmem>>
        %dma_start3A_42 = arith.constant 0 : i32
        %dma_start3A_43 = arith.constant 0 : i32
        %dma_start3A_44 = tpu.memref_slice %arg2[%arg0, %dma_start3A_42, %dma_start3A_43] : memref<2x10000x128xf32, #tpu.memory_space<hbm>> -> memref<1x10000x128xf32, #tpu.memory_space<hbm>>
        %dma_start3A_45 = tpu.memref_squeeze %dma_start3A_44 : memref<1x10000x128xf32, #tpu.memory_space<hbm>> -> memref<10000x128xf32, #tpu.memory_space<hbm>>
        %dma_start3A_46 = arith.constant 0 : i32
        %dma_start3A_47 = arith.constant 0 : i32
        %dma_start3A_48 = tpu.memref_slice %dma_start3A_45[%dma_start3A_46, %dma_start3A_47] : memref<10000x128xf32, #tpu.memory_space<hbm>> -> memref<10000x128xf32, #tpu.memory_space<hbm>>
        tpu.enqueue_indirect_dma source(%dma_start3A_48 : memref<10000x128xf32, #tpu.memory_space<hbm>>) target(%arg10 : memref<128x128xf32, #tpu.memory_space<vmem>>) offsets(%dma_start3A_41 : memref<128xi32, #tpu.memory_space<vmem>>) semaphore(%arg12 : memref<!tpu.dma_semaphore, #tpu.memory_space<semaphore_mem>>)
        "tpu.region"() ({
          %run_scoped3A = tpu.sem_alloc : memref<!tpu.dma_semaphore, #tpu.memory_space<semaphore_mem>>
          %dma_start3A_65 = arith.constant 0 : i32
          %dma_start3A_66 = tpu.memref_slice %arg8[%mul3A_28, %dma_start3A_65] : memref<32x128xi32, #tpu.memory_space<vmem>> -> memref<1x128xi32, #tpu.memory_space<vmem>>
          %dma_start3A_67 = tpu.memref_squeeze %dma_start3A_66 : memref<1x128xi32, #tpu.memory_space<vmem>> -> memref<128xi32, #tpu.memory_space<vmem>>
          %dma_start3A_68 = arith.constant 0 : i32
          %dma_start3A_69 = arith.constant 0 : i32
          %dma_start3A_70 = tpu.memref_slice %arg11[%dma_start3A_68, %dma_start3A_69] : memref<10112x128xf32, #tpu.memory_space<vmem_shared>> -> memref<10112x128xf32, #tpu.memory_space<vmem_shared>>
          tpu.enqueue_indirect_dma source(%arg9 : memref<128x128xf32, #tpu.memory_space<vmem>>) target(%dma_start3A_70 : memref<10112x128xf32, #tpu.memory_space<vmem_shared>>) offsets(%dma_start3A_67 : memref<128xi32, #tpu.memory_space<vmem>>) semaphore(%run_scoped3A : memref<!tpu.dma_semaphore, #tpu.memory_space<semaphore_mem>>) {add = true}
          %dma_wait3A_71 = arith.constant 0 : i32
          %dma_wait3A_72 = tpu.memref_slice %arg8[%mul3A_28, %dma_wait3A_71] : memref<32x128xi32, #tpu.memory_space<vmem>> -> memref<1x128xi32, #tpu.memory_space<vmem>>
          %dma_wait3A_73 = tpu.memref_squeeze %dma_wait3A_72 : memref<1x128xi32, #tpu.memory_space<vmem>> -> memref<128xi32, #tpu.memory_space<vmem>>
          %dma_wait3A_74 = arith.constant 0 : i32
          %dma_wait3A_75 = arith.constant 0 : i32
          %dma_wait3A_76 = tpu.memref_slice %arg11[%dma_wait3A_74, %dma_wait3A_75] : memref<10112x128xf32, #tpu.memory_space<vmem_shared>> -> memref<10112x128xf32, #tpu.memory_space<vmem_shared>>
          tpu.wait_indirect_dma semaphore(%run_scoped3A : memref<!tpu.dma_semaphore, #tpu.memory_space<semaphore_mem>>) src(%arg9 : memref<128x128xf32, #tpu.memory_space<vmem>>) dst(%dma_wait3A_76 : memref<10112x128xf32, #tpu.memory_space<vmem_shared>>)
          tpu.yield
        }) : () -> ()
        %add3A_49 = arith.constant 1 : i32
        %add3A_50 = arith.addi %mul3A_28, %add3A_49 : i32
        %dma_wait3A_51 = arith.constant 0 : i32
        %dma_wait3A_52 = tpu.memref_slice %arg7[%add3A_50, %dma_wait3A_51] : memref<32x128xi32, #tpu.memory_space<vmem>> -> memref<1x128xi32, #tpu.memory_space<vmem>>
        %dma_wait3A_53 = tpu.memref_squeeze %dma_wait3A_52 : memref<1x128xi32, #tpu.memory_space<vmem>> -> memref<128xi32, #tpu.memory_space<vmem>>
        %dma_wait3A_54 = arith.constant 0 : i32
        %dma_wait3A_55 = arith.constant 0 : i32
        %dma_wait3A_56 = tpu.memref_slice %arg2[%arg0, %dma_wait3A_54, %dma_wait3A_55] : memref<2x10000x128xf32, #tpu.memory_space<hbm>> -> memref<1x10000x128xf32, #tpu.memory_space<hbm>>
        %dma_wait3A_57 = tpu.memref_squeeze %dma_wait3A_56 : memref<1x10000x128xf32, #tpu.memory_space<hbm>> -> memref<10000x128xf32, #tpu.memory_space<hbm>>
        %dma_wait3A_58 = arith.constant 0 : i32
        %dma_wait3A_59 = arith.constant 0 : i32
        %dma_wait3A_60 = tpu.memref_slice %dma_wait3A_57[%dma_wait3A_58, %dma_wait3A_59] : memref<10000x128xf32, #tpu.memory_space<hbm>> -> memref<10000x128xf32, #tpu.memory_space<hbm>>
        tpu.wait_indirect_dma semaphore(%arg12 : memref<!tpu.dma_semaphore, #tpu.memory_space<semaphore_mem>>) src(%dma_wait3A_60 : memref<10000x128xf32, #tpu.memory_space<hbm>>) dst(%arg10 : memref<128x128xf32, #tpu.memory_space<vmem>>)
        %lt3A = arith.constant 15 : i32
        %lt3A_61 = arith.cmpi slt, %scan3A_26, %lt3A : i32
        %convert_element_type3A = arith.extui %lt3A_61 : i1 to i32
        %cond3A = arith.constant 0 : i32
        %cond3A_62 = arith.cmpi ne, %convert_element_type3A, %cond3A : i32
        scf.if %cond3A_62 {
          %add3A_65 = arith.constant 2 : i32
          %add3A_66 = arith.addi %mul3A_28, %add3A_65 : i32
          %dma_start3A_67 = arith.constant 0 : i32
          %dma_start3A_68 = tpu.memref_slice %arg7[%add3A_66, %dma_start3A_67] : memref<32x128xi32, #tpu.memory_space<vmem>> -> memref<1x128xi32, #tpu.memory_space<vmem>>
          %dma_start3A_69 = tpu.memref_squeeze %dma_start3A_68 : memref<1x128xi32, #tpu.memory_space<vmem>> -> memref<128xi32, #tpu.memory_space<vmem>>
          %dma_start3A_70 = arith.constant 0 : i32
          %dma_start3A_71 = arith.constant 0 : i32
          %dma_start3A_72 = tpu.memref_slice %arg2[%arg0, %dma_start3A_70, %dma_start3A_71] : memref<2x10000x128xf32, #tpu.memory_space<hbm>> -> memref<1x10000x128xf32, #tpu.memory_space<hbm>>
          %dma_start3A_73 = tpu.memref_squeeze %dma_start3A_72 : memref<1x10000x128xf32, #tpu.memory_space<hbm>> -> memref<10000x128xf32, #tpu.memory_space<hbm>>
          %dma_start3A_74 = arith.constant 0 : i32
          %dma_start3A_75 = arith.constant 0 : i32
          %dma_start3A_76 = tpu.memref_slice %dma_start3A_73[%dma_start3A_74, %dma_start3A_75] : memref<10000x128xf32, #tpu.memory_space<hbm>> -> memref<10000x128xf32, #tpu.memory_space<hbm>>
          tpu.enqueue_indirect_dma source(%dma_start3A_76 : memref<10000x128xf32, #tpu.memory_space<hbm>>) target(%arg9 : memref<128x128xf32, #tpu.memory_space<vmem>>) offsets(%dma_start3A_69 : memref<128xi32, #tpu.memory_space<vmem>>) semaphore(%arg12 : memref<!tpu.dma_semaphore, #tpu.memory_space<semaphore_mem>>)
        } else {
        }
        %add3A_63 = arith.constant 1 : i32
        %add3A_64 = arith.addi %mul3A_28, %add3A_63 : i32
        "tpu.region"() ({
          %run_scoped3A = tpu.sem_alloc : memref<!tpu.dma_semaphore, #tpu.memory_space<semaphore_mem>>
          %dma_start3A_65 = arith.constant 0 : i32
          %dma_start3A_66 = tpu.memref_slice %arg8[%add3A_64, %dma_start3A_65] : memref<32x128xi32, #tpu.memory_space<vmem>> -> memref<1x128xi32, #tpu.memory_space<vmem>>
          %dma_start3A_67 = tpu.memref_squeeze %dma_start3A_66 : memref<1x128xi32, #tpu.memory_space<vmem>> -> memref<128xi32, #tpu.memory_space<vmem>>
          %dma_start3A_68 = arith.constant 0 : i32
          %dma_start3A_69 = arith.constant 0 : i32
          %dma_start3A_70 = tpu.memref_slice %arg11[%dma_start3A_68, %dma_start3A_69] : memref<10112x128xf32, #tpu.memory_space<vmem_shared>> -> memref<10112x128xf32, #tpu.memory_space<vmem_shared>>
          tpu.enqueue_indirect_dma source(%arg10 : memref<128x128xf32, #tpu.memory_space<vmem>>) target(%dma_start3A_70 : memref<10112x128xf32, #tpu.memory_space<vmem_shared>>) offsets(%dma_start3A_67 : memref<128xi32, #tpu.memory_space<vmem>>) semaphore(%run_scoped3A : memref<!tpu.dma_semaphore, #tpu.memory_space<semaphore_mem>>) {add = true}
          %dma_wait3A_71 = arith.constant 0 : i32
          %dma_wait3A_72 = tpu.memref_slice %arg8[%add3A_64, %dma_wait3A_71] : memref<32x128xi32, #tpu.memory_space<vmem>> -> memref<1x128xi32, #tpu.memory_space<vmem>>
          %dma_wait3A_73 = tpu.memref_squeeze %dma_wait3A_72 : memref<1x128xi32, #tpu.memory_space<vmem>> -> memref<128xi32, #tpu.memory_space<vmem>>
          %dma_wait3A_74 = arith.constant 0 : i32
          %dma_wait3A_75 = arith.constant 0 : i32
          %dma_wait3A_76 = tpu.memref_slice %arg11[%dma_wait3A_74, %dma_wait3A_75] : memref<10112x128xf32, #tpu.memory_space<vmem_shared>> -> memref<10112x128xf32, #tpu.memory_space<vmem_shared>>
          tpu.wait_indirect_dma semaphore(%run_scoped3A : memref<!tpu.dma_semaphore, #tpu.memory_space<semaphore_mem>>) src(%arg10 : memref<128x128xf32, #tpu.memory_space<vmem>>) dst(%dma_wait3A_76 : memref<10112x128xf32, #tpu.memory_space<vmem_shared>>)
          tpu.yield
        }) : () -> ()
      }
      %scan3A_25 = arith.constant 16 : i32
    }
    %scan3A_5 = arith.constant 5 : i32
    %barrier3A_6 = arith.constant 0 : index
    tpu.barrier barrier_id(%barrier3A_6)
    %mul3A_7 = arith.constant 632 : i32
    %mul3A_8 = arith.muli %arg1, %mul3A_7 : i32
    "tpu.region"() ({
      %run_scoped3A = tpu.sem_alloc : memref<!tpu.dma_semaphore, #tpu.memory_space<semaphore_mem>>
      %dma_start3A = arith.constant 0 : i32
      %dma_start3A_9 = tpu.memref_slice %arg6[%arg0, %mul3A_8, %dma_start3A] : memref<2x10112x128xf32, #tpu.memory_space<hbm>> -> memref<1x632x128xf32, #tpu.memory_space<hbm>>
      %dma_start3A_10 = tpu.memref_squeeze %dma_start3A_9 : memref<1x632x128xf32, #tpu.memory_space<hbm>> -> memref<632x128xf32, #tpu.memory_space<hbm>>
      %dma_start3A_11 = arith.constant 0 : i32
      %dma_start3A_12 = tpu.memref_slice %arg11[%mul3A_8, %dma_start3A_11] : memref<10112x128xf32, #tpu.memory_space<vmem_shared>> -> memref<632x128xf32, #tpu.memory_space<vmem_shared>>
      tpu.enqueue_dma source(%dma_start3A_12 : memref<632x128xf32, #tpu.memory_space<vmem_shared>>) target(%dma_start3A_10 : memref<632x128xf32, #tpu.memory_space<hbm>>) target_semaphore(%run_scoped3A : memref<!tpu.dma_semaphore, #tpu.memory_space<semaphore_mem>>)
      %dma_wait3A = arith.constant 0 : i32
      %dma_wait3A_13 = tpu.memref_slice %arg6[%arg0, %mul3A_8, %dma_wait3A] : memref<2x10112x128xf32, #tpu.memory_space<hbm>> -> memref<1x632x128xf32, #tpu.memory_space<hbm>>
      %dma_wait3A_14 = tpu.memref_squeeze %dma_wait3A_13 : memref<1x632x128xf32, #tpu.memory_space<hbm>> -> memref<632x128xf32, #tpu.memory_space<hbm>>
      %dma_wait3A_15 = arith.constant 0 : i32
      %dma_wait3A_16 = tpu.memref_slice %arg11[%mul3A_8, %dma_wait3A_15] : memref<10112x128xf32, #tpu.memory_space<vmem_shared>> -> memref<632x128xf32, #tpu.memory_space<vmem_shared>>
      tpu.wait_dma2 semaphore(%run_scoped3A : memref<!tpu.dma_semaphore, #tpu.memory_space<semaphore_mem>>) src(%dma_wait3A_16 : memref<632x128xf32, #tpu.memory_space<vmem_shared>>) dst(%dma_wait3A_14 : memref<632x128xf32, #tpu.memory_space<hbm>>)
      tpu.yield
    }) : () -> ()
    return
  }
}

#map = affine_map<(d0, d1) -> (0, 0, 0)>
#map1 = affine_map<(d0, d1) -> (0, 0, 0, 0)>
#map2 = affine_map<(d0, d1) -> (0, 0)>
module attributes {stable_mosaic.version = 14 : i64} {
  func.func @_agg_body(%arg0: i32, %arg1: i32, %arg2: memref<2x10000x128xf32, #tpu.memory_space<hbm>>, %arg3: memref<16x5x32x128xi32, #tpu.memory_space<hbm>>, %arg4: memref<16x5x32x128xi32, #tpu.memory_space<hbm>>, %arg5: memref<632x128xf32, #tpu.memory_space<hbm>>, %arg6: memref<2x10112x128xf32, #tpu.memory_space<hbm>>, %arg7: memref<32x128xi32, #tpu.memory_space<vmem>>, %arg8: memref<32x128xi32, #tpu.memory_space<vmem>>, %arg9: memref<128x128xf32, #tpu.memory_space<vmem>>, %arg10: memref<128x128xf32, #tpu.memory_space<vmem>>, %arg11: memref<10112x128xf32, #tpu.memory_space<vmem_shared>>, %arg12: memref<!tpu.dma_semaphore, #tpu.memory_space<semaphore_mem>>) attributes {dimension_semantics = [#tpu.dimension_semantics<core_parallel>, #tpu.dimension_semantics<subcore_parallel>], iteration_bounds = array<i64: 2, 16>, scalar_prefetch = 0 : i64, scratch_operands = 6 : i64, tpu.core_type = #tpu.core_type<sc_vector_subcore>, window_params = [{transform_indices = #map}, {transform_indices = #map1}, {transform_indices = #map1}, {transform_indices = #map2}, {transform_indices = #map}]} {
    %mul3A = arith.constant 632 : i32
    %mul3A_0 = arith.muli %arg1, %mul3A : i32
    "tpu.region"() ({
      %run_scoped3A = tpu.sem_alloc : memref<!tpu.dma_semaphore, #tpu.memory_space<semaphore_mem>>
      %dma_start3A = arith.constant 0 : i32
      %dma_start3A_9 = tpu.memref_slice %arg11[%mul3A_0, %dma_start3A] : memref<10112x128xf32, #tpu.memory_space<vmem_shared>> -> memref<632x128xf32, #tpu.memory_space<vmem_shared>>
      tpu.enqueue_dma source(%arg5 : memref<632x128xf32, #tpu.memory_space<hbm>>) target(%dma_start3A_9 : memref<632x128xf32, #tpu.memory_space<vmem_shared>>) target_semaphore(%run_scoped3A : memref<!tpu.dma_semaphore, #tpu.memory_space<semaphore_mem>>)
      %dma_wait3A = arith.constant 0 : i32
      %dma_wait3A_10 = tpu.memref_slice %arg11[%mul3A_0, %dma_wait3A] : memref<10112x128xf32, #tpu.memory_space<vmem_shared>> -> memref<632x128xf32, #tpu.memory_space<vmem_shared>>
      tpu.wait_dma2 semaphore(%run_scoped3A : memref<!tpu.dma_semaphore, #tpu.memory_space<semaphore_mem>>) src(%arg5 : memref<632x128xf32, #tpu.memory_space<hbm>>) dst(%dma_wait3A_10 : memref<632x128xf32, #tpu.memory_space<vmem_shared>>)
      tpu.yield
    }) : () -> ()
    %barrier3A = arith.constant 0 : index
    tpu.barrier barrier_id(%barrier3A)
    %scan3A = arith.constant 0 : i32
    %scan3A_1 = arith.constant 0 : i32
    %scan3A_2 = arith.constant 5 : i32
    %scan3A_3 = arith.addi %scan3A_1, %scan3A_2 : i32
    %scan3A_4 = arith.constant 1 : i32
    scf.for %scan3A_9 = %scan3A_1 to %scan3A_3 step %scan3A_4  : i32 {
      "tpu.region"() ({
        %run_scoped3A = tpu.sem_alloc : memref<!tpu.dma_semaphore, #tpu.memory_space<semaphore_mem>>
        %dma_start3A_26 = arith.constant 0 : i32
        %dma_start3A_27 = arith.constant 0 : i32
        %dma_start3A_28 = tpu.memref_slice %arg3[%arg1, %scan3A_9, %dma_start3A_26, %dma_start3A_27] : memref<16x5x32x128xi32, #tpu.memory_space<hbm>> -> memref<1x1x32x128xi32, #tpu.memory_space<hbm>>
        %dma_start3A_29 = tpu.memref_squeeze %dma_start3A_28 : memref<1x1x32x128xi32, #tpu.memory_space<hbm>> -> memref<32x128xi32, #tpu.memory_space<hbm>>
        %dma_start3A_30 = arith.constant 0 : i32
        %dma_start3A_31 = arith.constant 0 : i32
        %dma_start3A_32 = tpu.memref_slice %arg3[%arg1, %scan3A_9, %dma_start3A_30, %dma_start3A_31] : memref<16x5x32x128xi32, #tpu.memory_space<hbm>> -> memref<1x1x32x128xi32, #tpu.memory_space<hbm>>
        %dma_start3A_33 = tpu.memref_squeeze %dma_start3A_32 : memref<1x1x32x128xi32, #tpu.memory_space<hbm>> -> memref<32x128xi32, #tpu.memory_space<hbm>>
        tpu.enqueue_dma source(%dma_start3A_33 : memref<32x128xi32, #tpu.memory_space<hbm>>) target(%arg7 : memref<32x128xi32, #tpu.memory_space<vmem>>) target_semaphore(%run_scoped3A : memref<!tpu.dma_semaphore, #tpu.memory_space<semaphore_mem>>)
        %dma_wait3A = arith.constant 0 : i32
        %dma_wait3A_34 = arith.constant 0 : i32
        %dma_wait3A_35 = tpu.memref_slice %arg3[%arg1, %scan3A_9, %dma_wait3A, %dma_wait3A_34] : memref<16x5x32x128xi32, #tpu.memory_space<hbm>> -> memref<1x1x32x128xi32, #tpu.memory_space<hbm>>
        %dma_wait3A_36 = tpu.memref_squeeze %dma_wait3A_35 : memref<1x1x32x128xi32, #tpu.memory_space<hbm>> -> memref<32x128xi32, #tpu.memory_space<hbm>>
        %dma_wait3A_37 = arith.constant 0 : i32
        %dma_wait3A_38 = arith.constant 0 : i32
        %dma_wait3A_39 = tpu.memref_slice %arg3[%arg1, %scan3A_9, %dma_wait3A_37, %dma_wait3A_38] : memref<16x5x32x128xi32, #tpu.memory_space<hbm>> -> memref<1x1x32x128xi32, #tpu.memory_space<hbm>>
        %dma_wait3A_40 = tpu.memref_squeeze %dma_wait3A_39 : memref<1x1x32x128xi32, #tpu.memory_space<hbm>> -> memref<32x128xi32, #tpu.memory_space<hbm>>
        tpu.wait_dma2 semaphore(%run_scoped3A : memref<!tpu.dma_semaphore, #tpu.memory_space<semaphore_mem>>) src(%dma_wait3A_40 : memref<32x128xi32, #tpu.memory_space<hbm>>) dst(%arg7 : memref<32x128xi32, #tpu.memory_space<vmem>>)
        tpu.yield
      }) : () -> ()
      "tpu.region"() ({
        %run_scoped3A = tpu.sem_alloc : memref<!tpu.dma_semaphore, #tpu.memory_space<semaphore_mem>>
        %dma_start3A_26 = arith.constant 0 : i32
        %dma_start3A_27 = arith.constant 0 : i32
        %dma_start3A_28 = tpu.memref_slice %arg4[%arg1, %scan3A_9, %dma_start3A_26, %dma_start3A_27] : memref<16x5x32x128xi32, #tpu.memory_space<hbm>> -> memref<1x1x32x128xi32, #tpu.memory_space<hbm>>
        %dma_start3A_29 = tpu.memref_squeeze %dma_start3A_28 : memref<1x1x32x128xi32, #tpu.memory_space<hbm>> -> memref<32x128xi32, #tpu.memory_space<hbm>>
        %dma_start3A_30 = arith.constant 0 : i32
        %dma_start3A_31 = arith.constant 0 : i32
        %dma_start3A_32 = tpu.memref_slice %arg4[%arg1, %scan3A_9, %dma_start3A_30, %dma_start3A_31] : memref<16x5x32x128xi32, #tpu.memory_space<hbm>> -> memref<1x1x32x128xi32, #tpu.memory_space<hbm>>
        %dma_start3A_33 = tpu.memref_squeeze %dma_start3A_32 : memref<1x1x32x128xi32, #tpu.memory_space<hbm>> -> memref<32x128xi32, #tpu.memory_space<hbm>>
        tpu.enqueue_dma source(%dma_start3A_33 : memref<32x128xi32, #tpu.memory_space<hbm>>) target(%arg8 : memref<32x128xi32, #tpu.memory_space<vmem>>) target_semaphore(%run_scoped3A : memref<!tpu.dma_semaphore, #tpu.memory_space<semaphore_mem>>)
        %dma_wait3A = arith.constant 0 : i32
        %dma_wait3A_34 = arith.constant 0 : i32
        %dma_wait3A_35 = tpu.memref_slice %arg4[%arg1, %scan3A_9, %dma_wait3A, %dma_wait3A_34] : memref<16x5x32x128xi32, #tpu.memory_space<hbm>> -> memref<1x1x32x128xi32, #tpu.memory_space<hbm>>
        %dma_wait3A_36 = tpu.memref_squeeze %dma_wait3A_35 : memref<1x1x32x128xi32, #tpu.memory_space<hbm>> -> memref<32x128xi32, #tpu.memory_space<hbm>>
        %dma_wait3A_37 = arith.constant 0 : i32
        %dma_wait3A_38 = arith.constant 0 : i32
        %dma_wait3A_39 = tpu.memref_slice %arg4[%arg1, %scan3A_9, %dma_wait3A_37, %dma_wait3A_38] : memref<16x5x32x128xi32, #tpu.memory_space<hbm>> -> memref<1x1x32x128xi32, #tpu.memory_space<hbm>>
        %dma_wait3A_40 = tpu.memref_squeeze %dma_wait3A_39 : memref<1x1x32x128xi32, #tpu.memory_space<hbm>> -> memref<32x128xi32, #tpu.memory_space<hbm>>
        tpu.wait_dma2 semaphore(%run_scoped3A : memref<!tpu.dma_semaphore, #tpu.memory_space<semaphore_mem>>) src(%dma_wait3A_40 : memref<32x128xi32, #tpu.memory_space<hbm>>) dst(%arg8 : memref<32x128xi32, #tpu.memory_space<vmem>>)
        tpu.yield
      }) : () -> ()
      %dma_start3A = arith.constant 0 : i32
      %dma_start3A_10 = arith.constant 0 : i32
      %dma_start3A_11 = tpu.memref_slice %arg7[%dma_start3A, %dma_start3A_10] : memref<32x128xi32, #tpu.memory_space<vmem>> -> memref<1x128xi32, #tpu.memory_space<vmem>>
      %dma_start3A_12 = tpu.memref_squeeze %dma_start3A_11 : memref<1x128xi32, #tpu.memory_space<vmem>> -> memref<128xi32, #tpu.memory_space<vmem>>
      %dma_start3A_13 = arith.constant 0 : i32
      %dma_start3A_14 = arith.constant 0 : i32
      %dma_start3A_15 = tpu.memref_slice %arg2[%arg0, %dma_start3A_13, %dma_start3A_14] : memref<2x10000x128xf32, #tpu.memory_space<hbm>> -> memref<1x10000x128xf32, #tpu.memory_space<hbm>>
      %dma_start3A_16 = tpu.memref_squeeze %dma_start3A_15 : memref<1x10000x128xf32, #tpu.memory_space<hbm>> -> memref<10000x128xf32, #tpu.memory_space<hbm>>
      %dma_start3A_17 = arith.constant 0 : i32
      %dma_start3A_18 = arith.constant 0 : i32
      %dma_start3A_19 = tpu.memref_slice %dma_start3A_16[%dma_start3A_17, %dma_start3A_18] : memref<10000x128xf32, #tpu.memory_space<hbm>> -> memref<10000x128xf32, #tpu.memory_space<hbm>>
      tpu.enqueue_indirect_dma source(%dma_start3A_19 : memref<10000x128xf32, #tpu.memory_space<hbm>>) target(%arg9 : memref<128x128xf32, #tpu.memory_space<vmem>>) offsets(%dma_start3A_12 : memref<128xi32, #tpu.memory_space<vmem>>) semaphore(%arg12 : memref<!tpu.dma_semaphore, #tpu.memory_space<semaphore_mem>>)
      %scan3A_20 = arith.constant 0 : i32
      %scan3A_21 = arith.constant 0 : i32
      %scan3A_22 = arith.constant 16 : i32
      %scan3A_23 = arith.addi %scan3A_21, %scan3A_22 : i32
      %scan3A_24 = arith.constant 1 : i32
      scf.for %scan3A_26 = %scan3A_21 to %scan3A_23 step %scan3A_24  : i32 {
        %mul3A_27 = arith.constant 2 : i32
        %mul3A_28 = arith.muli %scan3A_26, %mul3A_27 : i32
        %dma_wait3A = arith.constant 0 : i32
        %dma_wait3A_29 = tpu.memref_slice %arg7[%mul3A_28, %dma_wait3A] : memref<32x128xi32, #tpu.memory_space<vmem>> -> memref<1x128xi32, #tpu.memory_space<vmem>>
        %dma_wait3A_30 = tpu.memref_squeeze %dma_wait3A_29 : memref<1x128xi32, #tpu.memory_space<vmem>> -> memref<128xi32, #tpu.memory_space<vmem>>
        %dma_wait3A_31 = arith.constant 0 : i32
        %dma_wait3A_32 = arith.constant 0 : i32
        %dma_wait3A_33 = tpu.memref_slice %arg2[%arg0, %dma_wait3A_31, %dma_wait3A_32] : memref<2x10000x128xf32, #tpu.memory_space<hbm>> -> memref<1x10000x128xf32, #tpu.memory_space<hbm>>
        %dma_wait3A_34 = tpu.memref_squeeze %dma_wait3A_33 : memref<1x10000x128xf32, #tpu.memory_space<hbm>> -> memref<10000x128xf32, #tpu.memory_space<hbm>>
        %dma_wait3A_35 = arith.constant 0 : i32
        %dma_wait3A_36 = arith.constant 0 : i32
        %dma_wait3A_37 = tpu.memref_slice %dma_wait3A_34[%dma_wait3A_35, %dma_wait3A_36] : memref<10000x128xf32, #tpu.memory_space<hbm>> -> memref<10000x128xf32, #tpu.memory_space<hbm>>
        tpu.wait_indirect_dma semaphore(%arg12 : memref<!tpu.dma_semaphore, #tpu.memory_space<semaphore_mem>>) src(%dma_wait3A_37 : memref<10000x128xf32, #tpu.memory_space<hbm>>) dst(%arg9 : memref<128x128xf32, #tpu.memory_space<vmem>>)
        %add3A = arith.constant 1 : i32
        %add3A_38 = arith.addi %mul3A_28, %add3A : i32
        %dma_start3A_39 = arith.constant 0 : i32
        %dma_start3A_40 = tpu.memref_slice %arg7[%add3A_38, %dma_start3A_39] : memref<32x128xi32, #tpu.memory_space<vmem>> -> memref<1x128xi32, #tpu.memory_space<vmem>>
        %dma_start3A_41 = tpu.memref_squeeze %dma_start3A_40 : memref<1x128xi32, #tpu.memory_space<vmem>> -> memref<128xi32, #tpu.memory_space<vmem>>
        %dma_start3A_42 = arith.constant 0 : i32
        %dma_start3A_43 = arith.constant 0 : i32
        %dma_start3A_44 = tpu.memref_slice %arg2[%arg0, %dma_start3A_42, %dma_start3A_43] : memref<2x10000x128xf32, #tpu.memory_space<hbm>> -> memref<1x10000x128xf32, #tpu.memory_space<hbm>>
        %dma_start3A_45 = tpu.memref_squeeze %dma_start3A_44 : memref<1x10000x128xf32, #tpu.memory_space<hbm>> -> memref<10000x128xf32, #tpu.memory_space<hbm>>
        %dma_start3A_46 = arith.constant 0 : i32
        %dma_start3A_47 = arith.constant 0 : i32
        %dma_start3A_48 = tpu.memref_slice %dma_start3A_45[%dma_start3A_46, %dma_start3A_47] : memref<10000x128xf32, #tpu.memory_space<hbm>> -> memref<10000x128xf32, #tpu.memory_space<hbm>>
        tpu.enqueue_indirect_dma source(%dma_start3A_48 : memref<10000x128xf32, #tpu.memory_space<hbm>>) target(%arg10 : memref<128x128xf32, #tpu.memory_space<vmem>>) offsets(%dma_start3A_41 : memref<128xi32, #tpu.memory_space<vmem>>) semaphore(%arg12 : memref<!tpu.dma_semaphore, #tpu.memory_space<semaphore_mem>>)
        "tpu.region"() ({
          %run_scoped3A = tpu.sem_alloc : memref<!tpu.dma_semaphore, #tpu.memory_space<semaphore_mem>>
          %dma_start3A_65 = arith.constant 0 : i32
          %dma_start3A_66 = tpu.memref_slice %arg8[%mul3A_28, %dma_start3A_65] : memref<32x128xi32, #tpu.memory_space<vmem>> -> memref<1x128xi32, #tpu.memory_space<vmem>>
          %dma_start3A_67 = tpu.memref_squeeze %dma_start3A_66 : memref<1x128xi32, #tpu.memory_space<vmem>> -> memref<128xi32, #tpu.memory_space<vmem>>
          %dma_start3A_68 = arith.constant 0 : i32
          %dma_start3A_69 = arith.constant 0 : i32
          %dma_start3A_70 = tpu.memref_slice %arg11[%dma_start3A_68, %dma_start3A_69] : memref<10112x128xf32, #tpu.memory_space<vmem_shared>> -> memref<10112x128xf32, #tpu.memory_space<vmem_shared>>
          tpu.enqueue_indirect_dma source(%arg9 : memref<128x128xf32, #tpu.memory_space<vmem>>) target(%dma_start3A_70 : memref<10112x128xf32, #tpu.memory_space<vmem_shared>>) offsets(%dma_start3A_67 : memref<128xi32, #tpu.memory_space<vmem>>) semaphore(%run_scoped3A : memref<!tpu.dma_semaphore, #tpu.memory_space<semaphore_mem>>) {add = true}
          %dma_wait3A_71 = arith.constant 0 : i32
          %dma_wait3A_72 = tpu.memref_slice %arg8[%mul3A_28, %dma_wait3A_71] : memref<32x128xi32, #tpu.memory_space<vmem>> -> memref<1x128xi32, #tpu.memory_space<vmem>>
          %dma_wait3A_73 = tpu.memref_squeeze %dma_wait3A_72 : memref<1x128xi32, #tpu.memory_space<vmem>> -> memref<128xi32, #tpu.memory_space<vmem>>
          %dma_wait3A_74 = arith.constant 0 : i32
          %dma_wait3A_75 = arith.constant 0 : i32
          %dma_wait3A_76 = tpu.memref_slice %arg11[%dma_wait3A_74, %dma_wait3A_75] : memref<10112x128xf32, #tpu.memory_space<vmem_shared>> -> memref<10112x128xf32, #tpu.memory_space<vmem_shared>>
          tpu.wait_indirect_dma semaphore(%run_scoped3A : memref<!tpu.dma_semaphore, #tpu.memory_space<semaphore_mem>>) src(%arg9 : memref<128x128xf32, #tpu.memory_space<vmem>>) dst(%dma_wait3A_76 : memref<10112x128xf32, #tpu.memory_space<vmem_shared>>)
          tpu.yield
        }) : () -> ()
        %add3A_49 = arith.constant 1 : i32
        %add3A_50 = arith.addi %mul3A_28, %add3A_49 : i32
        %dma_wait3A_51 = arith.constant 0 : i32
        %dma_wait3A_52 = tpu.memref_slice %arg7[%add3A_50, %dma_wait3A_51] : memref<32x128xi32, #tpu.memory_space<vmem>> -> memref<1x128xi32, #tpu.memory_space<vmem>>
        %dma_wait3A_53 = tpu.memref_squeeze %dma_wait3A_52 : memref<1x128xi32, #tpu.memory_space<vmem>> -> memref<128xi32, #tpu.memory_space<vmem>>
        %dma_wait3A_54 = arith.constant 0 : i32
        %dma_wait3A_55 = arith.constant 0 : i32
        %dma_wait3A_56 = tpu.memref_slice %arg2[%arg0, %dma_wait3A_54, %dma_wait3A_55] : memref<2x10000x128xf32, #tpu.memory_space<hbm>> -> memref<1x10000x128xf32, #tpu.memory_space<hbm>>
        %dma_wait3A_57 = tpu.memref_squeeze %dma_wait3A_56 : memref<1x10000x128xf32, #tpu.memory_space<hbm>> -> memref<10000x128xf32, #tpu.memory_space<hbm>>
        %dma_wait3A_58 = arith.constant 0 : i32
        %dma_wait3A_59 = arith.constant 0 : i32
        %dma_wait3A_60 = tpu.memref_slice %dma_wait3A_57[%dma_wait3A_58, %dma_wait3A_59] : memref<10000x128xf32, #tpu.memory_space<hbm>> -> memref<10000x128xf32, #tpu.memory_space<hbm>>
        tpu.wait_indirect_dma semaphore(%arg12 : memref<!tpu.dma_semaphore, #tpu.memory_space<semaphore_mem>>) src(%dma_wait3A_60 : memref<10000x128xf32, #tpu.memory_space<hbm>>) dst(%arg10 : memref<128x128xf32, #tpu.memory_space<vmem>>)
        %lt3A = arith.constant 15 : i32
        %lt3A_61 = arith.cmpi slt, %scan3A_26, %lt3A : i32
        %convert_element_type3A = arith.extui %lt3A_61 : i1 to i32
        %cond3A = arith.constant 0 : i32
        %cond3A_62 = arith.cmpi ne, %convert_element_type3A, %cond3A : i32
        scf.if %cond3A_62 {
          %add3A_65 = arith.constant 2 : i32
          %add3A_66 = arith.addi %mul3A_28, %add3A_65 : i32
          %dma_start3A_67 = arith.constant 0 : i32
          %dma_start3A_68 = tpu.memref_slice %arg7[%add3A_66, %dma_start3A_67] : memref<32x128xi32, #tpu.memory_space<vmem>> -> memref<1x128xi32, #tpu.memory_space<vmem>>
          %dma_start3A_69 = tpu.memref_squeeze %dma_start3A_68 : memref<1x128xi32, #tpu.memory_space<vmem>> -> memref<128xi32, #tpu.memory_space<vmem>>
          %dma_start3A_70 = arith.constant 0 : i32
          %dma_start3A_71 = arith.constant 0 : i32
          %dma_start3A_72 = tpu.memref_slice %arg2[%arg0, %dma_start3A_70, %dma_start3A_71] : memref<2x10000x128xf32, #tpu.memory_space<hbm>> -> memref<1x10000x128xf32, #tpu.memory_space<hbm>>
          %dma_start3A_73 = tpu.memref_squeeze %dma_start3A_72 : memref<1x10000x128xf32, #tpu.memory_space<hbm>> -> memref<10000x128xf32, #tpu.memory_space<hbm>>
          %dma_start3A_74 = arith.constant 0 : i32
          %dma_start3A_75 = arith.constant 0 : i32
          %dma_start3A_76 = tpu.memref_slice %dma_start3A_73[%dma_start3A_74, %dma_start3A_75] : memref<10000x128xf32, #tpu.memory_space<hbm>> -> memref<10000x128xf32, #tpu.memory_space<hbm>>
          tpu.enqueue_indirect_dma source(%dma_start3A_76 : memref<10000x128xf32, #tpu.memory_space<hbm>>) target(%arg9 : memref<128x128xf32, #tpu.memory_space<vmem>>) offsets(%dma_start3A_69 : memref<128xi32, #tpu.memory_space<vmem>>) semaphore(%arg12 : memref<!tpu.dma_semaphore, #tpu.memory_space<semaphore_mem>>)
        } else {
        }
        %add3A_63 = arith.constant 1 : i32
        %add3A_64 = arith.addi %mul3A_28, %add3A_63 : i32
        "tpu.region"() ({
          %run_scoped3A = tpu.sem_alloc : memref<!tpu.dma_semaphore, #tpu.memory_space<semaphore_mem>>
          %dma_start3A_65 = arith.constant 0 : i32
          %dma_start3A_66 = tpu.memref_slice %arg8[%add3A_64, %dma_start3A_65] : memref<32x128xi32, #tpu.memory_space<vmem>> -> memref<1x128xi32, #tpu.memory_space<vmem>>
          %dma_start3A_67 = tpu.memref_squeeze %dma_start3A_66 : memref<1x128xi32, #tpu.memory_space<vmem>> -> memref<128xi32, #tpu.memory_space<vmem>>
          %dma_start3A_68 = arith.constant 0 : i32
          %dma_start3A_69 = arith.constant 0 : i32
          %dma_start3A_70 = tpu.memref_slice %arg11[%dma_start3A_68, %dma_start3A_69] : memref<10112x128xf32, #tpu.memory_space<vmem_shared>> -> memref<10112x128xf32, #tpu.memory_space<vmem_shared>>
          tpu.enqueue_indirect_dma source(%arg10 : memref<128x128xf32, #tpu.memory_space<vmem>>) target(%dma_start3A_70 : memref<10112x128xf32, #tpu.memory_space<vmem_shared>>) offsets(%dma_start3A_67 : memref<128xi32, #tpu.memory_space<vmem>>) semaphore(%run_scoped3A : memref<!tpu.dma_semaphore, #tpu.memory_space<semaphore_mem>>) {add = true}
          %dma_wait3A_71 = arith.constant 0 : i32
          %dma_wait3A_72 = tpu.memref_slice %arg8[%add3A_64, %dma_wait3A_71] : memref<32x128xi32, #tpu.memory_space<vmem>> -> memref<1x128xi32, #tpu.memory_space<vmem>>
          %dma_wait3A_73 = tpu.memref_squeeze %dma_wait3A_72 : memref<1x128xi32, #tpu.memory_space<vmem>> -> memref<128xi32, #tpu.memory_space<vmem>>
          %dma_wait3A_74 = arith.constant 0 : i32
          %dma_wait3A_75 = arith.constant 0 : i32
          %dma_wait3A_76 = tpu.memref_slice %arg11[%dma_wait3A_74, %dma_wait3A_75] : memref<10112x128xf32, #tpu.memory_space<vmem_shared>> -> memref<10112x128xf32, #tpu.memory_space<vmem_shared>>
          tpu.wait_indirect_dma semaphore(%run_scoped3A : memref<!tpu.dma_semaphore, #tpu.memory_space<semaphore_mem>>) src(%arg10 : memref<128x128xf32, #tpu.memory_space<vmem>>) dst(%dma_wait3A_76 : memref<10112x128xf32, #tpu.memory_space<vmem_shared>>)
          tpu.yield
        }) : () -> ()
      }
      %scan3A_25 = arith.constant 16 : i32
    }
    %scan3A_5 = arith.constant 5 : i32
    %barrier3A_6 = arith.constant 0 : index
    tpu.barrier barrier_id(%barrier3A_6)
    %mul3A_7 = arith.constant 632 : i32
    %mul3A_8 = arith.muli %arg1, %mul3A_7 : i32
    "tpu.region"() ({
      %run_scoped3A = tpu.sem_alloc : memref<!tpu.dma_semaphore, #tpu.memory_space<semaphore_mem>>
      %dma_start3A = arith.constant 0 : i32
      %dma_start3A_9 = tpu.memref_slice %arg6[%arg0, %mul3A_8, %dma_start3A] : memref<2x10112x128xf32, #tpu.memory_space<hbm>> -> memref<1x632x128xf32, #tpu.memory_space<hbm>>
      %dma_start3A_10 = tpu.memref_squeeze %dma_start3A_9 : memref<1x632x128xf32, #tpu.memory_space<hbm>> -> memref<632x128xf32, #tpu.memory_space<hbm>>
      %dma_start3A_11 = arith.constant 0 : i32
      %dma_start3A_12 = tpu.memref_slice %arg11[%mul3A_8, %dma_start3A_11] : memref<10112x128xf32, #tpu.memory_space<vmem_shared>> -> memref<632x128xf32, #tpu.memory_space<vmem_shared>>
      tpu.enqueue_dma source(%dma_start3A_12 : memref<632x128xf32, #tpu.memory_space<vmem_shared>>) target(%dma_start3A_10 : memref<632x128xf32, #tpu.memory_space<hbm>>) target_semaphore(%run_scoped3A : memref<!tpu.dma_semaphore, #tpu.memory_space<semaphore_mem>>)
      %dma_wait3A = arith.constant 0 : i32
      %dma_wait3A_13 = tpu.memref_slice %arg6[%arg0, %mul3A_8, %dma_wait3A] : memref<2x10112x128xf32, #tpu.memory_space<hbm>> -> memref<1x632x128xf32, #tpu.memory_space<hbm>>
      %dma_wait3A_14 = tpu.memref_squeeze %dma_wait3A_13 : memref<1x632x128xf32, #tpu.memory_space<hbm>> -> memref<632x128xf32, #tpu.memory_space<hbm>>
      %dma_wait3A_15 = arith.constant 0 : i32
      %dma_wait3A_16 = tpu.memref_slice %arg11[%mul3A_8, %dma_wait3A_15] : memref<10112x128xf32, #tpu.memory_space<vmem_shared>> -> memref<632x128xf32, #tpu.memory_space<vmem_shared>>
      tpu.wait_dma2 semaphore(%run_scoped3A : memref<!tpu.dma_semaphore, #tpu.memory_space<semaphore_mem>>) src(%dma_wait3A_16 : memref<632x128xf32, #tpu.memory_space<vmem_shared>>) dst(%dma_wait3A_14 : memref<632x128xf32, #tpu.memory_space<hbm>>)
      tpu.yield
    }) : () -> ()
    return
  }
}

#map = affine_map<(d0, d1) -> (0, 0, 0)>
#map1 = affine_map<(d0, d1) -> (0, 0, 0, 0)>
#map2 = affine_map<(d0, d1) -> (0, 0)>
module attributes {stable_mosaic.version = 14 : i64} {
  func.func @_agg_body(%arg0: i32, %arg1: i32, %arg2: memref<2x10000x128xf32, #tpu.memory_space<hbm>>, %arg3: memref<16x5x32x128xi32, #tpu.memory_space<hbm>>, %arg4: memref<16x5x32x128xi32, #tpu.memory_space<hbm>>, %arg5: memref<632x128xf32, #tpu.memory_space<hbm>>, %arg6: memref<2x10112x128xf32, #tpu.memory_space<hbm>>, %arg7: memref<32x128xi32, #tpu.memory_space<vmem>>, %arg8: memref<32x128xi32, #tpu.memory_space<vmem>>, %arg9: memref<128x128xf32, #tpu.memory_space<vmem>>, %arg10: memref<128x128xf32, #tpu.memory_space<vmem>>, %arg11: memref<10112x128xf32, #tpu.memory_space<vmem_shared>>, %arg12: memref<!tpu.dma_semaphore, #tpu.memory_space<semaphore_mem>>) attributes {dimension_semantics = [#tpu.dimension_semantics<core_parallel>, #tpu.dimension_semantics<subcore_parallel>], iteration_bounds = array<i64: 2, 16>, scalar_prefetch = 0 : i64, scratch_operands = 6 : i64, tpu.core_type = #tpu.core_type<sc_vector_subcore>, window_params = [{transform_indices = #map}, {transform_indices = #map1}, {transform_indices = #map1}, {transform_indices = #map2}, {transform_indices = #map}]} {
    %mul3A = arith.constant 632 : i32
    %mul3A_0 = arith.muli %arg1, %mul3A : i32
    "tpu.region"() ({
      %run_scoped3A = tpu.sem_alloc : memref<!tpu.dma_semaphore, #tpu.memory_space<semaphore_mem>>
      %dma_start3A = arith.constant 0 : i32
      %dma_start3A_9 = tpu.memref_slice %arg11[%mul3A_0, %dma_start3A] : memref<10112x128xf32, #tpu.memory_space<vmem_shared>> -> memref<632x128xf32, #tpu.memory_space<vmem_shared>>
      tpu.enqueue_dma source(%arg5 : memref<632x128xf32, #tpu.memory_space<hbm>>) target(%dma_start3A_9 : memref<632x128xf32, #tpu.memory_space<vmem_shared>>) target_semaphore(%run_scoped3A : memref<!tpu.dma_semaphore, #tpu.memory_space<semaphore_mem>>)
      %dma_wait3A = arith.constant 0 : i32
      %dma_wait3A_10 = tpu.memref_slice %arg11[%mul3A_0, %dma_wait3A] : memref<10112x128xf32, #tpu.memory_space<vmem_shared>> -> memref<632x128xf32, #tpu.memory_space<vmem_shared>>
      tpu.wait_dma2 semaphore(%run_scoped3A : memref<!tpu.dma_semaphore, #tpu.memory_space<semaphore_mem>>) src(%arg5 : memref<632x128xf32, #tpu.memory_space<hbm>>) dst(%dma_wait3A_10 : memref<632x128xf32, #tpu.memory_space<vmem_shared>>)
      tpu.yield
    }) : () -> ()
    %barrier3A = arith.constant 0 : index
    tpu.barrier barrier_id(%barrier3A)
    %scan3A = arith.constant 0 : i32
    %scan3A_1 = arith.constant 0 : i32
    %scan3A_2 = arith.constant 5 : i32
    %scan3A_3 = arith.addi %scan3A_1, %scan3A_2 : i32
    %scan3A_4 = arith.constant 1 : i32
    scf.for %scan3A_9 = %scan3A_1 to %scan3A_3 step %scan3A_4  : i32 {
      "tpu.region"() ({
        %run_scoped3A = tpu.sem_alloc : memref<!tpu.dma_semaphore, #tpu.memory_space<semaphore_mem>>
        %dma_start3A_26 = arith.constant 0 : i32
        %dma_start3A_27 = arith.constant 0 : i32
        %dma_start3A_28 = tpu.memref_slice %arg3[%arg1, %scan3A_9, %dma_start3A_26, %dma_start3A_27] : memref<16x5x32x128xi32, #tpu.memory_space<hbm>> -> memref<1x1x32x128xi32, #tpu.memory_space<hbm>>
        %dma_start3A_29 = tpu.memref_squeeze %dma_start3A_28 : memref<1x1x32x128xi32, #tpu.memory_space<hbm>> -> memref<32x128xi32, #tpu.memory_space<hbm>>
        %dma_start3A_30 = arith.constant 0 : i32
        %dma_start3A_31 = arith.constant 0 : i32
        %dma_start3A_32 = tpu.memref_slice %arg3[%arg1, %scan3A_9, %dma_start3A_30, %dma_start3A_31] : memref<16x5x32x128xi32, #tpu.memory_space<hbm>> -> memref<1x1x32x128xi32, #tpu.memory_space<hbm>>
        %dma_start3A_33 = tpu.memref_squeeze %dma_start3A_32 : memref<1x1x32x128xi32, #tpu.memory_space<hbm>> -> memref<32x128xi32, #tpu.memory_space<hbm>>
        tpu.enqueue_dma source(%dma_start3A_33 : memref<32x128xi32, #tpu.memory_space<hbm>>) target(%arg7 : memref<32x128xi32, #tpu.memory_space<vmem>>) target_semaphore(%run_scoped3A : memref<!tpu.dma_semaphore, #tpu.memory_space<semaphore_mem>>)
        %dma_wait3A = arith.constant 0 : i32
        %dma_wait3A_34 = arith.constant 0 : i32
        %dma_wait3A_35 = tpu.memref_slice %arg3[%arg1, %scan3A_9, %dma_wait3A, %dma_wait3A_34] : memref<16x5x32x128xi32, #tpu.memory_space<hbm>> -> memref<1x1x32x128xi32, #tpu.memory_space<hbm>>
        %dma_wait3A_36 = tpu.memref_squeeze %dma_wait3A_35 : memref<1x1x32x128xi32, #tpu.memory_space<hbm>> -> memref<32x128xi32, #tpu.memory_space<hbm>>
        %dma_wait3A_37 = arith.constant 0 : i32
        %dma_wait3A_38 = arith.constant 0 : i32
        %dma_wait3A_39 = tpu.memref_slice %arg3[%arg1, %scan3A_9, %dma_wait3A_37, %dma_wait3A_38] : memref<16x5x32x128xi32, #tpu.memory_space<hbm>> -> memref<1x1x32x128xi32, #tpu.memory_space<hbm>>
        %dma_wait3A_40 = tpu.memref_squeeze %dma_wait3A_39 : memref<1x1x32x128xi32, #tpu.memory_space<hbm>> -> memref<32x128xi32, #tpu.memory_space<hbm>>
        tpu.wait_dma2 semaphore(%run_scoped3A : memref<!tpu.dma_semaphore, #tpu.memory_space<semaphore_mem>>) src(%dma_wait3A_40 : memref<32x128xi32, #tpu.memory_space<hbm>>) dst(%arg7 : memref<32x128xi32, #tpu.memory_space<vmem>>)
        tpu.yield
      }) : () -> ()
      "tpu.region"() ({
        %run_scoped3A = tpu.sem_alloc : memref<!tpu.dma_semaphore, #tpu.memory_space<semaphore_mem>>
        %dma_start3A_26 = arith.constant 0 : i32
        %dma_start3A_27 = arith.constant 0 : i32
        %dma_start3A_28 = tpu.memref_slice %arg4[%arg1, %scan3A_9, %dma_start3A_26, %dma_start3A_27] : memref<16x5x32x128xi32, #tpu.memory_space<hbm>> -> memref<1x1x32x128xi32, #tpu.memory_space<hbm>>
        %dma_start3A_29 = tpu.memref_squeeze %dma_start3A_28 : memref<1x1x32x128xi32, #tpu.memory_space<hbm>> -> memref<32x128xi32, #tpu.memory_space<hbm>>
        %dma_start3A_30 = arith.constant 0 : i32
        %dma_start3A_31 = arith.constant 0 : i32
        %dma_start3A_32 = tpu.memref_slice %arg4[%arg1, %scan3A_9, %dma_start3A_30, %dma_start3A_31] : memref<16x5x32x128xi32, #tpu.memory_space<hbm>> -> memref<1x1x32x128xi32, #tpu.memory_space<hbm>>
        %dma_start3A_33 = tpu.memref_squeeze %dma_start3A_32 : memref<1x1x32x128xi32, #tpu.memory_space<hbm>> -> memref<32x128xi32, #tpu.memory_space<hbm>>
        tpu.enqueue_dma source(%dma_start3A_33 : memref<32x128xi32, #tpu.memory_space<hbm>>) target(%arg8 : memref<32x128xi32, #tpu.memory_space<vmem>>) target_semaphore(%run_scoped3A : memref<!tpu.dma_semaphore, #tpu.memory_space<semaphore_mem>>)
        %dma_wait3A = arith.constant 0 : i32
        %dma_wait3A_34 = arith.constant 0 : i32
        %dma_wait3A_35 = tpu.memref_slice %arg4[%arg1, %scan3A_9, %dma_wait3A, %dma_wait3A_34] : memref<16x5x32x128xi32, #tpu.memory_space<hbm>> -> memref<1x1x32x128xi32, #tpu.memory_space<hbm>>
        %dma_wait3A_36 = tpu.memref_squeeze %dma_wait3A_35 : memref<1x1x32x128xi32, #tpu.memory_space<hbm>> -> memref<32x128xi32, #tpu.memory_space<hbm>>
        %dma_wait3A_37 = arith.constant 0 : i32
        %dma_wait3A_38 = arith.constant 0 : i32
        %dma_wait3A_39 = tpu.memref_slice %arg4[%arg1, %scan3A_9, %dma_wait3A_37, %dma_wait3A_38] : memref<16x5x32x128xi32, #tpu.memory_space<hbm>> -> memref<1x1x32x128xi32, #tpu.memory_space<hbm>>
        %dma_wait3A_40 = tpu.memref_squeeze %dma_wait3A_39 : memref<1x1x32x128xi32, #tpu.memory_space<hbm>> -> memref<32x128xi32, #tpu.memory_space<hbm>>
        tpu.wait_dma2 semaphore(%run_scoped3A : memref<!tpu.dma_semaphore, #tpu.memory_space<semaphore_mem>>) src(%dma_wait3A_40 : memref<32x128xi32, #tpu.memory_space<hbm>>) dst(%arg8 : memref<32x128xi32, #tpu.memory_space<vmem>>)
        tpu.yield
      }) : () -> ()
      %dma_start3A = arith.constant 0 : i32
      %dma_start3A_10 = arith.constant 0 : i32
      %dma_start3A_11 = tpu.memref_slice %arg7[%dma_start3A, %dma_start3A_10] : memref<32x128xi32, #tpu.memory_space<vmem>> -> memref<1x128xi32, #tpu.memory_space<vmem>>
      %dma_start3A_12 = tpu.memref_squeeze %dma_start3A_11 : memref<1x128xi32, #tpu.memory_space<vmem>> -> memref<128xi32, #tpu.memory_space<vmem>>
      %dma_start3A_13 = arith.constant 0 : i32
      %dma_start3A_14 = arith.constant 0 : i32
      %dma_start3A_15 = tpu.memref_slice %arg2[%arg0, %dma_start3A_13, %dma_start3A_14] : memref<2x10000x128xf32, #tpu.memory_space<hbm>> -> memref<1x10000x128xf32, #tpu.memory_space<hbm>>
      %dma_start3A_16 = tpu.memref_squeeze %dma_start3A_15 : memref<1x10000x128xf32, #tpu.memory_space<hbm>> -> memref<10000x128xf32, #tpu.memory_space<hbm>>
      %dma_start3A_17 = arith.constant 0 : i32
      %dma_start3A_18 = arith.constant 0 : i32
      %dma_start3A_19 = tpu.memref_slice %dma_start3A_16[%dma_start3A_17, %dma_start3A_18] : memref<10000x128xf32, #tpu.memory_space<hbm>> -> memref<10000x128xf32, #tpu.memory_space<hbm>>
      tpu.enqueue_indirect_dma source(%dma_start3A_19 : memref<10000x128xf32, #tpu.memory_space<hbm>>) target(%arg9 : memref<128x128xf32, #tpu.memory_space<vmem>>) offsets(%dma_start3A_12 : memref<128xi32, #tpu.memory_space<vmem>>) semaphore(%arg12 : memref<!tpu.dma_semaphore, #tpu.memory_space<semaphore_mem>>)
      %scan3A_20 = arith.constant 0 : i32
      %scan3A_21 = arith.constant 0 : i32
      %scan3A_22 = arith.constant 16 : i32
      %scan3A_23 = arith.addi %scan3A_21, %scan3A_22 : i32
      %scan3A_24 = arith.constant 1 : i32
      scf.for %scan3A_26 = %scan3A_21 to %scan3A_23 step %scan3A_24  : i32 {
        %mul3A_27 = arith.constant 2 : i32
        %mul3A_28 = arith.muli %scan3A_26, %mul3A_27 : i32
        %dma_wait3A = arith.constant 0 : i32
        %dma_wait3A_29 = tpu.memref_slice %arg7[%mul3A_28, %dma_wait3A] : memref<32x128xi32, #tpu.memory_space<vmem>> -> memref<1x128xi32, #tpu.memory_space<vmem>>
        %dma_wait3A_30 = tpu.memref_squeeze %dma_wait3A_29 : memref<1x128xi32, #tpu.memory_space<vmem>> -> memref<128xi32, #tpu.memory_space<vmem>>
        %dma_wait3A_31 = arith.constant 0 : i32
        %dma_wait3A_32 = arith.constant 0 : i32
        %dma_wait3A_33 = tpu.memref_slice %arg2[%arg0, %dma_wait3A_31, %dma_wait3A_32] : memref<2x10000x128xf32, #tpu.memory_space<hbm>> -> memref<1x10000x128xf32, #tpu.memory_space<hbm>>
        %dma_wait3A_34 = tpu.memref_squeeze %dma_wait3A_33 : memref<1x10000x128xf32, #tpu.memory_space<hbm>> -> memref<10000x128xf32, #tpu.memory_space<hbm>>
        %dma_wait3A_35 = arith.constant 0 : i32
        %dma_wait3A_36 = arith.constant 0 : i32
        %dma_wait3A_37 = tpu.memref_slice %dma_wait3A_34[%dma_wait3A_35, %dma_wait3A_36] : memref<10000x128xf32, #tpu.memory_space<hbm>> -> memref<10000x128xf32, #tpu.memory_space<hbm>>
        tpu.wait_indirect_dma semaphore(%arg12 : memref<!tpu.dma_semaphore, #tpu.memory_space<semaphore_mem>>) src(%dma_wait3A_37 : memref<10000x128xf32, #tpu.memory_space<hbm>>) dst(%arg9 : memref<128x128xf32, #tpu.memory_space<vmem>>)
        %add3A = arith.constant 1 : i32
        %add3A_38 = arith.addi %mul3A_28, %add3A : i32
        %dma_start3A_39 = arith.constant 0 : i32
        %dma_start3A_40 = tpu.memref_slice %arg7[%add3A_38, %dma_start3A_39] : memref<32x128xi32, #tpu.memory_space<vmem>> -> memref<1x128xi32, #tpu.memory_space<vmem>>
        %dma_start3A_41 = tpu.memref_squeeze %dma_start3A_40 : memref<1x128xi32, #tpu.memory_space<vmem>> -> memref<128xi32, #tpu.memory_space<vmem>>
        %dma_start3A_42 = arith.constant 0 : i32
        %dma_start3A_43 = arith.constant 0 : i32
        %dma_start3A_44 = tpu.memref_slice %arg2[%arg0, %dma_start3A_42, %dma_start3A_43] : memref<2x10000x128xf32, #tpu.memory_space<hbm>> -> memref<1x10000x128xf32, #tpu.memory_space<hbm>>
        %dma_start3A_45 = tpu.memref_squeeze %dma_start3A_44 : memref<1x10000x128xf32, #tpu.memory_space<hbm>> -> memref<10000x128xf32, #tpu.memory_space<hbm>>
        %dma_start3A_46 = arith.constant 0 : i32
        %dma_start3A_47 = arith.constant 0 : i32
        %dma_start3A_48 = tpu.memref_slice %dma_start3A_45[%dma_start3A_46, %dma_start3A_47] : memref<10000x128xf32, #tpu.memory_space<hbm>> -> memref<10000x128xf32, #tpu.memory_space<hbm>>
        tpu.enqueue_indirect_dma source(%dma_start3A_48 : memref<10000x128xf32, #tpu.memory_space<hbm>>) target(%arg10 : memref<128x128xf32, #tpu.memory_space<vmem>>) offsets(%dma_start3A_41 : memref<128xi32, #tpu.memory_space<vmem>>) semaphore(%arg12 : memref<!tpu.dma_semaphore, #tpu.memory_space<semaphore_mem>>)
        "tpu.region"() ({
          %run_scoped3A = tpu.sem_alloc : memref<!tpu.dma_semaphore, #tpu.memory_space<semaphore_mem>>
          %dma_start3A_65 = arith.constant 0 : i32
          %dma_start3A_66 = tpu.memref_slice %arg8[%mul3A_28, %dma_start3A_65] : memref<32x128xi32, #tpu.memory_space<vmem>> -> memref<1x128xi32, #tpu.memory_space<vmem>>
          %dma_start3A_67 = tpu.memref_squeeze %dma_start3A_66 : memref<1x128xi32, #tpu.memory_space<vmem>> -> memref<128xi32, #tpu.memory_space<vmem>>
          %dma_start3A_68 = arith.constant 0 : i32
          %dma_start3A_69 = arith.constant 0 : i32
          %dma_start3A_70 = tpu.memref_slice %arg11[%dma_start3A_68, %dma_start3A_69] : memref<10112x128xf32, #tpu.memory_space<vmem_shared>> -> memref<10112x128xf32, #tpu.memory_space<vmem_shared>>
          tpu.enqueue_indirect_dma source(%arg9 : memref<128x128xf32, #tpu.memory_space<vmem>>) target(%dma_start3A_70 : memref<10112x128xf32, #tpu.memory_space<vmem_shared>>) offsets(%dma_start3A_67 : memref<128xi32, #tpu.memory_space<vmem>>) semaphore(%run_scoped3A : memref<!tpu.dma_semaphore, #tpu.memory_space<semaphore_mem>>) {add = true}
          %dma_wait3A_71 = arith.constant 0 : i32
          %dma_wait3A_72 = tpu.memref_slice %arg8[%mul3A_28, %dma_wait3A_71] : memref<32x128xi32, #tpu.memory_space<vmem>> -> memref<1x128xi32, #tpu.memory_space<vmem>>
          %dma_wait3A_73 = tpu.memref_squeeze %dma_wait3A_72 : memref<1x128xi32, #tpu.memory_space<vmem>> -> memref<128xi32, #tpu.memory_space<vmem>>
          %dma_wait3A_74 = arith.constant 0 : i32
          %dma_wait3A_75 = arith.constant 0 : i32
          %dma_wait3A_76 = tpu.memref_slice %arg11[%dma_wait3A_74, %dma_wait3A_75] : memref<10112x128xf32, #tpu.memory_space<vmem_shared>> -> memref<10112x128xf32, #tpu.memory_space<vmem_shared>>
          tpu.wait_indirect_dma semaphore(%run_scoped3A : memref<!tpu.dma_semaphore, #tpu.memory_space<semaphore_mem>>) src(%arg9 : memref<128x128xf32, #tpu.memory_space<vmem>>) dst(%dma_wait3A_76 : memref<10112x128xf32, #tpu.memory_space<vmem_shared>>)
          tpu.yield
        }) : () -> ()
        %add3A_49 = arith.constant 1 : i32
        %add3A_50 = arith.addi %mul3A_28, %add3A_49 : i32
        %dma_wait3A_51 = arith.constant 0 : i32
        %dma_wait3A_52 = tpu.memref_slice %arg7[%add3A_50, %dma_wait3A_51] : memref<32x128xi32, #tpu.memory_space<vmem>> -> memref<1x128xi32, #tpu.memory_space<vmem>>
        %dma_wait3A_53 = tpu.memref_squeeze %dma_wait3A_52 : memref<1x128xi32, #tpu.memory_space<vmem>> -> memref<128xi32, #tpu.memory_space<vmem>>
        %dma_wait3A_54 = arith.constant 0 : i32
        %dma_wait3A_55 = arith.constant 0 : i32
        %dma_wait3A_56 = tpu.memref_slice %arg2[%arg0, %dma_wait3A_54, %dma_wait3A_55] : memref<2x10000x128xf32, #tpu.memory_space<hbm>> -> memref<1x10000x128xf32, #tpu.memory_space<hbm>>
        %dma_wait3A_57 = tpu.memref_squeeze %dma_wait3A_56 : memref<1x10000x128xf32, #tpu.memory_space<hbm>> -> memref<10000x128xf32, #tpu.memory_space<hbm>>
        %dma_wait3A_58 = arith.constant 0 : i32
        %dma_wait3A_59 = arith.constant 0 : i32
        %dma_wait3A_60 = tpu.memref_slice %dma_wait3A_57[%dma_wait3A_58, %dma_wait3A_59] : memref<10000x128xf32, #tpu.memory_space<hbm>> -> memref<10000x128xf32, #tpu.memory_space<hbm>>
        tpu.wait_indirect_dma semaphore(%arg12 : memref<!tpu.dma_semaphore, #tpu.memory_space<semaphore_mem>>) src(%dma_wait3A_60 : memref<10000x128xf32, #tpu.memory_space<hbm>>) dst(%arg10 : memref<128x128xf32, #tpu.memory_space<vmem>>)
        %lt3A = arith.constant 15 : i32
        %lt3A_61 = arith.cmpi slt, %scan3A_26, %lt3A : i32
        %convert_element_type3A = arith.extui %lt3A_61 : i1 to i32
        %cond3A = arith.constant 0 : i32
        %cond3A_62 = arith.cmpi ne, %convert_element_type3A, %cond3A : i32
        scf.if %cond3A_62 {
          %add3A_65 = arith.constant 2 : i32
          %add3A_66 = arith.addi %mul3A_28, %add3A_65 : i32
          %dma_start3A_67 = arith.constant 0 : i32
          %dma_start3A_68 = tpu.memref_slice %arg7[%add3A_66, %dma_start3A_67] : memref<32x128xi32, #tpu.memory_space<vmem>> -> memref<1x128xi32, #tpu.memory_space<vmem>>
          %dma_start3A_69 = tpu.memref_squeeze %dma_start3A_68 : memref<1x128xi32, #tpu.memory_space<vmem>> -> memref<128xi32, #tpu.memory_space<vmem>>
          %dma_start3A_70 = arith.constant 0 : i32
          %dma_start3A_71 = arith.constant 0 : i32
          %dma_start3A_72 = tpu.memref_slice %arg2[%arg0, %dma_start3A_70, %dma_start3A_71] : memref<2x10000x128xf32, #tpu.memory_space<hbm>> -> memref<1x10000x128xf32, #tpu.memory_space<hbm>>
          %dma_start3A_73 = tpu.memref_squeeze %dma_start3A_72 : memref<1x10000x128xf32, #tpu.memory_space<hbm>> -> memref<10000x128xf32, #tpu.memory_space<hbm>>
          %dma_start3A_74 = arith.constant 0 : i32
          %dma_start3A_75 = arith.constant 0 : i32
          %dma_start3A_76 = tpu.memref_slice %dma_start3A_73[%dma_start3A_74, %dma_start3A_75] : memref<10000x128xf32, #tpu.memory_space<hbm>> -> memref<10000x128xf32, #tpu.memory_space<hbm>>
          tpu.enqueue_indirect_dma source(%dma_start3A_76 : memref<10000x128xf32, #tpu.memory_space<hbm>>) target(%arg9 : memref<128x128xf32, #tpu.memory_space<vmem>>) offsets(%dma_start3A_69 : memref<128xi32, #tpu.memory_space<vmem>>) semaphore(%arg12 : memref<!tpu.dma_semaphore, #tpu.memory_space<semaphore_mem>>)
        } else {
        }
        %add3A_63 = arith.constant 1 : i32
        %add3A_64 = arith.addi %mul3A_28, %add3A_63 : i32
        "tpu.region"() ({
          %run_scoped3A = tpu.sem_alloc : memref<!tpu.dma_semaphore, #tpu.memory_space<semaphore_mem>>
          %dma_start3A_65 = arith.constant 0 : i32
          %dma_start3A_66 = tpu.memref_slice %arg8[%add3A_64, %dma_start3A_65] : memref<32x128xi32, #tpu.memory_space<vmem>> -> memref<1x128xi32, #tpu.memory_space<vmem>>
          %dma_start3A_67 = tpu.memref_squeeze %dma_start3A_66 : memref<1x128xi32, #tpu.memory_space<vmem>> -> memref<128xi32, #tpu.memory_space<vmem>>
          %dma_start3A_68 = arith.constant 0 : i32
          %dma_start3A_69 = arith.constant 0 : i32
          %dma_start3A_70 = tpu.memref_slice %arg11[%dma_start3A_68, %dma_start3A_69] : memref<10112x128xf32, #tpu.memory_space<vmem_shared>> -> memref<10112x128xf32, #tpu.memory_space<vmem_shared>>
          tpu.enqueue_indirect_dma source(%arg10 : memref<128x128xf32, #tpu.memory_space<vmem>>) target(%dma_start3A_70 : memref<10112x128xf32, #tpu.memory_space<vmem_shared>>) offsets(%dma_start3A_67 : memref<128xi32, #tpu.memory_space<vmem>>) semaphore(%run_scoped3A : memref<!tpu.dma_semaphore, #tpu.memory_space<semaphore_mem>>) {add = true}
          %dma_wait3A_71 = arith.constant 0 : i32
          %dma_wait3A_72 = tpu.memref_slice %arg8[%add3A_64, %dma_wait3A_71] : memref<32x128xi32, #tpu.memory_space<vmem>> -> memref<1x128xi32, #tpu.memory_space<vmem>>
          %dma_wait3A_73 = tpu.memref_squeeze %dma_wait3A_72 : memref<1x128xi32, #tpu.memory_space<vmem>> -> memref<128xi32, #tpu.memory_space<vmem>>
          %dma_wait3A_74 = arith.constant 0 : i32
          %dma_wait3A_75 = arith.constant 0 : i32
          %dma_wait3A_76 = tpu.memref_slice %arg11[%dma_wait3A_74, %dma_wait3A_75] : memref<10112x128xf32, #tpu.memory_space<vmem_shared>> -> memref<10112x128xf32, #tpu.memory_space<vmem_shared>>
          tpu.wait_indirect_dma semaphore(%run_scoped3A : memref<!tpu.dma_semaphore, #tpu.memory_space<semaphore_mem>>) src(%arg10 : memref<128x128xf32, #tpu.memory_space<vmem>>) dst(%dma_wait3A_76 : memref<10112x128xf32, #tpu.memory_space<vmem_shared>>)
          tpu.yield
        }) : () -> ()
      }
      %scan3A_25 = arith.constant 16 : i32
    }
    %scan3A_5 = arith.constant 5 : i32
    %barrier3A_6 = arith.constant 0 : index
    tpu.barrier barrier_id(%barrier3A_6)
    %mul3A_7 = arith.constant 632 : i32
    %mul3A_8 = arith.muli %arg1, %mul3A_7 : i32
    "tpu.region"() ({
      %run_scoped3A = tpu.sem_alloc : memref<!tpu.dma_semaphore, #tpu.memory_space<semaphore_mem>>
      %dma_start3A = arith.constant 0 : i32
      %dma_start3A_9 = tpu.memref_slice %arg6[%arg0, %mul3A_8, %dma_start3A] : memref<2x10112x128xf32, #tpu.memory_space<hbm>> -> memref<1x632x128xf32, #tpu.memory_space<hbm>>
      %dma_start3A_10 = tpu.memref_squeeze %dma_start3A_9 : memref<1x632x128xf32, #tpu.memory_space<hbm>> -> memref<632x128xf32, #tpu.memory_space<hbm>>
      %dma_start3A_11 = arith.constant 0 : i32
      %dma_start3A_12 = tpu.memref_slice %arg11[%mul3A_8, %dma_start3A_11] : memref<10112x128xf32, #tpu.memory_space<vmem_shared>> -> memref<632x128xf32, #tpu.memory_space<vmem_shared>>
      tpu.enqueue_dma source(%dma_start3A_12 : memref<632x128xf32, #tpu.memory_space<vmem_shared>>) target(%dma_start3A_10 : memref<632x128xf32, #tpu.memory_space<hbm>>) target_semaphore(%run_scoped3A : memref<!tpu.dma_semaphore, #tpu.memory_space<semaphore_mem>>)
      %dma_wait3A = arith.constant 0 : i32
      %dma_wait3A_13 = tpu.memref_slice %arg6[%arg0, %mul3A_8, %dma_wait3A] : memref<2x10112x128xf32, #tpu.memory_space<hbm>> -> memref<1x632x128xf32, #tpu.memory_space<hbm>>
      %dma_wait3A_14 = tpu.memref_squeeze %dma_wait3A_13 : memref<1x632x128xf32, #tpu.memory_space<hbm>> -> memref<632x128xf32, #tpu.memory_space<hbm>>
      %dma_wait3A_15 = arith.constant 0 : i32
      %dma_wait3A_16 = tpu.memref_slice %arg11[%mul3A_8, %dma_wait3A_15] : memref<10112x128xf32, #tpu.memory_space<vmem_shared>> -> memref<632x128xf32, #tpu.memory_space<vmem_shared>>
      tpu.wait_dma2 semaphore(%run_scoped3A : memref<!tpu.dma_semaphore, #tpu.memory_space<semaphore_mem>>) src(%dma_wait3A_16 : memref<632x128xf32, #tpu.memory_space<vmem_shared>>) dst(%dma_wait3A_14 : memref<632x128xf32, #tpu.memory_space<hbm>>)
      tpu.yield
    }) : () -> ()
    return
  }
}

#map = affine_map<(d0, d1) -> (0, 0, 0)>
#map1 = affine_map<(d0, d1) -> (0, 0, 0, 0)>
#map2 = affine_map<(d0, d1) -> (0, 0)>
module attributes {stable_mosaic.version = 14 : i64} {
  func.func @_agg_body(%arg0: i32, %arg1: i32, %arg2: memref<2x10000x128xf32, #tpu.memory_space<hbm>>, %arg3: memref<16x5x32x128xi32, #tpu.memory_space<hbm>>, %arg4: memref<16x5x32x128xi32, #tpu.memory_space<hbm>>, %arg5: memref<632x128xf32, #tpu.memory_space<hbm>>, %arg6: memref<2x10112x128xf32, #tpu.memory_space<hbm>>, %arg7: memref<32x128xi32, #tpu.memory_space<vmem>>, %arg8: memref<32x128xi32, #tpu.memory_space<vmem>>, %arg9: memref<128x128xf32, #tpu.memory_space<vmem>>, %arg10: memref<128x128xf32, #tpu.memory_space<vmem>>, %arg11: memref<10112x128xf32, #tpu.memory_space<vmem_shared>>, %arg12: memref<!tpu.dma_semaphore, #tpu.memory_space<semaphore_mem>>) attributes {dimension_semantics = [#tpu.dimension_semantics<core_parallel>, #tpu.dimension_semantics<subcore_parallel>], iteration_bounds = array<i64: 2, 16>, scalar_prefetch = 0 : i64, scratch_operands = 6 : i64, tpu.core_type = #tpu.core_type<sc_vector_subcore>, window_params = [{transform_indices = #map}, {transform_indices = #map1}, {transform_indices = #map1}, {transform_indices = #map2}, {transform_indices = #map}]} {
    %mul3A = arith.constant 632 : i32
    %mul3A_0 = arith.muli %arg1, %mul3A : i32
    "tpu.region"() ({
      %run_scoped3A = tpu.sem_alloc : memref<!tpu.dma_semaphore, #tpu.memory_space<semaphore_mem>>
      %dma_start3A = arith.constant 0 : i32
      %dma_start3A_9 = tpu.memref_slice %arg11[%mul3A_0, %dma_start3A] : memref<10112x128xf32, #tpu.memory_space<vmem_shared>> -> memref<632x128xf32, #tpu.memory_space<vmem_shared>>
      tpu.enqueue_dma source(%arg5 : memref<632x128xf32, #tpu.memory_space<hbm>>) target(%dma_start3A_9 : memref<632x128xf32, #tpu.memory_space<vmem_shared>>) target_semaphore(%run_scoped3A : memref<!tpu.dma_semaphore, #tpu.memory_space<semaphore_mem>>)
      %dma_wait3A = arith.constant 0 : i32
      %dma_wait3A_10 = tpu.memref_slice %arg11[%mul3A_0, %dma_wait3A] : memref<10112x128xf32, #tpu.memory_space<vmem_shared>> -> memref<632x128xf32, #tpu.memory_space<vmem_shared>>
      tpu.wait_dma2 semaphore(%run_scoped3A : memref<!tpu.dma_semaphore, #tpu.memory_space<semaphore_mem>>) src(%arg5 : memref<632x128xf32, #tpu.memory_space<hbm>>) dst(%dma_wait3A_10 : memref<632x128xf32, #tpu.memory_space<vmem_shared>>)
      tpu.yield
    }) : () -> ()
    %barrier3A = arith.constant 0 : index
    tpu.barrier barrier_id(%barrier3A)
    %scan3A = arith.constant 0 : i32
    %scan3A_1 = arith.constant 0 : i32
    %scan3A_2 = arith.constant 5 : i32
    %scan3A_3 = arith.addi %scan3A_1, %scan3A_2 : i32
    %scan3A_4 = arith.constant 1 : i32
    scf.for %scan3A_9 = %scan3A_1 to %scan3A_3 step %scan3A_4  : i32 {
      "tpu.region"() ({
        %run_scoped3A = tpu.sem_alloc : memref<!tpu.dma_semaphore, #tpu.memory_space<semaphore_mem>>
        %dma_start3A_26 = arith.constant 0 : i32
        %dma_start3A_27 = arith.constant 0 : i32
        %dma_start3A_28 = tpu.memref_slice %arg3[%arg1, %scan3A_9, %dma_start3A_26, %dma_start3A_27] : memref<16x5x32x128xi32, #tpu.memory_space<hbm>> -> memref<1x1x32x128xi32, #tpu.memory_space<hbm>>
        %dma_start3A_29 = tpu.memref_squeeze %dma_start3A_28 : memref<1x1x32x128xi32, #tpu.memory_space<hbm>> -> memref<32x128xi32, #tpu.memory_space<hbm>>
        %dma_start3A_30 = arith.constant 0 : i32
        %dma_start3A_31 = arith.constant 0 : i32
        %dma_start3A_32 = tpu.memref_slice %arg3[%arg1, %scan3A_9, %dma_start3A_30, %dma_start3A_31] : memref<16x5x32x128xi32, #tpu.memory_space<hbm>> -> memref<1x1x32x128xi32, #tpu.memory_space<hbm>>
        %dma_start3A_33 = tpu.memref_squeeze %dma_start3A_32 : memref<1x1x32x128xi32, #tpu.memory_space<hbm>> -> memref<32x128xi32, #tpu.memory_space<hbm>>
        tpu.enqueue_dma source(%dma_start3A_33 : memref<32x128xi32, #tpu.memory_space<hbm>>) target(%arg7 : memref<32x128xi32, #tpu.memory_space<vmem>>) target_semaphore(%run_scoped3A : memref<!tpu.dma_semaphore, #tpu.memory_space<semaphore_mem>>)
        %dma_wait3A = arith.constant 0 : i32
        %dma_wait3A_34 = arith.constant 0 : i32
        %dma_wait3A_35 = tpu.memref_slice %arg3[%arg1, %scan3A_9, %dma_wait3A, %dma_wait3A_34] : memref<16x5x32x128xi32, #tpu.memory_space<hbm>> -> memref<1x1x32x128xi32, #tpu.memory_space<hbm>>
        %dma_wait3A_36 = tpu.memref_squeeze %dma_wait3A_35 : memref<1x1x32x128xi32, #tpu.memory_space<hbm>> -> memref<32x128xi32, #tpu.memory_space<hbm>>
        %dma_wait3A_37 = arith.constant 0 : i32
        %dma_wait3A_38 = arith.constant 0 : i32
        %dma_wait3A_39 = tpu.memref_slice %arg3[%arg1, %scan3A_9, %dma_wait3A_37, %dma_wait3A_38] : memref<16x5x32x128xi32, #tpu.memory_space<hbm>> -> memref<1x1x32x128xi32, #tpu.memory_space<hbm>>
        %dma_wait3A_40 = tpu.memref_squeeze %dma_wait3A_39 : memref<1x1x32x128xi32, #tpu.memory_space<hbm>> -> memref<32x128xi32, #tpu.memory_space<hbm>>
        tpu.wait_dma2 semaphore(%run_scoped3A : memref<!tpu.dma_semaphore, #tpu.memory_space<semaphore_mem>>) src(%dma_wait3A_40 : memref<32x128xi32, #tpu.memory_space<hbm>>) dst(%arg7 : memref<32x128xi32, #tpu.memory_space<vmem>>)
        tpu.yield
      }) : () -> ()
      "tpu.region"() ({
        %run_scoped3A = tpu.sem_alloc : memref<!tpu.dma_semaphore, #tpu.memory_space<semaphore_mem>>
        %dma_start3A_26 = arith.constant 0 : i32
        %dma_start3A_27 = arith.constant 0 : i32
        %dma_start3A_28 = tpu.memref_slice %arg4[%arg1, %scan3A_9, %dma_start3A_26, %dma_start3A_27] : memref<16x5x32x128xi32, #tpu.memory_space<hbm>> -> memref<1x1x32x128xi32, #tpu.memory_space<hbm>>
        %dma_start3A_29 = tpu.memref_squeeze %dma_start3A_28 : memref<1x1x32x128xi32, #tpu.memory_space<hbm>> -> memref<32x128xi32, #tpu.memory_space<hbm>>
        %dma_start3A_30 = arith.constant 0 : i32
        %dma_start3A_31 = arith.constant 0 : i32
        %dma_start3A_32 = tpu.memref_slice %arg4[%arg1, %scan3A_9, %dma_start3A_30, %dma_start3A_31] : memref<16x5x32x128xi32, #tpu.memory_space<hbm>> -> memref<1x1x32x128xi32, #tpu.memory_space<hbm>>
        %dma_start3A_33 = tpu.memref_squeeze %dma_start3A_32 : memref<1x1x32x128xi32, #tpu.memory_space<hbm>> -> memref<32x128xi32, #tpu.memory_space<hbm>>
        tpu.enqueue_dma source(%dma_start3A_33 : memref<32x128xi32, #tpu.memory_space<hbm>>) target(%arg8 : memref<32x128xi32, #tpu.memory_space<vmem>>) target_semaphore(%run_scoped3A : memref<!tpu.dma_semaphore, #tpu.memory_space<semaphore_mem>>)
        %dma_wait3A = arith.constant 0 : i32
        %dma_wait3A_34 = arith.constant 0 : i32
        %dma_wait3A_35 = tpu.memref_slice %arg4[%arg1, %scan3A_9, %dma_wait3A, %dma_wait3A_34] : memref<16x5x32x128xi32, #tpu.memory_space<hbm>> -> memref<1x1x32x128xi32, #tpu.memory_space<hbm>>
        %dma_wait3A_36 = tpu.memref_squeeze %dma_wait3A_35 : memref<1x1x32x128xi32, #tpu.memory_space<hbm>> -> memref<32x128xi32, #tpu.memory_space<hbm>>
        %dma_wait3A_37 = arith.constant 0 : i32
        %dma_wait3A_38 = arith.constant 0 : i32
        %dma_wait3A_39 = tpu.memref_slice %arg4[%arg1, %scan3A_9, %dma_wait3A_37, %dma_wait3A_38] : memref<16x5x32x128xi32, #tpu.memory_space<hbm>> -> memref<1x1x32x128xi32, #tpu.memory_space<hbm>>
        %dma_wait3A_40 = tpu.memref_squeeze %dma_wait3A_39 : memref<1x1x32x128xi32, #tpu.memory_space<hbm>> -> memref<32x128xi32, #tpu.memory_space<hbm>>
        tpu.wait_dma2 semaphore(%run_scoped3A : memref<!tpu.dma_semaphore, #tpu.memory_space<semaphore_mem>>) src(%dma_wait3A_40 : memref<32x128xi32, #tpu.memory_space<hbm>>) dst(%arg8 : memref<32x128xi32, #tpu.memory_space<vmem>>)
        tpu.yield
      }) : () -> ()
      %dma_start3A = arith.constant 0 : i32
      %dma_start3A_10 = arith.constant 0 : i32
      %dma_start3A_11 = tpu.memref_slice %arg7[%dma_start3A, %dma_start3A_10] : memref<32x128xi32, #tpu.memory_space<vmem>> -> memref<1x128xi32, #tpu.memory_space<vmem>>
      %dma_start3A_12 = tpu.memref_squeeze %dma_start3A_11 : memref<1x128xi32, #tpu.memory_space<vmem>> -> memref<128xi32, #tpu.memory_space<vmem>>
      %dma_start3A_13 = arith.constant 0 : i32
      %dma_start3A_14 = arith.constant 0 : i32
      %dma_start3A_15 = tpu.memref_slice %arg2[%arg0, %dma_start3A_13, %dma_start3A_14] : memref<2x10000x128xf32, #tpu.memory_space<hbm>> -> memref<1x10000x128xf32, #tpu.memory_space<hbm>>
      %dma_start3A_16 = tpu.memref_squeeze %dma_start3A_15 : memref<1x10000x128xf32, #tpu.memory_space<hbm>> -> memref<10000x128xf32, #tpu.memory_space<hbm>>
      %dma_start3A_17 = arith.constant 0 : i32
      %dma_start3A_18 = arith.constant 0 : i32
      %dma_start3A_19 = tpu.memref_slice %dma_start3A_16[%dma_start3A_17, %dma_start3A_18] : memref<10000x128xf32, #tpu.memory_space<hbm>> -> memref<10000x128xf32, #tpu.memory_space<hbm>>
      tpu.enqueue_indirect_dma source(%dma_start3A_19 : memref<10000x128xf32, #tpu.memory_space<hbm>>) target(%arg9 : memref<128x128xf32, #tpu.memory_space<vmem>>) offsets(%dma_start3A_12 : memref<128xi32, #tpu.memory_space<vmem>>) semaphore(%arg12 : memref<!tpu.dma_semaphore, #tpu.memory_space<semaphore_mem>>)
      %scan3A_20 = arith.constant 0 : i32
      %scan3A_21 = arith.constant 0 : i32
      %scan3A_22 = arith.constant 16 : i32
      %scan3A_23 = arith.addi %scan3A_21, %scan3A_22 : i32
      %scan3A_24 = arith.constant 1 : i32
      scf.for %scan3A_26 = %scan3A_21 to %scan3A_23 step %scan3A_24  : i32 {
        %mul3A_27 = arith.constant 2 : i32
        %mul3A_28 = arith.muli %scan3A_26, %mul3A_27 : i32
        %dma_wait3A = arith.constant 0 : i32
        %dma_wait3A_29 = tpu.memref_slice %arg7[%mul3A_28, %dma_wait3A] : memref<32x128xi32, #tpu.memory_space<vmem>> -> memref<1x128xi32, #tpu.memory_space<vmem>>
        %dma_wait3A_30 = tpu.memref_squeeze %dma_wait3A_29 : memref<1x128xi32, #tpu.memory_space<vmem>> -> memref<128xi32, #tpu.memory_space<vmem>>
        %dma_wait3A_31 = arith.constant 0 : i32
        %dma_wait3A_32 = arith.constant 0 : i32
        %dma_wait3A_33 = tpu.memref_slice %arg2[%arg0, %dma_wait3A_31, %dma_wait3A_32] : memref<2x10000x128xf32, #tpu.memory_space<hbm>> -> memref<1x10000x128xf32, #tpu.memory_space<hbm>>
        %dma_wait3A_34 = tpu.memref_squeeze %dma_wait3A_33 : memref<1x10000x128xf32, #tpu.memory_space<hbm>> -> memref<10000x128xf32, #tpu.memory_space<hbm>>
        %dma_wait3A_35 = arith.constant 0 : i32
        %dma_wait3A_36 = arith.constant 0 : i32
        %dma_wait3A_37 = tpu.memref_slice %dma_wait3A_34[%dma_wait3A_35, %dma_wait3A_36] : memref<10000x128xf32, #tpu.memory_space<hbm>> -> memref<10000x128xf32, #tpu.memory_space<hbm>>
        tpu.wait_indirect_dma semaphore(%arg12 : memref<!tpu.dma_semaphore, #tpu.memory_space<semaphore_mem>>) src(%dma_wait3A_37 : memref<10000x128xf32, #tpu.memory_space<hbm>>) dst(%arg9 : memref<128x128xf32, #tpu.memory_space<vmem>>)
        %add3A = arith.constant 1 : i32
        %add3A_38 = arith.addi %mul3A_28, %add3A : i32
        %dma_start3A_39 = arith.constant 0 : i32
        %dma_start3A_40 = tpu.memref_slice %arg7[%add3A_38, %dma_start3A_39] : memref<32x128xi32, #tpu.memory_space<vmem>> -> memref<1x128xi32, #tpu.memory_space<vmem>>
        %dma_start3A_41 = tpu.memref_squeeze %dma_start3A_40 : memref<1x128xi32, #tpu.memory_space<vmem>> -> memref<128xi32, #tpu.memory_space<vmem>>
        %dma_start3A_42 = arith.constant 0 : i32
        %dma_start3A_43 = arith.constant 0 : i32
        %dma_start3A_44 = tpu.memref_slice %arg2[%arg0, %dma_start3A_42, %dma_start3A_43] : memref<2x10000x128xf32, #tpu.memory_space<hbm>> -> memref<1x10000x128xf32, #tpu.memory_space<hbm>>
        %dma_start3A_45 = tpu.memref_squeeze %dma_start3A_44 : memref<1x10000x128xf32, #tpu.memory_space<hbm>> -> memref<10000x128xf32, #tpu.memory_space<hbm>>
        %dma_start3A_46 = arith.constant 0 : i32
        %dma_start3A_47 = arith.constant 0 : i32
        %dma_start3A_48 = tpu.memref_slice %dma_start3A_45[%dma_start3A_46, %dma_start3A_47] : memref<10000x128xf32, #tpu.memory_space<hbm>> -> memref<10000x128xf32, #tpu.memory_space<hbm>>
        tpu.enqueue_indirect_dma source(%dma_start3A_48 : memref<10000x128xf32, #tpu.memory_space<hbm>>) target(%arg10 : memref<128x128xf32, #tpu.memory_space<vmem>>) offsets(%dma_start3A_41 : memref<128xi32, #tpu.memory_space<vmem>>) semaphore(%arg12 : memref<!tpu.dma_semaphore, #tpu.memory_space<semaphore_mem>>)
        "tpu.region"() ({
          %run_scoped3A = tpu.sem_alloc : memref<!tpu.dma_semaphore, #tpu.memory_space<semaphore_mem>>
          %dma_start3A_65 = arith.constant 0 : i32
          %dma_start3A_66 = tpu.memref_slice %arg8[%mul3A_28, %dma_start3A_65] : memref<32x128xi32, #tpu.memory_space<vmem>> -> memref<1x128xi32, #tpu.memory_space<vmem>>
          %dma_start3A_67 = tpu.memref_squeeze %dma_start3A_66 : memref<1x128xi32, #tpu.memory_space<vmem>> -> memref<128xi32, #tpu.memory_space<vmem>>
          %dma_start3A_68 = arith.constant 0 : i32
          %dma_start3A_69 = arith.constant 0 : i32
          %dma_start3A_70 = tpu.memref_slice %arg11[%dma_start3A_68, %dma_start3A_69] : memref<10112x128xf32, #tpu.memory_space<vmem_shared>> -> memref<10112x128xf32, #tpu.memory_space<vmem_shared>>
          tpu.enqueue_indirect_dma source(%arg9 : memref<128x128xf32, #tpu.memory_space<vmem>>) target(%dma_start3A_70 : memref<10112x128xf32, #tpu.memory_space<vmem_shared>>) offsets(%dma_start3A_67 : memref<128xi32, #tpu.memory_space<vmem>>) semaphore(%run_scoped3A : memref<!tpu.dma_semaphore, #tpu.memory_space<semaphore_mem>>) {add = true}
          %dma_wait3A_71 = arith.constant 0 : i32
          %dma_wait3A_72 = tpu.memref_slice %arg8[%mul3A_28, %dma_wait3A_71] : memref<32x128xi32, #tpu.memory_space<vmem>> -> memref<1x128xi32, #tpu.memory_space<vmem>>
          %dma_wait3A_73 = tpu.memref_squeeze %dma_wait3A_72 : memref<1x128xi32, #tpu.memory_space<vmem>> -> memref<128xi32, #tpu.memory_space<vmem>>
          %dma_wait3A_74 = arith.constant 0 : i32
          %dma_wait3A_75 = arith.constant 0 : i32
          %dma_wait3A_76 = tpu.memref_slice %arg11[%dma_wait3A_74, %dma_wait3A_75] : memref<10112x128xf32, #tpu.memory_space<vmem_shared>> -> memref<10112x128xf32, #tpu.memory_space<vmem_shared>>
          tpu.wait_indirect_dma semaphore(%run_scoped3A : memref<!tpu.dma_semaphore, #tpu.memory_space<semaphore_mem>>) src(%arg9 : memref<128x128xf32, #tpu.memory_space<vmem>>) dst(%dma_wait3A_76 : memref<10112x128xf32, #tpu.memory_space<vmem_shared>>)
          tpu.yield
        }) : () -> ()
        %add3A_49 = arith.constant 1 : i32
        %add3A_50 = arith.addi %mul3A_28, %add3A_49 : i32
        %dma_wait3A_51 = arith.constant 0 : i32
        %dma_wait3A_52 = tpu.memref_slice %arg7[%add3A_50, %dma_wait3A_51] : memref<32x128xi32, #tpu.memory_space<vmem>> -> memref<1x128xi32, #tpu.memory_space<vmem>>
        %dma_wait3A_53 = tpu.memref_squeeze %dma_wait3A_52 : memref<1x128xi32, #tpu.memory_space<vmem>> -> memref<128xi32, #tpu.memory_space<vmem>>
        %dma_wait3A_54 = arith.constant 0 : i32
        %dma_wait3A_55 = arith.constant 0 : i32
        %dma_wait3A_56 = tpu.memref_slice %arg2[%arg0, %dma_wait3A_54, %dma_wait3A_55] : memref<2x10000x128xf32, #tpu.memory_space<hbm>> -> memref<1x10000x128xf32, #tpu.memory_space<hbm>>
        %dma_wait3A_57 = tpu.memref_squeeze %dma_wait3A_56 : memref<1x10000x128xf32, #tpu.memory_space<hbm>> -> memref<10000x128xf32, #tpu.memory_space<hbm>>
        %dma_wait3A_58 = arith.constant 0 : i32
        %dma_wait3A_59 = arith.constant 0 : i32
        %dma_wait3A_60 = tpu.memref_slice %dma_wait3A_57[%dma_wait3A_58, %dma_wait3A_59] : memref<10000x128xf32, #tpu.memory_space<hbm>> -> memref<10000x128xf32, #tpu.memory_space<hbm>>
        tpu.wait_indirect_dma semaphore(%arg12 : memref<!tpu.dma_semaphore, #tpu.memory_space<semaphore_mem>>) src(%dma_wait3A_60 : memref<10000x128xf32, #tpu.memory_space<hbm>>) dst(%arg10 : memref<128x128xf32, #tpu.memory_space<vmem>>)
        %lt3A = arith.constant 15 : i32
        %lt3A_61 = arith.cmpi slt, %scan3A_26, %lt3A : i32
        %convert_element_type3A = arith.extui %lt3A_61 : i1 to i32
        %cond3A = arith.constant 0 : i32
        %cond3A_62 = arith.cmpi ne, %convert_element_type3A, %cond3A : i32
        scf.if %cond3A_62 {
          %add3A_65 = arith.constant 2 : i32
          %add3A_66 = arith.addi %mul3A_28, %add3A_65 : i32
          %dma_start3A_67 = arith.constant 0 : i32
          %dma_start3A_68 = tpu.memref_slice %arg7[%add3A_66, %dma_start3A_67] : memref<32x128xi32, #tpu.memory_space<vmem>> -> memref<1x128xi32, #tpu.memory_space<vmem>>
          %dma_start3A_69 = tpu.memref_squeeze %dma_start3A_68 : memref<1x128xi32, #tpu.memory_space<vmem>> -> memref<128xi32, #tpu.memory_space<vmem>>
          %dma_start3A_70 = arith.constant 0 : i32
          %dma_start3A_71 = arith.constant 0 : i32
          %dma_start3A_72 = tpu.memref_slice %arg2[%arg0, %dma_start3A_70, %dma_start3A_71] : memref<2x10000x128xf32, #tpu.memory_space<hbm>> -> memref<1x10000x128xf32, #tpu.memory_space<hbm>>
          %dma_start3A_73 = tpu.memref_squeeze %dma_start3A_72 : memref<1x10000x128xf32, #tpu.memory_space<hbm>> -> memref<10000x128xf32, #tpu.memory_space<hbm>>
          %dma_start3A_74 = arith.constant 0 : i32
          %dma_start3A_75 = arith.constant 0 : i32
          %dma_start3A_76 = tpu.memref_slice %dma_start3A_73[%dma_start3A_74, %dma_start3A_75] : memref<10000x128xf32, #tpu.memory_space<hbm>> -> memref<10000x128xf32, #tpu.memory_space<hbm>>
          tpu.enqueue_indirect_dma source(%dma_start3A_76 : memref<10000x128xf32, #tpu.memory_space<hbm>>) target(%arg9 : memref<128x128xf32, #tpu.memory_space<vmem>>) offsets(%dma_start3A_69 : memref<128xi32, #tpu.memory_space<vmem>>) semaphore(%arg12 : memref<!tpu.dma_semaphore, #tpu.memory_space<semaphore_mem>>)
        } else {
        }
        %add3A_63 = arith.constant 1 : i32
        %add3A_64 = arith.addi %mul3A_28, %add3A_63 : i32
        "tpu.region"() ({
          %run_scoped3A = tpu.sem_alloc : memref<!tpu.dma_semaphore, #tpu.memory_space<semaphore_mem>>
          %dma_start3A_65 = arith.constant 0 : i32
          %dma_start3A_66 = tpu.memref_slice %arg8[%add3A_64, %dma_start3A_65] : memref<32x128xi32, #tpu.memory_space<vmem>> -> memref<1x128xi32, #tpu.memory_space<vmem>>
          %dma_start3A_67 = tpu.memref_squeeze %dma_start3A_66 : memref<1x128xi32, #tpu.memory_space<vmem>> -> memref<128xi32, #tpu.memory_space<vmem>>
          %dma_start3A_68 = arith.constant 0 : i32
          %dma_start3A_69 = arith.constant 0 : i32
          %dma_start3A_70 = tpu.memref_slice %arg11[%dma_start3A_68, %dma_start3A_69] : memref<10112x128xf32, #tpu.memory_space<vmem_shared>> -> memref<10112x128xf32, #tpu.memory_space<vmem_shared>>
          tpu.enqueue_indirect_dma source(%arg10 : memref<128x128xf32, #tpu.memory_space<vmem>>) target(%dma_start3A_70 : memref<10112x128xf32, #tpu.memory_space<vmem_shared>>) offsets(%dma_start3A_67 : memref<128xi32, #tpu.memory_space<vmem>>) semaphore(%run_scoped3A : memref<!tpu.dma_semaphore, #tpu.memory_space<semaphore_mem>>) {add = true}
          %dma_wait3A_71 = arith.constant 0 : i32
          %dma_wait3A_72 = tpu.memref_slice %arg8[%add3A_64, %dma_wait3A_71] : memref<32x128xi32, #tpu.memory_space<vmem>> -> memref<1x128xi32, #tpu.memory_space<vmem>>
          %dma_wait3A_73 = tpu.memref_squeeze %dma_wait3A_72 : memref<1x128xi32, #tpu.memory_space<vmem>> -> memref<128xi32, #tpu.memory_space<vmem>>
          %dma_wait3A_74 = arith.constant 0 : i32
          %dma_wait3A_75 = arith.constant 0 : i32
          %dma_wait3A_76 = tpu.memref_slice %arg11[%dma_wait3A_74, %dma_wait3A_75] : memref<10112x128xf32, #tpu.memory_space<vmem_shared>> -> memref<10112x128xf32, #tpu.memory_space<vmem_shared>>
          tpu.wait_indirect_dma semaphore(%run_scoped3A : memref<!tpu.dma_semaphore, #tpu.memory_space<semaphore_mem>>) src(%arg10 : memref<128x128xf32, #tpu.memory_space<vmem>>) dst(%dma_wait3A_76 : memref<10112x128xf32, #tpu.memory_space<vmem_shared>>)
          tpu.yield
        }) : () -> ()
      }
      %scan3A_25 = arith.constant 16 : i32
    }
    %scan3A_5 = arith.constant 5 : i32
    %barrier3A_6 = arith.constant 0 : index
    tpu.barrier barrier_id(%barrier3A_6)
    %mul3A_7 = arith.constant 632 : i32
    %mul3A_8 = arith.muli %arg1, %mul3A_7 : i32
    "tpu.region"() ({
      %run_scoped3A = tpu.sem_alloc : memref<!tpu.dma_semaphore, #tpu.memory_space<semaphore_mem>>
      %dma_start3A = arith.constant 0 : i32
      %dma_start3A_9 = tpu.memref_slice %arg6[%arg0, %mul3A_8, %dma_start3A] : memref<2x10112x128xf32, #tpu.memory_space<hbm>> -> memref<1x632x128xf32, #tpu.memory_space<hbm>>
      %dma_start3A_10 = tpu.memref_squeeze %dma_start3A_9 : memref<1x632x128xf32, #tpu.memory_space<hbm>> -> memref<632x128xf32, #tpu.memory_space<hbm>>
      %dma_start3A_11 = arith.constant 0 : i32
      %dma_start3A_12 = tpu.memref_slice %arg11[%mul3A_8, %dma_start3A_11] : memref<10112x128xf32, #tpu.memory_space<vmem_shared>> -> memref<632x128xf32, #tpu.memory_space<vmem_shared>>
      tpu.enqueue_dma source(%dma_start3A_12 : memref<632x128xf32, #tpu.memory_space<vmem_shared>>) target(%dma_start3A_10 : memref<632x128xf32, #tpu.memory_space<hbm>>) target_semaphore(%run_scoped3A : memref<!tpu.dma_semaphore, #tpu.memory_space<semaphore_mem>>)
      %dma_wait3A = arith.constant 0 : i32
      %dma_wait3A_13 = tpu.memref_slice %arg6[%arg0, %mul3A_8, %dma_wait3A] : memref<2x10112x128xf32, #tpu.memory_space<hbm>> -> memref<1x632x128xf32, #tpu.memory_space<hbm>>
      %dma_wait3A_14 = tpu.memref_squeeze %dma_wait3A_13 : memref<1x632x128xf32, #tpu.memory_space<hbm>> -> memref<632x128xf32, #tpu.memory_space<hbm>>
      %dma_wait3A_15 = arith.constant 0 : i32
      %dma_wait3A_16 = tpu.memref_slice %arg11[%mul3A_8, %dma_wait3A_15] : memref<10112x128xf32, #tpu.memory_space<vmem_shared>> -> memref<632x128xf32, #tpu.memory_space<vmem_shared>>
      tpu.wait_dma2 semaphore(%run_scoped3A : memref<!tpu.dma_semaphore, #tpu.memory_space<semaphore_mem>>) src(%dma_wait3A_16 : memref<632x128xf32, #tpu.memory_space<vmem_shared>>) dst(%dma_wait3A_14 : memref<632x128xf32, #tpu.memory_space<hbm>>)
      tpu.yield
    }) : () -> ()
    return
  }
}

#map = affine_map<(d0, d1) -> (0, 0, 0)>
#map1 = affine_map<(d0, d1) -> (0, 0, 0, 0)>
#map2 = affine_map<(d0, d1) -> (0, 0)>
module attributes {stable_mosaic.version = 14 : i64} {
  func.func @_agg_body(%arg0: i32, %arg1: i32, %arg2: memref<2x10000x128xf32, #tpu.memory_space<hbm>>, %arg3: memref<16x5x32x128xi32, #tpu.memory_space<hbm>>, %arg4: memref<16x5x32x128xi32, #tpu.memory_space<hbm>>, %arg5: memref<632x128xf32, #tpu.memory_space<hbm>>, %arg6: memref<2x10112x128xf32, #tpu.memory_space<hbm>>, %arg7: memref<32x128xi32, #tpu.memory_space<vmem>>, %arg8: memref<32x128xi32, #tpu.memory_space<vmem>>, %arg9: memref<128x128xf32, #tpu.memory_space<vmem>>, %arg10: memref<128x128xf32, #tpu.memory_space<vmem>>, %arg11: memref<10112x128xf32, #tpu.memory_space<vmem_shared>>, %arg12: memref<!tpu.dma_semaphore, #tpu.memory_space<semaphore_mem>>) attributes {dimension_semantics = [#tpu.dimension_semantics<core_parallel>, #tpu.dimension_semantics<subcore_parallel>], iteration_bounds = array<i64: 2, 16>, scalar_prefetch = 0 : i64, scratch_operands = 6 : i64, tpu.core_type = #tpu.core_type<sc_vector_subcore>, window_params = [{transform_indices = #map}, {transform_indices = #map1}, {transform_indices = #map1}, {transform_indices = #map2}, {transform_indices = #map}]} {
    %mul3A = arith.constant 632 : i32
    %mul3A_0 = arith.muli %arg1, %mul3A : i32
    "tpu.region"() ({
      %run_scoped3A = tpu.sem_alloc : memref<!tpu.dma_semaphore, #tpu.memory_space<semaphore_mem>>
      %dma_start3A = arith.constant 0 : i32
      %dma_start3A_9 = tpu.memref_slice %arg11[%mul3A_0, %dma_start3A] : memref<10112x128xf32, #tpu.memory_space<vmem_shared>> -> memref<632x128xf32, #tpu.memory_space<vmem_shared>>
      tpu.enqueue_dma source(%arg5 : memref<632x128xf32, #tpu.memory_space<hbm>>) target(%dma_start3A_9 : memref<632x128xf32, #tpu.memory_space<vmem_shared>>) target_semaphore(%run_scoped3A : memref<!tpu.dma_semaphore, #tpu.memory_space<semaphore_mem>>)
      %dma_wait3A = arith.constant 0 : i32
      %dma_wait3A_10 = tpu.memref_slice %arg11[%mul3A_0, %dma_wait3A] : memref<10112x128xf32, #tpu.memory_space<vmem_shared>> -> memref<632x128xf32, #tpu.memory_space<vmem_shared>>
      tpu.wait_dma2 semaphore(%run_scoped3A : memref<!tpu.dma_semaphore, #tpu.memory_space<semaphore_mem>>) src(%arg5 : memref<632x128xf32, #tpu.memory_space<hbm>>) dst(%dma_wait3A_10 : memref<632x128xf32, #tpu.memory_space<vmem_shared>>)
      tpu.yield
    }) : () -> ()
    %barrier3A = arith.constant 0 : index
    tpu.barrier barrier_id(%barrier3A)
    %scan3A = arith.constant 0 : i32
    %scan3A_1 = arith.constant 0 : i32
    %scan3A_2 = arith.constant 5 : i32
    %scan3A_3 = arith.addi %scan3A_1, %scan3A_2 : i32
    %scan3A_4 = arith.constant 1 : i32
    scf.for %scan3A_9 = %scan3A_1 to %scan3A_3 step %scan3A_4  : i32 {
      "tpu.region"() ({
        %run_scoped3A = tpu.sem_alloc : memref<!tpu.dma_semaphore, #tpu.memory_space<semaphore_mem>>
        %dma_start3A_26 = arith.constant 0 : i32
        %dma_start3A_27 = arith.constant 0 : i32
        %dma_start3A_28 = tpu.memref_slice %arg3[%arg1, %scan3A_9, %dma_start3A_26, %dma_start3A_27] : memref<16x5x32x128xi32, #tpu.memory_space<hbm>> -> memref<1x1x32x128xi32, #tpu.memory_space<hbm>>
        %dma_start3A_29 = tpu.memref_squeeze %dma_start3A_28 : memref<1x1x32x128xi32, #tpu.memory_space<hbm>> -> memref<32x128xi32, #tpu.memory_space<hbm>>
        %dma_start3A_30 = arith.constant 0 : i32
        %dma_start3A_31 = arith.constant 0 : i32
        %dma_start3A_32 = tpu.memref_slice %arg3[%arg1, %scan3A_9, %dma_start3A_30, %dma_start3A_31] : memref<16x5x32x128xi32, #tpu.memory_space<hbm>> -> memref<1x1x32x128xi32, #tpu.memory_space<hbm>>
        %dma_start3A_33 = tpu.memref_squeeze %dma_start3A_32 : memref<1x1x32x128xi32, #tpu.memory_space<hbm>> -> memref<32x128xi32, #tpu.memory_space<hbm>>
        tpu.enqueue_dma source(%dma_start3A_33 : memref<32x128xi32, #tpu.memory_space<hbm>>) target(%arg7 : memref<32x128xi32, #tpu.memory_space<vmem>>) target_semaphore(%run_scoped3A : memref<!tpu.dma_semaphore, #tpu.memory_space<semaphore_mem>>)
        %dma_wait3A = arith.constant 0 : i32
        %dma_wait3A_34 = arith.constant 0 : i32
        %dma_wait3A_35 = tpu.memref_slice %arg3[%arg1, %scan3A_9, %dma_wait3A, %dma_wait3A_34] : memref<16x5x32x128xi32, #tpu.memory_space<hbm>> -> memref<1x1x32x128xi32, #tpu.memory_space<hbm>>
        %dma_wait3A_36 = tpu.memref_squeeze %dma_wait3A_35 : memref<1x1x32x128xi32, #tpu.memory_space<hbm>> -> memref<32x128xi32, #tpu.memory_space<hbm>>
        %dma_wait3A_37 = arith.constant 0 : i32
        %dma_wait3A_38 = arith.constant 0 : i32
        %dma_wait3A_39 = tpu.memref_slice %arg3[%arg1, %scan3A_9, %dma_wait3A_37, %dma_wait3A_38] : memref<16x5x32x128xi32, #tpu.memory_space<hbm>> -> memref<1x1x32x128xi32, #tpu.memory_space<hbm>>
        %dma_wait3A_40 = tpu.memref_squeeze %dma_wait3A_39 : memref<1x1x32x128xi32, #tpu.memory_space<hbm>> -> memref<32x128xi32, #tpu.memory_space<hbm>>
        tpu.wait_dma2 semaphore(%run_scoped3A : memref<!tpu.dma_semaphore, #tpu.memory_space<semaphore_mem>>) src(%dma_wait3A_40 : memref<32x128xi32, #tpu.memory_space<hbm>>) dst(%arg7 : memref<32x128xi32, #tpu.memory_space<vmem>>)
        tpu.yield
      }) : () -> ()
      "tpu.region"() ({
        %run_scoped3A = tpu.sem_alloc : memref<!tpu.dma_semaphore, #tpu.memory_space<semaphore_mem>>
        %dma_start3A_26 = arith.constant 0 : i32
        %dma_start3A_27 = arith.constant 0 : i32
        %dma_start3A_28 = tpu.memref_slice %arg4[%arg1, %scan3A_9, %dma_start3A_26, %dma_start3A_27] : memref<16x5x32x128xi32, #tpu.memory_space<hbm>> -> memref<1x1x32x128xi32, #tpu.memory_space<hbm>>
        %dma_start3A_29 = tpu.memref_squeeze %dma_start3A_28 : memref<1x1x32x128xi32, #tpu.memory_space<hbm>> -> memref<32x128xi32, #tpu.memory_space<hbm>>
        %dma_start3A_30 = arith.constant 0 : i32
        %dma_start3A_31 = arith.constant 0 : i32
        %dma_start3A_32 = tpu.memref_slice %arg4[%arg1, %scan3A_9, %dma_start3A_30, %dma_start3A_31] : memref<16x5x32x128xi32, #tpu.memory_space<hbm>> -> memref<1x1x32x128xi32, #tpu.memory_space<hbm>>
        %dma_start3A_33 = tpu.memref_squeeze %dma_start3A_32 : memref<1x1x32x128xi32, #tpu.memory_space<hbm>> -> memref<32x128xi32, #tpu.memory_space<hbm>>
        tpu.enqueue_dma source(%dma_start3A_33 : memref<32x128xi32, #tpu.memory_space<hbm>>) target(%arg8 : memref<32x128xi32, #tpu.memory_space<vmem>>) target_semaphore(%run_scoped3A : memref<!tpu.dma_semaphore, #tpu.memory_space<semaphore_mem>>)
        %dma_wait3A = arith.constant 0 : i32
        %dma_wait3A_34 = arith.constant 0 : i32
        %dma_wait3A_35 = tpu.memref_slice %arg4[%arg1, %scan3A_9, %dma_wait3A, %dma_wait3A_34] : memref<16x5x32x128xi32, #tpu.memory_space<hbm>> -> memref<1x1x32x128xi32, #tpu.memory_space<hbm>>
        %dma_wait3A_36 = tpu.memref_squeeze %dma_wait3A_35 : memref<1x1x32x128xi32, #tpu.memory_space<hbm>> -> memref<32x128xi32, #tpu.memory_space<hbm>>
        %dma_wait3A_37 = arith.constant 0 : i32
        %dma_wait3A_38 = arith.constant 0 : i32
        %dma_wait3A_39 = tpu.memref_slice %arg4[%arg1, %scan3A_9, %dma_wait3A_37, %dma_wait3A_38] : memref<16x5x32x128xi32, #tpu.memory_space<hbm>> -> memref<1x1x32x128xi32, #tpu.memory_space<hbm>>
        %dma_wait3A_40 = tpu.memref_squeeze %dma_wait3A_39 : memref<1x1x32x128xi32, #tpu.memory_space<hbm>> -> memref<32x128xi32, #tpu.memory_space<hbm>>
        tpu.wait_dma2 semaphore(%run_scoped3A : memref<!tpu.dma_semaphore, #tpu.memory_space<semaphore_mem>>) src(%dma_wait3A_40 : memref<32x128xi32, #tpu.memory_space<hbm>>) dst(%arg8 : memref<32x128xi32, #tpu.memory_space<vmem>>)
        tpu.yield
      }) : () -> ()
      %dma_start3A = arith.constant 0 : i32
      %dma_start3A_10 = arith.constant 0 : i32
      %dma_start3A_11 = tpu.memref_slice %arg7[%dma_start3A, %dma_start3A_10] : memref<32x128xi32, #tpu.memory_space<vmem>> -> memref<1x128xi32, #tpu.memory_space<vmem>>
      %dma_start3A_12 = tpu.memref_squeeze %dma_start3A_11 : memref<1x128xi32, #tpu.memory_space<vmem>> -> memref<128xi32, #tpu.memory_space<vmem>>
      %dma_start3A_13 = arith.constant 0 : i32
      %dma_start3A_14 = arith.constant 0 : i32
      %dma_start3A_15 = tpu.memref_slice %arg2[%arg0, %dma_start3A_13, %dma_start3A_14] : memref<2x10000x128xf32, #tpu.memory_space<hbm>> -> memref<1x10000x128xf32, #tpu.memory_space<hbm>>
      %dma_start3A_16 = tpu.memref_squeeze %dma_start3A_15 : memref<1x10000x128xf32, #tpu.memory_space<hbm>> -> memref<10000x128xf32, #tpu.memory_space<hbm>>
      %dma_start3A_17 = arith.constant 0 : i32
      %dma_start3A_18 = arith.constant 0 : i32
      %dma_start3A_19 = tpu.memref_slice %dma_start3A_16[%dma_start3A_17, %dma_start3A_18] : memref<10000x128xf32, #tpu.memory_space<hbm>> -> memref<10000x128xf32, #tpu.memory_space<hbm>>
      tpu.enqueue_indirect_dma source(%dma_start3A_19 : memref<10000x128xf32, #tpu.memory_space<hbm>>) target(%arg9 : memref<128x128xf32, #tpu.memory_space<vmem>>) offsets(%dma_start3A_12 : memref<128xi32, #tpu.memory_space<vmem>>) semaphore(%arg12 : memref<!tpu.dma_semaphore, #tpu.memory_space<semaphore_mem>>)
      %scan3A_20 = arith.constant 0 : i32
      %scan3A_21 = arith.constant 0 : i32
      %scan3A_22 = arith.constant 16 : i32
      %scan3A_23 = arith.addi %scan3A_21, %scan3A_22 : i32
      %scan3A_24 = arith.constant 1 : i32
      scf.for %scan3A_26 = %scan3A_21 to %scan3A_23 step %scan3A_24  : i32 {
        %mul3A_27 = arith.constant 2 : i32
        %mul3A_28 = arith.muli %scan3A_26, %mul3A_27 : i32
        %dma_wait3A = arith.constant 0 : i32
        %dma_wait3A_29 = tpu.memref_slice %arg7[%mul3A_28, %dma_wait3A] : memref<32x128xi32, #tpu.memory_space<vmem>> -> memref<1x128xi32, #tpu.memory_space<vmem>>
        %dma_wait3A_30 = tpu.memref_squeeze %dma_wait3A_29 : memref<1x128xi32, #tpu.memory_space<vmem>> -> memref<128xi32, #tpu.memory_space<vmem>>
        %dma_wait3A_31 = arith.constant 0 : i32
        %dma_wait3A_32 = arith.constant 0 : i32
        %dma_wait3A_33 = tpu.memref_slice %arg2[%arg0, %dma_wait3A_31, %dma_wait3A_32] : memref<2x10000x128xf32, #tpu.memory_space<hbm>> -> memref<1x10000x128xf32, #tpu.memory_space<hbm>>
        %dma_wait3A_34 = tpu.memref_squeeze %dma_wait3A_33 : memref<1x10000x128xf32, #tpu.memory_space<hbm>> -> memref<10000x128xf32, #tpu.memory_space<hbm>>
        %dma_wait3A_35 = arith.constant 0 : i32
        %dma_wait3A_36 = arith.constant 0 : i32
        %dma_wait3A_37 = tpu.memref_slice %dma_wait3A_34[%dma_wait3A_35, %dma_wait3A_36] : memref<10000x128xf32, #tpu.memory_space<hbm>> -> memref<10000x128xf32, #tpu.memory_space<hbm>>
        tpu.wait_indirect_dma semaphore(%arg12 : memref<!tpu.dma_semaphore, #tpu.memory_space<semaphore_mem>>) src(%dma_wait3A_37 : memref<10000x128xf32, #tpu.memory_space<hbm>>) dst(%arg9 : memref<128x128xf32, #tpu.memory_space<vmem>>)
        %add3A = arith.constant 1 : i32
        %add3A_38 = arith.addi %mul3A_28, %add3A : i32
        %dma_start3A_39 = arith.constant 0 : i32
        %dma_start3A_40 = tpu.memref_slice %arg7[%add3A_38, %dma_start3A_39] : memref<32x128xi32, #tpu.memory_space<vmem>> -> memref<1x128xi32, #tpu.memory_space<vmem>>
        %dma_start3A_41 = tpu.memref_squeeze %dma_start3A_40 : memref<1x128xi32, #tpu.memory_space<vmem>> -> memref<128xi32, #tpu.memory_space<vmem>>
        %dma_start3A_42 = arith.constant 0 : i32
        %dma_start3A_43 = arith.constant 0 : i32
        %dma_start3A_44 = tpu.memref_slice %arg2[%arg0, %dma_start3A_42, %dma_start3A_43] : memref<2x10000x128xf32, #tpu.memory_space<hbm>> -> memref<1x10000x128xf32, #tpu.memory_space<hbm>>
        %dma_start3A_45 = tpu.memref_squeeze %dma_start3A_44 : memref<1x10000x128xf32, #tpu.memory_space<hbm>> -> memref<10000x128xf32, #tpu.memory_space<hbm>>
        %dma_start3A_46 = arith.constant 0 : i32
        %dma_start3A_47 = arith.constant 0 : i32
        %dma_start3A_48 = tpu.memref_slice %dma_start3A_45[%dma_start3A_46, %dma_start3A_47] : memref<10000x128xf32, #tpu.memory_space<hbm>> -> memref<10000x128xf32, #tpu.memory_space<hbm>>
        tpu.enqueue_indirect_dma source(%dma_start3A_48 : memref<10000x128xf32, #tpu.memory_space<hbm>>) target(%arg10 : memref<128x128xf32, #tpu.memory_space<vmem>>) offsets(%dma_start3A_41 : memref<128xi32, #tpu.memory_space<vmem>>) semaphore(%arg12 : memref<!tpu.dma_semaphore, #tpu.memory_space<semaphore_mem>>)
        "tpu.region"() ({
          %run_scoped3A = tpu.sem_alloc : memref<!tpu.dma_semaphore, #tpu.memory_space<semaphore_mem>>
          %dma_start3A_65 = arith.constant 0 : i32
          %dma_start3A_66 = tpu.memref_slice %arg8[%mul3A_28, %dma_start3A_65] : memref<32x128xi32, #tpu.memory_space<vmem>> -> memref<1x128xi32, #tpu.memory_space<vmem>>
          %dma_start3A_67 = tpu.memref_squeeze %dma_start3A_66 : memref<1x128xi32, #tpu.memory_space<vmem>> -> memref<128xi32, #tpu.memory_space<vmem>>
          %dma_start3A_68 = arith.constant 0 : i32
          %dma_start3A_69 = arith.constant 0 : i32
          %dma_start3A_70 = tpu.memref_slice %arg11[%dma_start3A_68, %dma_start3A_69] : memref<10112x128xf32, #tpu.memory_space<vmem_shared>> -> memref<10112x128xf32, #tpu.memory_space<vmem_shared>>
          tpu.enqueue_indirect_dma source(%arg9 : memref<128x128xf32, #tpu.memory_space<vmem>>) target(%dma_start3A_70 : memref<10112x128xf32, #tpu.memory_space<vmem_shared>>) offsets(%dma_start3A_67 : memref<128xi32, #tpu.memory_space<vmem>>) semaphore(%run_scoped3A : memref<!tpu.dma_semaphore, #tpu.memory_space<semaphore_mem>>) {add = true}
          %dma_wait3A_71 = arith.constant 0 : i32
          %dma_wait3A_72 = tpu.memref_slice %arg8[%mul3A_28, %dma_wait3A_71] : memref<32x128xi32, #tpu.memory_space<vmem>> -> memref<1x128xi32, #tpu.memory_space<vmem>>
          %dma_wait3A_73 = tpu.memref_squeeze %dma_wait3A_72 : memref<1x128xi32, #tpu.memory_space<vmem>> -> memref<128xi32, #tpu.memory_space<vmem>>
          %dma_wait3A_74 = arith.constant 0 : i32
          %dma_wait3A_75 = arith.constant 0 : i32
          %dma_wait3A_76 = tpu.memref_slice %arg11[%dma_wait3A_74, %dma_wait3A_75] : memref<10112x128xf32, #tpu.memory_space<vmem_shared>> -> memref<10112x128xf32, #tpu.memory_space<vmem_shared>>
          tpu.wait_indirect_dma semaphore(%run_scoped3A : memref<!tpu.dma_semaphore, #tpu.memory_space<semaphore_mem>>) src(%arg9 : memref<128x128xf32, #tpu.memory_space<vmem>>) dst(%dma_wait3A_76 : memref<10112x128xf32, #tpu.memory_space<vmem_shared>>)
          tpu.yield
        }) : () -> ()
        %add3A_49 = arith.constant 1 : i32
        %add3A_50 = arith.addi %mul3A_28, %add3A_49 : i32
        %dma_wait3A_51 = arith.constant 0 : i32
        %dma_wait3A_52 = tpu.memref_slice %arg7[%add3A_50, %dma_wait3A_51] : memref<32x128xi32, #tpu.memory_space<vmem>> -> memref<1x128xi32, #tpu.memory_space<vmem>>
        %dma_wait3A_53 = tpu.memref_squeeze %dma_wait3A_52 : memref<1x128xi32, #tpu.memory_space<vmem>> -> memref<128xi32, #tpu.memory_space<vmem>>
        %dma_wait3A_54 = arith.constant 0 : i32
        %dma_wait3A_55 = arith.constant 0 : i32
        %dma_wait3A_56 = tpu.memref_slice %arg2[%arg0, %dma_wait3A_54, %dma_wait3A_55] : memref<2x10000x128xf32, #tpu.memory_space<hbm>> -> memref<1x10000x128xf32, #tpu.memory_space<hbm>>
        %dma_wait3A_57 = tpu.memref_squeeze %dma_wait3A_56 : memref<1x10000x128xf32, #tpu.memory_space<hbm>> -> memref<10000x128xf32, #tpu.memory_space<hbm>>
        %dma_wait3A_58 = arith.constant 0 : i32
        %dma_wait3A_59 = arith.constant 0 : i32
        %dma_wait3A_60 = tpu.memref_slice %dma_wait3A_57[%dma_wait3A_58, %dma_wait3A_59] : memref<10000x128xf32, #tpu.memory_space<hbm>> -> memref<10000x128xf32, #tpu.memory_space<hbm>>
        tpu.wait_indirect_dma semaphore(%arg12 : memref<!tpu.dma_semaphore, #tpu.memory_space<semaphore_mem>>) src(%dma_wait3A_60 : memref<10000x128xf32, #tpu.memory_space<hbm>>) dst(%arg10 : memref<128x128xf32, #tpu.memory_space<vmem>>)
        %lt3A = arith.constant 15 : i32
        %lt3A_61 = arith.cmpi slt, %scan3A_26, %lt3A : i32
        %convert_element_type3A = arith.extui %lt3A_61 : i1 to i32
        %cond3A = arith.constant 0 : i32
        %cond3A_62 = arith.cmpi ne, %convert_element_type3A, %cond3A : i32
        scf.if %cond3A_62 {
          %add3A_65 = arith.constant 2 : i32
          %add3A_66 = arith.addi %mul3A_28, %add3A_65 : i32
          %dma_start3A_67 = arith.constant 0 : i32
          %dma_start3A_68 = tpu.memref_slice %arg7[%add3A_66, %dma_start3A_67] : memref<32x128xi32, #tpu.memory_space<vmem>> -> memref<1x128xi32, #tpu.memory_space<vmem>>
          %dma_start3A_69 = tpu.memref_squeeze %dma_start3A_68 : memref<1x128xi32, #tpu.memory_space<vmem>> -> memref<128xi32, #tpu.memory_space<vmem>>
          %dma_start3A_70 = arith.constant 0 : i32
          %dma_start3A_71 = arith.constant 0 : i32
          %dma_start3A_72 = tpu.memref_slice %arg2[%arg0, %dma_start3A_70, %dma_start3A_71] : memref<2x10000x128xf32, #tpu.memory_space<hbm>> -> memref<1x10000x128xf32, #tpu.memory_space<hbm>>
          %dma_start3A_73 = tpu.memref_squeeze %dma_start3A_72 : memref<1x10000x128xf32, #tpu.memory_space<hbm>> -> memref<10000x128xf32, #tpu.memory_space<hbm>>
          %dma_start3A_74 = arith.constant 0 : i32
          %dma_start3A_75 = arith.constant 0 : i32
          %dma_start3A_76 = tpu.memref_slice %dma_start3A_73[%dma_start3A_74, %dma_start3A_75] : memref<10000x128xf32, #tpu.memory_space<hbm>> -> memref<10000x128xf32, #tpu.memory_space<hbm>>
          tpu.enqueue_indirect_dma source(%dma_start3A_76 : memref<10000x128xf32, #tpu.memory_space<hbm>>) target(%arg9 : memref<128x128xf32, #tpu.memory_space<vmem>>) offsets(%dma_start3A_69 : memref<128xi32, #tpu.memory_space<vmem>>) semaphore(%arg12 : memref<!tpu.dma_semaphore, #tpu.memory_space<semaphore_mem>>)
        } else {
        }
        %add3A_63 = arith.constant 1 : i32
        %add3A_64 = arith.addi %mul3A_28, %add3A_63 : i32
        "tpu.region"() ({
          %run_scoped3A = tpu.sem_alloc : memref<!tpu.dma_semaphore, #tpu.memory_space<semaphore_mem>>
          %dma_start3A_65 = arith.constant 0 : i32
          %dma_start3A_66 = tpu.memref_slice %arg8[%add3A_64, %dma_start3A_65] : memref<32x128xi32, #tpu.memory_space<vmem>> -> memref<1x128xi32, #tpu.memory_space<vmem>>
          %dma_start3A_67 = tpu.memref_squeeze %dma_start3A_66 : memref<1x128xi32, #tpu.memory_space<vmem>> -> memref<128xi32, #tpu.memory_space<vmem>>
          %dma_start3A_68 = arith.constant 0 : i32
          %dma_start3A_69 = arith.constant 0 : i32
          %dma_start3A_70 = tpu.memref_slice %arg11[%dma_start3A_68, %dma_start3A_69] : memref<10112x128xf32, #tpu.memory_space<vmem_shared>> -> memref<10112x128xf32, #tpu.memory_space<vmem_shared>>
          tpu.enqueue_indirect_dma source(%arg10 : memref<128x128xf32, #tpu.memory_space<vmem>>) target(%dma_start3A_70 : memref<10112x128xf32, #tpu.memory_space<vmem_shared>>) offsets(%dma_start3A_67 : memref<128xi32, #tpu.memory_space<vmem>>) semaphore(%run_scoped3A : memref<!tpu.dma_semaphore, #tpu.memory_space<semaphore_mem>>) {add = true}
          %dma_wait3A_71 = arith.constant 0 : i32
          %dma_wait3A_72 = tpu.memref_slice %arg8[%add3A_64, %dma_wait3A_71] : memref<32x128xi32, #tpu.memory_space<vmem>> -> memref<1x128xi32, #tpu.memory_space<vmem>>
          %dma_wait3A_73 = tpu.memref_squeeze %dma_wait3A_72 : memref<1x128xi32, #tpu.memory_space<vmem>> -> memref<128xi32, #tpu.memory_space<vmem>>
          %dma_wait3A_74 = arith.constant 0 : i32
          %dma_wait3A_75 = arith.constant 0 : i32
          %dma_wait3A_76 = tpu.memref_slice %arg11[%dma_wait3A_74, %dma_wait3A_75] : memref<10112x128xf32, #tpu.memory_space<vmem_shared>> -> memref<10112x128xf32, #tpu.memory_space<vmem_shared>>
          tpu.wait_indirect_dma semaphore(%run_scoped3A : memref<!tpu.dma_semaphore, #tpu.memory_space<semaphore_mem>>) src(%arg10 : memref<128x128xf32, #tpu.memory_space<vmem>>) dst(%dma_wait3A_76 : memref<10112x128xf32, #tpu.memory_space<vmem_shared>>)
          tpu.yield
        }) : () -> ()
      }
      %scan3A_25 = arith.constant 16 : i32
    }
    %scan3A_5 = arith.constant 5 : i32
    %barrier3A_6 = arith.constant 0 : index
    tpu.barrier barrier_id(%barrier3A_6)
    %mul3A_7 = arith.constant 632 : i32
    %mul3A_8 = arith.muli %arg1, %mul3A_7 : i32
    "tpu.region"() ({
      %run_scoped3A = tpu.sem_alloc : memref<!tpu.dma_semaphore, #tpu.memory_space<semaphore_mem>>
      %dma_start3A = arith.constant 0 : i32
      %dma_start3A_9 = tpu.memref_slice %arg6[%arg0, %mul3A_8, %dma_start3A] : memref<2x10112x128xf32, #tpu.memory_space<hbm>> -> memref<1x632x128xf32, #tpu.memory_space<hbm>>
      %dma_start3A_10 = tpu.memref_squeeze %dma_start3A_9 : memref<1x632x128xf32, #tpu.memory_space<hbm>> -> memref<632x128xf32, #tpu.memory_space<hbm>>
      %dma_start3A_11 = arith.constant 0 : i32
      %dma_start3A_12 = tpu.memref_slice %arg11[%mul3A_8, %dma_start3A_11] : memref<10112x128xf32, #tpu.memory_space<vmem_shared>> -> memref<632x128xf32, #tpu.memory_space<vmem_shared>>
      tpu.enqueue_dma source(%dma_start3A_12 : memref<632x128xf32, #tpu.memory_space<vmem_shared>>) target(%dma_start3A_10 : memref<632x128xf32, #tpu.memory_space<hbm>>) target_semaphore(%run_scoped3A : memref<!tpu.dma_semaphore, #tpu.memory_space<semaphore_mem>>)
      %dma_wait3A = arith.constant 0 : i32
      %dma_wait3A_13 = tpu.memref_slice %arg6[%arg0, %mul3A_8, %dma_wait3A] : memref<2x10112x128xf32, #tpu.memory_space<hbm>> -> memref<1x632x128xf32, #tpu.memory_space<hbm>>
      %dma_wait3A_14 = tpu.memref_squeeze %dma_wait3A_13 : memref<1x632x128xf32, #tpu.memory_space<hbm>> -> memref<632x128xf32, #tpu.memory_space<hbm>>
      %dma_wait3A_15 = arith.constant 0 : i32
      %dma_wait3A_16 = tpu.memref_slice %arg11[%mul3A_8, %dma_wait3A_15] : memref<10112x128xf32, #tpu.memory_space<vmem_shared>> -> memref<632x128xf32, #tpu.memory_space<vmem_shared>>
      tpu.wait_dma2 semaphore(%run_scoped3A : memref<!tpu.dma_semaphore, #tpu.memory_space<semaphore_mem>>) src(%dma_wait3A_16 : memref<632x128xf32, #tpu.memory_space<vmem_shared>>) dst(%dma_wait3A_14 : memref<632x128xf32, #tpu.memory_space<hbm>>)
      tpu.yield
    }) : () -> ()
    return
  }
}

#map = affine_map<(d0, d1) -> (0, 0, 0)>
#map1 = affine_map<(d0, d1) -> (0, 0, 0, 0)>
#map2 = affine_map<(d0, d1) -> (0, 0)>
module attributes {stable_mosaic.version = 14 : i64} {
  func.func @_agg_body(%arg0: i32, %arg1: i32, %arg2: memref<2x10000x128xf32, #tpu.memory_space<hbm>>, %arg3: memref<16x5x32x128xi32, #tpu.memory_space<hbm>>, %arg4: memref<16x5x32x128xi32, #tpu.memory_space<hbm>>, %arg5: memref<632x128xf32, #tpu.memory_space<hbm>>, %arg6: memref<2x10112x128xf32, #tpu.memory_space<hbm>>, %arg7: memref<32x128xi32, #tpu.memory_space<vmem>>, %arg8: memref<32x128xi32, #tpu.memory_space<vmem>>, %arg9: memref<128x128xf32, #tpu.memory_space<vmem>>, %arg10: memref<128x128xf32, #tpu.memory_space<vmem>>, %arg11: memref<10112x128xf32, #tpu.memory_space<vmem_shared>>, %arg12: memref<!tpu.dma_semaphore, #tpu.memory_space<semaphore_mem>>) attributes {dimension_semantics = [#tpu.dimension_semantics<core_parallel>, #tpu.dimension_semantics<subcore_parallel>], iteration_bounds = array<i64: 2, 16>, scalar_prefetch = 0 : i64, scratch_operands = 6 : i64, tpu.core_type = #tpu.core_type<sc_vector_subcore>, window_params = [{transform_indices = #map}, {transform_indices = #map1}, {transform_indices = #map1}, {transform_indices = #map2}, {transform_indices = #map}]} {
    %mul3A = arith.constant 632 : i32
    %mul3A_0 = arith.muli %arg1, %mul3A : i32
    "tpu.region"() ({
      %run_scoped3A = tpu.sem_alloc : memref<!tpu.dma_semaphore, #tpu.memory_space<semaphore_mem>>
      %dma_start3A = arith.constant 0 : i32
      %dma_start3A_9 = tpu.memref_slice %arg11[%mul3A_0, %dma_start3A] : memref<10112x128xf32, #tpu.memory_space<vmem_shared>> -> memref<632x128xf32, #tpu.memory_space<vmem_shared>>
      tpu.enqueue_dma source(%arg5 : memref<632x128xf32, #tpu.memory_space<hbm>>) target(%dma_start3A_9 : memref<632x128xf32, #tpu.memory_space<vmem_shared>>) target_semaphore(%run_scoped3A : memref<!tpu.dma_semaphore, #tpu.memory_space<semaphore_mem>>)
      %dma_wait3A = arith.constant 0 : i32
      %dma_wait3A_10 = tpu.memref_slice %arg11[%mul3A_0, %dma_wait3A] : memref<10112x128xf32, #tpu.memory_space<vmem_shared>> -> memref<632x128xf32, #tpu.memory_space<vmem_shared>>
      tpu.wait_dma2 semaphore(%run_scoped3A : memref<!tpu.dma_semaphore, #tpu.memory_space<semaphore_mem>>) src(%arg5 : memref<632x128xf32, #tpu.memory_space<hbm>>) dst(%dma_wait3A_10 : memref<632x128xf32, #tpu.memory_space<vmem_shared>>)
      tpu.yield
    }) : () -> ()
    %barrier3A = arith.constant 0 : index
    tpu.barrier barrier_id(%barrier3A)
    %scan3A = arith.constant 0 : i32
    %scan3A_1 = arith.constant 0 : i32
    %scan3A_2 = arith.constant 5 : i32
    %scan3A_3 = arith.addi %scan3A_1, %scan3A_2 : i32
    %scan3A_4 = arith.constant 1 : i32
    scf.for %scan3A_9 = %scan3A_1 to %scan3A_3 step %scan3A_4  : i32 {
      "tpu.region"() ({
        %run_scoped3A = tpu.sem_alloc : memref<!tpu.dma_semaphore, #tpu.memory_space<semaphore_mem>>
        %dma_start3A_26 = arith.constant 0 : i32
        %dma_start3A_27 = arith.constant 0 : i32
        %dma_start3A_28 = tpu.memref_slice %arg3[%arg1, %scan3A_9, %dma_start3A_26, %dma_start3A_27] : memref<16x5x32x128xi32, #tpu.memory_space<hbm>> -> memref<1x1x32x128xi32, #tpu.memory_space<hbm>>
        %dma_start3A_29 = tpu.memref_squeeze %dma_start3A_28 : memref<1x1x32x128xi32, #tpu.memory_space<hbm>> -> memref<32x128xi32, #tpu.memory_space<hbm>>
        %dma_start3A_30 = arith.constant 0 : i32
        %dma_start3A_31 = arith.constant 0 : i32
        %dma_start3A_32 = tpu.memref_slice %arg3[%arg1, %scan3A_9, %dma_start3A_30, %dma_start3A_31] : memref<16x5x32x128xi32, #tpu.memory_space<hbm>> -> memref<1x1x32x128xi32, #tpu.memory_space<hbm>>
        %dma_start3A_33 = tpu.memref_squeeze %dma_start3A_32 : memref<1x1x32x128xi32, #tpu.memory_space<hbm>> -> memref<32x128xi32, #tpu.memory_space<hbm>>
        tpu.enqueue_dma source(%dma_start3A_33 : memref<32x128xi32, #tpu.memory_space<hbm>>) target(%arg7 : memref<32x128xi32, #tpu.memory_space<vmem>>) target_semaphore(%run_scoped3A : memref<!tpu.dma_semaphore, #tpu.memory_space<semaphore_mem>>)
        %dma_wait3A = arith.constant 0 : i32
        %dma_wait3A_34 = arith.constant 0 : i32
        %dma_wait3A_35 = tpu.memref_slice %arg3[%arg1, %scan3A_9, %dma_wait3A, %dma_wait3A_34] : memref<16x5x32x128xi32, #tpu.memory_space<hbm>> -> memref<1x1x32x128xi32, #tpu.memory_space<hbm>>
        %dma_wait3A_36 = tpu.memref_squeeze %dma_wait3A_35 : memref<1x1x32x128xi32, #tpu.memory_space<hbm>> -> memref<32x128xi32, #tpu.memory_space<hbm>>
        %dma_wait3A_37 = arith.constant 0 : i32
        %dma_wait3A_38 = arith.constant 0 : i32
        %dma_wait3A_39 = tpu.memref_slice %arg3[%arg1, %scan3A_9, %dma_wait3A_37, %dma_wait3A_38] : memref<16x5x32x128xi32, #tpu.memory_space<hbm>> -> memref<1x1x32x128xi32, #tpu.memory_space<hbm>>
        %dma_wait3A_40 = tpu.memref_squeeze %dma_wait3A_39 : memref<1x1x32x128xi32, #tpu.memory_space<hbm>> -> memref<32x128xi32, #tpu.memory_space<hbm>>
        tpu.wait_dma2 semaphore(%run_scoped3A : memref<!tpu.dma_semaphore, #tpu.memory_space<semaphore_mem>>) src(%dma_wait3A_40 : memref<32x128xi32, #tpu.memory_space<hbm>>) dst(%arg7 : memref<32x128xi32, #tpu.memory_space<vmem>>)
        tpu.yield
      }) : () -> ()
      "tpu.region"() ({
        %run_scoped3A = tpu.sem_alloc : memref<!tpu.dma_semaphore, #tpu.memory_space<semaphore_mem>>
        %dma_start3A_26 = arith.constant 0 : i32
        %dma_start3A_27 = arith.constant 0 : i32
        %dma_start3A_28 = tpu.memref_slice %arg4[%arg1, %scan3A_9, %dma_start3A_26, %dma_start3A_27] : memref<16x5x32x128xi32, #tpu.memory_space<hbm>> -> memref<1x1x32x128xi32, #tpu.memory_space<hbm>>
        %dma_start3A_29 = tpu.memref_squeeze %dma_start3A_28 : memref<1x1x32x128xi32, #tpu.memory_space<hbm>> -> memref<32x128xi32, #tpu.memory_space<hbm>>
        %dma_start3A_30 = arith.constant 0 : i32
        %dma_start3A_31 = arith.constant 0 : i32
        %dma_start3A_32 = tpu.memref_slice %arg4[%arg1, %scan3A_9, %dma_start3A_30, %dma_start3A_31] : memref<16x5x32x128xi32, #tpu.memory_space<hbm>> -> memref<1x1x32x128xi32, #tpu.memory_space<hbm>>
        %dma_start3A_33 = tpu.memref_squeeze %dma_start3A_32 : memref<1x1x32x128xi32, #tpu.memory_space<hbm>> -> memref<32x128xi32, #tpu.memory_space<hbm>>
        tpu.enqueue_dma source(%dma_start3A_33 : memref<32x128xi32, #tpu.memory_space<hbm>>) target(%arg8 : memref<32x128xi32, #tpu.memory_space<vmem>>) target_semaphore(%run_scoped3A : memref<!tpu.dma_semaphore, #tpu.memory_space<semaphore_mem>>)
        %dma_wait3A = arith.constant 0 : i32
        %dma_wait3A_34 = arith.constant 0 : i32
        %dma_wait3A_35 = tpu.memref_slice %arg4[%arg1, %scan3A_9, %dma_wait3A, %dma_wait3A_34] : memref<16x5x32x128xi32, #tpu.memory_space<hbm>> -> memref<1x1x32x128xi32, #tpu.memory_space<hbm>>
        %dma_wait3A_36 = tpu.memref_squeeze %dma_wait3A_35 : memref<1x1x32x128xi32, #tpu.memory_space<hbm>> -> memref<32x128xi32, #tpu.memory_space<hbm>>
        %dma_wait3A_37 = arith.constant 0 : i32
        %dma_wait3A_38 = arith.constant 0 : i32
        %dma_wait3A_39 = tpu.memref_slice %arg4[%arg1, %scan3A_9, %dma_wait3A_37, %dma_wait3A_38] : memref<16x5x32x128xi32, #tpu.memory_space<hbm>> -> memref<1x1x32x128xi32, #tpu.memory_space<hbm>>
        %dma_wait3A_40 = tpu.memref_squeeze %dma_wait3A_39 : memref<1x1x32x128xi32, #tpu.memory_space<hbm>> -> memref<32x128xi32, #tpu.memory_space<hbm>>
        tpu.wait_dma2 semaphore(%run_scoped3A : memref<!tpu.dma_semaphore, #tpu.memory_space<semaphore_mem>>) src(%dma_wait3A_40 : memref<32x128xi32, #tpu.memory_space<hbm>>) dst(%arg8 : memref<32x128xi32, #tpu.memory_space<vmem>>)
        tpu.yield
      }) : () -> ()
      %dma_start3A = arith.constant 0 : i32
      %dma_start3A_10 = arith.constant 0 : i32
      %dma_start3A_11 = tpu.memref_slice %arg7[%dma_start3A, %dma_start3A_10] : memref<32x128xi32, #tpu.memory_space<vmem>> -> memref<1x128xi32, #tpu.memory_space<vmem>>
      %dma_start3A_12 = tpu.memref_squeeze %dma_start3A_11 : memref<1x128xi32, #tpu.memory_space<vmem>> -> memref<128xi32, #tpu.memory_space<vmem>>
      %dma_start3A_13 = arith.constant 0 : i32
      %dma_start3A_14 = arith.constant 0 : i32
      %dma_start3A_15 = tpu.memref_slice %arg2[%arg0, %dma_start3A_13, %dma_start3A_14] : memref<2x10000x128xf32, #tpu.memory_space<hbm>> -> memref<1x10000x128xf32, #tpu.memory_space<hbm>>
      %dma_start3A_16 = tpu.memref_squeeze %dma_start3A_15 : memref<1x10000x128xf32, #tpu.memory_space<hbm>> -> memref<10000x128xf32, #tpu.memory_space<hbm>>
      %dma_start3A_17 = arith.constant 0 : i32
      %dma_start3A_18 = arith.constant 0 : i32
      %dma_start3A_19 = tpu.memref_slice %dma_start3A_16[%dma_start3A_17, %dma_start3A_18] : memref<10000x128xf32, #tpu.memory_space<hbm>> -> memref<10000x128xf32, #tpu.memory_space<hbm>>
      tpu.enqueue_indirect_dma source(%dma_start3A_19 : memref<10000x128xf32, #tpu.memory_space<hbm>>) target(%arg9 : memref<128x128xf32, #tpu.memory_space<vmem>>) offsets(%dma_start3A_12 : memref<128xi32, #tpu.memory_space<vmem>>) semaphore(%arg12 : memref<!tpu.dma_semaphore, #tpu.memory_space<semaphore_mem>>)
      %scan3A_20 = arith.constant 0 : i32
      %scan3A_21 = arith.constant 0 : i32
      %scan3A_22 = arith.constant 16 : i32
      %scan3A_23 = arith.addi %scan3A_21, %scan3A_22 : i32
      %scan3A_24 = arith.constant 1 : i32
      scf.for %scan3A_26 = %scan3A_21 to %scan3A_23 step %scan3A_24  : i32 {
        %mul3A_27 = arith.constant 2 : i32
        %mul3A_28 = arith.muli %scan3A_26, %mul3A_27 : i32
        %dma_wait3A = arith.constant 0 : i32
        %dma_wait3A_29 = tpu.memref_slice %arg7[%mul3A_28, %dma_wait3A] : memref<32x128xi32, #tpu.memory_space<vmem>> -> memref<1x128xi32, #tpu.memory_space<vmem>>
        %dma_wait3A_30 = tpu.memref_squeeze %dma_wait3A_29 : memref<1x128xi32, #tpu.memory_space<vmem>> -> memref<128xi32, #tpu.memory_space<vmem>>
        %dma_wait3A_31 = arith.constant 0 : i32
        %dma_wait3A_32 = arith.constant 0 : i32
        %dma_wait3A_33 = tpu.memref_slice %arg2[%arg0, %dma_wait3A_31, %dma_wait3A_32] : memref<2x10000x128xf32, #tpu.memory_space<hbm>> -> memref<1x10000x128xf32, #tpu.memory_space<hbm>>
        %dma_wait3A_34 = tpu.memref_squeeze %dma_wait3A_33 : memref<1x10000x128xf32, #tpu.memory_space<hbm>> -> memref<10000x128xf32, #tpu.memory_space<hbm>>
        %dma_wait3A_35 = arith.constant 0 : i32
        %dma_wait3A_36 = arith.constant 0 : i32
        %dma_wait3A_37 = tpu.memref_slice %dma_wait3A_34[%dma_wait3A_35, %dma_wait3A_36] : memref<10000x128xf32, #tpu.memory_space<hbm>> -> memref<10000x128xf32, #tpu.memory_space<hbm>>
        tpu.wait_indirect_dma semaphore(%arg12 : memref<!tpu.dma_semaphore, #tpu.memory_space<semaphore_mem>>) src(%dma_wait3A_37 : memref<10000x128xf32, #tpu.memory_space<hbm>>) dst(%arg9 : memref<128x128xf32, #tpu.memory_space<vmem>>)
        %add3A = arith.constant 1 : i32
        %add3A_38 = arith.addi %mul3A_28, %add3A : i32
        %dma_start3A_39 = arith.constant 0 : i32
        %dma_start3A_40 = tpu.memref_slice %arg7[%add3A_38, %dma_start3A_39] : memref<32x128xi32, #tpu.memory_space<vmem>> -> memref<1x128xi32, #tpu.memory_space<vmem>>
        %dma_start3A_41 = tpu.memref_squeeze %dma_start3A_40 : memref<1x128xi32, #tpu.memory_space<vmem>> -> memref<128xi32, #tpu.memory_space<vmem>>
        %dma_start3A_42 = arith.constant 0 : i32
        %dma_start3A_43 = arith.constant 0 : i32
        %dma_start3A_44 = tpu.memref_slice %arg2[%arg0, %dma_start3A_42, %dma_start3A_43] : memref<2x10000x128xf32, #tpu.memory_space<hbm>> -> memref<1x10000x128xf32, #tpu.memory_space<hbm>>
        %dma_start3A_45 = tpu.memref_squeeze %dma_start3A_44 : memref<1x10000x128xf32, #tpu.memory_space<hbm>> -> memref<10000x128xf32, #tpu.memory_space<hbm>>
        %dma_start3A_46 = arith.constant 0 : i32
        %dma_start3A_47 = arith.constant 0 : i32
        %dma_start3A_48 = tpu.memref_slice %dma_start3A_45[%dma_start3A_46, %dma_start3A_47] : memref<10000x128xf32, #tpu.memory_space<hbm>> -> memref<10000x128xf32, #tpu.memory_space<hbm>>
        tpu.enqueue_indirect_dma source(%dma_start3A_48 : memref<10000x128xf32, #tpu.memory_space<hbm>>) target(%arg10 : memref<128x128xf32, #tpu.memory_space<vmem>>) offsets(%dma_start3A_41 : memref<128xi32, #tpu.memory_space<vmem>>) semaphore(%arg12 : memref<!tpu.dma_semaphore, #tpu.memory_space<semaphore_mem>>)
        "tpu.region"() ({
          %run_scoped3A = tpu.sem_alloc : memref<!tpu.dma_semaphore, #tpu.memory_space<semaphore_mem>>
          %dma_start3A_65 = arith.constant 0 : i32
          %dma_start3A_66 = tpu.memref_slice %arg8[%mul3A_28, %dma_start3A_65] : memref<32x128xi32, #tpu.memory_space<vmem>> -> memref<1x128xi32, #tpu.memory_space<vmem>>
          %dma_start3A_67 = tpu.memref_squeeze %dma_start3A_66 : memref<1x128xi32, #tpu.memory_space<vmem>> -> memref<128xi32, #tpu.memory_space<vmem>>
          %dma_start3A_68 = arith.constant 0 : i32
          %dma_start3A_69 = arith.constant 0 : i32
          %dma_start3A_70 = tpu.memref_slice %arg11[%dma_start3A_68, %dma_start3A_69] : memref<10112x128xf32, #tpu.memory_space<vmem_shared>> -> memref<10112x128xf32, #tpu.memory_space<vmem_shared>>
          tpu.enqueue_indirect_dma source(%arg9 : memref<128x128xf32, #tpu.memory_space<vmem>>) target(%dma_start3A_70 : memref<10112x128xf32, #tpu.memory_space<vmem_shared>>) offsets(%dma_start3A_67 : memref<128xi32, #tpu.memory_space<vmem>>) semaphore(%run_scoped3A : memref<!tpu.dma_semaphore, #tpu.memory_space<semaphore_mem>>) {add = true}
          %dma_wait3A_71 = arith.constant 0 : i32
          %dma_wait3A_72 = tpu.memref_slice %arg8[%mul3A_28, %dma_wait3A_71] : memref<32x128xi32, #tpu.memory_space<vmem>> -> memref<1x128xi32, #tpu.memory_space<vmem>>
          %dma_wait3A_73 = tpu.memref_squeeze %dma_wait3A_72 : memref<1x128xi32, #tpu.memory_space<vmem>> -> memref<128xi32, #tpu.memory_space<vmem>>
          %dma_wait3A_74 = arith.constant 0 : i32
          %dma_wait3A_75 = arith.constant 0 : i32
          %dma_wait3A_76 = tpu.memref_slice %arg11[%dma_wait3A_74, %dma_wait3A_75] : memref<10112x128xf32, #tpu.memory_space<vmem_shared>> -> memref<10112x128xf32, #tpu.memory_space<vmem_shared>>
          tpu.wait_indirect_dma semaphore(%run_scoped3A : memref<!tpu.dma_semaphore, #tpu.memory_space<semaphore_mem>>) src(%arg9 : memref<128x128xf32, #tpu.memory_space<vmem>>) dst(%dma_wait3A_76 : memref<10112x128xf32, #tpu.memory_space<vmem_shared>>)
          tpu.yield
        }) : () -> ()
        %add3A_49 = arith.constant 1 : i32
        %add3A_50 = arith.addi %mul3A_28, %add3A_49 : i32
        %dma_wait3A_51 = arith.constant 0 : i32
        %dma_wait3A_52 = tpu.memref_slice %arg7[%add3A_50, %dma_wait3A_51] : memref<32x128xi32, #tpu.memory_space<vmem>> -> memref<1x128xi32, #tpu.memory_space<vmem>>
        %dma_wait3A_53 = tpu.memref_squeeze %dma_wait3A_52 : memref<1x128xi32, #tpu.memory_space<vmem>> -> memref<128xi32, #tpu.memory_space<vmem>>
        %dma_wait3A_54 = arith.constant 0 : i32
        %dma_wait3A_55 = arith.constant 0 : i32
        %dma_wait3A_56 = tpu.memref_slice %arg2[%arg0, %dma_wait3A_54, %dma_wait3A_55] : memref<2x10000x128xf32, #tpu.memory_space<hbm>> -> memref<1x10000x128xf32, #tpu.memory_space<hbm>>
        %dma_wait3A_57 = tpu.memref_squeeze %dma_wait3A_56 : memref<1x10000x128xf32, #tpu.memory_space<hbm>> -> memref<10000x128xf32, #tpu.memory_space<hbm>>
        %dma_wait3A_58 = arith.constant 0 : i32
        %dma_wait3A_59 = arith.constant 0 : i32
        %dma_wait3A_60 = tpu.memref_slice %dma_wait3A_57[%dma_wait3A_58, %dma_wait3A_59] : memref<10000x128xf32, #tpu.memory_space<hbm>> -> memref<10000x128xf32, #tpu.memory_space<hbm>>
        tpu.wait_indirect_dma semaphore(%arg12 : memref<!tpu.dma_semaphore, #tpu.memory_space<semaphore_mem>>) src(%dma_wait3A_60 : memref<10000x128xf32, #tpu.memory_space<hbm>>) dst(%arg10 : memref<128x128xf32, #tpu.memory_space<vmem>>)
        %lt3A = arith.constant 15 : i32
        %lt3A_61 = arith.cmpi slt, %scan3A_26, %lt3A : i32
        %convert_element_type3A = arith.extui %lt3A_61 : i1 to i32
        %cond3A = arith.constant 0 : i32
        %cond3A_62 = arith.cmpi ne, %convert_element_type3A, %cond3A : i32
        scf.if %cond3A_62 {
          %add3A_65 = arith.constant 2 : i32
          %add3A_66 = arith.addi %mul3A_28, %add3A_65 : i32
          %dma_start3A_67 = arith.constant 0 : i32
          %dma_start3A_68 = tpu.memref_slice %arg7[%add3A_66, %dma_start3A_67] : memref<32x128xi32, #tpu.memory_space<vmem>> -> memref<1x128xi32, #tpu.memory_space<vmem>>
          %dma_start3A_69 = tpu.memref_squeeze %dma_start3A_68 : memref<1x128xi32, #tpu.memory_space<vmem>> -> memref<128xi32, #tpu.memory_space<vmem>>
          %dma_start3A_70 = arith.constant 0 : i32
          %dma_start3A_71 = arith.constant 0 : i32
          %dma_start3A_72 = tpu.memref_slice %arg2[%arg0, %dma_start3A_70, %dma_start3A_71] : memref<2x10000x128xf32, #tpu.memory_space<hbm>> -> memref<1x10000x128xf32, #tpu.memory_space<hbm>>
          %dma_start3A_73 = tpu.memref_squeeze %dma_start3A_72 : memref<1x10000x128xf32, #tpu.memory_space<hbm>> -> memref<10000x128xf32, #tpu.memory_space<hbm>>
          %dma_start3A_74 = arith.constant 0 : i32
          %dma_start3A_75 = arith.constant 0 : i32
          %dma_start3A_76 = tpu.memref_slice %dma_start3A_73[%dma_start3A_74, %dma_start3A_75] : memref<10000x128xf32, #tpu.memory_space<hbm>> -> memref<10000x128xf32, #tpu.memory_space<hbm>>
          tpu.enqueue_indirect_dma source(%dma_start3A_76 : memref<10000x128xf32, #tpu.memory_space<hbm>>) target(%arg9 : memref<128x128xf32, #tpu.memory_space<vmem>>) offsets(%dma_start3A_69 : memref<128xi32, #tpu.memory_space<vmem>>) semaphore(%arg12 : memref<!tpu.dma_semaphore, #tpu.memory_space<semaphore_mem>>)
        } else {
        }
        %add3A_63 = arith.constant 1 : i32
        %add3A_64 = arith.addi %mul3A_28, %add3A_63 : i32
        "tpu.region"() ({
          %run_scoped3A = tpu.sem_alloc : memref<!tpu.dma_semaphore, #tpu.memory_space<semaphore_mem>>
          %dma_start3A_65 = arith.constant 0 : i32
          %dma_start3A_66 = tpu.memref_slice %arg8[%add3A_64, %dma_start3A_65] : memref<32x128xi32, #tpu.memory_space<vmem>> -> memref<1x128xi32, #tpu.memory_space<vmem>>
          %dma_start3A_67 = tpu.memref_squeeze %dma_start3A_66 : memref<1x128xi32, #tpu.memory_space<vmem>> -> memref<128xi32, #tpu.memory_space<vmem>>
          %dma_start3A_68 = arith.constant 0 : i32
          %dma_start3A_69 = arith.constant 0 : i32
          %dma_start3A_70 = tpu.memref_slice %arg11[%dma_start3A_68, %dma_start3A_69] : memref<10112x128xf32, #tpu.memory_space<vmem_shared>> -> memref<10112x128xf32, #tpu.memory_space<vmem_shared>>
          tpu.enqueue_indirect_dma source(%arg10 : memref<128x128xf32, #tpu.memory_space<vmem>>) target(%dma_start3A_70 : memref<10112x128xf32, #tpu.memory_space<vmem_shared>>) offsets(%dma_start3A_67 : memref<128xi32, #tpu.memory_space<vmem>>) semaphore(%run_scoped3A : memref<!tpu.dma_semaphore, #tpu.memory_space<semaphore_mem>>) {add = true}
          %dma_wait3A_71 = arith.constant 0 : i32
          %dma_wait3A_72 = tpu.memref_slice %arg8[%add3A_64, %dma_wait3A_71] : memref<32x128xi32, #tpu.memory_space<vmem>> -> memref<1x128xi32, #tpu.memory_space<vmem>>
          %dma_wait3A_73 = tpu.memref_squeeze %dma_wait3A_72 : memref<1x128xi32, #tpu.memory_space<vmem>> -> memref<128xi32, #tpu.memory_space<vmem>>
          %dma_wait3A_74 = arith.constant 0 : i32
          %dma_wait3A_75 = arith.constant 0 : i32
          %dma_wait3A_76 = tpu.memref_slice %arg11[%dma_wait3A_74, %dma_wait3A_75] : memref<10112x128xf32, #tpu.memory_space<vmem_shared>> -> memref<10112x128xf32, #tpu.memory_space<vmem_shared>>
          tpu.wait_indirect_dma semaphore(%run_scoped3A : memref<!tpu.dma_semaphore, #tpu.memory_space<semaphore_mem>>) src(%arg10 : memref<128x128xf32, #tpu.memory_space<vmem>>) dst(%dma_wait3A_76 : memref<10112x128xf32, #tpu.memory_space<vmem_shared>>)
          tpu.yield
        }) : () -> ()
      }
      %scan3A_25 = arith.constant 16 : i32
    }
    %scan3A_5 = arith.constant 5 : i32
    %barrier3A_6 = arith.constant 0 : index
    tpu.barrier barrier_id(%barrier3A_6)
    %mul3A_7 = arith.constant 632 : i32
    %mul3A_8 = arith.muli %arg1, %mul3A_7 : i32
    "tpu.region"() ({
      %run_scoped3A = tpu.sem_alloc : memref<!tpu.dma_semaphore, #tpu.memory_space<semaphore_mem>>
      %dma_start3A = arith.constant 0 : i32
      %dma_start3A_9 = tpu.memref_slice %arg6[%arg0, %mul3A_8, %dma_start3A] : memref<2x10112x128xf32, #tpu.memory_space<hbm>> -> memref<1x632x128xf32, #tpu.memory_space<hbm>>
      %dma_start3A_10 = tpu.memref_squeeze %dma_start3A_9 : memref<1x632x128xf32, #tpu.memory_space<hbm>> -> memref<632x128xf32, #tpu.memory_space<hbm>>
      %dma_start3A_11 = arith.constant 0 : i32
      %dma_start3A_12 = tpu.memref_slice %arg11[%mul3A_8, %dma_start3A_11] : memref<10112x128xf32, #tpu.memory_space<vmem_shared>> -> memref<632x128xf32, #tpu.memory_space<vmem_shared>>
      tpu.enqueue_dma source(%dma_start3A_12 : memref<632x128xf32, #tpu.memory_space<vmem_shared>>) target(%dma_start3A_10 : memref<632x128xf32, #tpu.memory_space<hbm>>) target_semaphore(%run_scoped3A : memref<!tpu.dma_semaphore, #tpu.memory_space<semaphore_mem>>)
      %dma_wait3A = arith.constant 0 : i32
      %dma_wait3A_13 = tpu.memref_slice %arg6[%arg0, %mul3A_8, %dma_wait3A] : memref<2x10112x128xf32, #tpu.memory_space<hbm>> -> memref<1x632x128xf32, #tpu.memory_space<hbm>>
      %dma_wait3A_14 = tpu.memref_squeeze %dma_wait3A_13 : memref<1x632x128xf32, #tpu.memory_space<hbm>> -> memref<632x128xf32, #tpu.memory_space<hbm>>
      %dma_wait3A_15 = arith.constant 0 : i32
      %dma_wait3A_16 = tpu.memref_slice %arg11[%mul3A_8, %dma_wait3A_15] : memref<10112x128xf32, #tpu.memory_space<vmem_shared>> -> memref<632x128xf32, #tpu.memory_space<vmem_shared>>
      tpu.wait_dma2 semaphore(%run_scoped3A : memref<!tpu.dma_semaphore, #tpu.memory_space<semaphore_mem>>) src(%dma_wait3A_16 : memref<632x128xf32, #tpu.memory_space<vmem_shared>>) dst(%dma_wait3A_14 : memref<632x128xf32, #tpu.memory_space<hbm>>)
      tpu.yield
    }) : () -> ()
    return
  }
}

#map = affine_map<(d0, d1) -> (0, 0, 0)>
#map1 = affine_map<(d0, d1) -> (0, 0, 0, 0)>
#map2 = affine_map<(d0, d1) -> (0, 0)>
module attributes {stable_mosaic.version = 14 : i64} {
  func.func @_agg_body(%arg0: i32, %arg1: i32, %arg2: memref<2x10000x128xf32, #tpu.memory_space<hbm>>, %arg3: memref<16x5x32x128xi32, #tpu.memory_space<hbm>>, %arg4: memref<16x5x32x128xi32, #tpu.memory_space<hbm>>, %arg5: memref<632x128xf32, #tpu.memory_space<hbm>>, %arg6: memref<2x10112x128xf32, #tpu.memory_space<hbm>>, %arg7: memref<32x128xi32, #tpu.memory_space<vmem>>, %arg8: memref<32x128xi32, #tpu.memory_space<vmem>>, %arg9: memref<128x128xf32, #tpu.memory_space<vmem>>, %arg10: memref<128x128xf32, #tpu.memory_space<vmem>>, %arg11: memref<10112x128xf32, #tpu.memory_space<vmem_shared>>, %arg12: memref<!tpu.dma_semaphore, #tpu.memory_space<semaphore_mem>>) attributes {dimension_semantics = [#tpu.dimension_semantics<core_parallel>, #tpu.dimension_semantics<subcore_parallel>], iteration_bounds = array<i64: 2, 16>, scalar_prefetch = 0 : i64, scratch_operands = 6 : i64, tpu.core_type = #tpu.core_type<sc_vector_subcore>, window_params = [{transform_indices = #map}, {transform_indices = #map1}, {transform_indices = #map1}, {transform_indices = #map2}, {transform_indices = #map}]} {
    %mul3A = arith.constant 632 : i32
    %mul3A_0 = arith.muli %arg1, %mul3A : i32
    "tpu.region"() ({
      %run_scoped3A = tpu.sem_alloc : memref<!tpu.dma_semaphore, #tpu.memory_space<semaphore_mem>>
      %dma_start3A = arith.constant 0 : i32
      %dma_start3A_9 = tpu.memref_slice %arg11[%mul3A_0, %dma_start3A] : memref<10112x128xf32, #tpu.memory_space<vmem_shared>> -> memref<632x128xf32, #tpu.memory_space<vmem_shared>>
      tpu.enqueue_dma source(%arg5 : memref<632x128xf32, #tpu.memory_space<hbm>>) target(%dma_start3A_9 : memref<632x128xf32, #tpu.memory_space<vmem_shared>>) target_semaphore(%run_scoped3A : memref<!tpu.dma_semaphore, #tpu.memory_space<semaphore_mem>>)
      %dma_wait3A = arith.constant 0 : i32
      %dma_wait3A_10 = tpu.memref_slice %arg11[%mul3A_0, %dma_wait3A] : memref<10112x128xf32, #tpu.memory_space<vmem_shared>> -> memref<632x128xf32, #tpu.memory_space<vmem_shared>>
      tpu.wait_dma2 semaphore(%run_scoped3A : memref<!tpu.dma_semaphore, #tpu.memory_space<semaphore_mem>>) src(%arg5 : memref<632x128xf32, #tpu.memory_space<hbm>>) dst(%dma_wait3A_10 : memref<632x128xf32, #tpu.memory_space<vmem_shared>>)
      tpu.yield
    }) : () -> ()
    %barrier3A = arith.constant 0 : index
    tpu.barrier barrier_id(%barrier3A)
    %scan3A = arith.constant 0 : i32
    %scan3A_1 = arith.constant 0 : i32
    %scan3A_2 = arith.constant 5 : i32
    %scan3A_3 = arith.addi %scan3A_1, %scan3A_2 : i32
    %scan3A_4 = arith.constant 1 : i32
    scf.for %scan3A_9 = %scan3A_1 to %scan3A_3 step %scan3A_4  : i32 {
      "tpu.region"() ({
        %run_scoped3A = tpu.sem_alloc : memref<!tpu.dma_semaphore, #tpu.memory_space<semaphore_mem>>
        %dma_start3A_26 = arith.constant 0 : i32
        %dma_start3A_27 = arith.constant 0 : i32
        %dma_start3A_28 = tpu.memref_slice %arg3[%arg1, %scan3A_9, %dma_start3A_26, %dma_start3A_27] : memref<16x5x32x128xi32, #tpu.memory_space<hbm>> -> memref<1x1x32x128xi32, #tpu.memory_space<hbm>>
        %dma_start3A_29 = tpu.memref_squeeze %dma_start3A_28 : memref<1x1x32x128xi32, #tpu.memory_space<hbm>> -> memref<32x128xi32, #tpu.memory_space<hbm>>
        %dma_start3A_30 = arith.constant 0 : i32
        %dma_start3A_31 = arith.constant 0 : i32
        %dma_start3A_32 = tpu.memref_slice %arg3[%arg1, %scan3A_9, %dma_start3A_30, %dma_start3A_31] : memref<16x5x32x128xi32, #tpu.memory_space<hbm>> -> memref<1x1x32x128xi32, #tpu.memory_space<hbm>>
        %dma_start3A_33 = tpu.memref_squeeze %dma_start3A_32 : memref<1x1x32x128xi32, #tpu.memory_space<hbm>> -> memref<32x128xi32, #tpu.memory_space<hbm>>
        tpu.enqueue_dma source(%dma_start3A_33 : memref<32x128xi32, #tpu.memory_space<hbm>>) target(%arg7 : memref<32x128xi32, #tpu.memory_space<vmem>>) target_semaphore(%run_scoped3A : memref<!tpu.dma_semaphore, #tpu.memory_space<semaphore_mem>>)
        %dma_wait3A = arith.constant 0 : i32
        %dma_wait3A_34 = arith.constant 0 : i32
        %dma_wait3A_35 = tpu.memref_slice %arg3[%arg1, %scan3A_9, %dma_wait3A, %dma_wait3A_34] : memref<16x5x32x128xi32, #tpu.memory_space<hbm>> -> memref<1x1x32x128xi32, #tpu.memory_space<hbm>>
        %dma_wait3A_36 = tpu.memref_squeeze %dma_wait3A_35 : memref<1x1x32x128xi32, #tpu.memory_space<hbm>> -> memref<32x128xi32, #tpu.memory_space<hbm>>
        %dma_wait3A_37 = arith.constant 0 : i32
        %dma_wait3A_38 = arith.constant 0 : i32
        %dma_wait3A_39 = tpu.memref_slice %arg3[%arg1, %scan3A_9, %dma_wait3A_37, %dma_wait3A_38] : memref<16x5x32x128xi32, #tpu.memory_space<hbm>> -> memref<1x1x32x128xi32, #tpu.memory_space<hbm>>
        %dma_wait3A_40 = tpu.memref_squeeze %dma_wait3A_39 : memref<1x1x32x128xi32, #tpu.memory_space<hbm>> -> memref<32x128xi32, #tpu.memory_space<hbm>>
        tpu.wait_dma2 semaphore(%run_scoped3A : memref<!tpu.dma_semaphore, #tpu.memory_space<semaphore_mem>>) src(%dma_wait3A_40 : memref<32x128xi32, #tpu.memory_space<hbm>>) dst(%arg7 : memref<32x128xi32, #tpu.memory_space<vmem>>)
        tpu.yield
      }) : () -> ()
      "tpu.region"() ({
        %run_scoped3A = tpu.sem_alloc : memref<!tpu.dma_semaphore, #tpu.memory_space<semaphore_mem>>
        %dma_start3A_26 = arith.constant 0 : i32
        %dma_start3A_27 = arith.constant 0 : i32
        %dma_start3A_28 = tpu.memref_slice %arg4[%arg1, %scan3A_9, %dma_start3A_26, %dma_start3A_27] : memref<16x5x32x128xi32, #tpu.memory_space<hbm>> -> memref<1x1x32x128xi32, #tpu.memory_space<hbm>>
        %dma_start3A_29 = tpu.memref_squeeze %dma_start3A_28 : memref<1x1x32x128xi32, #tpu.memory_space<hbm>> -> memref<32x128xi32, #tpu.memory_space<hbm>>
        %dma_start3A_30 = arith.constant 0 : i32
        %dma_start3A_31 = arith.constant 0 : i32
        %dma_start3A_32 = tpu.memref_slice %arg4[%arg1, %scan3A_9, %dma_start3A_30, %dma_start3A_31] : memref<16x5x32x128xi32, #tpu.memory_space<hbm>> -> memref<1x1x32x128xi32, #tpu.memory_space<hbm>>
        %dma_start3A_33 = tpu.memref_squeeze %dma_start3A_32 : memref<1x1x32x128xi32, #tpu.memory_space<hbm>> -> memref<32x128xi32, #tpu.memory_space<hbm>>
        tpu.enqueue_dma source(%dma_start3A_33 : memref<32x128xi32, #tpu.memory_space<hbm>>) target(%arg8 : memref<32x128xi32, #tpu.memory_space<vmem>>) target_semaphore(%run_scoped3A : memref<!tpu.dma_semaphore, #tpu.memory_space<semaphore_mem>>)
        %dma_wait3A = arith.constant 0 : i32
        %dma_wait3A_34 = arith.constant 0 : i32
        %dma_wait3A_35 = tpu.memref_slice %arg4[%arg1, %scan3A_9, %dma_wait3A, %dma_wait3A_34] : memref<16x5x32x128xi32, #tpu.memory_space<hbm>> -> memref<1x1x32x128xi32, #tpu.memory_space<hbm>>
        %dma_wait3A_36 = tpu.memref_squeeze %dma_wait3A_35 : memref<1x1x32x128xi32, #tpu.memory_space<hbm>> -> memref<32x128xi32, #tpu.memory_space<hbm>>
        %dma_wait3A_37 = arith.constant 0 : i32
        %dma_wait3A_38 = arith.constant 0 : i32
        %dma_wait3A_39 = tpu.memref_slice %arg4[%arg1, %scan3A_9, %dma_wait3A_37, %dma_wait3A_38] : memref<16x5x32x128xi32, #tpu.memory_space<hbm>> -> memref<1x1x32x128xi32, #tpu.memory_space<hbm>>
        %dma_wait3A_40 = tpu.memref_squeeze %dma_wait3A_39 : memref<1x1x32x128xi32, #tpu.memory_space<hbm>> -> memref<32x128xi32, #tpu.memory_space<hbm>>
        tpu.wait_dma2 semaphore(%run_scoped3A : memref<!tpu.dma_semaphore, #tpu.memory_space<semaphore_mem>>) src(%dma_wait3A_40 : memref<32x128xi32, #tpu.memory_space<hbm>>) dst(%arg8 : memref<32x128xi32, #tpu.memory_space<vmem>>)
        tpu.yield
      }) : () -> ()
      %dma_start3A = arith.constant 0 : i32
      %dma_start3A_10 = arith.constant 0 : i32
      %dma_start3A_11 = tpu.memref_slice %arg7[%dma_start3A, %dma_start3A_10] : memref<32x128xi32, #tpu.memory_space<vmem>> -> memref<1x128xi32, #tpu.memory_space<vmem>>
      %dma_start3A_12 = tpu.memref_squeeze %dma_start3A_11 : memref<1x128xi32, #tpu.memory_space<vmem>> -> memref<128xi32, #tpu.memory_space<vmem>>
      %dma_start3A_13 = arith.constant 0 : i32
      %dma_start3A_14 = arith.constant 0 : i32
      %dma_start3A_15 = tpu.memref_slice %arg2[%arg0, %dma_start3A_13, %dma_start3A_14] : memref<2x10000x128xf32, #tpu.memory_space<hbm>> -> memref<1x10000x128xf32, #tpu.memory_space<hbm>>
      %dma_start3A_16 = tpu.memref_squeeze %dma_start3A_15 : memref<1x10000x128xf32, #tpu.memory_space<hbm>> -> memref<10000x128xf32, #tpu.memory_space<hbm>>
      %dma_start3A_17 = arith.constant 0 : i32
      %dma_start3A_18 = arith.constant 0 : i32
      %dma_start3A_19 = tpu.memref_slice %dma_start3A_16[%dma_start3A_17, %dma_start3A_18] : memref<10000x128xf32, #tpu.memory_space<hbm>> -> memref<10000x128xf32, #tpu.memory_space<hbm>>
      tpu.enqueue_indirect_dma source(%dma_start3A_19 : memref<10000x128xf32, #tpu.memory_space<hbm>>) target(%arg9 : memref<128x128xf32, #tpu.memory_space<vmem>>) offsets(%dma_start3A_12 : memref<128xi32, #tpu.memory_space<vmem>>) semaphore(%arg12 : memref<!tpu.dma_semaphore, #tpu.memory_space<semaphore_mem>>)
      %scan3A_20 = arith.constant 0 : i32
      %scan3A_21 = arith.constant 0 : i32
      %scan3A_22 = arith.constant 16 : i32
      %scan3A_23 = arith.addi %scan3A_21, %scan3A_22 : i32
      %scan3A_24 = arith.constant 1 : i32
      scf.for %scan3A_26 = %scan3A_21 to %scan3A_23 step %scan3A_24  : i32 {
        %mul3A_27 = arith.constant 2 : i32
        %mul3A_28 = arith.muli %scan3A_26, %mul3A_27 : i32
        %dma_wait3A = arith.constant 0 : i32
        %dma_wait3A_29 = tpu.memref_slice %arg7[%mul3A_28, %dma_wait3A] : memref<32x128xi32, #tpu.memory_space<vmem>> -> memref<1x128xi32, #tpu.memory_space<vmem>>
        %dma_wait3A_30 = tpu.memref_squeeze %dma_wait3A_29 : memref<1x128xi32, #tpu.memory_space<vmem>> -> memref<128xi32, #tpu.memory_space<vmem>>
        %dma_wait3A_31 = arith.constant 0 : i32
        %dma_wait3A_32 = arith.constant 0 : i32
        %dma_wait3A_33 = tpu.memref_slice %arg2[%arg0, %dma_wait3A_31, %dma_wait3A_32] : memref<2x10000x128xf32, #tpu.memory_space<hbm>> -> memref<1x10000x128xf32, #tpu.memory_space<hbm>>
        %dma_wait3A_34 = tpu.memref_squeeze %dma_wait3A_33 : memref<1x10000x128xf32, #tpu.memory_space<hbm>> -> memref<10000x128xf32, #tpu.memory_space<hbm>>
        %dma_wait3A_35 = arith.constant 0 : i32
        %dma_wait3A_36 = arith.constant 0 : i32
        %dma_wait3A_37 = tpu.memref_slice %dma_wait3A_34[%dma_wait3A_35, %dma_wait3A_36] : memref<10000x128xf32, #tpu.memory_space<hbm>> -> memref<10000x128xf32, #tpu.memory_space<hbm>>
        tpu.wait_indirect_dma semaphore(%arg12 : memref<!tpu.dma_semaphore, #tpu.memory_space<semaphore_mem>>) src(%dma_wait3A_37 : memref<10000x128xf32, #tpu.memory_space<hbm>>) dst(%arg9 : memref<128x128xf32, #tpu.memory_space<vmem>>)
        %add3A = arith.constant 1 : i32
        %add3A_38 = arith.addi %mul3A_28, %add3A : i32
        %dma_start3A_39 = arith.constant 0 : i32
        %dma_start3A_40 = tpu.memref_slice %arg7[%add3A_38, %dma_start3A_39] : memref<32x128xi32, #tpu.memory_space<vmem>> -> memref<1x128xi32, #tpu.memory_space<vmem>>
        %dma_start3A_41 = tpu.memref_squeeze %dma_start3A_40 : memref<1x128xi32, #tpu.memory_space<vmem>> -> memref<128xi32, #tpu.memory_space<vmem>>
        %dma_start3A_42 = arith.constant 0 : i32
        %dma_start3A_43 = arith.constant 0 : i32
        %dma_start3A_44 = tpu.memref_slice %arg2[%arg0, %dma_start3A_42, %dma_start3A_43] : memref<2x10000x128xf32, #tpu.memory_space<hbm>> -> memref<1x10000x128xf32, #tpu.memory_space<hbm>>
        %dma_start3A_45 = tpu.memref_squeeze %dma_start3A_44 : memref<1x10000x128xf32, #tpu.memory_space<hbm>> -> memref<10000x128xf32, #tpu.memory_space<hbm>>
        %dma_start3A_46 = arith.constant 0 : i32
        %dma_start3A_47 = arith.constant 0 : i32
        %dma_start3A_48 = tpu.memref_slice %dma_start3A_45[%dma_start3A_46, %dma_start3A_47] : memref<10000x128xf32, #tpu.memory_space<hbm>> -> memref<10000x128xf32, #tpu.memory_space<hbm>>
        tpu.enqueue_indirect_dma source(%dma_start3A_48 : memref<10000x128xf32, #tpu.memory_space<hbm>>) target(%arg10 : memref<128x128xf32, #tpu.memory_space<vmem>>) offsets(%dma_start3A_41 : memref<128xi32, #tpu.memory_space<vmem>>) semaphore(%arg12 : memref<!tpu.dma_semaphore, #tpu.memory_space<semaphore_mem>>)
        "tpu.region"() ({
          %run_scoped3A = tpu.sem_alloc : memref<!tpu.dma_semaphore, #tpu.memory_space<semaphore_mem>>
          %dma_start3A_65 = arith.constant 0 : i32
          %dma_start3A_66 = tpu.memref_slice %arg8[%mul3A_28, %dma_start3A_65] : memref<32x128xi32, #tpu.memory_space<vmem>> -> memref<1x128xi32, #tpu.memory_space<vmem>>
          %dma_start3A_67 = tpu.memref_squeeze %dma_start3A_66 : memref<1x128xi32, #tpu.memory_space<vmem>> -> memref<128xi32, #tpu.memory_space<vmem>>
          %dma_start3A_68 = arith.constant 0 : i32
          %dma_start3A_69 = arith.constant 0 : i32
          %dma_start3A_70 = tpu.memref_slice %arg11[%dma_start3A_68, %dma_start3A_69] : memref<10112x128xf32, #tpu.memory_space<vmem_shared>> -> memref<10112x128xf32, #tpu.memory_space<vmem_shared>>
          tpu.enqueue_indirect_dma source(%arg9 : memref<128x128xf32, #tpu.memory_space<vmem>>) target(%dma_start3A_70 : memref<10112x128xf32, #tpu.memory_space<vmem_shared>>) offsets(%dma_start3A_67 : memref<128xi32, #tpu.memory_space<vmem>>) semaphore(%run_scoped3A : memref<!tpu.dma_semaphore, #tpu.memory_space<semaphore_mem>>) {add = true}
          %dma_wait3A_71 = arith.constant 0 : i32
          %dma_wait3A_72 = tpu.memref_slice %arg8[%mul3A_28, %dma_wait3A_71] : memref<32x128xi32, #tpu.memory_space<vmem>> -> memref<1x128xi32, #tpu.memory_space<vmem>>
          %dma_wait3A_73 = tpu.memref_squeeze %dma_wait3A_72 : memref<1x128xi32, #tpu.memory_space<vmem>> -> memref<128xi32, #tpu.memory_space<vmem>>
          %dma_wait3A_74 = arith.constant 0 : i32
          %dma_wait3A_75 = arith.constant 0 : i32
          %dma_wait3A_76 = tpu.memref_slice %arg11[%dma_wait3A_74, %dma_wait3A_75] : memref<10112x128xf32, #tpu.memory_space<vmem_shared>> -> memref<10112x128xf32, #tpu.memory_space<vmem_shared>>
          tpu.wait_indirect_dma semaphore(%run_scoped3A : memref<!tpu.dma_semaphore, #tpu.memory_space<semaphore_mem>>) src(%arg9 : memref<128x128xf32, #tpu.memory_space<vmem>>) dst(%dma_wait3A_76 : memref<10112x128xf32, #tpu.memory_space<vmem_shared>>)
          tpu.yield
        }) : () -> ()
        %add3A_49 = arith.constant 1 : i32
        %add3A_50 = arith.addi %mul3A_28, %add3A_49 : i32
        %dma_wait3A_51 = arith.constant 0 : i32
        %dma_wait3A_52 = tpu.memref_slice %arg7[%add3A_50, %dma_wait3A_51] : memref<32x128xi32, #tpu.memory_space<vmem>> -> memref<1x128xi32, #tpu.memory_space<vmem>>
        %dma_wait3A_53 = tpu.memref_squeeze %dma_wait3A_52 : memref<1x128xi32, #tpu.memory_space<vmem>> -> memref<128xi32, #tpu.memory_space<vmem>>
        %dma_wait3A_54 = arith.constant 0 : i32
        %dma_wait3A_55 = arith.constant 0 : i32
        %dma_wait3A_56 = tpu.memref_slice %arg2[%arg0, %dma_wait3A_54, %dma_wait3A_55] : memref<2x10000x128xf32, #tpu.memory_space<hbm>> -> memref<1x10000x128xf32, #tpu.memory_space<hbm>>
        %dma_wait3A_57 = tpu.memref_squeeze %dma_wait3A_56 : memref<1x10000x128xf32, #tpu.memory_space<hbm>> -> memref<10000x128xf32, #tpu.memory_space<hbm>>
        %dma_wait3A_58 = arith.constant 0 : i32
        %dma_wait3A_59 = arith.constant 0 : i32
        %dma_wait3A_60 = tpu.memref_slice %dma_wait3A_57[%dma_wait3A_58, %dma_wait3A_59] : memref<10000x128xf32, #tpu.memory_space<hbm>> -> memref<10000x128xf32, #tpu.memory_space<hbm>>
        tpu.wait_indirect_dma semaphore(%arg12 : memref<!tpu.dma_semaphore, #tpu.memory_space<semaphore_mem>>) src(%dma_wait3A_60 : memref<10000x128xf32, #tpu.memory_space<hbm>>) dst(%arg10 : memref<128x128xf32, #tpu.memory_space<vmem>>)
        %lt3A = arith.constant 15 : i32
        %lt3A_61 = arith.cmpi slt, %scan3A_26, %lt3A : i32
        %convert_element_type3A = arith.extui %lt3A_61 : i1 to i32
        %cond3A = arith.constant 0 : i32
        %cond3A_62 = arith.cmpi ne, %convert_element_type3A, %cond3A : i32
        scf.if %cond3A_62 {
          %add3A_65 = arith.constant 2 : i32
          %add3A_66 = arith.addi %mul3A_28, %add3A_65 : i32
          %dma_start3A_67 = arith.constant 0 : i32
          %dma_start3A_68 = tpu.memref_slice %arg7[%add3A_66, %dma_start3A_67] : memref<32x128xi32, #tpu.memory_space<vmem>> -> memref<1x128xi32, #tpu.memory_space<vmem>>
          %dma_start3A_69 = tpu.memref_squeeze %dma_start3A_68 : memref<1x128xi32, #tpu.memory_space<vmem>> -> memref<128xi32, #tpu.memory_space<vmem>>
          %dma_start3A_70 = arith.constant 0 : i32
          %dma_start3A_71 = arith.constant 0 : i32
          %dma_start3A_72 = tpu.memref_slice %arg2[%arg0, %dma_start3A_70, %dma_start3A_71] : memref<2x10000x128xf32, #tpu.memory_space<hbm>> -> memref<1x10000x128xf32, #tpu.memory_space<hbm>>
          %dma_start3A_73 = tpu.memref_squeeze %dma_start3A_72 : memref<1x10000x128xf32, #tpu.memory_space<hbm>> -> memref<10000x128xf32, #tpu.memory_space<hbm>>
          %dma_start3A_74 = arith.constant 0 : i32
          %dma_start3A_75 = arith.constant 0 : i32
          %dma_start3A_76 = tpu.memref_slice %dma_start3A_73[%dma_start3A_74, %dma_start3A_75] : memref<10000x128xf32, #tpu.memory_space<hbm>> -> memref<10000x128xf32, #tpu.memory_space<hbm>>
          tpu.enqueue_indirect_dma source(%dma_start3A_76 : memref<10000x128xf32, #tpu.memory_space<hbm>>) target(%arg9 : memref<128x128xf32, #tpu.memory_space<vmem>>) offsets(%dma_start3A_69 : memref<128xi32, #tpu.memory_space<vmem>>) semaphore(%arg12 : memref<!tpu.dma_semaphore, #tpu.memory_space<semaphore_mem>>)
        } else {
        }
        %add3A_63 = arith.constant 1 : i32
        %add3A_64 = arith.addi %mul3A_28, %add3A_63 : i32
        "tpu.region"() ({
          %run_scoped3A = tpu.sem_alloc : memref<!tpu.dma_semaphore, #tpu.memory_space<semaphore_mem>>
          %dma_start3A_65 = arith.constant 0 : i32
          %dma_start3A_66 = tpu.memref_slice %arg8[%add3A_64, %dma_start3A_65] : memref<32x128xi32, #tpu.memory_space<vmem>> -> memref<1x128xi32, #tpu.memory_space<vmem>>
          %dma_start3A_67 = tpu.memref_squeeze %dma_start3A_66 : memref<1x128xi32, #tpu.memory_space<vmem>> -> memref<128xi32, #tpu.memory_space<vmem>>
          %dma_start3A_68 = arith.constant 0 : i32
          %dma_start3A_69 = arith.constant 0 : i32
          %dma_start3A_70 = tpu.memref_slice %arg11[%dma_start3A_68, %dma_start3A_69] : memref<10112x128xf32, #tpu.memory_space<vmem_shared>> -> memref<10112x128xf32, #tpu.memory_space<vmem_shared>>
          tpu.enqueue_indirect_dma source(%arg10 : memref<128x128xf32, #tpu.memory_space<vmem>>) target(%dma_start3A_70 : memref<10112x128xf32, #tpu.memory_space<vmem_shared>>) offsets(%dma_start3A_67 : memref<128xi32, #tpu.memory_space<vmem>>) semaphore(%run_scoped3A : memref<!tpu.dma_semaphore, #tpu.memory_space<semaphore_mem>>) {add = true}
          %dma_wait3A_71 = arith.constant 0 : i32
          %dma_wait3A_72 = tpu.memref_slice %arg8[%add3A_64, %dma_wait3A_71] : memref<32x128xi32, #tpu.memory_space<vmem>> -> memref<1x128xi32, #tpu.memory_space<vmem>>
          %dma_wait3A_73 = tpu.memref_squeeze %dma_wait3A_72 : memref<1x128xi32, #tpu.memory_space<vmem>> -> memref<128xi32, #tpu.memory_space<vmem>>
          %dma_wait3A_74 = arith.constant 0 : i32
          %dma_wait3A_75 = arith.constant 0 : i32
          %dma_wait3A_76 = tpu.memref_slice %arg11[%dma_wait3A_74, %dma_wait3A_75] : memref<10112x128xf32, #tpu.memory_space<vmem_shared>> -> memref<10112x128xf32, #tpu.memory_space<vmem_shared>>
          tpu.wait_indirect_dma semaphore(%run_scoped3A : memref<!tpu.dma_semaphore, #tpu.memory_space<semaphore_mem>>) src(%arg10 : memref<128x128xf32, #tpu.memory_space<vmem>>) dst(%dma_wait3A_76 : memref<10112x128xf32, #tpu.memory_space<vmem_shared>>)
          tpu.yield
        }) : () -> ()
      }
      %scan3A_25 = arith.constant 16 : i32
    }
    %scan3A_5 = arith.constant 5 : i32
    %barrier3A_6 = arith.constant 0 : index
    tpu.barrier barrier_id(%barrier3A_6)
    %mul3A_7 = arith.constant 632 : i32
    %mul3A_8 = arith.muli %arg1, %mul3A_7 : i32
    "tpu.region"() ({
      %run_scoped3A = tpu.sem_alloc : memref<!tpu.dma_semaphore, #tpu.memory_space<semaphore_mem>>
      %dma_start3A = arith.constant 0 : i32
      %dma_start3A_9 = tpu.memref_slice %arg6[%arg0, %mul3A_8, %dma_start3A] : memref<2x10112x128xf32, #tpu.memory_space<hbm>> -> memref<1x632x128xf32, #tpu.memory_space<hbm>>
      %dma_start3A_10 = tpu.memref_squeeze %dma_start3A_9 : memref<1x632x128xf32, #tpu.memory_space<hbm>> -> memref<632x128xf32, #tpu.memory_space<hbm>>
      %dma_start3A_11 = arith.constant 0 : i32
      %dma_start3A_12 = tpu.memref_slice %arg11[%mul3A_8, %dma_start3A_11] : memref<10112x128xf32, #tpu.memory_space<vmem_shared>> -> memref<632x128xf32, #tpu.memory_space<vmem_shared>>
      tpu.enqueue_dma source(%dma_start3A_12 : memref<632x128xf32, #tpu.memory_space<vmem_shared>>) target(%dma_start3A_10 : memref<632x128xf32, #tpu.memory_space<hbm>>) target_semaphore(%run_scoped3A : memref<!tpu.dma_semaphore, #tpu.memory_space<semaphore_mem>>)
      %dma_wait3A = arith.constant 0 : i32
      %dma_wait3A_13 = tpu.memref_slice %arg6[%arg0, %mul3A_8, %dma_wait3A] : memref<2x10112x128xf32, #tpu.memory_space<hbm>> -> memref<1x632x128xf32, #tpu.memory_space<hbm>>
      %dma_wait3A_14 = tpu.memref_squeeze %dma_wait3A_13 : memref<1x632x128xf32, #tpu.memory_space<hbm>> -> memref<632x128xf32, #tpu.memory_space<hbm>>
      %dma_wait3A_15 = arith.constant 0 : i32
      %dma_wait3A_16 = tpu.memref_slice %arg11[%mul3A_8, %dma_wait3A_15] : memref<10112x128xf32, #tpu.memory_space<vmem_shared>> -> memref<632x128xf32, #tpu.memory_space<vmem_shared>>
      tpu.wait_dma2 semaphore(%run_scoped3A : memref<!tpu.dma_semaphore, #tpu.memory_space<semaphore_mem>>) src(%dma_wait3A_16 : memref<632x128xf32, #tpu.memory_space<vmem_shared>>) dst(%dma_wait3A_14 : memref<632x128xf32, #tpu.memory_space<hbm>>)
      tpu.yield
    }) : () -> ()
    return
  }
}

module attributes {stable_mosaic.version = 14 : i64} {
  func.func @_pre_body(%arg0: i32, %arg1: memref<1000x128xf32, #tpu.memory_space<vmem>>, %arg2: memref<128x256xf32, #tpu.memory_space<vmem>>, %arg3: memref<1x256xf32, #tpu.memory_space<vmem>>, %arg4: memref<2x1000x128xf32, #tpu.memory_space<vmem>>, %arg5: memref<1000x256xf32, #tpu.memory_space<vmem>>) attributes {dimension_semantics = [#tpu.dimension_semantics<arbitrary>], iteration_bounds = array<i64: 10>, scalar_prefetch = 0 : i64, scratch_operands = 0 : i64, tpu.core_type = #tpu.core_type<tc>, window_params = [{transform_indices = @transform_0, window_bounds = array<i64: 1000, 128>}, {pipeline_mode = #tpu.pipeline_mode<synchronous>, transform_indices = @transform_1, window_bounds = array<i64: 128, 256>}, {pipeline_mode = #tpu.pipeline_mode<synchronous>, transform_indices = @transform_2, window_bounds = array<i64: 1, 256>}, {transform_indices = @transform_3, window_bounds = array<i64: 2, 1000, 128>}, {transform_indices = @transform_4, window_bounds = array<i64: 1000, 256>}]} {
    %get3A = arith.constant 0 : index
    %get3A_0 = arith.constant 0 : index
    %get3A_1 = vector.load %arg1[%get3A, %get3A_0] : memref<1000x128xf32, #tpu.memory_space<vmem>>, vector<1000x128xf32>
    %get3A_2 = arith.constant 0 : index
    %get3A_3 = arith.constant 0 : index
    %get3A_4 = vector.load %arg2[%get3A_2, %get3A_3] : memref<128x256xf32, #tpu.memory_space<vmem>>, vector<128x256xf32>
    %dot_general3A = arith.constant dense<0.000000e+00> : vector<1000x256xf32>
    %dot_general3A_5 = tpu.matmul %get3A_1, %get3A_4, %dot_general3A {dimension_numbers = #tpu.dot_dimension_numbers<[1], [0], [0], [1], [0, 0, 1, 1], [], []>, transpose_lhs_hint = false} : vector<1000x128xf32>, vector<128x256xf32>, vector<1000x256xf32> -> vector<1000x256xf32>
    %get3A_6 = arith.constant 0 : index
    %get3A_7 = arith.constant 0 : index
    %get3A_8 = vector.load %arg3[%get3A_6, %get3A_7] : memref<1x256xf32, #tpu.memory_space<vmem>>, vector<1x256xf32>
    %add3A = vector.broadcast %get3A_8 : vector<1x256xf32> to vector<1000x256xf32>
    %add3A_9 = arith.addf %dot_general3A_5, %add3A : vector<1000x256xf32>
    %slice3A = vector.extract_strided_slice %add3A_9 {offsets = [0, 0], sizes = [1000, 128], strides = [1, 1]} : vector<1000x256xf32> to vector<1000x128xf32>
    %swap3A = arith.constant 0 : index
    %swap3A_10 = arith.constant 0 : index
    %swap3A_11 = arith.constant 0 : index
    %swap3A_12 = vector.load %arg4[%swap3A, %swap3A_10, %swap3A_11] : memref<2x1000x128xf32, #tpu.memory_space<vmem>>, vector<1x1000x128xf32>
    %swap3A_13 = vector.shape_cast %swap3A_12 : vector<1x1000x128xf32> to vector<1000x128xf32>
    %swap3A_14 = vector.shape_cast %slice3A : vector<1000x128xf32> to vector<1x1000x128xf32>
    tpu.vector_store %arg4[%swap3A, %swap3A_10, %swap3A_11], %swap3A_14 {strides = array<i32>} : memref<2x1000x128xf32, #tpu.memory_space<vmem>>, vector<1x1000x128xf32>,
    %slice3A_15 = vector.extract_strided_slice %add3A_9 {offsets = [0, 128], sizes = [1000, 128], strides = [1, 1]} : vector<1000x256xf32> to vector<1000x128xf32>
    %swap3A_16 = arith.constant 1 : index
    %swap3A_17 = arith.constant 0 : index
    %swap3A_18 = arith.constant 0 : index
    %swap3A_19 = vector.load %arg4[%swap3A_16, %swap3A_17, %swap3A_18] : memref<2x1000x128xf32, #tpu.memory_space<vmem>>, vector<1x1000x128xf32>
    %swap3A_20 = vector.shape_cast %swap3A_19 : vector<1x1000x128xf32> to vector<1000x128xf32>
    %swap3A_21 = vector.shape_cast %slice3A_15 : vector<1000x128xf32> to vector<1x1000x128xf32>
    tpu.vector_store %arg4[%swap3A_16, %swap3A_17, %swap3A_18], %swap3A_21 {strides = array<i32>} : memref<2x1000x128xf32, #tpu.memory_space<vmem>>, vector<1x1000x128xf32>,
    %max3A = arith.constant 0.000000e+00 : f32
    %max3A_22 = vector.broadcast %max3A : f32 to vector<1000x256xf32>
    %max3A_23 = arith.maximumf %add3A_9, %max3A_22 : vector<1000x256xf32>
    %swap3A_24 = arith.constant 0 : index
    %swap3A_25 = arith.constant 0 : index
    %swap3A_26 = vector.load %arg5[%swap3A_24, %swap3A_25] : memref<1000x256xf32, #tpu.memory_space<vmem>>, vector<1000x256xf32>
    tpu.vector_store %arg5[%swap3A_24, %swap3A_25], %max3A_23 {strides = array<i32>} : memref<1000x256xf32, #tpu.memory_space<vmem>>, vector<1000x256xf32>,
    return
  }
  func.func @transform_0(%arg0: i32) -> (i32, i32) {
    %c0_i32 = arith.constant 0 : i32
    %c0_i32_0 = arith.constant 0 : i32
    return %arg0, %c0_i32 : i32, i32
  }
  func.func @transform_1(%arg0: i32) -> (i32, i32) {
    %c0_i32 = arith.constant 0 : i32
    %c0_i32_0 = arith.constant 0 : i32
    %c0_i32_1 = arith.constant 0 : i32
    return %c0_i32, %c0_i32_0 : i32, i32
  }
  func.func @transform_2(%arg0: i32) -> (i32, i32) {
    %c0_i32 = arith.constant 0 : i32
    %c0_i32_0 = arith.constant 0 : i32
    %c0_i32_1 = arith.constant 0 : i32
    return %c0_i32, %c0_i32_0 : i32, i32
  }
  func.func @transform_3(%arg0: i32) -> (i32, i32, i32) {
    %c0_i32 = arith.constant 0 : i32
    %c0_i32_0 = arith.constant 0 : i32
    %c0_i32_1 = arith.constant 0 : i32
    return %c0_i32, %arg0, %c0_i32_0 : i32, i32, i32
  }
  func.func @transform_4(%arg0: i32) -> (i32, i32) {
    %c0_i32 = arith.constant 0 : i32
    %c0_i32_0 = arith.constant 0 : i32
    return %arg0, %c0_i32 : i32, i32
  }
}

module attributes {stable_mosaic.version = 14 : i64} {
  func.func @_layer_body(%arg0: i32, %arg1: memref<2x1000x128xf32, #tpu.memory_space<vmem>>, %arg2: memref<2x1000x128xf32, #tpu.memory_space<vmem>>, %arg3: memref<2x1000x128xf32, #tpu.memory_space<vmem>>, %arg4: memref<2x1000x128xf32, #tpu.memory_space<vmem>>, %arg5: memref<2x1000x128xf32, #tpu.memory_space<vmem>>, %arg6: memref<2x1000x128xf32, #tpu.memory_space<vmem>>, %arg7: memref<2x1000x128xf32, #tpu.memory_space<vmem>>, %arg8: memref<3x256x256xf32, #tpu.memory_space<vmem>>, %arg9: memref<3x256x256xf32, #tpu.memory_space<vmem>>, %arg10: memref<768x256xf32, #tpu.memory_space<vmem>>, %arg11: memref<1x256xf32, #tpu.memory_space<vmem>>, %arg12: memref<1000x256xf32, #tpu.memory_space<vmem>>, %arg13: memref<2x1000x128xf32, #tpu.memory_space<vmem>>, %arg14: memref<1000x256xf32, #tpu.memory_space<vmem>>) attributes {dimension_semantics = [#tpu.dimension_semantics<arbitrary>], iteration_bounds = array<i64: 10>, scalar_prefetch = 0 : i64, scratch_operands = 0 : i64, tpu.core_type = #tpu.core_type<tc>, window_params = [{transform_indices = @transform_0, window_bounds = array<i64: 2, 1000, 128>}, {transform_indices = @transform_1, window_bounds = array<i64: 2, 1000, 128>}, {transform_indices = @transform_2, window_bounds = array<i64: 2, 1000, 128>}, {transform_indices = @transform_3, window_bounds = array<i64: 2, 1000, 128>}, {transform_indices = @transform_4, window_bounds = array<i64: 2, 1000, 128>}, {transform_indices = @transform_5, window_bounds = array<i64: 2, 1000, 128>}, {transform_indices = @transform_6, window_bounds = array<i64: 2, 1000, 128>}, {pipeline_mode = #tpu.pipeline_mode<synchronous>, transform_indices = @transform_7, window_bounds = array<i64: 3, 256, 256>}, {pipeline_mode = #tpu.pipeline_mode<synchronous>, transform_indices = @transform_8, window_bounds = array<i64: 3, 256, 256>}, {pipeline_mode = #tpu.pipeline_mode<synchronous>, transform_indices = @transform_9, window_bounds = array<i64: 768, 256>}, {pipeline_mode = #tpu.pipeline_mode<synchronous>, transform_indices = @transform_10, window_bounds = array<i64: 1, 256>}, {transform_indices = @transform_11, window_bounds = array<i64: 1000, 256>}, {transform_indices = @transform_12, window_bounds = array<i64: 2, 1000, 128>}, {transform_indices = @transform_13, window_bounds = array<i64: 1000, 256>}]} {
    %get3A = arith.constant 0 : index
    %get3A_0 = arith.constant 0 : index
    %get3A_1 = arith.constant 0 : index
    %get3A_2 = vector.load %arg1[%get3A, %get3A_0, %get3A_1] : memref<2x1000x128xf32, #tpu.memory_space<vmem>>, vector<1x1000x128xf32>
    %get3A_3 = vector.shape_cast %get3A_2 : vector<1x1000x128xf32> to vector<1000x128xf32>
    %get3A_4 = arith.constant 1 : index
    %get3A_5 = arith.constant 0 : index
    %get3A_6 = arith.constant 0 : index
    %get3A_7 = vector.load %arg1[%get3A_4, %get3A_5, %get3A_6] : memref<2x1000x128xf32, #tpu.memory_space<vmem>>, vector<1x1000x128xf32>
    %get3A_8 = vector.shape_cast %get3A_7 : vector<1x1000x128xf32> to vector<1000x128xf32>
    %concatenate3A = tpu.concatenate %get3A_3, %get3A_8 in 1 : vector<1000x128xf32>, vector<1000x128xf32> -> vector<1000x256xf32>
    %get3A_9 = arith.constant 0 : index
    %get3A_10 = arith.constant 0 : index
    %get3A_11 = vector.load %arg11[%get3A_9, %get3A_10] : memref<1x256xf32, #tpu.memory_space<vmem>>, vector<1x256xf32>
    %get3A_12 = arith.constant 0 : index
    %get3A_13 = arith.constant 0 : index
    %get3A_14 = arith.constant 0 : index
    %get3A_15 = vector.load %arg5[%get3A_12, %get3A_13, %get3A_14] : memref<2x1000x128xf32, #tpu.memory_space<vmem>>, vector<1x1000x1xf32>
    %get3A_16 = vector.shape_cast %get3A_15 : vector<1x1000x1xf32> to vector<1000x1xf32>
    %get3A_17 = arith.constant 1 : index
    %get3A_18 = arith.constant 0 : index
    %get3A_19 = arith.constant 0 : index
    %get3A_20 = vector.load %arg5[%get3A_17, %get3A_18, %get3A_19] : memref<2x1000x128xf32, #tpu.memory_space<vmem>>, vector<1x1000x1xf32>
    %get3A_21 = vector.shape_cast %get3A_20 : vector<1x1000x1xf32> to vector<1000x1xf32>
    %add3A = arith.addf %get3A_16, %get3A_21 : vector<1000x1xf32>
    %max3A = arith.constant 1.000000e+00 : f32
    %max3A_22 = vector.broadcast %max3A : f32 to vector<1000x1xf32>
    %max3A_23 = arith.maximumf %add3A, %max3A_22 : vector<1000x1xf32>
    %div3A = arith.constant 1.000000e+00 : f32
    %div3A_24 = vector.broadcast %div3A : f32 to vector<1000x1xf32>
    %div3A_25 = arith.divf %div3A_24, %max3A_23 : vector<1000x1xf32>
    %get3A_26 = arith.constant 0 : index
    %get3A_27 = arith.constant 0 : index
    %get3A_28 = arith.constant 0 : index
    %get3A_29 = vector.load %arg2[%get3A_26, %get3A_27, %get3A_28] : memref<2x1000x128xf32, #tpu.memory_space<vmem>>, vector<1x1000x128xf32>
    %get3A_30 = vector.shape_cast %get3A_29 : vector<1x1000x128xf32> to vector<1000x128xf32>
    %get3A_31 = arith.constant 1 : index
    %get3A_32 = arith.constant 0 : index
    %get3A_33 = arith.constant 0 : index
    %get3A_34 = vector.load %arg2[%get3A_31, %get3A_32, %get3A_33] : memref<2x1000x128xf32, #tpu.memory_space<vmem>>, vector<1x1000x128xf32>
    %get3A_35 = vector.shape_cast %get3A_34 : vector<1x1000x128xf32> to vector<1000x128xf32>
    %concatenate3A_36 = tpu.concatenate %get3A_30, %get3A_35 in 1 : vector<1000x128xf32>, vector<1000x128xf32> -> vector<1000x256xf32>
    %mul3A = vector.broadcast %div3A_25 : vector<1000x1xf32> to vector<1000x256xf32>
    %mul3A_37 = arith.mulf %concatenate3A_36, %mul3A : vector<1000x256xf32>
    %get3A_38 = arith.constant 0 : index
    %get3A_39 = arith.constant 0 : index
    %get3A_40 = arith.constant 0 : index
    %get3A_41 = vector.load %arg8[%get3A_38, %get3A_39, %get3A_40] : memref<3x256x256xf32, #tpu.memory_space<vmem>>, vector<1x256x256xf32>
    %get3A_42 = vector.shape_cast %get3A_41 : vector<1x256x256xf32> to vector<256x256xf32>
    %dot_general3A = arith.constant dense<0.000000e+00> : vector<1000x256xf32>
    %dot_general3A_43 = tpu.matmul %concatenate3A, %get3A_42, %dot_general3A {dimension_numbers = #tpu.dot_dimension_numbers<[1], [0], [0], [1], [0, 0, 1, 1], [], []>, transpose_lhs_hint = false} : vector<1000x256xf32>, vector<256x256xf32>, vector<1000x256xf32> -> vector<1000x256xf32>
    %get3A_44 = arith.constant 0 : index
    %get3A_45 = arith.constant 0 : index
    %get3A_46 = arith.constant 0 : index
    %get3A_47 = vector.load %arg9[%get3A_44, %get3A_45, %get3A_46] : memref<3x256x256xf32, #tpu.memory_space<vmem>>, vector<1x256x256xf32>
    %get3A_48 = vector.shape_cast %get3A_47 : vector<1x256x256xf32> to vector<256x256xf32>
    %dot_general3A_49 = arith.constant dense<0.000000e+00> : vector<1000x256xf32>
    %dot_general3A_50 = tpu.matmul %mul3A_37, %get3A_48, %dot_general3A_49 {dimension_numbers = #tpu.dot_dimension_numbers<[1], [0], [0], [1], [0, 0, 1, 1], [], []>, transpose_lhs_hint = false} : vector<1000x256xf32>, vector<256x256xf32>, vector<1000x256xf32> -> vector<1000x256xf32>
    %add3A_51 = arith.addf %dot_general3A_43, %dot_general3A_50 : vector<1000x256xf32>
    %max3A_52 = arith.constant 0.000000e+00 : f32
    %max3A_53 = vector.broadcast %max3A_52 : f32 to vector<1000x256xf32>
    %max3A_54 = arith.maximumf %add3A_51, %max3A_53 : vector<1000x256xf32>
    %get3A_55 = arith.constant 0 : index
    %get3A_56 = arith.constant 0 : index
    %get3A_57 = vector.load %arg10[%get3A_55, %get3A_56] : memref<768x256xf32, #tpu.memory_space<vmem>>, vector<256x256xf32>
    %dot_general3A_58 = arith.constant dense<0.000000e+00> : vector<1000x256xf32>
    %dot_general3A_59 = tpu.matmul %max3A_54, %get3A_57, %dot_general3A_58 {dimension_numbers = #tpu.dot_dimension_numbers<[1], [0], [0], [1], [0, 0, 1, 1], [], []>, transpose_lhs_hint = false} : vector<1000x256xf32>, vector<256x256xf32>, vector<1000x256xf32> -> vector<1000x256xf32>
    %add3A_60 = vector.broadcast %get3A_11 : vector<1x256xf32> to vector<1000x256xf32>
    %add3A_61 = arith.addf %add3A_60, %dot_general3A_59 : vector<1000x256xf32>
    %get3A_62 = arith.constant 0 : index
    %get3A_63 = arith.constant 0 : index
    %get3A_64 = arith.constant 0 : index
    %get3A_65 = vector.load %arg6[%get3A_62, %get3A_63, %get3A_64] : memref<2x1000x128xf32, #tpu.memory_space<vmem>>, vector<1x1000x1xf32>
    %get3A_66 = vector.shape_cast %get3A_65 : vector<1x1000x1xf32> to vector<1000x1xf32>
    %get3A_67 = arith.constant 1 : index
    %get3A_68 = arith.constant 0 : index
    %get3A_69 = arith.constant 0 : index
    %get3A_70 = vector.load %arg6[%get3A_67, %get3A_68, %get3A_69] : memref<2x1000x128xf32, #tpu.memory_space<vmem>>, vector<1x1000x1xf32>
    %get3A_71 = vector.shape_cast %get3A_70 : vector<1x1000x1xf32> to vector<1000x1xf32>
    %add3A_72 = arith.addf %get3A_66, %get3A_71 : vector<1000x1xf32>
    %max3A_73 = arith.constant 1.000000e+00 : f32
    %max3A_74 = vector.broadcast %max3A_73 : f32 to vector<1000x1xf32>
    %max3A_75 = arith.maximumf %add3A_72, %max3A_74 : vector<1000x1xf32>
    %div3A_76 = arith.constant 1.000000e+00 : f32
    %div3A_77 = vector.broadcast %div3A_76 : f32 to vector<1000x1xf32>
    %div3A_78 = arith.divf %div3A_77, %max3A_75 : vector<1000x1xf32>
    %get3A_79 = arith.constant 0 : index
    %get3A_80 = arith.constant 0 : index
    %get3A_81 = arith.constant 0 : index
    %get3A_82 = vector.load %arg3[%get3A_79, %get3A_80, %get3A_81] : memref<2x1000x128xf32, #tpu.memory_space<vmem>>, vector<1x1000x128xf32>
    %get3A_83 = vector.shape_cast %get3A_82 : vector<1x1000x128xf32> to vector<1000x128xf32>
    %get3A_84 = arith.constant 1 : index
    %get3A_85 = arith.constant 0 : index
    %get3A_86 = arith.constant 0 : index
    %get3A_87 = vector.load %arg3[%get3A_84, %get3A_85, %get3A_86] : memref<2x1000x128xf32, #tpu.memory_space<vmem>>, vector<1x1000x128xf32>
    %get3A_88 = vector.shape_cast %get3A_87 : vector<1x1000x128xf32> to vector<1000x128xf32>
    %concatenate3A_89 = tpu.concatenate %get3A_83, %get3A_88 in 1 : vector<1000x128xf32>, vector<1000x128xf32> -> vector<1000x256xf32>
    %mul3A_90 = vector.broadcast %div3A_78 : vector<1000x1xf32> to vector<1000x256xf32>
    %mul3A_91 = arith.mulf %concatenate3A_89, %mul3A_90 : vector<1000x256xf32>
    %get3A_92 = arith.constant 1 : index
    %get3A_93 = arith.constant 0 : index
    %get3A_94 = arith.constant 0 : index
    %get3A_95 = vector.load %arg8[%get3A_92, %get3A_93, %get3A_94] : memref<3x256x256xf32, #tpu.memory_space<vmem>>, vector<1x256x256xf32>
    %get3A_96 = vector.shape_cast %get3A_95 : vector<1x256x256xf32> to vector<256x256xf32>
    %dot_general3A_97 = arith.constant dense<0.000000e+00> : vector<1000x256xf32>
    %dot_general3A_98 = tpu.matmul %concatenate3A, %get3A_96, %dot_general3A_97 {dimension_numbers = #tpu.dot_dimension_numbers<[1], [0], [0], [1], [0, 0, 1, 1], [], []>, transpose_lhs_hint = false} : vector<1000x256xf32>, vector<256x256xf32>, vector<1000x256xf32> -> vector<1000x256xf32>
    %get3A_99 = arith.constant 1 : index
    %get3A_100 = arith.constant 0 : index
    %get3A_101 = arith.constant 0 : index
    %get3A_102 = vector.load %arg9[%get3A_99, %get3A_100, %get3A_101] : memref<3x256x256xf32, #tpu.memory_space<vmem>>, vector<1x256x256xf32>
    %get3A_103 = vector.shape_cast %get3A_102 : vector<1x256x256xf32> to vector<256x256xf32>
    %dot_general3A_104 = arith.constant dense<0.000000e+00> : vector<1000x256xf32>
    %dot_general3A_105 = tpu.matmul %mul3A_91, %get3A_103, %dot_general3A_104 {dimension_numbers = #tpu.dot_dimension_numbers<[1], [0], [0], [1], [0, 0, 1, 1], [], []>, transpose_lhs_hint = false} : vector<1000x256xf32>, vector<256x256xf32>, vector<1000x256xf32> -> vector<1000x256xf32>
    %add3A_106 = arith.addf %dot_general3A_98, %dot_general3A_105 : vector<1000x256xf32>
    %max3A_107 = arith.constant 0.000000e+00 : f32
    %max3A_108 = vector.broadcast %max3A_107 : f32 to vector<1000x256xf32>
    %max3A_109 = arith.maximumf %add3A_106, %max3A_108 : vector<1000x256xf32>
    %get3A_110 = arith.constant 256 : index
    %get3A_111 = arith.constant 0 : index
    %get3A_112 = vector.load %arg10[%get3A_110, %get3A_111] : memref<768x256xf32, #tpu.memory_space<vmem>>, vector<256x256xf32>
    %dot_general3A_113 = arith.constant dense<0.000000e+00> : vector<1000x256xf32>
    %dot_general3A_114 = tpu.matmul %max3A_109, %get3A_112, %dot_general3A_113 {dimension_numbers = #tpu.dot_dimension_numbers<[1], [0], [0], [1], [0, 0, 1, 1], [], []>, transpose_lhs_hint = false} : vector<1000x256xf32>, vector<256x256xf32>, vector<1000x256xf32> -> vector<1000x256xf32>
    %add3A_115 = arith.addf %add3A_61, %dot_general3A_114 : vector<1000x256xf32>
    %get3A_116 = arith.constant 0 : index
    %get3A_117 = arith.constant 0 : index
    %get3A_118 = arith.constant 0 : index
    %get3A_119 = vector.load %arg7[%get3A_116, %get3A_117, %get3A_118] : memref<2x1000x128xf32, #tpu.memory_space<vmem>>, vector<1x1000x1xf32>
    %get3A_120 = vector.shape_cast %get3A_119 : vector<1x1000x1xf32> to vector<1000x1xf32>
    %get3A_121 = arith.constant 1 : index
    %get3A_122 = arith.constant 0 : index
    %get3A_123 = arith.constant 0 : index
    %get3A_124 = vector.load %arg7[%get3A_121, %get3A_122, %get3A_123] : memref<2x1000x128xf32, #tpu.memory_space<vmem>>, vector<1x1000x1xf32>
    %get3A_125 = vector.shape_cast %get3A_124 : vector<1x1000x1xf32> to vector<1000x1xf32>
    %add3A_126 = arith.addf %get3A_120, %get3A_125 : vector<1000x1xf32>
    %max3A_127 = arith.constant 1.000000e+00 : f32
    %max3A_128 = vector.broadcast %max3A_127 : f32 to vector<1000x1xf32>
    %max3A_129 = arith.maximumf %add3A_126, %max3A_128 : vector<1000x1xf32>
    %div3A_130 = arith.constant 1.000000e+00 : f32
    %div3A_131 = vector.broadcast %div3A_130 : f32 to vector<1000x1xf32>
    %div3A_132 = arith.divf %div3A_131, %max3A_129 : vector<1000x1xf32>
    %get3A_133 = arith.constant 0 : index
    %get3A_134 = arith.constant 0 : index
    %get3A_135 = arith.constant 0 : index
    %get3A_136 = vector.load %arg4[%get3A_133, %get3A_134, %get3A_135] : memref<2x1000x128xf32, #tpu.memory_space<vmem>>, vector<1x1000x128xf32>
    %get3A_137 = vector.shape_cast %get3A_136 : vector<1x1000x128xf32> to vector<1000x128xf32>
    %get3A_138 = arith.constant 1 : index
    %get3A_139 = arith.constant 0 : index
    %get3A_140 = arith.constant 0 : index
    %get3A_141 = vector.load %arg4[%get3A_138, %get3A_139, %get3A_140] : memref<2x1000x128xf32, #tpu.memory_space<vmem>>, vector<1x1000x128xf32>
    %get3A_142 = vector.shape_cast %get3A_141 : vector<1x1000x128xf32> to vector<1000x128xf32>
    %concatenate3A_143 = tpu.concatenate %get3A_137, %get3A_142 in 1 : vector<1000x128xf32>, vector<1000x128xf32> -> vector<1000x256xf32>
    %mul3A_144 = vector.broadcast %div3A_132 : vector<1000x1xf32> to vector<1000x256xf32>
    %mul3A_145 = arith.mulf %concatenate3A_143, %mul3A_144 : vector<1000x256xf32>
    %get3A_146 = arith.constant 2 : index
    %get3A_147 = arith.constant 0 : index
    %get3A_148 = arith.constant 0 : index
    %get3A_149 = vector.load %arg8[%get3A_146, %get3A_147, %get3A_148] : memref<3x256x256xf32, #tpu.memory_space<vmem>>, vector<1x256x256xf32>
    %get3A_150 = vector.shape_cast %get3A_149 : vector<1x256x256xf32> to vector<256x256xf32>
    %dot_general3A_151 = arith.constant dense<0.000000e+00> : vector<1000x256xf32>
    %dot_general3A_152 = tpu.matmul %concatenate3A, %get3A_150, %dot_general3A_151 {dimension_numbers = #tpu.dot_dimension_numbers<[1], [0], [0], [1], [0, 0, 1, 1], [], []>, transpose_lhs_hint = false} : vector<1000x256xf32>, vector<256x256xf32>, vector<1000x256xf32> -> vector<1000x256xf32>
    %get3A_153 = arith.constant 2 : index
    %get3A_154 = arith.constant 0 : index
    %get3A_155 = arith.constant 0 : index
    %get3A_156 = vector.load %arg9[%get3A_153, %get3A_154, %get3A_155] : memref<3x256x256xf32, #tpu.memory_space<vmem>>, vector<1x256x256xf32>
    %get3A_157 = vector.shape_cast %get3A_156 : vector<1x256x256xf32> to vector<256x256xf32>
    %dot_general3A_158 = arith.constant dense<0.000000e+00> : vector<1000x256xf32>
    %dot_general3A_159 = tpu.matmul %mul3A_145, %get3A_157, %dot_general3A_158 {dimension_numbers = #tpu.dot_dimension_numbers<[1], [0], [0], [1], [0, 0, 1, 1], [], []>, transpose_lhs_hint = false} : vector<1000x256xf32>, vector<256x256xf32>, vector<1000x256xf32> -> vector<1000x256xf32>
    %add3A_160 = arith.addf %dot_general3A_152, %dot_general3A_159 : vector<1000x256xf32>
    %max3A_161 = arith.constant 0.000000e+00 : f32
    %max3A_162 = vector.broadcast %max3A_161 : f32 to vector<1000x256xf32>
    %max3A_163 = arith.maximumf %add3A_160, %max3A_162 : vector<1000x256xf32>
    %get3A_164 = arith.constant 512 : index
    %get3A_165 = arith.constant 0 : index
    %get3A_166 = vector.load %arg10[%get3A_164, %get3A_165] : memref<768x256xf32, #tpu.memory_space<vmem>>, vector<256x256xf32>
    %dot_general3A_167 = arith.constant dense<0.000000e+00> : vector<1000x256xf32>
    %dot_general3A_168 = tpu.matmul %max3A_163, %get3A_166, %dot_general3A_167 {dimension_numbers = #tpu.dot_dimension_numbers<[1], [0], [0], [1], [0, 0, 1, 1], [], []>, transpose_lhs_hint = false} : vector<1000x256xf32>, vector<256x256xf32>, vector<1000x256xf32> -> vector<1000x256xf32>
    %add3A_169 = arith.addf %add3A_115, %dot_general3A_168 : vector<1000x256xf32>
    %max3A_170 = arith.constant 0.000000e+00 : f32
    %max3A_171 = vector.broadcast %max3A_170 : f32 to vector<1000x256xf32>
    %max3A_172 = arith.maximumf %add3A_169, %max3A_171 : vector<1000x256xf32>
    %slice3A = vector.extract_strided_slice %max3A_172 {offsets = [0, 0], sizes = [1000, 128], strides = [1, 1]} : vector<1000x256xf32> to vector<1000x128xf32>
    %swap3A = arith.constant 0 : index
    %swap3A_173 = arith.constant 0 : index
    %swap3A_174 = arith.constant 0 : index
    %swap3A_175 = vector.load %arg13[%swap3A, %swap3A_173, %swap3A_174] : memref<2x1000x128xf32, #tpu.memory_space<vmem>>, vector<1x1000x128xf32>
    %swap3A_176 = vector.shape_cast %swap3A_175 : vector<1x1000x128xf32> to vector<1000x128xf32>
    %swap3A_177 = vector.shape_cast %slice3A : vector<1000x128xf32> to vector<1x1000x128xf32>
    tpu.vector_store %arg13[%swap3A, %swap3A_173, %swap3A_174], %swap3A_177 {strides = array<i32>} : memref<2x1000x128xf32, #tpu.memory_space<vmem>>, vector<1x1000x128xf32>,
    %slice3A_178 = vector.extract_strided_slice %max3A_172 {offsets = [0, 128], sizes = [1000, 128], strides = [1, 1]} : vector<1000x256xf32> to vector<1000x128xf32>
    %swap3A_179 = arith.constant 1 : index
    %swap3A_180 = arith.constant 0 : index
    %swap3A_181 = arith.constant 0 : index
    %swap3A_182 = vector.load %arg13[%swap3A_179, %swap3A_180, %swap3A_181] : memref<2x1000x128xf32, #tpu.memory_space<vmem>>, vector<1x1000x128xf32>
    %swap3A_183 = vector.shape_cast %swap3A_182 : vector<1x1000x128xf32> to vector<1000x128xf32>
    %swap3A_184 = vector.shape_cast %slice3A_178 : vector<1000x128xf32> to vector<1x1000x128xf32>
    tpu.vector_store %arg13[%swap3A_179, %swap3A_180, %swap3A_181], %swap3A_184 {strides = array<i32>} : memref<2x1000x128xf32, #tpu.memory_space<vmem>>, vector<1x1000x128xf32>,
    %get3A_185 = arith.constant 0 : index
    %get3A_186 = arith.constant 0 : index
    %get3A_187 = vector.load %arg12[%get3A_185, %get3A_186] : memref<1000x256xf32, #tpu.memory_space<vmem>>, vector<1000x256xf32>
    %max3A_188 = arith.maximumf %get3A_187, %max3A_172 : vector<1000x256xf32>
    %swap3A_189 = arith.constant 0 : index
    %swap3A_190 = arith.constant 0 : index
    %swap3A_191 = vector.load %arg14[%swap3A_189, %swap3A_190] : memref<1000x256xf32, #tpu.memory_space<vmem>>, vector<1000x256xf32>
    tpu.vector_store %arg14[%swap3A_189, %swap3A_190], %max3A_188 {strides = array<i32>} : memref<1000x256xf32, #tpu.memory_space<vmem>>, vector<1000x256xf32>,
    return
  }
  func.func @transform_0(%arg0: i32) -> (i32, i32, i32) {
    %c0_i32 = arith.constant 0 : i32
    %c0_i32_0 = arith.constant 0 : i32
    %c0_i32_1 = arith.constant 0 : i32
    return %c0_i32, %arg0, %c0_i32_0 : i32, i32, i32
  }
  func.func @transform_1(%arg0: i32) -> (i32, i32, i32) {
    %c0_i32 = arith.constant 0 : i32
    %c0_i32_0 = arith.constant 0 : i32
    %c0_i32_1 = arith.constant 0 : i32
    return %c0_i32, %arg0, %c0_i32_0 : i32, i32, i32
  }
  func.func @transform_2(%arg0: i32) -> (i32, i32, i32) {
    %c0_i32 = arith.constant 0 : i32
    %c0_i32_0 = arith.constant 0 : i32
    %c0_i32_1 = arith.constant 0 : i32
    return %c0_i32, %arg0, %c0_i32_0 : i32, i32, i32
  }
  func.func @transform_3(%arg0: i32) -> (i32, i32, i32) {
    %c0_i32 = arith.constant 0 : i32
    %c0_i32_0 = arith.constant 0 : i32
    %c0_i32_1 = arith.constant 0 : i32
    return %c0_i32, %arg0, %c0_i32_0 : i32, i32, i32
  }
  func.func @transform_4(%arg0: i32) -> (i32, i32, i32) {
    %c0_i32 = arith.constant 0 : i32
    %c0_i32_0 = arith.constant 0 : i32
    %c0_i32_1 = arith.constant 0 : i32
    return %c0_i32, %arg0, %c0_i32_0 : i32, i32, i32
  }
  func.func @transform_5(%arg0: i32) -> (i32, i32, i32) {
    %c0_i32 = arith.constant 0 : i32
    %c0_i32_0 = arith.constant 0 : i32
    %c0_i32_1 = arith.constant 0 : i32
    return %c0_i32, %arg0, %c0_i32_0 : i32, i32, i32
  }
  func.func @transform_6(%arg0: i32) -> (i32, i32, i32) {
    %c0_i32 = arith.constant 0 : i32
    %c0_i32_0 = arith.constant 0 : i32
    %c0_i32_1 = arith.constant 0 : i32
    return %c0_i32, %arg0, %c0_i32_0 : i32, i32, i32
  }
  func.func @transform_7(%arg0: i32) -> (i32, i32, i32) {
    %c0_i32 = arith.constant 0 : i32
    %c0_i32_0 = arith.constant 0 : i32
    %c0_i32_1 = arith.constant 0 : i32
    %c0_i32_2 = arith.constant 0 : i32
    return %c0_i32, %c0_i32_0, %c0_i32_1 : i32, i32, i32
  }
  func.func @transform_8(%arg0: i32) -> (i32, i32, i32) {
    %c0_i32 = arith.constant 0 : i32
    %c0_i32_0 = arith.constant 0 : i32
    %c0_i32_1 = arith.constant 0 : i32
    %c0_i32_2 = arith.constant 0 : i32
    return %c0_i32, %c0_i32_0, %c0_i32_1 : i32, i32, i32
  }
  func.func @transform_9(%arg0: i32) -> (i32, i32) {
    %c0_i32 = arith.constant 0 : i32
    %c0_i32_0 = arith.constant 0 : i32
    %c0_i32_1 = arith.constant 0 : i32
    return %c0_i32, %c0_i32_0 : i32, i32
  }
  func.func @transform_10(%arg0: i32) -> (i32, i32) {
    %c0_i32 = arith.constant 0 : i32
    %c0_i32_0 = arith.constant 0 : i32
    %c0_i32_1 = arith.constant 0 : i32
    return %c0_i32, %c0_i32_0 : i32, i32
  }
  func.func @transform_11(%arg0: i32) -> (i32, i32) {
    %c0_i32 = arith.constant 0 : i32
    %c0_i32_0 = arith.constant 0 : i32
    return %arg0, %c0_i32 : i32, i32
  }
  func.func @transform_12(%arg0: i32) -> (i32, i32, i32) {
    %c0_i32 = arith.constant 0 : i32
    %c0_i32_0 = arith.constant 0 : i32
    %c0_i32_1 = arith.constant 0 : i32
    return %c0_i32, %arg0, %c0_i32_0 : i32, i32, i32
  }
  func.func @transform_13(%arg0: i32) -> (i32, i32) {
    %c0_i32 = arith.constant 0 : i32
    %c0_i32_0 = arith.constant 0 : i32
    return %arg0, %c0_i32 : i32, i32
  }
}

module attributes {stable_mosaic.version = 14 : i64} {
  func.func @_layer_body(%arg0: i32, %arg1: memref<2x1000x128xf32, #tpu.memory_space<vmem>>, %arg2: memref<2x1000x128xf32, #tpu.memory_space<vmem>>, %arg3: memref<2x1000x128xf32, #tpu.memory_space<vmem>>, %arg4: memref<2x1000x128xf32, #tpu.memory_space<vmem>>, %arg5: memref<2x1000x128xf32, #tpu.memory_space<vmem>>, %arg6: memref<2x1000x128xf32, #tpu.memory_space<vmem>>, %arg7: memref<2x1000x128xf32, #tpu.memory_space<vmem>>, %arg8: memref<3x256x256xf32, #tpu.memory_space<vmem>>, %arg9: memref<3x256x256xf32, #tpu.memory_space<vmem>>, %arg10: memref<768x256xf32, #tpu.memory_space<vmem>>, %arg11: memref<1x256xf32, #tpu.memory_space<vmem>>, %arg12: memref<1000x256xf32, #tpu.memory_space<vmem>>, %arg13: memref<2x1000x128xf32, #tpu.memory_space<vmem>>, %arg14: memref<1000x256xf32, #tpu.memory_space<vmem>>) attributes {dimension_semantics = [#tpu.dimension_semantics<arbitrary>], iteration_bounds = array<i64: 10>, scalar_prefetch = 0 : i64, scratch_operands = 0 : i64, tpu.core_type = #tpu.core_type<tc>, window_params = [{transform_indices = @transform_0, window_bounds = array<i64: 2, 1000, 128>}, {transform_indices = @transform_1, window_bounds = array<i64: 2, 1000, 128>}, {transform_indices = @transform_2, window_bounds = array<i64: 2, 1000, 128>}, {transform_indices = @transform_3, window_bounds = array<i64: 2, 1000, 128>}, {transform_indices = @transform_4, window_bounds = array<i64: 2, 1000, 128>}, {transform_indices = @transform_5, window_bounds = array<i64: 2, 1000, 128>}, {transform_indices = @transform_6, window_bounds = array<i64: 2, 1000, 128>}, {pipeline_mode = #tpu.pipeline_mode<synchronous>, transform_indices = @transform_7, window_bounds = array<i64: 3, 256, 256>}, {pipeline_mode = #tpu.pipeline_mode<synchronous>, transform_indices = @transform_8, window_bounds = array<i64: 3, 256, 256>}, {pipeline_mode = #tpu.pipeline_mode<synchronous>, transform_indices = @transform_9, window_bounds = array<i64: 768, 256>}, {pipeline_mode = #tpu.pipeline_mode<synchronous>, transform_indices = @transform_10, window_bounds = array<i64: 1, 256>}, {transform_indices = @transform_11, window_bounds = array<i64: 1000, 256>}, {transform_indices = @transform_12, window_bounds = array<i64: 2, 1000, 128>}, {transform_indices = @transform_13, window_bounds = array<i64: 1000, 256>}]} {
    %get3A = arith.constant 0 : index
    %get3A_0 = arith.constant 0 : index
    %get3A_1 = arith.constant 0 : index
    %get3A_2 = vector.load %arg1[%get3A, %get3A_0, %get3A_1] : memref<2x1000x128xf32, #tpu.memory_space<vmem>>, vector<1x1000x128xf32>
    %get3A_3 = vector.shape_cast %get3A_2 : vector<1x1000x128xf32> to vector<1000x128xf32>
    %get3A_4 = arith.constant 1 : index
    %get3A_5 = arith.constant 0 : index
    %get3A_6 = arith.constant 0 : index
    %get3A_7 = vector.load %arg1[%get3A_4, %get3A_5, %get3A_6] : memref<2x1000x128xf32, #tpu.memory_space<vmem>>, vector<1x1000x128xf32>
    %get3A_8 = vector.shape_cast %get3A_7 : vector<1x1000x128xf32> to vector<1000x128xf32>
    %concatenate3A = tpu.concatenate %get3A_3, %get3A_8 in 1 : vector<1000x128xf32>, vector<1000x128xf32> -> vector<1000x256xf32>
    %get3A_9 = arith.constant 0 : index
    %get3A_10 = arith.constant 0 : index
    %get3A_11 = vector.load %arg11[%get3A_9, %get3A_10] : memref<1x256xf32, #tpu.memory_space<vmem>>, vector<1x256xf32>
    %get3A_12 = arith.constant 0 : index
    %get3A_13 = arith.constant 0 : index
    %get3A_14 = arith.constant 0 : index
    %get3A_15 = vector.load %arg5[%get3A_12, %get3A_13, %get3A_14] : memref<2x1000x128xf32, #tpu.memory_space<vmem>>, vector<1x1000x1xf32>
    %get3A_16 = vector.shape_cast %get3A_15 : vector<1x1000x1xf32> to vector<1000x1xf32>
    %get3A_17 = arith.constant 1 : index
    %get3A_18 = arith.constant 0 : index
    %get3A_19 = arith.constant 0 : index
    %get3A_20 = vector.load %arg5[%get3A_17, %get3A_18, %get3A_19] : memref<2x1000x128xf32, #tpu.memory_space<vmem>>, vector<1x1000x1xf32>
    %get3A_21 = vector.shape_cast %get3A_20 : vector<1x1000x1xf32> to vector<1000x1xf32>
    %add3A = arith.addf %get3A_16, %get3A_21 : vector<1000x1xf32>
    %max3A = arith.constant 1.000000e+00 : f32
    %max3A_22 = vector.broadcast %max3A : f32 to vector<1000x1xf32>
    %max3A_23 = arith.maximumf %add3A, %max3A_22 : vector<1000x1xf32>
    %div3A = arith.constant 1.000000e+00 : f32
    %div3A_24 = vector.broadcast %div3A : f32 to vector<1000x1xf32>
    %div3A_25 = arith.divf %div3A_24, %max3A_23 : vector<1000x1xf32>
    %get3A_26 = arith.constant 0 : index
    %get3A_27 = arith.constant 0 : index
    %get3A_28 = arith.constant 0 : index
    %get3A_29 = vector.load %arg2[%get3A_26, %get3A_27, %get3A_28] : memref<2x1000x128xf32, #tpu.memory_space<vmem>>, vector<1x1000x128xf32>
    %get3A_30 = vector.shape_cast %get3A_29 : vector<1x1000x128xf32> to vector<1000x128xf32>
    %get3A_31 = arith.constant 1 : index
    %get3A_32 = arith.constant 0 : index
    %get3A_33 = arith.constant 0 : index
    %get3A_34 = vector.load %arg2[%get3A_31, %get3A_32, %get3A_33] : memref<2x1000x128xf32, #tpu.memory_space<vmem>>, vector<1x1000x128xf32>
    %get3A_35 = vector.shape_cast %get3A_34 : vector<1x1000x128xf32> to vector<1000x128xf32>
    %concatenate3A_36 = tpu.concatenate %get3A_30, %get3A_35 in 1 : vector<1000x128xf32>, vector<1000x128xf32> -> vector<1000x256xf32>
    %mul3A = vector.broadcast %div3A_25 : vector<1000x1xf32> to vector<1000x256xf32>
    %mul3A_37 = arith.mulf %concatenate3A_36, %mul3A : vector<1000x256xf32>
    %get3A_38 = arith.constant 0 : index
    %get3A_39 = arith.constant 0 : index
    %get3A_40 = arith.constant 0 : index
    %get3A_41 = vector.load %arg8[%get3A_38, %get3A_39, %get3A_40] : memref<3x256x256xf32, #tpu.memory_space<vmem>>, vector<1x256x256xf32>
    %get3A_42 = vector.shape_cast %get3A_41 : vector<1x256x256xf32> to vector<256x256xf32>
    %dot_general3A = arith.constant dense<0.000000e+00> : vector<1000x256xf32>
    %dot_general3A_43 = tpu.matmul %concatenate3A, %get3A_42, %dot_general3A {dimension_numbers = #tpu.dot_dimension_numbers<[1], [0], [0], [1], [0, 0, 1, 1], [], []>, transpose_lhs_hint = false} : vector<1000x256xf32>, vector<256x256xf32>, vector<1000x256xf32> -> vector<1000x256xf32>
    %get3A_44 = arith.constant 0 : index
    %get3A_45 = arith.constant 0 : index
    %get3A_46 = arith.constant 0 : index
    %get3A_47 = vector.load %arg9[%get3A_44, %get3A_45, %get3A_46] : memref<3x256x256xf32, #tpu.memory_space<vmem>>, vector<1x256x256xf32>
    %get3A_48 = vector.shape_cast %get3A_47 : vector<1x256x256xf32> to vector<256x256xf32>
    %dot_general3A_49 = arith.constant dense<0.000000e+00> : vector<1000x256xf32>
    %dot_general3A_50 = tpu.matmul %mul3A_37, %get3A_48, %dot_general3A_49 {dimension_numbers = #tpu.dot_dimension_numbers<[1], [0], [0], [1], [0, 0, 1, 1], [], []>, transpose_lhs_hint = false} : vector<1000x256xf32>, vector<256x256xf32>, vector<1000x256xf32> -> vector<1000x256xf32>
    %add3A_51 = arith.addf %dot_general3A_43, %dot_general3A_50 : vector<1000x256xf32>
    %max3A_52 = arith.constant 0.000000e+00 : f32
    %max3A_53 = vector.broadcast %max3A_52 : f32 to vector<1000x256xf32>
    %max3A_54 = arith.maximumf %add3A_51, %max3A_53 : vector<1000x256xf32>
    %get3A_55 = arith.constant 0 : index
    %get3A_56 = arith.constant 0 : index
    %get3A_57 = vector.load %arg10[%get3A_55, %get3A_56] : memref<768x256xf32, #tpu.memory_space<vmem>>, vector<256x256xf32>
    %dot_general3A_58 = arith.constant dense<0.000000e+00> : vector<1000x256xf32>
    %dot_general3A_59 = tpu.matmul %max3A_54, %get3A_57, %dot_general3A_58 {dimension_numbers = #tpu.dot_dimension_numbers<[1], [0], [0], [1], [0, 0, 1, 1], [], []>, transpose_lhs_hint = false} : vector<1000x256xf32>, vector<256x256xf32>, vector<1000x256xf32> -> vector<1000x256xf32>
    %add3A_60 = vector.broadcast %get3A_11 : vector<1x256xf32> to vector<1000x256xf32>
    %add3A_61 = arith.addf %add3A_60, %dot_general3A_59 : vector<1000x256xf32>
    %get3A_62 = arith.constant 0 : index
    %get3A_63 = arith.constant 0 : index
    %get3A_64 = arith.constant 0 : index
    %get3A_65 = vector.load %arg6[%get3A_62, %get3A_63, %get3A_64] : memref<2x1000x128xf32, #tpu.memory_space<vmem>>, vector<1x1000x1xf32>
    %get3A_66 = vector.shape_cast %get3A_65 : vector<1x1000x1xf32> to vector<1000x1xf32>
    %get3A_67 = arith.constant 1 : index
    %get3A_68 = arith.constant 0 : index
    %get3A_69 = arith.constant 0 : index
    %get3A_70 = vector.load %arg6[%get3A_67, %get3A_68, %get3A_69] : memref<2x1000x128xf32, #tpu.memory_space<vmem>>, vector<1x1000x1xf32>
    %get3A_71 = vector.shape_cast %get3A_70 : vector<1x1000x1xf32> to vector<1000x1xf32>
    %add3A_72 = arith.addf %get3A_66, %get3A_71 : vector<1000x1xf32>
    %max3A_73 = arith.constant 1.000000e+00 : f32
    %max3A_74 = vector.broadcast %max3A_73 : f32 to vector<1000x1xf32>
    %max3A_75 = arith.maximumf %add3A_72, %max3A_74 : vector<1000x1xf32>
    %div3A_76 = arith.constant 1.000000e+00 : f32
    %div3A_77 = vector.broadcast %div3A_76 : f32 to vector<1000x1xf32>
    %div3A_78 = arith.divf %div3A_77, %max3A_75 : vector<1000x1xf32>
    %get3A_79 = arith.constant 0 : index
    %get3A_80 = arith.constant 0 : index
    %get3A_81 = arith.constant 0 : index
    %get3A_82 = vector.load %arg3[%get3A_79, %get3A_80, %get3A_81] : memref<2x1000x128xf32, #tpu.memory_space<vmem>>, vector<1x1000x128xf32>
    %get3A_83 = vector.shape_cast %get3A_82 : vector<1x1000x128xf32> to vector<1000x128xf32>
    %get3A_84 = arith.constant 1 : index
    %get3A_85 = arith.constant 0 : index
    %get3A_86 = arith.constant 0 : index
    %get3A_87 = vector.load %arg3[%get3A_84, %get3A_85, %get3A_86] : memref<2x1000x128xf32, #tpu.memory_space<vmem>>, vector<1x1000x128xf32>
    %get3A_88 = vector.shape_cast %get3A_87 : vector<1x1000x128xf32> to vector<1000x128xf32>
    %concatenate3A_89 = tpu.concatenate %get3A_83, %get3A_88 in 1 : vector<1000x128xf32>, vector<1000x128xf32> -> vector<1000x256xf32>
    %mul3A_90 = vector.broadcast %div3A_78 : vector<1000x1xf32> to vector<1000x256xf32>
    %mul3A_91 = arith.mulf %concatenate3A_89, %mul3A_90 : vector<1000x256xf32>
    %get3A_92 = arith.constant 1 : index
    %get3A_93 = arith.constant 0 : index
    %get3A_94 = arith.constant 0 : index
    %get3A_95 = vector.load %arg8[%get3A_92, %get3A_93, %get3A_94] : memref<3x256x256xf32, #tpu.memory_space<vmem>>, vector<1x256x256xf32>
    %get3A_96 = vector.shape_cast %get3A_95 : vector<1x256x256xf32> to vector<256x256xf32>
    %dot_general3A_97 = arith.constant dense<0.000000e+00> : vector<1000x256xf32>
    %dot_general3A_98 = tpu.matmul %concatenate3A, %get3A_96, %dot_general3A_97 {dimension_numbers = #tpu.dot_dimension_numbers<[1], [0], [0], [1], [0, 0, 1, 1], [], []>, transpose_lhs_hint = false} : vector<1000x256xf32>, vector<256x256xf32>, vector<1000x256xf32> -> vector<1000x256xf32>
    %get3A_99 = arith.constant 1 : index
    %get3A_100 = arith.constant 0 : index
    %get3A_101 = arith.constant 0 : index
    %get3A_102 = vector.load %arg9[%get3A_99, %get3A_100, %get3A_101] : memref<3x256x256xf32, #tpu.memory_space<vmem>>, vector<1x256x256xf32>
    %get3A_103 = vector.shape_cast %get3A_102 : vector<1x256x256xf32> to vector<256x256xf32>
    %dot_general3A_104 = arith.constant dense<0.000000e+00> : vector<1000x256xf32>
    %dot_general3A_105 = tpu.matmul %mul3A_91, %get3A_103, %dot_general3A_104 {dimension_numbers = #tpu.dot_dimension_numbers<[1], [0], [0], [1], [0, 0, 1, 1], [], []>, transpose_lhs_hint = false} : vector<1000x256xf32>, vector<256x256xf32>, vector<1000x256xf32> -> vector<1000x256xf32>
    %add3A_106 = arith.addf %dot_general3A_98, %dot_general3A_105 : vector<1000x256xf32>
    %max3A_107 = arith.constant 0.000000e+00 : f32
    %max3A_108 = vector.broadcast %max3A_107 : f32 to vector<1000x256xf32>
    %max3A_109 = arith.maximumf %add3A_106, %max3A_108 : vector<1000x256xf32>
    %get3A_110 = arith.constant 256 : index
    %get3A_111 = arith.constant 0 : index
    %get3A_112 = vector.load %arg10[%get3A_110, %get3A_111] : memref<768x256xf32, #tpu.memory_space<vmem>>, vector<256x256xf32>
    %dot_general3A_113 = arith.constant dense<0.000000e+00> : vector<1000x256xf32>
    %dot_general3A_114 = tpu.matmul %max3A_109, %get3A_112, %dot_general3A_113 {dimension_numbers = #tpu.dot_dimension_numbers<[1], [0], [0], [1], [0, 0, 1, 1], [], []>, transpose_lhs_hint = false} : vector<1000x256xf32>, vector<256x256xf32>, vector<1000x256xf32> -> vector<1000x256xf32>
    %add3A_115 = arith.addf %add3A_61, %dot_general3A_114 : vector<1000x256xf32>
    %get3A_116 = arith.constant 0 : index
    %get3A_117 = arith.constant 0 : index
    %get3A_118 = arith.constant 0 : index
    %get3A_119 = vector.load %arg7[%get3A_116, %get3A_117, %get3A_118] : memref<2x1000x128xf32, #tpu.memory_space<vmem>>, vector<1x1000x1xf32>
    %get3A_120 = vector.shape_cast %get3A_119 : vector<1x1000x1xf32> to vector<1000x1xf32>
    %get3A_121 = arith.constant 1 : index
    %get3A_122 = arith.constant 0 : index
    %get3A_123 = arith.constant 0 : index
    %get3A_124 = vector.load %arg7[%get3A_121, %get3A_122, %get3A_123] : memref<2x1000x128xf32, #tpu.memory_space<vmem>>, vector<1x1000x1xf32>
    %get3A_125 = vector.shape_cast %get3A_124 : vector<1x1000x1xf32> to vector<1000x1xf32>
    %add3A_126 = arith.addf %get3A_120, %get3A_125 : vector<1000x1xf32>
    %max3A_127 = arith.constant 1.000000e+00 : f32
    %max3A_128 = vector.broadcast %max3A_127 : f32 to vector<1000x1xf32>
    %max3A_129 = arith.maximumf %add3A_126, %max3A_128 : vector<1000x1xf32>
    %div3A_130 = arith.constant 1.000000e+00 : f32
    %div3A_131 = vector.broadcast %div3A_130 : f32 to vector<1000x1xf32>
    %div3A_132 = arith.divf %div3A_131, %max3A_129 : vector<1000x1xf32>
    %get3A_133 = arith.constant 0 : index
    %get3A_134 = arith.constant 0 : index
    %get3A_135 = arith.constant 0 : index
    %get3A_136 = vector.load %arg4[%get3A_133, %get3A_134, %get3A_135] : memref<2x1000x128xf32, #tpu.memory_space<vmem>>, vector<1x1000x128xf32>
    %get3A_137 = vector.shape_cast %get3A_136 : vector<1x1000x128xf32> to vector<1000x128xf32>
    %get3A_138 = arith.constant 1 : index
    %get3A_139 = arith.constant 0 : index
    %get3A_140 = arith.constant 0 : index
    %get3A_141 = vector.load %arg4[%get3A_138, %get3A_139, %get3A_140] : memref<2x1000x128xf32, #tpu.memory_space<vmem>>, vector<1x1000x128xf32>
    %get3A_142 = vector.shape_cast %get3A_141 : vector<1x1000x128xf32> to vector<1000x128xf32>
    %concatenate3A_143 = tpu.concatenate %get3A_137, %get3A_142 in 1 : vector<1000x128xf32>, vector<1000x128xf32> -> vector<1000x256xf32>
    %mul3A_144 = vector.broadcast %div3A_132 : vector<1000x1xf32> to vector<1000x256xf32>
    %mul3A_145 = arith.mulf %concatenate3A_143, %mul3A_144 : vector<1000x256xf32>
    %get3A_146 = arith.constant 2 : index
    %get3A_147 = arith.constant 0 : index
    %get3A_148 = arith.constant 0 : index
    %get3A_149 = vector.load %arg8[%get3A_146, %get3A_147, %get3A_148] : memref<3x256x256xf32, #tpu.memory_space<vmem>>, vector<1x256x256xf32>
    %get3A_150 = vector.shape_cast %get3A_149 : vector<1x256x256xf32> to vector<256x256xf32>
    %dot_general3A_151 = arith.constant dense<0.000000e+00> : vector<1000x256xf32>
    %dot_general3A_152 = tpu.matmul %concatenate3A, %get3A_150, %dot_general3A_151 {dimension_numbers = #tpu.dot_dimension_numbers<[1], [0], [0], [1], [0, 0, 1, 1], [], []>, transpose_lhs_hint = false} : vector<1000x256xf32>, vector<256x256xf32>, vector<1000x256xf32> -> vector<1000x256xf32>
    %get3A_153 = arith.constant 2 : index
    %get3A_154 = arith.constant 0 : index
    %get3A_155 = arith.constant 0 : index
    %get3A_156 = vector.load %arg9[%get3A_153, %get3A_154, %get3A_155] : memref<3x256x256xf32, #tpu.memory_space<vmem>>, vector<1x256x256xf32>
    %get3A_157 = vector.shape_cast %get3A_156 : vector<1x256x256xf32> to vector<256x256xf32>
    %dot_general3A_158 = arith.constant dense<0.000000e+00> : vector<1000x256xf32>
    %dot_general3A_159 = tpu.matmul %mul3A_145, %get3A_157, %dot_general3A_158 {dimension_numbers = #tpu.dot_dimension_numbers<[1], [0], [0], [1], [0, 0, 1, 1], [], []>, transpose_lhs_hint = false} : vector<1000x256xf32>, vector<256x256xf32>, vector<1000x256xf32> -> vector<1000x256xf32>
    %add3A_160 = arith.addf %dot_general3A_152, %dot_general3A_159 : vector<1000x256xf32>
    %max3A_161 = arith.constant 0.000000e+00 : f32
    %max3A_162 = vector.broadcast %max3A_161 : f32 to vector<1000x256xf32>
    %max3A_163 = arith.maximumf %add3A_160, %max3A_162 : vector<1000x256xf32>
    %get3A_164 = arith.constant 512 : index
    %get3A_165 = arith.constant 0 : index
    %get3A_166 = vector.load %arg10[%get3A_164, %get3A_165] : memref<768x256xf32, #tpu.memory_space<vmem>>, vector<256x256xf32>
    %dot_general3A_167 = arith.constant dense<0.000000e+00> : vector<1000x256xf32>
    %dot_general3A_168 = tpu.matmul %max3A_163, %get3A_166, %dot_general3A_167 {dimension_numbers = #tpu.dot_dimension_numbers<[1], [0], [0], [1], [0, 0, 1, 1], [], []>, transpose_lhs_hint = false} : vector<1000x256xf32>, vector<256x256xf32>, vector<1000x256xf32> -> vector<1000x256xf32>
    %add3A_169 = arith.addf %add3A_115, %dot_general3A_168 : vector<1000x256xf32>
    %max3A_170 = arith.constant 0.000000e+00 : f32
    %max3A_171 = vector.broadcast %max3A_170 : f32 to vector<1000x256xf32>
    %max3A_172 = arith.maximumf %add3A_169, %max3A_171 : vector<1000x256xf32>
    %slice3A = vector.extract_strided_slice %max3A_172 {offsets = [0, 0], sizes = [1000, 128], strides = [1, 1]} : vector<1000x256xf32> to vector<1000x128xf32>
    %swap3A = arith.constant 0 : index
    %swap3A_173 = arith.constant 0 : index
    %swap3A_174 = arith.constant 0 : index
    %swap3A_175 = vector.load %arg13[%swap3A, %swap3A_173, %swap3A_174] : memref<2x1000x128xf32, #tpu.memory_space<vmem>>, vector<1x1000x128xf32>
    %swap3A_176 = vector.shape_cast %swap3A_175 : vector<1x1000x128xf32> to vector<1000x128xf32>
    %swap3A_177 = vector.shape_cast %slice3A : vector<1000x128xf32> to vector<1x1000x128xf32>
    tpu.vector_store %arg13[%swap3A, %swap3A_173, %swap3A_174], %swap3A_177 {strides = array<i32>} : memref<2x1000x128xf32, #tpu.memory_space<vmem>>, vector<1x1000x128xf32>,
    %slice3A_178 = vector.extract_strided_slice %max3A_172 {offsets = [0, 128], sizes = [1000, 128], strides = [1, 1]} : vector<1000x256xf32> to vector<1000x128xf32>
    %swap3A_179 = arith.constant 1 : index
    %swap3A_180 = arith.constant 0 : index
    %swap3A_181 = arith.constant 0 : index
    %swap3A_182 = vector.load %arg13[%swap3A_179, %swap3A_180, %swap3A_181] : memref<2x1000x128xf32, #tpu.memory_space<vmem>>, vector<1x1000x128xf32>
    %swap3A_183 = vector.shape_cast %swap3A_182 : vector<1x1000x128xf32> to vector<1000x128xf32>
    %swap3A_184 = vector.shape_cast %slice3A_178 : vector<1000x128xf32> to vector<1x1000x128xf32>
    tpu.vector_store %arg13[%swap3A_179, %swap3A_180, %swap3A_181], %swap3A_184 {strides = array<i32>} : memref<2x1000x128xf32, #tpu.memory_space<vmem>>, vector<1x1000x128xf32>,
    %get3A_185 = arith.constant 0 : index
    %get3A_186 = arith.constant 0 : index
    %get3A_187 = vector.load %arg12[%get3A_185, %get3A_186] : memref<1000x256xf32, #tpu.memory_space<vmem>>, vector<1000x256xf32>
    %max3A_188 = arith.maximumf %get3A_187, %max3A_172 : vector<1000x256xf32>
    %swap3A_189 = arith.constant 0 : index
    %swap3A_190 = arith.constant 0 : index
    %swap3A_191 = vector.load %arg14[%swap3A_189, %swap3A_190] : memref<1000x256xf32, #tpu.memory_space<vmem>>, vector<1000x256xf32>
    tpu.vector_store %arg14[%swap3A_189, %swap3A_190], %max3A_188 {strides = array<i32>} : memref<1000x256xf32, #tpu.memory_space<vmem>>, vector<1000x256xf32>,
    return
  }
  func.func @transform_0(%arg0: i32) -> (i32, i32, i32) {
    %c0_i32 = arith.constant 0 : i32
    %c0_i32_0 = arith.constant 0 : i32
    %c0_i32_1 = arith.constant 0 : i32
    return %c0_i32, %arg0, %c0_i32_0 : i32, i32, i32
  }
  func.func @transform_1(%arg0: i32) -> (i32, i32, i32) {
    %c0_i32 = arith.constant 0 : i32
    %c0_i32_0 = arith.constant 0 : i32
    %c0_i32_1 = arith.constant 0 : i32
    return %c0_i32, %arg0, %c0_i32_0 : i32, i32, i32
  }
  func.func @transform_2(%arg0: i32) -> (i32, i32, i32) {
    %c0_i32 = arith.constant 0 : i32
    %c0_i32_0 = arith.constant 0 : i32
    %c0_i32_1 = arith.constant 0 : i32
    return %c0_i32, %arg0, %c0_i32_0 : i32, i32, i32
  }
  func.func @transform_3(%arg0: i32) -> (i32, i32, i32) {
    %c0_i32 = arith.constant 0 : i32
    %c0_i32_0 = arith.constant 0 : i32
    %c0_i32_1 = arith.constant 0 : i32
    return %c0_i32, %arg0, %c0_i32_0 : i32, i32, i32
  }
  func.func @transform_4(%arg0: i32) -> (i32, i32, i32) {
    %c0_i32 = arith.constant 0 : i32
    %c0_i32_0 = arith.constant 0 : i32
    %c0_i32_1 = arith.constant 0 : i32
    return %c0_i32, %arg0, %c0_i32_0 : i32, i32, i32
  }
  func.func @transform_5(%arg0: i32) -> (i32, i32, i32) {
    %c0_i32 = arith.constant 0 : i32
    %c0_i32_0 = arith.constant 0 : i32
    %c0_i32_1 = arith.constant 0 : i32
    return %c0_i32, %arg0, %c0_i32_0 : i32, i32, i32
  }
  func.func @transform_6(%arg0: i32) -> (i32, i32, i32) {
    %c0_i32 = arith.constant 0 : i32
    %c0_i32_0 = arith.constant 0 : i32
    %c0_i32_1 = arith.constant 0 : i32
    return %c0_i32, %arg0, %c0_i32_0 : i32, i32, i32
  }
  func.func @transform_7(%arg0: i32) -> (i32, i32, i32) {
    %c0_i32 = arith.constant 0 : i32
    %c0_i32_0 = arith.constant 0 : i32
    %c0_i32_1 = arith.constant 0 : i32
    %c0_i32_2 = arith.constant 0 : i32
    return %c0_i32, %c0_i32_0, %c0_i32_1 : i32, i32, i32
  }
  func.func @transform_8(%arg0: i32) -> (i32, i32, i32) {
    %c0_i32 = arith.constant 0 : i32
    %c0_i32_0 = arith.constant 0 : i32
    %c0_i32_1 = arith.constant 0 : i32
    %c0_i32_2 = arith.constant 0 : i32
    return %c0_i32, %c0_i32_0, %c0_i32_1 : i32, i32, i32
  }
  func.func @transform_9(%arg0: i32) -> (i32, i32) {
    %c0_i32 = arith.constant 0 : i32
    %c0_i32_0 = arith.constant 0 : i32
    %c0_i32_1 = arith.constant 0 : i32
    return %c0_i32, %c0_i32_0 : i32, i32
  }
  func.func @transform_10(%arg0: i32) -> (i32, i32) {
    %c0_i32 = arith.constant 0 : i32
    %c0_i32_0 = arith.constant 0 : i32
    %c0_i32_1 = arith.constant 0 : i32
    return %c0_i32, %c0_i32_0 : i32, i32
  }
  func.func @transform_11(%arg0: i32) -> (i32, i32) {
    %c0_i32 = arith.constant 0 : i32
    %c0_i32_0 = arith.constant 0 : i32
    return %arg0, %c0_i32 : i32, i32
  }
  func.func @transform_12(%arg0: i32) -> (i32, i32, i32) {
    %c0_i32 = arith.constant 0 : i32
    %c0_i32_0 = arith.constant 0 : i32
    %c0_i32_1 = arith.constant 0 : i32
    return %c0_i32, %arg0, %c0_i32_0 : i32, i32, i32
  }
  func.func @transform_13(%arg0: i32) -> (i32, i32) {
    %c0_i32 = arith.constant 0 : i32
    %c0_i32_0 = arith.constant 0 : i32
    return %arg0, %c0_i32 : i32, i32
  }
}

module attributes {stable_mosaic.version = 14 : i64} {
  func.func @_cls_body(%arg0: i32, %arg1: memref<1000x256xf32, #tpu.memory_space<vmem>>, %arg2: memref<256x256xf32, #tpu.memory_space<vmem>>, %arg3: memref<1x256xf32, #tpu.memory_space<vmem>>, %arg4: memref<256x128xf32, #tpu.memory_space<vmem>>, %arg5: memref<1x128xf32, #tpu.memory_space<vmem>>, %arg6: memref<1000x128xf32, #tpu.memory_space<vmem>>) attributes {dimension_semantics = [#tpu.dimension_semantics<arbitrary>], iteration_bounds = array<i64: 10>, scalar_prefetch = 0 : i64, scratch_operands = 0 : i64, tpu.core_type = #tpu.core_type<tc>, window_params = [{transform_indices = @transform_0, window_bounds = array<i64: 1000, 256>}, {pipeline_mode = #tpu.pipeline_mode<synchronous>, transform_indices = @transform_1, window_bounds = array<i64: 256, 256>}, {pipeline_mode = #tpu.pipeline_mode<synchronous>, transform_indices = @transform_2, window_bounds = array<i64: 1, 256>}, {pipeline_mode = #tpu.pipeline_mode<synchronous>, transform_indices = @transform_3, window_bounds = array<i64: 256, 128>}, {pipeline_mode = #tpu.pipeline_mode<synchronous>, transform_indices = @transform_4, window_bounds = array<i64: 1, 128>}, {transform_indices = @transform_5, window_bounds = array<i64: 1000, 128>}]} {
    %get3A = arith.constant 0 : index
    %get3A_0 = arith.constant 0 : index
    %get3A_1 = vector.load %arg1[%get3A, %get3A_0] : memref<1000x256xf32, #tpu.memory_space<vmem>>, vector<1000x256xf32>
    %get3A_2 = arith.constant 0 : index
    %get3A_3 = arith.constant 0 : index
    %get3A_4 = vector.load %arg2[%get3A_2, %get3A_3] : memref<256x256xf32, #tpu.memory_space<vmem>>, vector<256x256xf32>
    %dot_general3A = arith.constant dense<0.000000e+00> : vector<1000x256xf32>
    %dot_general3A_5 = tpu.matmul %get3A_1, %get3A_4, %dot_general3A {dimension_numbers = #tpu.dot_dimension_numbers<[1], [0], [0], [1], [0, 0, 1, 1], [], []>, transpose_lhs_hint = false} : vector<1000x256xf32>, vector<256x256xf32>, vector<1000x256xf32> -> vector<1000x256xf32>
    %get3A_6 = arith.constant 0 : index
    %get3A_7 = arith.constant 0 : index
    %get3A_8 = vector.load %arg3[%get3A_6, %get3A_7] : memref<1x256xf32, #tpu.memory_space<vmem>>, vector<1x256xf32>
    %add3A = vector.broadcast %get3A_8 : vector<1x256xf32> to vector<1000x256xf32>
    %add3A_9 = arith.addf %dot_general3A_5, %add3A : vector<1000x256xf32>
    %max3A = arith.constant 0.000000e+00 : f32
    %max3A_10 = vector.broadcast %max3A : f32 to vector<1000x256xf32>
    %max3A_11 = arith.maximumf %add3A_9, %max3A_10 : vector<1000x256xf32>
    %get3A_12 = arith.constant 0 : index
    %get3A_13 = arith.constant 0 : index
    %get3A_14 = vector.load %arg4[%get3A_12, %get3A_13] : memref<256x128xf32, #tpu.memory_space<vmem>>, vector<256x128xf32>
    %dot_general3A_15 = arith.constant dense<0.000000e+00> : vector<1000x128xf32>
    %dot_general3A_16 = tpu.matmul %max3A_11, %get3A_14, %dot_general3A_15 {dimension_numbers = #tpu.dot_dimension_numbers<[1], [0], [0], [1], [0, 0, 1, 1], [], []>, transpose_lhs_hint = false} : vector<1000x256xf32>, vector<256x128xf32>, vector<1000x128xf32> -> vector<1000x128xf32>
    %get3A_17 = arith.constant 0 : index
    %get3A_18 = arith.constant 0 : index
    %get3A_19 = vector.load %arg5[%get3A_17, %get3A_18] : memref<1x128xf32, #tpu.memory_space<vmem>>, vector<1x128xf32>
    %add3A_20 = vector.broadcast %get3A_19 : vector<1x128xf32> to vector<1000x128xf32>
    %add3A_21 = arith.addf %dot_general3A_16, %add3A_20 : vector<1000x128xf32>
    %swap3A = arith.constant 0 : index
    %swap3A_22 = arith.constant 0 : index
    %swap3A_23 = vector.load %arg6[%swap3A, %swap3A_22] : memref<1000x128xf32, #tpu.memory_space<vmem>>, vector<1000x128xf32>
    tpu.vector_store %arg6[%swap3A, %swap3A_22], %add3A_21 {strides = array<i32>} : memref<1000x128xf32, #tpu.memory_space<vmem>>, vector<1000x128xf32>,
    return
  }
  func.func @transform_0(%arg0: i32) -> (i32, i32) {
    %c0_i32 = arith.constant 0 : i32
    %c0_i32_0 = arith.constant 0 : i32
    return %arg0, %c0_i32 : i32, i32
  }
  func.func @transform_1(%arg0: i32) -> (i32, i32) {
    %c0_i32 = arith.constant 0 : i32
    %c0_i32_0 = arith.constant 0 : i32
    %c0_i32_1 = arith.constant 0 : i32
    return %c0_i32, %c0_i32_0 : i32, i32
  }
  func.func @transform_2(%arg0: i32) -> (i32, i32) {
    %c0_i32 = arith.constant 0 : i32
    %c0_i32_0 = arith.constant 0 : i32
    %c0_i32_1 = arith.constant 0 : i32
    return %c0_i32, %c0_i32_0 : i32, i32
  }
  func.func @transform_3(%arg0: i32) -> (i32, i32) {
    %c0_i32 = arith.constant 0 : i32
    %c0_i32_0 = arith.constant 0 : i32
    %c0_i32_1 = arith.constant 0 : i32
    return %c0_i32, %c0_i32_0 : i32, i32
  }
  func.func @transform_4(%arg0: i32) -> (i32, i32) {
    %c0_i32 = arith.constant 0 : i32
    %c0_i32_0 = arith.constant 0 : i32
    %c0_i32_1 = arith.constant 0 : i32
    return %c0_i32, %c0_i32_0 : i32, i32
  }
  func.func @transform_5(%arg0: i32) -> (i32, i32) {
    %c0_i32 = arith.constant 0 : i32
    %c0_i32_0 = arith.constant 0 : i32
    return %arg0, %c0_i32 : i32, i32
  }
}

</mosaic_0001>

<sc_bundles>
// kernel: kernel.19.cloned.1.call-start
scs
__scs_entry_jumppad:
0x0: {  	(pc) =	sbr.rel $0x88, $3  }
0x1: {  	(tag) =	ssettag $0x0;
	lr =	simm.s32 $0x1  }
0x2: {  	[smem:$0x3F95] =	sst lr;
	_ =	strace $0xD0000000  }
0x3: {  	_ = 	snop  }
0x4: {  	_ = 	snop  }
0x5: {  	_ = 	snop  }
0x6: {  	_ = 	snop  }
0x7: {  	_ = 	snop  }
__scs_overlays_trampoline_lowered:
0x8: {  	[smem:$0x3FA4] =	sst s0  }
0x9: {  	[smem:$0x3FA5] =	sst s1  }
0xa: {  	[smem:$0x3FA6] =	sst s2  }
0xb: {  	[smem:$0x3FA7] =	sst s3  }
0xc: {  	[smem:$0x3FA8] =	sst s4  }
0xd: {  	[smem:$0x3FA9] =	sst s5  }
0xe: {  	[smem:$0x3FAA] =	sst s6  }
0xf: {  	[smem:$0x3FAB] =	sst s7  }
0x10: {  	[smem:$0x3FAC] =	sst s8  }
0x11: {  	[smem:$0x3FAD] =	sst s9;
	s0 =	simm.s32 @!p0 $0x0  }
0x12: {  	s1 =	sld [smem:$0x3F93];
	s0 =	simm.s32 @p0 $0x1  }
0x13: {  	[smem:$0x3FAE] =	sst s0;
	s0 =	simm.s32 @!p1 $0x0  }
0x14: {  	s2 =	sld [smem:$0x3F92];
	s0 =	simm.s32 @p1 $0x1  }
0x15: {  	[smem:$0x3FAF] =	sst s0;
	s0 =	simm.s32 @!p2 $0x0  }
0x16: {  	s3 =	sld [smem:$0x3FDB];
	s0 =	simm.s32 @p2 $0x1  }
0x17: {  	s4 =	simm.s32 $0x1BF5;
	[smem:$0x3FB1] =	sst s0  }
0x18: {  	s0 =	sld [smem:$0x3F94];
	_ =	swait.ge [sflag:s4], $0x0  }
0x19: {  	s7 =	sld [smem:$0x3F95]  }
0x1a: {  	s8 =	sadd.s32 $0xFFFFE003, lr  }
0x1b: {  	s9 =	sadd.s32 $0xFFFFFEF7, lr;
	s5 =	simm.s32 $0xFFFFFFFF;
	p2 =	slt.u32 s8, $0xFFFFF086  }
0x1c: {  	p1 =	slt.u32 s9, $0xF7A;
	s5 =	simm.s32 @!p2 $0x0  }
0x1d: {  	s5 =	simm.s32 @p1 $0x1;
	p0 =	seq.s32 s7, s2  }
0x1e: {  	s7 =	smul.u32 @!p0 $0xF7A, s2;
	p2 =	seq.s32 @!p0 s5, $0x0  }
0x1f: {  	s9 =	smul.u32 $0xF7A, s1;
	s8 =	simm.s32 @!p0 $0x1BF5;
	p2 =	por !p2, p0  }
0x20: {  	[sflag:s8] =	ssyncset.s32 @!p0 $0xFFFFF086;
	s6 =	sadd.s32 @!p0 s3, s7;
	s7 =	simm.s32 @!p0 $0x108  }
0x21: {  	s3 =	sadd.s32 s3, s9;
	s6 =	sadd.s32 @!p0 $0x88, s6;
	s7 =	simm.s32 @p2 $0x1082  }
0x22: {  	[simem:s7], [sflag:s8] =	dma.local @!p0 [hbm:s6], $0xF7A  }
0x23: {  	s9 =	sor.u32 $0xD0000000, s2;
	s6 =	simm.s32 $0x108;
	_ =	swait.ge @!p0 [sflag:s8], $0x0  }
0x24: {  	s3 =	sadd.s32 $0x88, s3;
	s6 =	simm.s32 @!p1 $0x1082;
	[sflag:s4] =	ssyncset.s32 $0xFFFFF086  }
0x25: {  	[simem:s6], [sflag:s4] =	dma.local [hbm:s3], $0xF7A  }
0x26: {  	[smem:$0x3F95] =	sst s1;
	(tag) =	ssettag s2;
	_ =	strace s9  }
0x27: {  	s1 =	sld [smem:$0x3FA5]  }
0x28: {  	s2 =	sld [smem:$0x3FA6]  }
0x29: {  	s4 =	sld [smem:$0x3FA8]  }
0x2a: {  	p0 =	seq.s32 s5, $0x0;
	s5 =	sld [smem:$0x3FA9]  }
0x2b: {  	s6 =	sld [smem:$0x3FAA]  }
0x2c: {  	s7 =	sld [smem:$0x3FAB]  }
0x2d: {  	s3 =	simm.s32 $0x108;
	s8 =	sld [smem:$0x3FAC]  }
0x2e: {  	s3 =	simm.s32 @!p0 $0x1082;
	s9 =	sld [smem:$0x3FAD]  }
0x2f: {  	lr =	sadd.s32 s0, s3;
	s0 =	sld [smem:$0x3FA4]  }
0x30: {  	s3 =	sld [smem:$0x3FA7]  }
0x31: {  	[smem:$0x3FB0] =	sst s10  }
0x32: {  	s10 =	sld [smem:$0x3FAE];
	_ =	sdelay $0x3  }
0x33: {  	p0 =	seq.s32 s10, $0x1;
	s10 =	sld [smem:$0x3FB0];
	_ =	sdelay $0x3  }
0x34: {  	[smem:$0x3FB0] =	sst s10  }
0x35: {  	s10 =	sld [smem:$0x3FAF];
	_ =	sdelay $0x3  }
0x36: {  	p1 =	seq.s32 s10, $0x1;
	s10 =	sld [smem:$0x3FB0];
	_ =	sdelay $0x3  }
0x37: {  	[smem:$0x3FB0] =	sst s10  }
0x38: {  	s10 =	sld [smem:$0x3FB1]  }
0x39: {  	_ = 	snop;
	(pc) =	sbr.ind lr, $3  }
0x3a: {  	_ = 	snop  }
0x3b: {  	_ = 	snop  }
0x3c: {  	p2 =	seq.s32 s10, $0x1;
	s10 =	sld [smem:$0x3FB0]  }
0x3d: {  	_ =	shalt  }
0x3e: {  	_ =	shalt  }
0x3f: {  	_ =	shalt  }
0x40: {  	_ =	shalt  }
0x41: {  	_ =	shalt  }
0x42: {  	_ =	shalt  }
0x43: {  	_ =	shalt  }
0x44: {  	_ =	shalt  }
0x45: {  	_ =	shalt  }
0x46: {  	_ =	shalt  }
0x47: {  	_ =	shalt  }
0x48: {  	_ =	shalt  }
0x49: {  	_ =	shalt  }
0x4a: {  	_ =	shalt  }
0x4b: {  	_ =	shalt  }
0x4c: {  	_ =	shalt  }
0x4d: {  	_ =	shalt  }
0x4e: {  	_ =	shalt  }
0x4f: {  	_ =	shalt  }
0x50: {  	_ =	shalt  }
0x51: {  	_ =	shalt  }
0x52: {  	_ =	shalt  }
0x53: {  	_ =	shalt  }
0x54: {  	_ =	shalt  }
0x55: {  	_ =	shalt  }
0x56: {  	_ =	shalt  }
0x57: {  	_ =	shalt  }
0x58: {  	_ =	shalt  }
0x59: {  	_ =	shalt  }
0x5a: {  	_ =	shalt  }
0x5b: {  	_ =	shalt  }
0x5c: {  	_ =	shalt  }
0x5d: {  	_ =	shalt  }
0x5e: {  	_ =	shalt  }
0x5f: {  	_ =	shalt  }
0x60: {  	_ =	shalt  }
0x61: {  	_ =	shalt  }
0x62: {  	_ =	shalt  }
0x63: {  	_ =	shalt  }
0x64: {  	_ =	shalt  }
0x65: {  	_ =	shalt  }
0x66: {  	_ =	shalt  }
0x67: {  	_ =	shalt  }
0x68: {  	_ =	shalt  }
0x69: {  	_ =	shalt  }
0x6a: {  	_ =	shalt  }
0x6b: {  	_ =	shalt  }
0x6c: {  	_ =	shalt  }
0x6d: {  	_ =	shalt  }
0x6e: {  	_ =	shalt  }
0x6f: {  	_ =	shalt  }
0x70: {  	_ =	shalt  }
0x71: {  	_ =	shalt  }
0x72: {  	_ =	shalt  }
0x73: {  	_ =	shalt  }
0x74: {  	_ =	shalt  }
0x75: {  	_ =	shalt  }
0x76: {  	_ =	shalt  }
0x77: {  	_ =	shalt  }
0x78: {  	_ =	shalt  }
0x79: {  	_ =	shalt  }
0x7a: {  	_ =	shalt  }
0x7b: {  	_ =	shalt  }
0x7c: {  	_ =	shalt  }
0x7d: {  	_ =	shalt  }
0x7e: {  	_ =	shalt  }
0x7f: {  	_ =	shalt  }
0x80: {  	_ =	shalt  }
0x81: {  	_ =	shalt  }
0x82: {  	_ =	shalt  }
0x83: {  	_ =	shalt  }
0x84: {  	_ =	shalt  }
0x85: {  	_ =	shalt  }
0x86: {  	_ =	shalt  }
0x87: {  	_ =	shalt  }
.Lfunc_end0:
.L_simem_size_0:
called_computation_lowered:
.L_overlay_start_0:
0x88: {  	s2 =	sld [smem:$0x3FD9]  }
0x89: {  	s3 =	sld [smem:$0x3FFE];
	_ =	sdelay $0x1  }
0x8a: {  	s1 =	srdreg.scid  }
0x8b: {  	s0 =	sand.u32 $0x1, s1  }
0x8c: {  	s17 =	sshll.u32 s0, $0xA;
	s2 =	sadd.s32 s3, s2  }
0x8d: {  	s2 =	sadd.s32 s2, s17  }
0x8e: {  	[smem:$0x3FBC] =	sst s2  }
0x8f: {  	_ = 	snop  }
0x90: {  	(tm) =	ssettm $0x1  }
0x91: {  	s18 =	sld [smem:$0x3FFB];
	_ =	sdelay $0x3  }
0x92: {  	_ =	strace s18  }
0x93: {  	s2 =	sld [smem:$0x3FFC];
	_ =	sdelay $0x3  }
0x94: {  	_ =	strace s2  }
0x95: {  	s2 =	sld [smem:$0x3FFD];
	_ =	sdelay $0x3  }
0x96: {  	_ =	strace s2  }
0x97: {  	_ =	strace $0x8FFFFFFF  }
0x98: {  	s19 =	sld [smem:$0x3FDB];
	_ =	sdelay $0x1  }
0x99: {  	s20 =	simm.s32 $_scs_section_size  }
0x9a: {  	s4 =	simm.s32 $_size__tile_overlayer_lowered;
	s5 =	simm.s32 $_tile_overlayer_lowered  }
0x9b: {  	s6 =	simm.s32 $0x1BFF;
	s21 =	sshll.u32 s5, $0x1;
	s3 =	sadd.s32 s20, s19  }
0x9c: {  	s22 =	simm.s32 $0x0;
	s4 =	sshll.u32 s4, $0x1;
	s5 =	sadd.s32 s21, s3  }
0x9d: {  	[timem:s22], [sflag:s6] =	dma.local [hbm:s5], s4  }
0x9e: {  	_ =	swait.ge [sflag:s6], s4  }
0x9f: {  	s4 =	ssub.s32 $0x0, s4;
	[sflag:s6] =	ssyncset.done $0x0  }
0xa0: {  	[sflag:s6] =	ssyncadd.s32 s4;
	_ =	sdelay $0x1  }
0xa1: {  	s23 =	simm.s32 $0x1B8B  }
0xa2: {  	_ =	swait.ge [sflag:s23], $0x1  }
0xa3: {  	[sflag:s23] =	ssyncset.done $0x0  }
0xa4: {  	[sflag:s23] =	ssyncadd.s32 $0xFFFFFFFF  }
0xa5: {  	s4 =	sld [smem:$0x0]  }
0xa6: {  	s5 =	sand.u32 $0xFFFFFFFE, s1  }
0xa7: {  	p0 =	sne.s32 s1, s5  }
0xa8: {  	s5 =	sshll.u32 @p0 s5, $0xE  }
0xa9: {  	s5 =	sadd.s32 @p0 $0x11B8D, s5;
	s6 =	sshll.u32 @p0 s4, $0x11  }
0xaa: {  	s5 =	sor.u32 @p0 s6, s5  }
0xab: {  	[sflag:s5] =	ssyncadd.remote.s32 @p0 $0x1;
	_ =	sdelay $0x1  }
0xac: {  	s5 =	simm.s32 @p0 $0x1B8D  }
0xad: {  	_ =	swait.eq @p0 [sflag:s5], $0x1  }
0xae: {  	[sflag:s5] =	ssyncadd.s32 @p0 $0xFFFFFFFF  }
0xaf: {  	s6 =	sshll.u32 @!p0 s1, $0xE  }
0xb0: {  	s6 =	sor.u32 @!p0 $0x4000, s6;
	s5 =	simm.s32 @!p0 $0x1B8D  }
0xb1: {  	s4 =	sshll.u32 @!p0 s4, $0x11;
	s6 =	sadd.s32 @!p0 $0x11B8D, s6;
	_ =	swait.eq @!p0 [sflag:s5], $0x1  }
0xb2: {  	s4 =	sor.u32 @!p0 s4, s6;
	[sflag:s5] =	ssyncadd.s32 @!p0 $0xFFFFFFFF  }
0xb3: {  	s25 =	simm.s32 $0x1B8E;
	s24 =	sld [smem:$0x3FFE];
	[sflag:s4] =	ssyncadd.remote.s32 @!p0 $0x1  }
0xb4: {  	s26 =	simm.s32 $execute0_lowered;
	[smem:$0x3FD2] =	sst s25  }
0xb5: {  	s5 =	sshll.u32 s26, $0x1;
	_ =	strace $0x8000004C;
	[dreg:$0x1] =	wrdreg $0xFFFFFFFF  }
0xb6: {  	s28 =	simm.s32 $_size_execute0_lowered;
	s3 =	sadd.s32 s3, s5;
	[dreg:$0x0] =	wrdreg $0x0  }
0xb7: {  	s5 =	sshll.u32 s28, $0x1;
	[dreg:$0x2] =	wrdreg s3  }
0xb8: {  	[dreg:$0x3] =	wrdreg s5  }
0xb9: {  	[dreg:$0x4] =	wrdreg $0xC0  }
0xba: {  	_ =	task [dreg:s22], $0x5FFFF  }
0xbb: {  	[dreg:$0x1] =	wrdreg $0xFFFFFFFF  }
0xbc: {  	[dreg:$0x0] =	wrdreg $0x60  }
0xbd: {  	[dreg:$0x2] =	wrdreg s24  }
0xbe: {  	[dreg:$0x3] =	wrdreg $0x68000  }
0xbf: {  	[dreg:$0x4] =	wrdreg $0x9  }
0xc0: {  	_ =	task.clear_ibuf [dreg:s22], $0x5FFFF;
	_ =	strace $0x9000004C  }
0xc1: {  	s29 =	simm.s32 $0x9;
	_ =	strace $0x8000004E  }
0xc2: {  	_ =	swait.ge [sflag:s29], $0x1  }
0xc3: {  	[sflag:s29] =	ssyncadd.s32 $0xFFFFFFFF  }
0xc4: {  	_ =	strace $0x9000004E  }
0xc5: {  	_ =	sfence  }
0xc6: {  	s30 =	sld [smem:$0x0];
	_ =	sdelay $0x2  }
0xc7: {  	s31 =	sshll.u32 s1, $0xD;
	s1 =	sshrl.u32 s1, $0x2  }
0xc8: {  	s4 =	sand.u32 $0x4000, s31;
	s1 =	sadd.s32 s1, s30  }
0xc9: {  	s0 =	sor.u32 s4, s0;
	s1 =	sshll.u32 s1, $0x11  }
0xca: {  	s0 =	sor.u32 s1, s0  }
0xcb: {  	s0 =	sadd.s32 $0x8F2B, s0  }
0xcc: {  	[sflag:s0] =	ssyncadd.remote.s32 $0x1  }
0xcd: {  	_ =	sfence.sel $0xFFFF  }
0xce: {  	[dreg:$0x0] =	wrdreg $0xFFFFFFFF;
	(pc) =	sbr.abs _section_cstart, $3  }
0xcf: {  	[dreg:$0x1] =	wrdreg $0xFFFFFFFF  }
0xd0: {  	_ =	task.clear_ibuf [dreg:s22], $0x2FFFF;
	_ =	strace $0x9FFFFFFF  }
0xd1: {  	(tm) =	ssettm $0x7FFFFFFF  }
tec
execute0_lowered:
.L_overlay_start_1:
0x0: {  	(tag) =	ssettag $0x1  }
0x1: {  	s7 =	rddreg [dreg:$0x0]  }
0x2: {  	s0 =	srdreg.scid;
	s2 =	rddreg [dreg:$0x1]  }
0x3: {  	s3 =	simm.s32 $0x0;
	s13 =	simm.s32 $0x80;
	s6 =	sand.u32 $0x1, s0  }
0x4: {  	s14 =	simm.s32 $0x0;
	s0 =	stileid.u32;
	s5 =	smul.u32 $0x13C000, s6  }
0x5: {  	[smem:$0x7FF] =	sst s3;
	s1 =	sshll.u32 s6, $0x4;
	s8 =	smul.u32 $0x13C00, s0  }
0x6: {  	s10 =	smul.u32 $0x4F000, s0;
	s6 =	ssub.s32 $0x2, s6;
	s11 =	sshll.u32 s0, $0x6  }
0x7: {  	s1 =	sor.u32 s0, s1;
	s31 =	sshrl.u32 s6, $0x1;
	s11 =	sor.u32 $0x1C01, s11  }
0x8: {  	s4 =	smul.u32 $0x500, s1;
	s1 =	rddreg [dreg:$0x2];
	_ =	strace $0x8000004D  }
0x9: {  	s8 =	sadd.s32 s8, s5;
	s5 =	sadd.s32 $0x1C400, s7;
	s10 =	sshrl.u32 s10, $0x2  }
0xa: {  	s8 =	sshrl.u32 s8, $0x3;
	s12 =	sadd.s32 s10, s2;
	s10 =	simm.s32 $0x1  }
0xb: {  	s9 =	sadd.s32 s4, s7;
	s4 =	sadd.s32 $0x1BC00, s7;
	s7 =	sadd.s32 s8, s7  }
0xc: {  	s8 =	ssub.s32 s6, s31;
	s12 =	sshrl.u32 s12, $0x3;
	s6 =	sadd.s32 $0xBCC00, s9  }
0xd: {  	s7 =	sadd.s32 $0xC6C00, s7;
	s8 =	smax.u32 s8, $0x1;
	s9 =	simm.s32 $0x2800  }
.LBB2_1:
0xe: {  	[tilespmem:s9], [sflag:$0x1] =	stream.linear.gather [hbm4b:s4+s3], $0x4000, $0x38;
	[tilespmem:$0x1A400] =	vst v63  }
0xf: {  	_ =	swait.ge [sflag:s10], $0x4000  }
0x10: {  	[sflag:s10] =	ssyncset.done $0x0  }
0x11: {  	[sflag:s10] =	ssyncadd.s32 $0xFFFFC000  }
0x12: {  	[spmem:s12], [sflag:s11] =	dma.local [hbm:s5], $0x2780  }
0x13: {  	_ =	swait.ge [sflag:s10], $0x2780  }
0x14: {  	[sflag:s10] =	ssyncset.done $0x0  }
0x15: {  	[sflag:s10] =	ssyncadd.s32 $0xFFFFD880  }
0x16: {  	[bflag:$0x0] =	sbarrier.arrive $0xFFFF  }
0x17: {  	[tilespmem:s3], [sflag:$0x1] =	stream.linear.gather [hbm4b:s6+s3], $0x2800, $0x38;
	[tilespmem:$0x1A400] =	vst v63  }
0x18: {  	_ =	swait.ge [sflag:s10], $0x2800  }
0x19: {  	[sflag:s10] =	ssyncset.done $0x0  }
0x1a: {  	s15 =	simm.s32 $0x0;
	[sflag:s10] =	ssyncadd.s32 $0xFFFFD800  }
0x1b: {  	[spmem:s2] =	stream.indirect.scatter.add.f32 [tilespmem:s9], [sflag:$0x1], $0x80, s15, s13, $0xb8;
	[tilespmem:$0x1A400] =	vst v63  }
0x1c: {  	_ =	swait.ge [sflag:s10], $0x4000  }
0x1d: {  	s15 =	simm.s32 $0x200;
	[sflag:s10] =	ssyncset.done $0x0  }
.LBB2_2:
0x1e: {  	s16 =	sshra.s32 s15, $0x2;
	[sflag:s10] =	ssyncadd.s32 $0xFFFFC000;
	p0 =	sne.s32 s15, $0x9E00  }
0x1f: {  	[spmem:s2] =	stream.indirect.scatter.add.f32 [tilespmem:s9], [sflag:$0x1], $0x80, s16, s13, $0xb8;
	[tilespmem:$0x1A400] =	vst v63  }
.Ltmp0:
0x20: {  	_ = 	snop;
	(pc) =	sbr.rel @p0 .LBB2_2-.Ltmp0, $4  }
0x21: {  	_ = 	snop  }
0x22: {  	s15 =	sadd.s32 $0x200, s15  }
0x23: {  	_ =	swait.ge [sflag:s10], $0x4000  }
0x24: {  	[sflag:s10] =	ssyncset.done $0x0  }
0x25: {  	s14 =	sadd.s32 $0x1, s14  }
0x26: {  	[sflag:s10] =	ssyncadd.s32 $0xFFFFC000;
	p0 =	sne.s32 s14, s8  }
.Ltmp1:
0x27: {  	[bflag:$0x0] =	sbarrier.arrive $0xFFFF;
	(pc) =	sbr.rel @p0 .LBB2_1-.Ltmp1, $4  }
0x28: {  	[hbm:s7], [sflag:s11] =	dma.local [spmem:s12], $0x2780  }
0x29: {  	_ =	swait.ge [sflag:s10], $0x2780  }
0x2a: {  	[sflag:s10] =	ssyncset.done $0x0  }
0x2b: {  	[sflag:s10] =	ssyncadd.s32 $0xFFFFD880  }
0x2c: {  	_ =	sfence.sel $0x180000  }
0x2d: {  	[bflag:$0x0] =	sbarrier.arrive $0xFFFF  }
0x2e: {  	p0 =	sne.s32 s0, $0x0;
	_ =	strace $0x9000004D  }
0x2f: {  	s0 =	sadd.s32 @!p0 $0x100000, s1;
	[bflag:$0x2] =	sbarrier.arrive $0xFFFF  }
0x30: {  	[sflag:s0] =	ssyncadd.tile.s32 @!p0 $0x1;
	_ =	shalt  }
.Lfunc_end2:
_tile_overlayer_lowered:
.L_overlay_start_2:
0x31: {  	(tag) =	ssettag $0x2  }
0x32: {  	s0 =	rddreg [dreg:$0x0];
	s2 =	stileid.u32  }
0x33: {  	s1 =	rddreg [dreg:$0x1];
	p0 =	sne.s32 s2, $0x0  }
0x34: {  	s3 =	rddreg [dreg:$0x2];
	[bflag:$0x3] =	sbarrier.arrive $0xFFFF;
	s2 =	simm.s32 @!p0 $0x1C01  }
0x35: {  	[timem:s3], [sflag:s2] =	dma.local @!p0 [hbm:s0], s1  }
0x36: {  	s0 =	simm.s32 @!p0 $0x1  }
0x37: {  	_ =	swait.ge @!p0 [sflag:s0], s1  }
0x38: {  	s1 =	ssub.s32 @!p0 $0x0, s1;
	[sflag:s0] =	ssyncset.done @!p0 $0x0  }
0x39: {  	[sflag:s0] =	ssyncadd.s32 @!p0 s1  }
0x3a: {  	[bflag:$0x3] =	sbarrier.arrive $0xFFFF  }
0x3b: {  	_ =	shalt  }

// kernel: kernel.22.cloned.1.call-start
scs
__scs_entry_jumppad:
0x0: {  	(pc) =	sbr.rel $0x88, $3  }
0x1: {  	(tag) =	ssettag $0x0;
	lr =	simm.s32 $0x1  }
0x2: {  	[smem:$0x3F95] =	sst lr;
	_ =	strace $0xD0000000  }
0x3: {  	_ = 	snop  }
0x4: {  	_ = 	snop  }
0x5: {  	_ = 	snop  }
0x6: {  	_ = 	snop  }
0x7: {  	_ = 	snop  }
__scs_overlays_trampoline_lowered:
0x8: {  	[smem:$0x3FA4] =	sst s0  }
0x9: {  	[smem:$0x3FA5] =	sst s1  }
0xa: {  	[smem:$0x3FA6] =	sst s2  }
0xb: {  	[smem:$0x3FA7] =	sst s3  }
0xc: {  	[smem:$0x3FA8] =	sst s4  }
0xd: {  	[smem:$0x3FA9] =	sst s5  }
0xe: {  	[smem:$0x3FAA] =	sst s6  }
0xf: {  	[smem:$0x3FAB] =	sst s7  }
0x10: {  	[smem:$0x3FAC] =	sst s8  }
0x11: {  	[smem:$0x3FAD] =	sst s9;
	s0 =	simm.s32 @!p0 $0x0  }
0x12: {  	s1 =	sld [smem:$0x3F93];
	s0 =	simm.s32 @p0 $0x1  }
0x13: {  	[smem:$0x3FAE] =	sst s0;
	s0 =	simm.s32 @!p1 $0x0  }
0x14: {  	s2 =	sld [smem:$0x3F92];
	s0 =	simm.s32 @p1 $0x1  }
0x15: {  	[smem:$0x3FAF] =	sst s0;
	s0 =	simm.s32 @!p2 $0x0  }
0x16: {  	s3 =	sld [smem:$0x3FDB];
	s0 =	simm.s32 @p2 $0x1  }
0x17: {  	s4 =	simm.s32 $0x1BF5;
	[smem:$0x3FB1] =	sst s0  }
0x18: {  	s0 =	sld [smem:$0x3F94];
	_ =	swait.ge [sflag:s4], $0x0  }
0x19: {  	s7 =	sld [smem:$0x3F95]  }
0x1a: {  	s8 =	sadd.s32 $0xFFFFE003, lr  }
0x1b: {  	s9 =	sadd.s32 $0xFFFFFEF7, lr;
	s5 =	simm.s32 $0xFFFFFFFF;
	p2 =	slt.u32 s8, $0xFFFFF086  }
0x1c: {  	p1 =	slt.u32 s9, $0xF7A;
	s5 =	simm.s32 @!p2 $0x0  }
0x1d: {  	s5 =	simm.s32 @p1 $0x1;
	p0 =	seq.s32 s7, s2  }
0x1e: {  	s7 =	smul.u32 @!p0 $0xF7A, s2;
	p2 =	seq.s32 @!p0 s5, $0x0  }
0x1f: {  	s9 =	smul.u32 $0xF7A, s1;
	s8 =	simm.s32 @!p0 $0x1BF5;
	p2 =	por !p2, p0  }
0x20: {  	[sflag:s8] =	ssyncset.s32 @!p0 $0xFFFFF086;
	s6 =	sadd.s32 @!p0 s3, s7;
	s7 =	simm.s32 @!p0 $0x108  }
0x21: {  	s3 =	sadd.s32 s3, s9;
	s6 =	sadd.s32 @!p0 $0x88, s6;
	s7 =	simm.s32 @p2 $0x1082  }
0x22: {  	[simem:s7], [sflag:s8] =	dma.local @!p0 [hbm:s6], $0xF7A  }
0x23: {  	s9 =	sor.u32 $0xD0000000, s2;
	s6 =	simm.s32 $0x108;
	_ =	swait.ge @!p0 [sflag:s8], $0x0  }
0x24: {  	s3 =	sadd.s32 $0x88, s3;
	s6 =	simm.s32 @!p1 $0x1082;
	[sflag:s4] =	ssyncset.s32 $0xFFFFF086  }
0x25: {  	[simem:s6], [sflag:s4] =	dma.local [hbm:s3], $0xF7A  }
0x26: {  	[smem:$0x3F95] =	sst s1;
	(tag) =	ssettag s2;
	_ =	strace s9  }
0x27: {  	s1 =	sld [smem:$0x3FA5]  }
0x28: {  	s2 =	sld [smem:$0x3FA6]  }
0x29: {  	s4 =	sld [smem:$0x3FA8]  }
0x2a: {  	p0 =	seq.s32 s5, $0x0;
	s5 =	sld [smem:$0x3FA9]  }
0x2b: {  	s6 =	sld [smem:$0x3FAA]  }
0x2c: {  	s7 =	sld [smem:$0x3FAB]  }
0x2d: {  	s3 =	simm.s32 $0x108;
	s8 =	sld [smem:$0x3FAC]  }
0x2e: {  	s3 =	simm.s32 @!p0 $0x1082;
	s9 =	sld [smem:$0x3FAD]  }
0x2f: {  	lr =	sadd.s32 s0, s3;
	s0 =	sld [smem:$0x3FA4]  }
0x30: {  	s3 =	sld [smem:$0x3FA7]  }
0x31: {  	[smem:$0x3FB0] =	sst s10  }
0x32: {  	s10 =	sld [smem:$0x3FAE];
	_ =	sdelay $0x3  }
0x33: {  	p0 =	seq.s32 s10, $0x1;
	s10 =	sld [smem:$0x3FB0];
	_ =	sdelay $0x3  }
0x34: {  	[smem:$0x3FB0] =	sst s10  }
0x35: {  	s10 =	sld [smem:$0x3FAF];
	_ =	sdelay $0x3  }
0x36: {  	p1 =	seq.s32 s10, $0x1;
	s10 =	sld [smem:$0x3FB0];
	_ =	sdelay $0x3  }
0x37: {  	[smem:$0x3FB0] =	sst s10  }
0x38: {  	s10 =	sld [smem:$0x3FB1]  }
0x39: {  	_ = 	snop;
	(pc) =	sbr.ind lr, $3  }
0x3a: {  	_ = 	snop  }
0x3b: {  	_ = 	snop  }
0x3c: {  	p2 =	seq.s32 s10, $0x1;
	s10 =	sld [smem:$0x3FB0]  }
0x3d: {  	_ =	shalt  }
0x3e: {  	_ =	shalt  }
0x3f: {  	_ =	shalt  }
0x40: {  	_ =	shalt  }
0x41: {  	_ =	shalt  }
0x42: {  	_ =	shalt  }
0x43: {  	_ =	shalt  }
0x44: {  	_ =	shalt  }
0x45: {  	_ =	shalt  }
0x46: {  	_ =	shalt  }
0x47: {  	_ =	shalt  }
0x48: {  	_ =	shalt  }
0x49: {  	_ =	shalt  }
0x4a: {  	_ =	shalt  }
0x4b: {  	_ =	shalt  }
0x4c: {  	_ =	shalt  }
0x4d: {  	_ =	shalt  }
0x4e: {  	_ =	shalt  }
0x4f: {  	_ =	shalt  }
0x50: {  	_ =	shalt  }
0x51: {  	_ =	shalt  }
0x52: {  	_ =	shalt  }
0x53: {  	_ =	shalt  }
0x54: {  	_ =	shalt  }
0x55: {  	_ =	shalt  }
0x56: {  	_ =	shalt  }
0x57: {  	_ =	shalt  }
0x58: {  	_ =	shalt  }
0x59: {  	_ =	shalt  }
0x5a: {  	_ =	shalt  }
0x5b: {  	_ =	shalt  }
0x5c: {  	_ =	shalt  }
0x5d: {  	_ =	shalt  }
0x5e: {  	_ =	shalt  }
0x5f: {  	_ =	shalt  }
0x60: {  	_ =	shalt  }
0x61: {  	_ =	shalt  }
0x62: {  	_ =	shalt  }
0x63: {  	_ =	shalt  }
0x64: {  	_ =	shalt  }
0x65: {  	_ =	shalt  }
0x66: {  	_ =	shalt  }
0x67: {  	_ =	shalt  }
0x68: {  	_ =	shalt  }
0x69: {  	_ =	shalt  }
0x6a: {  	_ =	shalt  }
0x6b: {  	_ =	shalt  }
0x6c: {  	_ =	shalt  }
0x6d: {  	_ =	shalt  }
0x6e: {  	_ =	shalt  }
0x6f: {  	_ =	shalt  }
0x70: {  	_ =	shalt  }
0x71: {  	_ =	shalt  }
0x72: {  	_ =	shalt  }
0x73: {  	_ =	shalt  }
0x74: {  	_ =	shalt  }
0x75: {  	_ =	shalt  }
0x76: {  	_ =	shalt  }
0x77: {  	_ =	shalt  }
0x78: {  	_ =	shalt  }
0x79: {  	_ =	shalt  }
0x7a: {  	_ =	shalt  }
0x7b: {  	_ =	shalt  }
0x7c: {  	_ =	shalt  }
0x7d: {  	_ =	shalt  }
0x7e: {  	_ =	shalt  }
0x7f: {  	_ =	shalt  }
0x80: {  	_ =	shalt  }
0x81: {  	_ =	shalt  }
0x82: {  	_ =	shalt  }
0x83: {  	_ =	shalt  }
0x84: {  	_ =	shalt  }
0x85: {  	_ =	shalt  }
0x86: {  	_ =	shalt  }
0x87: {  	_ =	shalt  }
.Lfunc_end0:
.L_simem_size_0:
called_computation.1_lowered:
.L_overlay_start_0:
0x88: {  	s2 =	sld [smem:$0x3FD9]  }
0x89: {  	s3 =	sld [smem:$0x3FFE];
	_ =	sdelay $0x1  }
0x8a: {  	s1 =	srdreg.scid  }
0x8b: {  	s0 =	sand.u32 $0x1, s1  }
0x8c: {  	s17 =	sshll.u32 s0, $0xA;
	s2 =	sadd.s32 s3, s2  }
0x8d: {  	s2 =	sadd.s32 s2, s17  }
0x8e: {  	[smem:$0x3FBC] =	sst s2  }
0x8f: {  	_ = 	snop  }
0x90: {  	(tm) =	ssettm $0x1  }
0x91: {  	s18 =	sld [smem:$0x3FFB];
	_ =	sdelay $0x3  }
0x92: {  	_ =	strace s18  }
0x93: {  	s2 =	sld [smem:$0x3FFC];
	_ =	sdelay $0x3  }
0x94: {  	_ =	strace s2  }
0x95: {  	s2 =	sld [smem:$0x3FFD];
	_ =	sdelay $0x3  }
0x96: {  	_ =	strace s2  }
0x97: {  	_ =	strace $0x8FFFFFFF  }
0x98: {  	s19 =	sld [smem:$0x3FDB];
	_ =	sdelay $0x1  }
0x99: {  	s20 =	simm.s32 $_scs_section_size  }
0x9a: {  	s4 =	simm.s32 $_size__tile_overlayer_lowered;
	s5 =	simm.s32 $_tile_overlayer_lowered  }
0x9b: {  	s6 =	simm.s32 $0x1BFF;
	s21 =	sshll.u32 s5, $0x1;
	s3 =	sadd.s32 s20, s19  }
0x9c: {  	s22 =	simm.s32 $0x0;
	s4 =	sshll.u32 s4, $0x1;
	s5 =	sadd.s32 s21, s3  }
0x9d: {  	[timem:s22], [sflag:s6] =	dma.local [hbm:s5], s4  }
0x9e: {  	_ =	swait.ge [sflag:s6], s4  }
0x9f: {  	s4 =	ssub.s32 $0x0, s4;
	[sflag:s6] =	ssyncset.done $0x0  }
0xa0: {  	[sflag:s6] =	ssyncadd.s32 s4;
	_ =	sdelay $0x1  }
0xa1: {  	s23 =	simm.s32 $0x1B8B  }
0xa2: {  	_ =	swait.ge [sflag:s23], $0x1  }
0xa3: {  	[sflag:s23] =	ssyncset.done $0x0  }
0xa4: {  	[sflag:s23] =	ssyncadd.s32 $0xFFFFFFFF  }
0xa5: {  	s4 =	sld [smem:$0x0]  }
0xa6: {  	s5 =	sand.u32 $0xFFFFFFFE, s1  }
0xa7: {  	p0 =	sne.s32 s1, s5  }
0xa8: {  	s5 =	sshll.u32 @p0 s5, $0xE  }
0xa9: {  	s5 =	sadd.s32 @p0 $0x11B8D, s5;
	s6 =	sshll.u32 @p0 s4, $0x11  }
0xaa: {  	s5 =	sor.u32 @p0 s6, s5  }
0xab: {  	[sflag:s5] =	ssyncadd.remote.s32 @p0 $0x1;
	_ =	sdelay $0x1  }
0xac: {  	s5 =	simm.s32 @p0 $0x1B8D  }
0xad: {  	_ =	swait.eq @p0 [sflag:s5], $0x1  }
0xae: {  	[sflag:s5] =	ssyncadd.s32 @p0 $0xFFFFFFFF  }
0xaf: {  	s6 =	sshll.u32 @!p0 s1, $0xE  }
0xb0: {  	s6 =	sor.u32 @!p0 $0x4000, s6;
	s5 =	simm.s32 @!p0 $0x1B8D  }
0xb1: {  	s4 =	sshll.u32 @!p0 s4, $0x11;
	s6 =	sadd.s32 @!p0 $0x11B8D, s6;
	_ =	swait.eq @!p0 [sflag:s5], $0x1  }
0xb2: {  	s4 =	sor.u32 @!p0 s4, s6;
	[sflag:s5] =	ssyncadd.s32 @!p0 $0xFFFFFFFF  }
0xb3: {  	s25 =	simm.s32 $0x1B8E;
	s24 =	sld [smem:$0x3FFE];
	[sflag:s4] =	ssyncadd.remote.s32 @!p0 $0x1  }
0xb4: {  	s26 =	simm.s32 $execute0_lowered;
	[smem:$0x3FD2] =	sst s25  }
0xb5: {  	s5 =	sshll.u32 s26, $0x1;
	_ =	strace $0x80000049;
	[dreg:$0x1] =	wrdreg $0xFFFFFFFF  }
0xb6: {  	s28 =	simm.s32 $_size_execute0_lowered;
	s3 =	sadd.s32 s3, s5;
	[dreg:$0x0] =	wrdreg $0x0  }
0xb7: {  	s5 =	sshll.u32 s28, $0x1;
	[dreg:$0x2] =	wrdreg s3  }
0xb8: {  	[dreg:$0x3] =	wrdreg s5  }
0xb9: {  	[dreg:$0x4] =	wrdreg $0xC0  }
0xba: {  	_ =	task [dreg:s22], $0x5FFFF  }
0xbb: {  	[dreg:$0x1] =	wrdreg $0xFFFFFFFF  }
0xbc: {  	[dreg:$0x0] =	wrdreg $0x60  }
0xbd: {  	[dreg:$0x2] =	wrdreg s24  }
0xbe: {  	[dreg:$0x3] =	wrdreg $0x68000  }
0xbf: {  	[dreg:$0x4] =	wrdreg $0xA  }
0xc0: {  	_ =	task.clear_ibuf [dreg:s22], $0x5FFFF;
	_ =	strace $0x90000049  }
0xc1: {  	s29 =	simm.s32 $0xA;
	_ =	strace $0x8000004B  }
0xc2: {  	_ =	swait.ge [sflag:s29], $0x1  }
0xc3: {  	[sflag:s29] =	ssyncadd.s32 $0xFFFFFFFF  }
0xc4: {  	_ =	strace $0x9000004B  }
0xc5: {  	_ =	sfence  }
0xc6: {  	s30 =	sld [smem:$0x0];
	_ =	sdelay $0x2  }
0xc7: {  	s31 =	sshll.u32 s1, $0xD;
	s1 =	sshrl.u32 s1, $0x2  }
0xc8: {  	s4 =	sand.u32 $0x4000, s31;
	s1 =	sadd.s32 s1, s30  }
0xc9: {  	s0 =	sor.u32 s4, s0;
	s1 =	sshll.u32 s1, $0x11  }
0xca: {  	s0 =	sor.u32 s1, s0  }
0xcb: {  	s0 =	sadd.s32 $0x8F2B, s0  }
0xcc: {  	[sflag:s0] =	ssyncadd.remote.s32 $0x1  }
0xcd: {  	_ =	sfence.sel $0xFFFF  }
0xce: {  	[dreg:$0x0] =	wrdreg $0xFFFFFFFF;
	(pc) =	sbr.abs _section_cstart, $3  }
0xcf: {  	[dreg:$0x1] =	wrdreg $0xFFFFFFFF  }
0xd0: {  	_ =	task.clear_ibuf [dreg:s22], $0x2FFFF;
	_ =	strace $0x9FFFFFFF  }
0xd1: {  	(tm) =	ssettm $0x7FFFFFFF  }
tec
execute0_lowered:
.L_overlay_start_1:
0x0: {  	(tag) =	ssettag $0x1  }
0x1: {  	s7 =	rddreg [dreg:$0x0]  }
0x2: {  	s0 =	srdreg.scid;
	s2 =	rddreg [dreg:$0x1]  }
0x3: {  	s3 =	simm.s32 $0x0;
	s13 =	simm.s32 $0x80;
	s6 =	sand.u32 $0x1, s0  }
0x4: {  	s14 =	simm.s32 $0x0;
	s0 =	stileid.u32;
	s5 =	smul.u32 $0x13C000, s6  }
0x5: {  	[smem:$0x7FF] =	sst s3;
	s1 =	sshll.u32 s6, $0x4;
	s8 =	smul.u32 $0x13C00, s0  }
0x6: {  	s10 =	smul.u32 $0x4F000, s0;
	s6 =	ssub.s32 $0x2, s6;
	s11 =	sshll.u32 s0, $0x6  }
0x7: {  	s1 =	sor.u32 s0, s1;
	s31 =	sshrl.u32 s6, $0x1;
	s11 =	sor.u32 $0x1C01, s11  }
0x8: {  	s4 =	smul.u32 $0x500, s1;
	s1 =	rddreg [dreg:$0x2];
	_ =	strace $0x8000004A  }
0x9: {  	s8 =	sadd.s32 s8, s5;
	s5 =	sadd.s32 $0x1C400, s7;
	s10 =	sshrl.u32 s10, $0x2  }
0xa: {  	s8 =	sshrl.u32 s8, $0x3;
	s12 =	sadd.s32 s10, s2;
	s10 =	simm.s32 $0x1  }
0xb: {  	s9 =	sadd.s32 s4, s7;
	s4 =	sadd.s32 $0x1BC00, s7;
	s7 =	sadd.s32 s8, s7  }
0xc: {  	s8 =	ssub.s32 s6, s31;
	s12 =	sshrl.u32 s12, $0x3;
	s6 =	sadd.s32 $0x11C00, s9  }
0xd: {  	s7 =	sadd.s32 $0x6DC00, s7;
	s8 =	smax.u32 s8, $0x1;
	s9 =	simm.s32 $0x2800  }
.LBB2_1:
0xe: {  	[tilespmem:s9], [sflag:$0x1] =	stream.linear.gather [hbm4b:s4+s3], $0x4000, $0x38;
	[tilespmem:$0x1A400] =	vst v63  }
0xf: {  	_ =	swait.ge [sflag:s10], $0x4000  }
0x10: {  	[sflag:s10] =	ssyncset.done $0x0  }
0x11: {  	[sflag:s10] =	ssyncadd.s32 $0xFFFFC000  }
0x12: {  	[spmem:s12], [sflag:s11] =	dma.local [hbm:s5], $0x2780  }
0x13: {  	_ =	swait.ge [sflag:s10], $0x2780  }
0x14: {  	[sflag:s10] =	ssyncset.done $0x0  }
0x15: {  	[sflag:s10] =	ssyncadd.s32 $0xFFFFD880  }
0x16: {  	[bflag:$0x0] =	sbarrier.arrive $0xFFFF  }
0x17: {  	[tilespmem:s3], [sflag:$0x1] =	stream.linear.gather [hbm4b:s6+s3], $0x2800, $0x38;
	[tilespmem:$0x1A400] =	vst v63  }
0x18: {  	_ =	swait.ge [sflag:s10], $0x2800  }
0x19: {  	[sflag:s10] =	ssyncset.done $0x0  }
0x1a: {  	s15 =	simm.s32 $0x0;
	[sflag:s10] =	ssyncadd.s32 $0xFFFFD800  }
0x1b: {  	[spmem:s2] =	stream.indirect.scatter.add.f32 [tilespmem:s9], [sflag:$0x1], $0x80, s15, s13, $0xb8;
	[tilespmem:$0x1A400] =	vst v63  }
0x1c: {  	_ =	swait.ge [sflag:s10], $0x4000  }
0x1d: {  	s15 =	simm.s32 $0x200;
	[sflag:s10] =	ssyncset.done $0x0  }
.LBB2_2:
0x1e: {  	s16 =	sshra.s32 s15, $0x2;
	[sflag:s10] =	ssyncadd.s32 $0xFFFFC000;
	p0 =	sne.s32 s15, $0x9E00  }
0x1f: {  	[spmem:s2] =	stream.indirect.scatter.add.f32 [tilespmem:s9], [sflag:$0x1], $0x80, s16, s13, $0xb8;
	[tilespmem:$0x1A400] =	vst v63  }
.Ltmp0:
0x20: {  	_ = 	snop;
	(pc) =	sbr.rel @p0 .LBB2_2-.Ltmp0, $4  }
0x21: {  	_ = 	snop  }
0x22: {  	s15 =	sadd.s32 $0x200, s15  }
0x23: {  	_ =	swait.ge [sflag:s10], $0x4000  }
0x24: {  	[sflag:s10] =	ssyncset.done $0x0  }
0x25: {  	s14 =	sadd.s32 $0x1, s14  }
0x26: {  	[sflag:s10] =	ssyncadd.s32 $0xFFFFC000;
	p0 =	sne.s32 s14, s8  }
.Ltmp1:
0x27: {  	[bflag:$0x0] =	sbarrier.arrive $0xFFFF;
	(pc) =	sbr.rel @p0 .LBB2_1-.Ltmp1, $4  }
0x28: {  	[hbm:s7], [sflag:s11] =	dma.local [spmem:s12], $0x2780  }
0x29: {  	_ =	swait.ge [sflag:s10], $0x2780  }
0x2a: {  	[sflag:s10] =	ssyncset.done $0x0  }
0x2b: {  	[sflag:s10] =	ssyncadd.s32 $0xFFFFD880  }
0x2c: {  	_ =	sfence.sel $0x180000  }
0x2d: {  	[bflag:$0x0] =	sbarrier.arrive $0xFFFF  }
0x2e: {  	p0 =	sne.s32 s0, $0x0;
	_ =	strace $0x9000004A  }
0x2f: {  	s0 =	sadd.s32 @!p0 $0x100000, s1;
	[bflag:$0x2] =	sbarrier.arrive $0xFFFF  }
0x30: {  	[sflag:s0] =	ssyncadd.tile.s32 @!p0 $0x1;
	_ =	shalt  }
.Lfunc_end2:
_tile_overlayer_lowered:
.L_overlay_start_2:
0x31: {  	(tag) =	ssettag $0x2  }
0x32: {  	s0 =	rddreg [dreg:$0x0];
	s2 =	stileid.u32  }
0x33: {  	s1 =	rddreg [dreg:$0x1];
	p0 =	sne.s32 s2, $0x0  }
0x34: {  	s3 =	rddreg [dreg:$0x2];
	[bflag:$0x3] =	sbarrier.arrive $0xFFFF;
	s2 =	simm.s32 @!p0 $0x1C01  }
0x35: {  	[timem:s3], [sflag:s2] =	dma.local @!p0 [hbm:s0], s1  }
0x36: {  	s0 =	simm.s32 @!p0 $0x1  }
0x37: {  	_ =	swait.ge @!p0 [sflag:s0], s1  }
0x38: {  	s1 =	ssub.s32 @!p0 $0x0, s1;
	[sflag:s0] =	ssyncset.done @!p0 $0x0  }
0x39: {  	[sflag:s0] =	ssyncadd.s32 @!p0 s1  }
0x3a: {  	[bflag:$0x3] =	sbarrier.arrive $0xFFFF  }
0x3b: {  	_ =	shalt  }

// kernel: kernel.25.cloned.1.call-start
scs
__scs_entry_jumppad:
0x0: {  	(pc) =	sbr.rel $0x88, $3  }
0x1: {  	(tag) =	ssettag $0x0;
	lr =	simm.s32 $0x1  }
0x2: {  	[smem:$0x3F95] =	sst lr;
	_ =	strace $0xD0000000  }
0x3: {  	_ = 	snop  }
0x4: {  	_ = 	snop  }
0x5: {  	_ = 	snop  }
0x6: {  	_ = 	snop  }
0x7: {  	_ = 	snop  }
__scs_overlays_trampoline_lowered:
0x8: {  	[smem:$0x3FA4] =	sst s0  }
0x9: {  	[smem:$0x3FA5] =	sst s1  }
0xa: {  	[smem:$0x3FA6] =	sst s2  }
0xb: {  	[smem:$0x3FA7] =	sst s3  }
0xc: {  	[smem:$0x3FA8] =	sst s4  }
0xd: {  	[smem:$0x3FA9] =	sst s5  }
0xe: {  	[smem:$0x3FAA] =	sst s6  }
0xf: {  	[smem:$0x3FAB] =	sst s7  }
0x10: {  	[smem:$0x3FAC] =	sst s8  }
0x11: {  	[smem:$0x3FAD] =	sst s9;
	s0 =	simm.s32 @!p0 $0x0  }
0x12: {  	s1 =	sld [smem:$0x3F93];
	s0 =	simm.s32 @p0 $0x1  }
0x13: {  	[smem:$0x3FAE] =	sst s0;
	s0 =	simm.s32 @!p1 $0x0  }
0x14: {  	s2 =	sld [smem:$0x3F92];
	s0 =	simm.s32 @p1 $0x1  }
0x15: {  	[smem:$0x3FAF] =	sst s0;
	s0 =	simm.s32 @!p2 $0x0  }
0x16: {  	s3 =	sld [smem:$0x3FDB];
	s0 =	simm.s32 @p2 $0x1  }
0x17: {  	s4 =	simm.s32 $0x1BF5;
	[smem:$0x3FB1] =	sst s0  }
0x18: {  	s0 =	sld [smem:$0x3F94];
	_ =	swait.ge [sflag:s4], $0x0  }
0x19: {  	s7 =	sld [smem:$0x3F95]  }
0x1a: {  	s8 =	sadd.s32 $0xFFFFE003, lr  }
0x1b: {  	s9 =	sadd.s32 $0xFFFFFEF7, lr;
	s5 =	simm.s32 $0xFFFFFFFF;
	p2 =	slt.u32 s8, $0xFFFFF086  }
0x1c: {  	p1 =	slt.u32 s9, $0xF7A;
	s5 =	simm.s32 @!p2 $0x0  }
0x1d: {  	s5 =	simm.s32 @p1 $0x1;
	p0 =	seq.s32 s7, s2  }
0x1e: {  	s7 =	smul.u32 @!p0 $0xF7A, s2;
	p2 =	seq.s32 @!p0 s5, $0x0  }
0x1f: {  	s9 =	smul.u32 $0xF7A, s1;
	s8 =	simm.s32 @!p0 $0x1BF5;
	p2 =	por !p2, p0  }
0x20: {  	[sflag:s8] =	ssyncset.s32 @!p0 $0xFFFFF086;
	s6 =	sadd.s32 @!p0 s3, s7;
	s7 =	simm.s32 @!p0 $0x108  }
0x21: {  	s3 =	sadd.s32 s3, s9;
	s6 =	sadd.s32 @!p0 $0x88, s6;
	s7 =	simm.s32 @p2 $0x1082  }
0x22: {  	[simem:s7], [sflag:s8] =	dma.local @!p0 [hbm:s6], $0xF7A  }
0x23: {  	s9 =	sor.u32 $0xD0000000, s2;
	s6 =	simm.s32 $0x108;
	_ =	swait.ge @!p0 [sflag:s8], $0x0  }
0x24: {  	s3 =	sadd.s32 $0x88, s3;
	s6 =	simm.s32 @!p1 $0x1082;
	[sflag:s4] =	ssyncset.s32 $0xFFFFF086  }
0x25: {  	[simem:s6], [sflag:s4] =	dma.local [hbm:s3], $0xF7A  }
0x26: {  	[smem:$0x3F95] =	sst s1;
	(tag) =	ssettag s2;
	_ =	strace s9  }
0x27: {  	s1 =	sld [smem:$0x3FA5]  }
0x28: {  	s2 =	sld [smem:$0x3FA6]  }
0x29: {  	s4 =	sld [smem:$0x3FA8]  }
0x2a: {  	p0 =	seq.s32 s5, $0x0;
	s5 =	sld [smem:$0x3FA9]  }
0x2b: {  	s6 =	sld [smem:$0x3FAA]  }
0x2c: {  	s7 =	sld [smem:$0x3FAB]  }
0x2d: {  	s3 =	simm.s32 $0x108;
	s8 =	sld [smem:$0x3FAC]  }
0x2e: {  	s3 =	simm.s32 @!p0 $0x1082;
	s9 =	sld [smem:$0x3FAD]  }
0x2f: {  	lr =	sadd.s32 s0, s3;
	s0 =	sld [smem:$0x3FA4]  }
0x30: {  	s3 =	sld [smem:$0x3FA7]  }
0x31: {  	[smem:$0x3FB0] =	sst s10  }
0x32: {  	s10 =	sld [smem:$0x3FAE];
	_ =	sdelay $0x3  }
0x33: {  	p0 =	seq.s32 s10, $0x1;
	s10 =	sld [smem:$0x3FB0];
	_ =	sdelay $0x3  }
0x34: {  	[smem:$0x3FB0] =	sst s10  }
0x35: {  	s10 =	sld [smem:$0x3FAF];
	_ =	sdelay $0x3  }
0x36: {  	p1 =	seq.s32 s10, $0x1;
	s10 =	sld [smem:$0x3FB0];
	_ =	sdelay $0x3  }
0x37: {  	[smem:$0x3FB0] =	sst s10  }
0x38: {  	s10 =	sld [smem:$0x3FB1]  }
0x39: {  	_ = 	snop;
	(pc) =	sbr.ind lr, $3  }
0x3a: {  	_ = 	snop  }
0x3b: {  	_ = 	snop  }
0x3c: {  	p2 =	seq.s32 s10, $0x1;
	s10 =	sld [smem:$0x3FB0]  }
0x3d: {  	_ =	shalt  }
0x3e: {  	_ =	shalt  }
0x3f: {  	_ =	shalt  }
0x40: {  	_ =	shalt  }
0x41: {  	_ =	shalt  }
0x42: {  	_ =	shalt  }
0x43: {  	_ =	shalt  }
0x44: {  	_ =	shalt  }
0x45: {  	_ =	shalt  }
0x46: {  	_ =	shalt  }
0x47: {  	_ =	shalt  }
0x48: {  	_ =	shalt  }
0x49: {  	_ =	shalt  }
0x4a: {  	_ =	shalt  }
0x4b: {  	_ =	shalt  }
0x4c: {  	_ =	shalt  }
0x4d: {  	_ =	shalt  }
0x4e: {  	_ =	shalt  }
0x4f: {  	_ =	shalt  }
0x50: {  	_ =	shalt  }
0x51: {  	_ =	shalt  }
0x52: {  	_ =	shalt  }
0x53: {  	_ =	shalt  }
0x54: {  	_ =	shalt  }
0x55: {  	_ =	shalt  }
0x56: {  	_ =	shalt  }
0x57: {  	_ =	shalt  }
0x58: {  	_ =	shalt  }
0x59: {  	_ =	shalt  }
0x5a: {  	_ =	shalt  }
0x5b: {  	_ =	shalt  }
0x5c: {  	_ =	shalt  }
0x5d: {  	_ =	shalt  }
0x5e: {  	_ =	shalt  }
0x5f: {  	_ =	shalt  }
0x60: {  	_ =	shalt  }
0x61: {  	_ =	shalt  }
0x62: {  	_ =	shalt  }
0x63: {  	_ =	shalt  }
0x64: {  	_ =	shalt  }
0x65: {  	_ =	shalt  }
0x66: {  	_ =	shalt  }
0x67: {  	_ =	shalt  }
0x68: {  	_ =	shalt  }
0x69: {  	_ =	shalt  }
0x6a: {  	_ =	shalt  }
0x6b: {  	_ =	shalt  }
0x6c: {  	_ =	shalt  }
0x6d: {  	_ =	shalt  }
0x6e: {  	_ =	shalt  }
0x6f: {  	_ =	shalt  }
0x70: {  	_ =	shalt  }
0x71: {  	_ =	shalt  }
0x72: {  	_ =	shalt  }
0x73: {  	_ =	shalt  }
0x74: {  	_ =	shalt  }
0x75: {  	_ =	shalt  }
0x76: {  	_ =	shalt  }
0x77: {  	_ =	shalt  }
0x78: {  	_ =	shalt  }
0x79: {  	_ =	shalt  }
0x7a: {  	_ =	shalt  }
0x7b: {  	_ =	shalt  }
0x7c: {  	_ =	shalt  }
0x7d: {  	_ =	shalt  }
0x7e: {  	_ =	shalt  }
0x7f: {  	_ =	shalt  }
0x80: {  	_ =	shalt  }
0x81: {  	_ =	shalt  }
0x82: {  	_ =	shalt  }
0x83: {  	_ =	shalt  }
0x84: {  	_ =	shalt  }
0x85: {  	_ =	shalt  }
0x86: {  	_ =	shalt  }
0x87: {  	_ =	shalt  }
.Lfunc_end0:
.L_simem_size_0:
called_computation.2_lowered:
.L_overlay_start_0:
0x88: {  	s2 =	sld [smem:$0x3FD9]  }
0x89: {  	s3 =	sld [smem:$0x3FFE];
	_ =	sdelay $0x1  }
0x8a: {  	s1 =	srdreg.scid  }
0x8b: {  	s0 =	sand.u32 $0x1, s1  }
0x8c: {  	s16 =	sshll.u32 s0, $0xA;
	s2 =	sadd.s32 s3, s2  }
0x8d: {  	s2 =	sadd.s32 s2, s16  }
0x8e: {  	[smem:$0x3FBC] =	sst s2  }
0x8f: {  	_ = 	snop  }
0x90: {  	(tm) =	ssettm $0x1  }
0x91: {  	s17 =	sld [smem:$0x3FFB];
	_ =	sdelay $0x3  }
0x92: {  	_ =	strace s17  }
0x93: {  	s2 =	sld [smem:$0x3FFC];
	_ =	sdelay $0x3  }
0x94: {  	_ =	strace s2  }
0x95: {  	s2 =	sld [smem:$0x3FFD];
	_ =	sdelay $0x3  }
0x96: {  	_ =	strace s2  }
0x97: {  	_ =	strace $0x8FFFFFFF  }
0x98: {  	s18 =	sld [smem:$0x3FDB];
	_ =	sdelay $0x1  }
0x99: {  	s19 =	simm.s32 $_scs_section_size  }
0x9a: {  	s4 =	simm.s32 $_size__tile_overlayer_lowered;
	s5 =	simm.s32 $_tile_overlayer_lowered  }
0x9b: {  	s22 =	simm.s32 $0x1BFF;
	s21 =	sshll.u32 s5, $0x1;
	s2 =	sadd.s32 s19, s18  }
0x9c: {  	s6 =	simm.s32 $0x0;
	s20 =	sshll.u32 s4, $0x1;
	s4 =	sadd.s32 s21, s2  }
0x9d: {  	[timem:s6], [sflag:s22] =	dma.local [hbm:s4], s20  }
0x9e: {  	_ =	swait.ge [sflag:s22], s20  }
0x9f: {  	s3 =	ssub.s32 $0x0, s20;
	[sflag:s22] =	ssyncset.done $0x0  }
0xa0: {  	[sflag:s22] =	ssyncadd.s32 s3;
	_ =	sdelay $0x1  }
0xa1: {  	s23 =	simm.s32 $0x1B8B  }
0xa2: {  	_ =	swait.ge [sflag:s23], $0x1  }
0xa3: {  	[sflag:s23] =	ssyncset.done $0x0  }
0xa4: {  	s25 =	simm.s32 $0x1B8E;
	s24 =	sld [smem:$0x3FFE];
	[sflag:s23] =	ssyncadd.s32 $0xFFFFFFFF  }
0xa5: {  	s26 =	simm.s32 $execute0_lowered;
	[smem:$0x3FD2] =	sst s25  }
0xa6: {  	s4 =	sshll.u32 s26, $0x1;
	_ =	strace $0x80000046;
	[dreg:$0x1] =	wrdreg $0xFFFFFFFF  }
0xa7: {  	s28 =	simm.s32 $_size_execute0_lowered;
	s2 =	sadd.s32 s2, s4;
	[dreg:$0x0] =	wrdreg $0x0  }
0xa8: {  	s4 =	sshll.u32 s28, $0x1;
	[dreg:$0x2] =	wrdreg s2  }
0xa9: {  	[dreg:$0x3] =	wrdreg s4  }
0xaa: {  	[dreg:$0x4] =	wrdreg $0xC0  }
0xab: {  	_ =	task [dreg:s6], $0x5FFFF  }
0xac: {  	[dreg:$0x1] =	wrdreg $0xFFFFFFFF  }
0xad: {  	[dreg:$0x0] =	wrdreg $0x60  }
0xae: {  	[dreg:$0x2] =	wrdreg s24  }
0xaf: {  	[dreg:$0x3] =	wrdreg $0x68000  }
0xb0: {  	[dreg:$0x4] =	wrdreg $0xB  }
0xb1: {  	_ =	task.clear_ibuf [dreg:s6], $0x5FFFF;
	_ =	strace $0x90000046  }
0xb2: {  	s29 =	simm.s32 $0xB;
	_ =	strace $0x80000048  }
0xb3: {  	_ =	swait.ge [sflag:s29], $0x1  }
0xb4: {  	[sflag:s29] =	ssyncadd.s32 $0xFFFFFFFF  }
0xb5: {  	_ =	strace $0x90000048  }
0xb6: {  	_ =	sfence  }
0xb7: {  	s30 =	sld [smem:$0x0];
	_ =	sdelay $0x2  }
0xb8: {  	s31 =	sshll.u32 s1, $0xD;
	s1 =	sshrl.u32 s1, $0x2  }
0xb9: {  	s3 =	sand.u32 $0x4000, s31;
	s1 =	sadd.s32 s1, s30  }
0xba: {  	s0 =	sor.u32 s3, s0;
	s1 =	sshll.u32 s1, $0x11  }
0xbb: {  	s0 =	sor.u32 s1, s0  }
0xbc: {  	s0 =	sadd.s32 $0x8F2B, s0  }
0xbd: {  	[sflag:s0] =	ssyncadd.remote.s32 $0x1  }
0xbe: {  	_ =	sfence.sel $0xFFFF  }
0xbf: {  	[dreg:$0x0] =	wrdreg $0xFFFFFFFF;
	(pc) =	sbr.abs _section_cstart, $3  }
0xc0: {  	[dreg:$0x1] =	wrdreg $0xFFFFFFFF  }
0xc1: {  	_ =	task.clear_ibuf [dreg:s6], $0x2FFFF;
	_ =	strace $0x9FFFFFFF  }
0xc2: {  	(tm) =	ssettm $0x7FFFFFFF  }
0xc3: {  	_ =	shalt  }
tec
execute0_lowered:
.L_overlay_start_1:
0x0: {  	(tag) =	ssettag $0x1  }
0x1: {  	s7 =	rddreg [dreg:$0x0]  }
0x2: {  	s0 =	srdreg.scid;
	s2 =	rddreg [dreg:$0x1]  }
0x3: {  	s3 =	simm.s32 $0x0;
	s13 =	simm.s32 $0x80;
	s6 =	sand.u32 $0x1, s0  }
0x4: {  	s14 =	simm.s32 $0x0;
	s0 =	stileid.u32;
	s5 =	smul.u32 $0x13C000, s6  }
0x5: {  	[smem:$0x7FF] =	sst s3;
	s1 =	sshll.u32 s6, $0x4;
	s8 =	smul.u32 $0x13C00, s0  }
0x6: {  	s10 =	smul.u32 $0x4F000, s0;
	s6 =	ssub.s32 $0x2, s6;
	s11 =	sshll.u32 s0, $0x6  }
0x7: {  	s1 =	sor.u32 s0, s1;
	s31 =	sshrl.u32 s6, $0x1;
	s11 =	sor.u32 $0x1C01, s11  }
0x8: {  	s4 =	smul.u32 $0x500, s1;
	s1 =	rddreg [dreg:$0x2];
	_ =	strace $0x80000047  }
0x9: {  	s8 =	sadd.s32 s8, s5;
	s5 =	sadd.s32 $0x1C400, s7;
	s10 =	sshrl.u32 s10, $0x2  }
0xa: {  	s8 =	sshrl.u32 s8, $0x3;
	s12 =	sadd.s32 s10, s2;
	s10 =	simm.s32 $0x1  }
0xb: {  	s9 =	sadd.s32 s4, s7;
	s4 =	sadd.s32 $0x1BC00, s7;
	s7 =	sadd.s32 s8, s7  }
0xc: {  	s8 =	ssub.s32 s6, s31;
	s12 =	sshrl.u32 s12, $0x3;
	s6 =	sadd.s32 $0x7C00, s9  }
0xd: {  	s7 =	sadd.s32 $0x1EC00, s7;
	s8 =	smax.u32 s8, $0x1;
	s9 =	simm.s32 $0x2800  }
.LBB2_1:
0xe: {  	[tilespmem:s9], [sflag:$0x1] =	stream.linear.gather [hbm4b:s4+s3], $0x4000, $0x38;
	[tilespmem:$0x1A400] =	vst v63  }
0xf: {  	_ =	swait.ge [sflag:s10], $0x4000  }
0x10: {  	[sflag:s10] =	ssyncset.done $0x0  }
0x11: {  	[sflag:s10] =	ssyncadd.s32 $0xFFFFC000  }
0x12: {  	[spmem:s12], [sflag:s11] =	dma.local [hbm:s5], $0x2780  }
0x13: {  	_ =	swait.ge [sflag:s10], $0x2780  }
0x14: {  	[sflag:s10] =	ssyncset.done $0x0  }
0x15: {  	[sflag:s10] =	ssyncadd.s32 $0xFFFFD880  }
0x16: {  	[bflag:$0x0] =	sbarrier.arrive $0xFFFF  }
0x17: {  	[tilespmem:s3], [sflag:$0x1] =	stream.linear.gather [hbm4b:s6+s3], $0x2800, $0x38;
	[tilespmem:$0x1A400] =	vst v63  }
0x18: {  	_ =	swait.ge [sflag:s10], $0x2800  }
0x19: {  	[sflag:s10] =	ssyncset.done $0x0  }
0x1a: {  	s15 =	simm.s32 $0x0;
	[sflag:s10] =	ssyncadd.s32 $0xFFFFD800  }
0x1b: {  	[spmem:s2] =	stream.indirect.scatter.add.f32 [tilespmem:s9], [sflag:$0x1], $0x80, s15, s13, $0xb8;
	[tilespmem:$0x1A400] =	vst v63  }
0x1c: {  	_ =	swait.ge [sflag:s10], $0x4000  }
0x1d: {  	s15 =	simm.s32 $0x200;
	[sflag:s10] =	ssyncset.done $0x0  }
.LBB2_2:
0x1e: {  	s16 =	sshra.s32 s15, $0x2;
	[sflag:s10] =	ssyncadd.s32 $0xFFFFC000;
	p0 =	sne.s32 s15, $0x9E00  }
0x1f: {  	[spmem:s2] =	stream.indirect.scatter.add.f32 [tilespmem:s9], [sflag:$0x1], $0x80, s16, s13, $0xb8;
	[tilespmem:$0x1A400] =	vst v63  }
.Ltmp0:
0x20: {  	_ = 	snop;
	(pc) =	sbr.rel @p0 .LBB2_2-.Ltmp0, $4  }
0x21: {  	_ = 	snop  }
0x22: {  	s15 =	sadd.s32 $0x200, s15  }
0x23: {  	_ =	swait.ge [sflag:s10], $0x4000  }
0x24: {  	[sflag:s10] =	ssyncset.done $0x0  }
0x25: {  	s14 =	sadd.s32 $0x1, s14  }
0x26: {  	[sflag:s10] =	ssyncadd.s32 $0xFFFFC000;
	p0 =	sne.s32 s14, s8  }
.Ltmp1:
0x27: {  	[bflag:$0x0] =	sbarrier.arrive $0xFFFF;
	(pc) =	sbr.rel @p0 .LBB2_1-.Ltmp1, $4  }
0x28: {  	[hbm:s7], [sflag:s11] =	dma.local [spmem:s12], $0x2780  }
0x29: {  	_ =	swait.ge [sflag:s10], $0x2780  }
0x2a: {  	[sflag:s10] =	ssyncset.done $0x0  }
0x2b: {  	[sflag:s10] =	ssyncadd.s32 $0xFFFFD880  }
0x2c: {  	_ =	sfence.sel $0x180000  }
0x2d: {  	[bflag:$0x0] =	sbarrier.arrive $0xFFFF  }
0x2e: {  	p0 =	sne.s32 s0, $0x0;
	_ =	strace $0x90000047  }
0x2f: {  	s0 =	sadd.s32 @!p0 $0x100000, s1;
	[bflag:$0x2] =	sbarrier.arrive $0xFFFF  }
0x30: {  	[sflag:s0] =	ssyncadd.tile.s32 @!p0 $0x1;
	_ =	shalt  }
.Lfunc_end2:
_tile_overlayer_lowered:
.L_overlay_start_2:
0x31: {  	(tag) =	ssettag $0x2  }
0x32: {  	s0 =	rddreg [dreg:$0x0];
	s2 =	stileid.u32  }
0x33: {  	s1 =	rddreg [dreg:$0x1];
	p0 =	sne.s32 s2, $0x0  }
0x34: {  	s3 =	rddreg [dreg:$0x2];
	[bflag:$0x3] =	sbarrier.arrive $0xFFFF;
	s2 =	simm.s32 @!p0 $0x1C01  }
0x35: {  	[timem:s3], [sflag:s2] =	dma.local @!p0 [hbm:s0], s1  }
0x36: {  	s0 =	simm.s32 @!p0 $0x1  }
0x37: {  	_ =	swait.ge @!p0 [sflag:s0], s1  }
0x38: {  	s1 =	ssub.s32 @!p0 $0x0, s1;
	[sflag:s0] =	ssyncset.done @!p0 $0x0  }
0x39: {  	[sflag:s0] =	ssyncadd.s32 @!p0 s1  }
0x3a: {  	[bflag:$0x3] =	sbarrier.arrive $0xFFFF  }
0x3b: {  	_ =	shalt  }

// kernel: kernel.28.cloned.1.call-start
scs
__scs_entry_jumppad:
0x0: {  	(pc) =	sbr.rel $0x88, $3  }
0x1: {  	(tag) =	ssettag $0x0;
	lr =	simm.s32 $0x1  }
0x2: {  	[smem:$0x3F95] =	sst lr;
	_ =	strace $0xD0000000  }
0x3: {  	_ = 	snop  }
0x4: {  	_ = 	snop  }
0x5: {  	_ = 	snop  }
0x6: {  	_ = 	snop  }
0x7: {  	_ = 	snop  }
__scs_overlays_trampoline_lowered:
0x8: {  	[smem:$0x3FA4] =	sst s0  }
0x9: {  	[smem:$0x3FA5] =	sst s1  }
0xa: {  	[smem:$0x3FA6] =	sst s2  }
0xb: {  	[smem:$0x3FA7] =	sst s3  }
0xc: {  	[smem:$0x3FA8] =	sst s4  }
0xd: {  	[smem:$0x3FA9] =	sst s5  }
0xe: {  	[smem:$0x3FAA] =	sst s6  }
0xf: {  	[smem:$0x3FAB] =	sst s7  }
0x10: {  	[smem:$0x3FAC] =	sst s8  }
0x11: {  	[smem:$0x3FAD] =	sst s9;
	s0 =	simm.s32 @!p0 $0x0  }
0x12: {  	s1 =	sld [smem:$0x3F93];
	s0 =	simm.s32 @p0 $0x1  }
0x13: {  	[smem:$0x3FAE] =	sst s0;
	s0 =	simm.s32 @!p1 $0x0  }
0x14: {  	s2 =	sld [smem:$0x3F92];
	s0 =	simm.s32 @p1 $0x1  }
0x15: {  	[smem:$0x3FAF] =	sst s0;
	s0 =	simm.s32 @!p2 $0x0  }
0x16: {  	s3 =	sld [smem:$0x3FDB];
	s0 =	simm.s32 @p2 $0x1  }
0x17: {  	s4 =	simm.s32 $0x1BF5;
	[smem:$0x3FB1] =	sst s0  }
0x18: {  	s0 =	sld [smem:$0x3F94];
	_ =	swait.ge [sflag:s4], $0x0  }
0x19: {  	s7 =	sld [smem:$0x3F95]  }
0x1a: {  	s8 =	sadd.s32 $0xFFFFE003, lr  }
0x1b: {  	s9 =	sadd.s32 $0xFFFFFEF7, lr;
	s5 =	simm.s32 $0xFFFFFFFF;
	p2 =	slt.u32 s8, $0xFFFFF086  }
0x1c: {  	p1 =	slt.u32 s9, $0xF7A;
	s5 =	simm.s32 @!p2 $0x0  }
0x1d: {  	s5 =	simm.s32 @p1 $0x1;
	p0 =	seq.s32 s7, s2  }
0x1e: {  	s7 =	smul.u32 @!p0 $0xF7A, s2;
	p2 =	seq.s32 @!p0 s5, $0x0  }
0x1f: {  	s9 =	smul.u32 $0xF7A, s1;
	s8 =	simm.s32 @!p0 $0x1BF5;
	p2 =	por !p2, p0  }
0x20: {  	[sflag:s8] =	ssyncset.s32 @!p0 $0xFFFFF086;
	s6 =	sadd.s32 @!p0 s3, s7;
	s7 =	simm.s32 @!p0 $0x108  }
0x21: {  	s3 =	sadd.s32 s3, s9;
	s6 =	sadd.s32 @!p0 $0x88, s6;
	s7 =	simm.s32 @p2 $0x1082  }
0x22: {  	[simem:s7], [sflag:s8] =	dma.local @!p0 [hbm:s6], $0xF7A  }
0x23: {  	s9 =	sor.u32 $0xD0000000, s2;
	s6 =	simm.s32 $0x108;
	_ =	swait.ge @!p0 [sflag:s8], $0x0  }
0x24: {  	s3 =	sadd.s32 $0x88, s3;
	s6 =	simm.s32 @!p1 $0x1082;
	[sflag:s4] =	ssyncset.s32 $0xFFFFF086  }
0x25: {  	[simem:s6], [sflag:s4] =	dma.local [hbm:s3], $0xF7A  }
0x26: {  	[smem:$0x3F95] =	sst s1;
	(tag) =	ssettag s2;
	_ =	strace s9  }
0x27: {  	s1 =	sld [smem:$0x3FA5]  }
0x28: {  	s2 =	sld [smem:$0x3FA6]  }
0x29: {  	s4 =	sld [smem:$0x3FA8]  }
0x2a: {  	p0 =	seq.s32 s5, $0x0;
	s5 =	sld [smem:$0x3FA9]  }
0x2b: {  	s6 =	sld [smem:$0x3FAA]  }
0x2c: {  	s7 =	sld [smem:$0x3FAB]  }
0x2d: {  	s3 =	simm.s32 $0x108;
	s8 =	sld [smem:$0x3FAC]  }
0x2e: {  	s3 =	simm.s32 @!p0 $0x1082;
	s9 =	sld [smem:$0x3FAD]  }
0x2f: {  	lr =	sadd.s32 s0, s3;
	s0 =	sld [smem:$0x3FA4]  }
0x30: {  	s3 =	sld [smem:$0x3FA7]  }
0x31: {  	[smem:$0x3FB0] =	sst s10  }
0x32: {  	s10 =	sld [smem:$0x3FAE];
	_ =	sdelay $0x3  }
0x33: {  	p0 =	seq.s32 s10, $0x1;
	s10 =	sld [smem:$0x3FB0];
	_ =	sdelay $0x3  }
0x34: {  	[smem:$0x3FB0] =	sst s10  }
0x35: {  	s10 =	sld [smem:$0x3FAF];
	_ =	sdelay $0x3  }
0x36: {  	p1 =	seq.s32 s10, $0x1;
	s10 =	sld [smem:$0x3FB0];
	_ =	sdelay $0x3  }
0x37: {  	[smem:$0x3FB0] =	sst s10  }
0x38: {  	s10 =	sld [smem:$0x3FB1]  }
0x39: {  	_ = 	snop;
	(pc) =	sbr.ind lr, $3  }
0x3a: {  	_ = 	snop  }
0x3b: {  	_ = 	snop  }
0x3c: {  	p2 =	seq.s32 s10, $0x1;
	s10 =	sld [smem:$0x3FB0]  }
0x3d: {  	_ =	shalt  }
0x3e: {  	_ =	shalt  }
0x3f: {  	_ =	shalt  }
0x40: {  	_ =	shalt  }
0x41: {  	_ =	shalt  }
0x42: {  	_ =	shalt  }
0x43: {  	_ =	shalt  }
0x44: {  	_ =	shalt  }
0x45: {  	_ =	shalt  }
0x46: {  	_ =	shalt  }
0x47: {  	_ =	shalt  }
0x48: {  	_ =	shalt  }
0x49: {  	_ =	shalt  }
0x4a: {  	_ =	shalt  }
0x4b: {  	_ =	shalt  }
0x4c: {  	_ =	shalt  }
0x4d: {  	_ =	shalt  }
0x4e: {  	_ =	shalt  }
0x4f: {  	_ =	shalt  }
0x50: {  	_ =	shalt  }
0x51: {  	_ =	shalt  }
0x52: {  	_ =	shalt  }
0x53: {  	_ =	shalt  }
0x54: {  	_ =	shalt  }
0x55: {  	_ =	shalt  }
0x56: {  	_ =	shalt  }
0x57: {  	_ =	shalt  }
0x58: {  	_ =	shalt  }
0x59: {  	_ =	shalt  }
0x5a: {  	_ =	shalt  }
0x5b: {  	_ =	shalt  }
0x5c: {  	_ =	shalt  }
0x5d: {  	_ =	shalt  }
0x5e: {  	_ =	shalt  }
0x5f: {  	_ =	shalt  }
0x60: {  	_ =	shalt  }
0x61: {  	_ =	shalt  }
0x62: {  	_ =	shalt  }
0x63: {  	_ =	shalt  }
0x64: {  	_ =	shalt  }
0x65: {  	_ =	shalt  }
0x66: {  	_ =	shalt  }
0x67: {  	_ =	shalt  }
0x68: {  	_ =	shalt  }
0x69: {  	_ =	shalt  }
0x6a: {  	_ =	shalt  }
0x6b: {  	_ =	shalt  }
0x6c: {  	_ =	shalt  }
0x6d: {  	_ =	shalt  }
0x6e: {  	_ =	shalt  }
0x6f: {  	_ =	shalt  }
0x70: {  	_ =	shalt  }
0x71: {  	_ =	shalt  }
0x72: {  	_ =	shalt  }
0x73: {  	_ =	shalt  }
0x74: {  	_ =	shalt  }
0x75: {  	_ =	shalt  }
0x76: {  	_ =	shalt  }
0x77: {  	_ =	shalt  }
0x78: {  	_ =	shalt  }
0x79: {  	_ =	shalt  }
0x7a: {  	_ =	shalt  }
0x7b: {  	_ =	shalt  }
0x7c: {  	_ =	shalt  }
0x7d: {  	_ =	shalt  }
0x7e: {  	_ =	shalt  }
0x7f: {  	_ =	shalt  }
0x80: {  	_ =	shalt  }
0x81: {  	_ =	shalt  }
0x82: {  	_ =	shalt  }
0x83: {  	_ =	shalt  }
0x84: {  	_ =	shalt  }
0x85: {  	_ =	shalt  }
0x86: {  	_ =	shalt  }
0x87: {  	_ =	shalt  }
.Lfunc_end0:
.L_simem_size_0:
called_computation.3_lowered:
.L_overlay_start_0:
0x88: {  	s2 =	sld [smem:$0x3FD9]  }
0x89: {  	s3 =	sld [smem:$0x3FFE];
	_ =	sdelay $0x1  }
0x8a: {  	s1 =	srdreg.scid  }
0x8b: {  	s0 =	sand.u32 $0x1, s1  }
0x8c: {  	s15 =	sshll.u32 s0, $0xA;
	s2 =	sadd.s32 s3, s2  }
0x8d: {  	s2 =	sadd.s32 s2, s15  }
0x8e: {  	[smem:$0x3FBC] =	sst s2  }
0x8f: {  	_ = 	snop  }
0x90: {  	s2 =	sld [smem:$0x3FD0];
	_ =	sdelay $0x2  }
0x91: {  	s16 =	simm.s32 $0xF;
	s4 =	simm.s32 $0x10  }
0x92: {  	[smem:s4], [sflag:s16] =	dma.local [hbm:s2], $0x1  }
0x93: {  	_ =	swait.eq [sflag:s16], $0x1  }
0x94: {  	[sflag:s16] =	ssyncset.done $0x0  }
0x95: {  	[sflag:s16] =	ssyncadd.s32 $0xFFFFFFFF  }
0x96: {  	s17 =	sld [smem:$0x10];
	(tm) =	ssettm $0x1  }
0x97: {  	s18 =	sld [smem:$0x3FFB];
	_ =	sdelay $0x3  }
0x98: {  	_ =	strace s18  }
0x99: {  	s2 =	sld [smem:$0x3FFC];
	_ =	sdelay $0x3  }
0x9a: {  	_ =	strace s2  }
0x9b: {  	s2 =	sld [smem:$0x3FFD];
	_ =	sdelay $0x3  }
0x9c: {  	_ =	strace s2  }
0x9d: {  	_ =	strace $0x8FFFFFFF  }
0x9e: {  	s19 =	sld [smem:$0x3FDB];
	_ =	sdelay $0x1  }
0x9f: {  	s20 =	simm.s32 $_scs_section_size  }
0xa0: {  	s5 =	simm.s32 $_size__tile_overlayer_lowered;
	s6 =	simm.s32 $_tile_overlayer_lowered  }
0xa1: {  	s7 =	simm.s32 $0x1BFF;
	s21 =	sshll.u32 s6, $0x1;
	s4 =	sadd.s32 s20, s19  }
0xa2: {  	s22 =	simm.s32 $0x0;
	s5 =	sshll.u32 s5, $0x1;
	s6 =	sadd.s32 s21, s4  }
0xa3: {  	[timem:s22], [sflag:s7] =	dma.local [hbm:s6], s5  }
0xa4: {  	_ =	swait.ge [sflag:s7], s5  }
0xa5: {  	s5 =	ssub.s32 $0x0, s5;
	[sflag:s7] =	ssyncset.done $0x0  }
0xa6: {  	[sflag:s7] =	ssyncadd.s32 s5;
	_ =	sdelay $0x1  }
0xa7: {  	s23 =	simm.s32 $0x1B8B  }
0xa8: {  	_ =	swait.ge [sflag:s23], $0x1  }
0xa9: {  	[sflag:s23] =	ssyncset.done $0x0  }
0xaa: {  	[sflag:s23] =	ssyncadd.s32 $0xFFFFFFFF  }
0xab: {  	s5 =	sld [smem:$0x0]  }
0xac: {  	s6 =	sand.u32 $0xFFFFFFFE, s1  }
0xad: {  	p0 =	sne.s32 s1, s6  }
0xae: {  	s6 =	sshll.u32 @p0 s6, $0xE  }
0xaf: {  	s6 =	sadd.s32 @p0 $0x11B8D, s6;
	s7 =	sshll.u32 @p0 s5, $0x11  }
0xb0: {  	s6 =	sor.u32 @p0 s7, s6  }
0xb1: {  	[sflag:s6] =	ssyncadd.remote.s32 @p0 $0x1;
	_ =	sdelay $0x1  }
0xb2: {  	s6 =	simm.s32 @p0 $0x1B8D  }
0xb3: {  	_ =	swait.eq @p0 [sflag:s6], $0x1  }
0xb4: {  	[sflag:s6] =	ssyncadd.s32 @p0 $0xFFFFFFFF  }
0xb5: {  	s7 =	sshll.u32 @!p0 s1, $0xE  }
0xb6: {  	s7 =	sor.u32 @!p0 $0x4000, s7;
	s6 =	simm.s32 @!p0 $0x1B8D  }
0xb7: {  	s5 =	sshll.u32 @!p0 s5, $0x11;
	s7 =	sadd.s32 @!p0 $0x11B8D, s7;
	_ =	swait.eq @!p0 [sflag:s6], $0x1  }
0xb8: {  	s5 =	sor.u32 @!p0 s5, s7;
	[sflag:s6] =	ssyncadd.s32 @!p0 $0xFFFFFFFF  }
0xb9: {  	s25 =	simm.s32 $0x1B8E;
	s24 =	sld [smem:$0x3FFE];
	[sflag:s5] =	ssyncadd.remote.s32 @!p0 $0x1  }
0xba: {  	s26 =	simm.s32 $execute0_lowered;
	[smem:$0x3FD2] =	sst s25  }
0xbb: {  	s6 =	sshll.u32 s26, $0x1;
	_ =	strace $0x80000055;
	[dreg:$0x1] =	wrdreg $0xFFFFFFFF  }
0xbc: {  	s28 =	simm.s32 $_size_execute0_lowered;
	s4 =	sadd.s32 s4, s6;
	[dreg:$0x0] =	wrdreg $0x0  }
0xbd: {  	s6 =	sshll.u32 s28, $0x1;
	[dreg:$0x2] =	wrdreg s4  }
0xbe: {  	[dreg:$0x3] =	wrdreg s6  }
0xbf: {  	[dreg:$0x4] =	wrdreg $0xC0  }
0xc0: {  	_ =	task [dreg:s22], $0x5FFFF  }
0xc1: {  	[dreg:$0x1] =	wrdreg $0xFFFFFFFF  }
0xc2: {  	[dreg:$0x0] =	wrdreg $0x60  }
0xc3: {  	[dreg:$0x2] =	wrdreg s24  }
0xc4: {  	[dreg:$0x3] =	wrdreg s17  }
0xc5: {  	[dreg:$0x4] =	wrdreg $0xA0000  }
0xc6: {  	[dreg:$0x5] =	wrdreg $0xC  }
0xc7: {  	_ =	task.clear_ibuf [dreg:s22], $0x6FFFF;
	_ =	strace $0x90000055  }
0xc8: {  	s29 =	simm.s32 $0xC;
	_ =	strace $0x80000057  }
0xc9: {  	_ =	swait.ge [sflag:s29], $0x1  }
0xca: {  	[sflag:s29] =	ssyncadd.s32 $0xFFFFFFFF  }
0xcb: {  	_ =	strace $0x90000057  }
0xcc: {  	_ =	sfence  }
0xcd: {  	s30 =	sld [smem:$0x0];
	_ =	sdelay $0x2  }
0xce: {  	s31 =	sshll.u32 s1, $0xD;
	s1 =	sshrl.u32 s1, $0x2  }
0xcf: {  	s4 =	sand.u32 $0x4000, s31;
	s1 =	sadd.s32 s1, s30  }
0xd0: {  	s0 =	sor.u32 s4, s0;
	s1 =	sshll.u32 s1, $0x11  }
0xd1: {  	s0 =	sor.u32 s1, s0  }
0xd2: {  	s0 =	sadd.s32 $0x8F2B, s0  }
0xd3: {  	[sflag:s0] =	ssyncadd.remote.s32 $0x1  }
0xd4: {  	_ =	sfence.sel $0xFFFF  }
0xd5: {  	[dreg:$0x0] =	wrdreg $0xFFFFFFFF;
	(pc) =	sbr.abs _section_cstart, $3  }
0xd6: {  	[dreg:$0x1] =	wrdreg $0xFFFFFFFF  }
0xd7: {  	_ =	task.clear_ibuf [dreg:s22], $0x2FFFF;
	_ =	strace $0x9FFFFFFF  }
0xd8: {  	(tm) =	ssettm $0x7FFFFFFF  }
0xd9: {  	_ =	shalt  }
tec
execute0_lowered:
.L_overlay_start_1:
0x0: {  	(tag) =	ssettag $0x1  }
0x1: {  	s7 =	rddreg [dreg:$0x0]  }
0x2: {  	s1 =	rddreg [dreg:$0x1]  }
0x3: {  	s0 =	srdreg.scid;
	s2 =	rddreg [dreg:$0x2];
	s4 =	simm.s32 $0x0  }
0x4: {  	s3 =	stileid.u32;
	s14 =	simm.s32 $0x1000;
	s15 =	simm.s32 $0x80  }
0x5: {  	s16 =	simm.s32 $0x2000;
	s17 =	simm.s32 $0x1;
	s18 =	simm.s32 $0x6000  }
0x6: {  	s19 =	simm.s32 $0xF80;
	s20 =	simm.s32 $0x1F00;
	s9 =	smul.u32 $0x13C00, s3  }
0x7: {  	s8 =	sand.u32 $0x1, s0;
	s0 =	rddreg [dreg:$0x3];
	s11 =	smul.u32 $0x4F000, s3  }
0x8: {  	s21 =	simm.s32 $0x1F80;
	[smem:$0x7FF] =	sst s4;
	s5 =	smul.u32 $0x27100, s8  }
0x9: {  	s31 =	sshll.u32 s3, $0x6;
	s6 =	smul.u32 $0x13C000, s8;
	s8 =	ssub.s32 $0x2, s8  }
0xa: {  	_ =	strace $0x80000056;
	s28 =	sshrl.u32 s8, $0x1;
	s29 =	sshrl.u32 s11, $0x2  }
0xb: {  	s10 =	sadd.s32 s5, s7;
	s5 =	sadd.s32 $0xBCC00, s7;
	s9 =	sadd.s32 s9, s6  }
0xc: {  	s6 =	sadd.s32 $0x1C400, s7;
	s30 =	ssub.s32 s8, s28;
	s13 =	sadd.s32 s29, s2  }
0xd: {  	s8 =	smul.u32 $0x5000, s3;
	s9 =	sshrl.u32 s9, $0x3;
	s11 =	smax.u32 s30, $0x1  }
0xe: {  	s12 =	sadd.s32 s9, s7;
	s7 =	sor.u32 $0x1C02, s31;
	s9 =	sadd.s32 $0x115C00, s10  }
0xf: {  	s10 =	sadd.s32 $0x229E00, s12;
	s12 =	sshrl.u32 s13, $0x3;
	s13 =	simm.s32 $0x2  }
.LBB2_1:
0x10: {  	[spmem:s12], [sflag:s7] =	dma.local [hbm:s6], $0x2780  }
0x11: {  	_ =	swait.ge [sflag:s13], $0x2780  }
0x12: {  	[sflag:s13] =	ssyncset.done $0x0  }
0x13: {  	[sflag:s13] =	ssyncadd.s32 $0xFFFFD880  }
0x14: {  	s22 =	simm.s32 $0x0;
	[bflag:$0x0] =	sbarrier.arrive $0xFFFF  }
.LBB2_2:
0x15: {  	s23 =	sshll.u32 s22, $0xC  }
0x16: {  	s23 =	sadd.s32 s8, s23  }
0x17: {  	s23 =	sshrl.u32 s23, $0x3  }
0x18: {  	s25 =	simm.s32 $0x0;
	s24 =	sadd.s32 s1, s23  }
0x19: {  	[tilespmem:s25], [sflag:$0x2] =	stream.linear.gather [hbm4b:s24+s25], $0x1000, $0x38;
	[tilespmem:$0x1DC00] =	vst v63  }
0x1a: {  	_ =	swait.ge [sflag:s13], $0x1000  }
0x1b: {  	[sflag:s13] =	ssyncset.done $0x0  }
0x1c: {  	s23 =	sadd.s32 s5, s23;
	[sflag:s13] =	ssyncadd.s32 $0xFFFFF000  }
0x1d: {  	[tilespmem:s14], [sflag:$0x2] =	stream.linear.gather [hbm4b:s23+s25], $0x1000, $0x38;
	[tilespmem:$0x1DC00] =	vst v63  }
0x1e: {  	_ =	swait.ge [sflag:s13], $0x1000  }
0x1f: {  	[sflag:s13] =	ssyncset.done $0x0  }
0x20: {  	[sflag:s13] =	ssyncadd.s32 $0xFFFFF000  }
0x21: {  	[tilespmem:s16], [sflag:$0x1] =	stream.indirect.gather [hbm4b:s9+s15], $0x80, s25, s15, $0xb8;
	[tilespmem:$0x1DC00] =	vst v63  }
0x22: {  	_ =	swait.ge [sflag:s17], $0x4000  }
0x23: {  	[sflag:s17] =	ssyncset.done $0x0  }
0x24: {  	s28 =	simm.s32 $0x80;
	[sflag:s17] =	ssyncadd.s32 $0xFFFFC000  }
0x25: {  	[tilespmem:s18], [sflag:$0x1] =	stream.indirect.gather [hbm4b:s9+s15], $0x80, s28, s15, $0xb8;
	[tilespmem:$0x1DC00] =	vst v63  }
0x26: {  	s29 =	simm.s32 $0x1000  }
0x27: {  	[spmem:s2] =	stream.indirect.scatter.add.f32 [tilespmem:s16], [sflag:$0x2], $0x80, s29, s15, $0xb8;
	[tilespmem:$0x1DC00] =	vst v63  }
0x28: {  	_ =	swait.ge [sflag:s13], $0x4000  }
0x29: {  	[sflag:s13] =	ssyncset.done $0x0  }
0x2a: {  	[sflag:s13] =	ssyncadd.s32 $0xFFFFC000  }
0x2b: {  	_ =	swait.ge [sflag:s17], $0x4000  }
0x2c: {  	[sflag:s17] =	ssyncset.done $0x0  }
0x2d: {  	s30 =	simm.s32 $0x100;
	[sflag:s17] =	ssyncadd.s32 $0xFFFFC000  }
0x2e: {  	[tilespmem:s16], [sflag:$0x1] =	stream.indirect.gather [hbm4b:s9+s15], $0x80, s30, s15, $0xb8;
	[tilespmem:$0x1DC00] =	vst v63  }
0x2f: {  	s31 =	simm.s32 $0x1080  }
0x30: {  	[spmem:s2] =	stream.indirect.scatter.add.f32 [tilespmem:s18], [sflag:$0x2], $0x80, s31, s15, $0xb8;
	[tilespmem:$0x1DC00] =	vst v63  }
0x31: {  	_ =	swait.ge [sflag:s13], $0x4000  }
0x32: {  	s23 =	simm.s32 $0x400;
	[sflag:s13] =	ssyncset.done $0x0  }
.LBB2_3:
0x33: {  	p0 =	sne.s32 s23, $0x3800  }
0x34: {  	[sflag:s13] =	ssyncadd.s32 $0xFFFFC000;
	s24 =	smov.u32 s23;
	s23 =	sadd.s32 $0x400, s23  }
0x35: {  	_ = 	snop  }
0x36: {  	_ =	swait.ge [sflag:s17], $0x4000  }
0x37: {  	s24 =	sshra.s32 s24, $0x2;
	[sflag:s17] =	ssyncset.done $0x0  }
0x38: {  	s25 =	sadd.s32 $0x80, s24;
	[sflag:s17] =	ssyncadd.s32 $0xFFFFC000  }
0x39: {  	[tilespmem:s18], [sflag:$0x1] =	stream.indirect.gather [hbm4b:s9+s15], $0x80, s25, s15, $0xb8;
	[tilespmem:$0x1DC00] =	vst v63  }
0x3a: {  	s25 =	sadd.s32 $0x1000, s24  }
0x3b: {  	[spmem:s2] =	stream.indirect.scatter.add.f32 [tilespmem:s16], [sflag:$0x2], $0x80, s25, s15, $0xb8;
	[tilespmem:$0x1DC00] =	vst v63  }
0x3c: {  	_ =	swait.ge [sflag:s13], $0x4000  }
0x3d: {  	[sflag:s13] =	ssyncset.done $0x0  }
0x3e: {  	[sflag:s13] =	ssyncadd.s32 $0xFFFFC000  }
0x3f: {  	_ =	swait.ge [sflag:s17], $0x4000  }
0x40: {  	[sflag:s17] =	ssyncset.done $0x0  }
0x41: {  	s25 =	sadd.s32 $0x100, s24;
	[sflag:s17] =	ssyncadd.s32 $0xFFFFC000  }
0x42: {  	[tilespmem:s16], [sflag:$0x1] =	stream.indirect.gather [hbm4b:s9+s15], $0x80, s25, s15, $0xb8;
	[tilespmem:$0x1DC00] =	vst v63  }
.Ltmp0:
0x43: {  	_ = 	snop;
	(pc) =	sbr.rel @p0 .LBB2_3-.Ltmp0, $4  }
0x44: {  	s24 =	sadd.s32 $0x1080, s24  }
0x45: {  	[spmem:s2] =	stream.indirect.scatter.add.f32 [tilespmem:s18], [sflag:$0x2], $0x80, s24, s15, $0xb8;
	[tilespmem:$0x1DC00] =	vst v63  }
0x46: {  	_ =	swait.ge [sflag:s13], $0x4000  }
0x47: {  	[sflag:s13] =	ssyncset.done $0x0  }
0x48: {  	[sflag:s13] =	ssyncadd.s32 $0xFFFFC000  }
0x49: {  	_ =	swait.ge [sflag:s17], $0x4000  }
0x4a: {  	[sflag:s17] =	ssyncset.done $0x0  }
0x4b: {  	[sflag:s17] =	ssyncadd.s32 $0xFFFFC000  }
0x4c: {  	[tilespmem:s18], [sflag:$0x1] =	stream.indirect.gather [hbm4b:s9+s15], $0x80, s19, s15, $0xb8;
	[tilespmem:$0x1DC00] =	vst v63  }
0x4d: {  	_ = 	snop  }
0x4e: {  	[spmem:s2] =	stream.indirect.scatter.add.f32 [tilespmem:s16], [sflag:$0x2], $0x80, s20, s15, $0xb8;
	[tilespmem:$0x1DC00] =	vst v63  }
0x4f: {  	_ =	swait.ge [sflag:s13], $0x4000  }
0x50: {  	[sflag:s13] =	ssyncset.done $0x0  }
0x51: {  	[sflag:s13] =	ssyncadd.s32 $0xFFFFC000  }
0x52: {  	s22 =	sadd.s32 $0x1, s22;
	_ =	swait.ge [sflag:s17], $0x4000  }
0x53: {  	p0 =	sne.s32 s22, $0x5;
	[sflag:s17] =	ssyncset.done $0x0  }
.Ltmp1:
0x54: {  	[sflag:s17] =	ssyncadd.s32 $0xFFFFC000;
	(pc) =	sbr.rel @p0 .LBB2_2-.Ltmp1, $4  }
0x55: {  	[spmem:s2] =	stream.indirect.scatter.add.f32 [tilespmem:s18], [sflag:$0x2], $0x80, s21, s15, $0xb8;
	[tilespmem:$0x1DC00] =	vst v63  }
0x56: {  	_ =	swait.ge [sflag:s13], $0x4000  }
0x57: {  	[sflag:s13] =	ssyncset.done $0x0  }
0x58: {  	[sflag:s13] =	ssyncadd.s32 $0xFFFFC000  }
0x59: {  	s4 =	sadd.s32 $0x1, s4  }
0x5a: {  	p0 =	sne.s32 s4, s11  }
.Ltmp2:
0x5b: {  	[bflag:$0x0] =	sbarrier.arrive $0xFFFF;
	(pc) =	sbr.rel @p0 .LBB2_1-.Ltmp2, $4  }
0x5c: {  	[hbm:s10], [sflag:s7] =	dma.local [spmem:s12], $0x2780  }
0x5d: {  	_ =	swait.ge [sflag:s13], $0x2780  }
0x5e: {  	[sflag:s13] =	ssyncset.done $0x0  }
0x5f: {  	[sflag:s13] =	ssyncadd.s32 $0xFFFFD880  }
0x60: {  	_ =	sfence.sel $0x180000  }
0x61: {  	[bflag:$0x0] =	sbarrier.arrive $0xFFFF  }
0x62: {  	p0 =	sne.s32 s3, $0x0;
	_ =	strace $0x90000056  }
0x63: {  	s0 =	sadd.s32 @!p0 $0x100000, s0;
	[bflag:$0x2] =	sbarrier.arrive $0xFFFF  }
0x64: {  	[sflag:s0] =	ssyncadd.tile.s32 @!p0 $0x1;
	_ =	shalt  }
.Lfunc_end2:
_tile_overlayer_lowered:
.L_overlay_start_2:
0x65: {  	(tag) =	ssettag $0x2  }
0x66: {  	s0 =	rddreg [dreg:$0x0];
	s2 =	stileid.u32  }
0x67: {  	s1 =	rddreg [dreg:$0x1];
	p0 =	sne.s32 s2, $0x0  }
0x68: {  	s3 =	rddreg [dreg:$0x2];
	[bflag:$0x3] =	sbarrier.arrive $0xFFFF;
	s2 =	simm.s32 @!p0 $0x1C02  }
0x69: {  	[timem:s3], [sflag:s2] =	dma.local @!p0 [hbm:s0], s1  }
0x6a: {  	s0 =	simm.s32 @!p0 $0x2  }
0x6b: {  	_ =	swait.ge @!p0 [sflag:s0], s1  }
0x6c: {  	s1 =	ssub.s32 @!p0 $0x0, s1;
	[sflag:s0] =	ssyncset.done @!p0 $0x0  }
0x6d: {  	[sflag:s0] =	ssyncadd.s32 @!p0 s1  }
0x6e: {  	[bflag:$0x3] =	sbarrier.arrive $0xFFFF  }
0x6f: {  	_ =	shalt  }

// kernel: kernel.31.cloned.1.call-start
scs
__scs_entry_jumppad:
0x0: {  	(pc) =	sbr.rel $0x88, $3  }
0x1: {  	(tag) =	ssettag $0x0;
	lr =	simm.s32 $0x1  }
0x2: {  	[smem:$0x3F95] =	sst lr;
	_ =	strace $0xD0000000  }
0x3: {  	_ = 	snop  }
0x4: {  	_ = 	snop  }
0x5: {  	_ = 	snop  }
0x6: {  	_ = 	snop  }
0x7: {  	_ = 	snop  }
__scs_overlays_trampoline_lowered:
0x8: {  	[smem:$0x3FA4] =	sst s0  }
0x9: {  	[smem:$0x3FA5] =	sst s1  }
0xa: {  	[smem:$0x3FA6] =	sst s2  }
0xb: {  	[smem:$0x3FA7] =	sst s3  }
0xc: {  	[smem:$0x3FA8] =	sst s4  }
0xd: {  	[smem:$0x3FA9] =	sst s5  }
0xe: {  	[smem:$0x3FAA] =	sst s6  }
0xf: {  	[smem:$0x3FAB] =	sst s7  }
0x10: {  	[smem:$0x3FAC] =	sst s8  }
0x11: {  	[smem:$0x3FAD] =	sst s9;
	s0 =	simm.s32 @!p0 $0x0  }
0x12: {  	s1 =	sld [smem:$0x3F93];
	s0 =	simm.s32 @p0 $0x1  }
0x13: {  	[smem:$0x3FAE] =	sst s0;
	s0 =	simm.s32 @!p1 $0x0  }
0x14: {  	s2 =	sld [smem:$0x3F92];
	s0 =	simm.s32 @p1 $0x1  }
0x15: {  	[smem:$0x3FAF] =	sst s0;
	s0 =	simm.s32 @!p2 $0x0  }
0x16: {  	s3 =	sld [smem:$0x3FDB];
	s0 =	simm.s32 @p2 $0x1  }
0x17: {  	s4 =	simm.s32 $0x1BF5;
	[smem:$0x3FB1] =	sst s0  }
0x18: {  	s0 =	sld [smem:$0x3F94];
	_ =	swait.ge [sflag:s4], $0x0  }
0x19: {  	s7 =	sld [smem:$0x3F95]  }
0x1a: {  	s8 =	sadd.s32 $0xFFFFE003, lr  }
0x1b: {  	s9 =	sadd.s32 $0xFFFFFEF7, lr;
	s5 =	simm.s32 $0xFFFFFFFF;
	p2 =	slt.u32 s8, $0xFFFFF086  }
0x1c: {  	p1 =	slt.u32 s9, $0xF7A;
	s5 =	simm.s32 @!p2 $0x0  }
0x1d: {  	s5 =	simm.s32 @p1 $0x1;
	p0 =	seq.s32 s7, s2  }
0x1e: {  	s7 =	smul.u32 @!p0 $0xF7A, s2;
	p2 =	seq.s32 @!p0 s5, $0x0  }
0x1f: {  	s9 =	smul.u32 $0xF7A, s1;
	s8 =	simm.s32 @!p0 $0x1BF5;
	p2 =	por !p2, p0  }
0x20: {  	[sflag:s8] =	ssyncset.s32 @!p0 $0xFFFFF086;
	s6 =	sadd.s32 @!p0 s3, s7;
	s7 =	simm.s32 @!p0 $0x108  }
0x21: {  	s3 =	sadd.s32 s3, s9;
	s6 =	sadd.s32 @!p0 $0x88, s6;
	s7 =	simm.s32 @p2 $0x1082  }
0x22: {  	[simem:s7], [sflag:s8] =	dma.local @!p0 [hbm:s6], $0xF7A  }
0x23: {  	s9 =	sor.u32 $0xD0000000, s2;
	s6 =	simm.s32 $0x108;
	_ =	swait.ge @!p0 [sflag:s8], $0x0  }
0x24: {  	s3 =	sadd.s32 $0x88, s3;
	s6 =	simm.s32 @!p1 $0x1082;
	[sflag:s4] =	ssyncset.s32 $0xFFFFF086  }
0x25: {  	[simem:s6], [sflag:s4] =	dma.local [hbm:s3], $0xF7A  }
0x26: {  	[smem:$0x3F95] =	sst s1;
	(tag) =	ssettag s2;
	_ =	strace s9  }
0x27: {  	s1 =	sld [smem:$0x3FA5]  }
0x28: {  	s2 =	sld [smem:$0x3FA6]  }
0x29: {  	s4 =	sld [smem:$0x3FA8]  }
0x2a: {  	p0 =	seq.s32 s5, $0x0;
	s5 =	sld [smem:$0x3FA9]  }
0x2b: {  	s6 =	sld [smem:$0x3FAA]  }
0x2c: {  	s7 =	sld [smem:$0x3FAB]  }
0x2d: {  	s3 =	simm.s32 $0x108;
	s8 =	sld [smem:$0x3FAC]  }
0x2e: {  	s3 =	simm.s32 @!p0 $0x1082;
	s9 =	sld [smem:$0x3FAD]  }
0x2f: {  	lr =	sadd.s32 s0, s3;
	s0 =	sld [smem:$0x3FA4]  }
0x30: {  	s3 =	sld [smem:$0x3FA7]  }
0x31: {  	[smem:$0x3FB0] =	sst s10  }
0x32: {  	s10 =	sld [smem:$0x3FAE];
	_ =	sdelay $0x3  }
0x33: {  	p0 =	seq.s32 s10, $0x1;
	s10 =	sld [smem:$0x3FB0];
	_ =	sdelay $0x3  }
0x34: {  	[smem:$0x3FB0] =	sst s10  }
0x35: {  	s10 =	sld [smem:$0x3FAF];
	_ =	sdelay $0x3  }
0x36: {  	p1 =	seq.s32 s10, $0x1;
	s10 =	sld [smem:$0x3FB0];
	_ =	sdelay $0x3  }
0x37: {  	[smem:$0x3FB0] =	sst s10  }
0x38: {  	s10 =	sld [smem:$0x3FB1]  }
0x39: {  	_ = 	snop;
	(pc) =	sbr.ind lr, $3  }
0x3a: {  	_ = 	snop  }
0x3b: {  	_ = 	snop  }
0x3c: {  	p2 =	seq.s32 s10, $0x1;
	s10 =	sld [smem:$0x3FB0]  }
0x3d: {  	_ =	shalt  }
0x3e: {  	_ =	shalt  }
0x3f: {  	_ =	shalt  }
0x40: {  	_ =	shalt  }
0x41: {  	_ =	shalt  }
0x42: {  	_ =	shalt  }
0x43: {  	_ =	shalt  }
0x44: {  	_ =	shalt  }
0x45: {  	_ =	shalt  }
0x46: {  	_ =	shalt  }
0x47: {  	_ =	shalt  }
0x48: {  	_ =	shalt  }
0x49: {  	_ =	shalt  }
0x4a: {  	_ =	shalt  }
0x4b: {  	_ =	shalt  }
0x4c: {  	_ =	shalt  }
0x4d: {  	_ =	shalt  }
0x4e: {  	_ =	shalt  }
0x4f: {  	_ =	shalt  }
0x50: {  	_ =	shalt  }
0x51: {  	_ =	shalt  }
0x52: {  	_ =	shalt  }
0x53: {  	_ =	shalt  }
0x54: {  	_ =	shalt  }
0x55: {  	_ =	shalt  }
0x56: {  	_ =	shalt  }
0x57: {  	_ =	shalt  }
0x58: {  	_ =	shalt  }
0x59: {  	_ =	shalt  }
0x5a: {  	_ =	shalt  }
0x5b: {  	_ =	shalt  }
0x5c: {  	_ =	shalt  }
0x5d: {  	_ =	shalt  }
0x5e: {  	_ =	shalt  }
0x5f: {  	_ =	shalt  }
0x60: {  	_ =	shalt  }
0x61: {  	_ =	shalt  }
0x62: {  	_ =	shalt  }
0x63: {  	_ =	shalt  }
0x64: {  	_ =	shalt  }
0x65: {  	_ =	shalt  }
0x66: {  	_ =	shalt  }
0x67: {  	_ =	shalt  }
0x68: {  	_ =	shalt  }
0x69: {  	_ =	shalt  }
0x6a: {  	_ =	shalt  }
0x6b: {  	_ =	shalt  }
0x6c: {  	_ =	shalt  }
0x6d: {  	_ =	shalt  }
0x6e: {  	_ =	shalt  }
0x6f: {  	_ =	shalt  }
0x70: {  	_ =	shalt  }
0x71: {  	_ =	shalt  }
0x72: {  	_ =	shalt  }
0x73: {  	_ =	shalt  }
0x74: {  	_ =	shalt  }
0x75: {  	_ =	shalt  }
0x76: {  	_ =	shalt  }
0x77: {  	_ =	shalt  }
0x78: {  	_ =	shalt  }
0x79: {  	_ =	shalt  }
0x7a: {  	_ =	shalt  }
0x7b: {  	_ =	shalt  }
0x7c: {  	_ =	shalt  }
0x7d: {  	_ =	shalt  }
0x7e: {  	_ =	shalt  }
0x7f: {  	_ =	shalt  }
0x80: {  	_ =	shalt  }
0x81: {  	_ =	shalt  }
0x82: {  	_ =	shalt  }
0x83: {  	_ =	shalt  }
0x84: {  	_ =	shalt  }
0x85: {  	_ =	shalt  }
0x86: {  	_ =	shalt  }
0x87: {  	_ =	shalt  }
.Lfunc_end0:
.L_simem_size_0:
called_computation.4_lowered:
.L_overlay_start_0:
0x88: {  	s2 =	sld [smem:$0x3FD9]  }
0x89: {  	s3 =	sld [smem:$0x3FFE];
	_ =	sdelay $0x1  }
0x8a: {  	s1 =	srdreg.scid  }
0x8b: {  	s0 =	sand.u32 $0x1, s1  }
0x8c: {  	s17 =	sshll.u32 s0, $0xA;
	s2 =	sadd.s32 s3, s2  }
0x8d: {  	s2 =	sadd.s32 s2, s17  }
0x8e: {  	[smem:$0x3FBC] =	sst s2  }
0x8f: {  	_ = 	snop  }
0x90: {  	(tm) =	ssettm $0x1  }
0x91: {  	s18 =	sld [smem:$0x3FFB];
	_ =	sdelay $0x3  }
0x92: {  	_ =	strace s18  }
0x93: {  	s2 =	sld [smem:$0x3FFC];
	_ =	sdelay $0x3  }
0x94: {  	_ =	strace s2  }
0x95: {  	s2 =	sld [smem:$0x3FFD];
	_ =	sdelay $0x3  }
0x96: {  	_ =	strace s2  }
0x97: {  	_ =	strace $0x8FFFFFFF  }
0x98: {  	s19 =	sld [smem:$0x3FDB];
	_ =	sdelay $0x1  }
0x99: {  	s20 =	simm.s32 $_scs_section_size  }
0x9a: {  	s4 =	simm.s32 $_size__tile_overlayer_lowered;
	s5 =	simm.s32 $_tile_overlayer_lowered  }
0x9b: {  	s6 =	simm.s32 $0x1BFF;
	s21 =	sshll.u32 s5, $0x1;
	s3 =	sadd.s32 s20, s19  }
0x9c: {  	s22 =	simm.s32 $0x0;
	s4 =	sshll.u32 s4, $0x1;
	s5 =	sadd.s32 s21, s3  }
0x9d: {  	[timem:s22], [sflag:s6] =	dma.local [hbm:s5], s4  }
0x9e: {  	_ =	swait.ge [sflag:s6], s4  }
0x9f: {  	s4 =	ssub.s32 $0x0, s4;
	[sflag:s6] =	ssyncset.done $0x0  }
0xa0: {  	[sflag:s6] =	ssyncadd.s32 s4;
	_ =	sdelay $0x1  }
0xa1: {  	s23 =	simm.s32 $0x1B8B  }
0xa2: {  	_ =	swait.ge [sflag:s23], $0x1  }
0xa3: {  	[sflag:s23] =	ssyncset.done $0x0  }
0xa4: {  	[sflag:s23] =	ssyncadd.s32 $0xFFFFFFFF  }
0xa5: {  	s4 =	sld [smem:$0x0]  }
0xa6: {  	s5 =	sand.u32 $0xFFFFFFFE, s1  }
0xa7: {  	p0 =	sne.s32 s1, s5  }
0xa8: {  	s5 =	sshll.u32 @p0 s5, $0xE  }
0xa9: {  	s5 =	sadd.s32 @p0 $0x11B8D, s5;
	s6 =	sshll.u32 @p0 s4, $0x11  }
0xaa: {  	s5 =	sor.u32 @p0 s6, s5  }
0xab: {  	[sflag:s5] =	ssyncadd.remote.s32 @p0 $0x1;
	_ =	sdelay $0x1  }
0xac: {  	s5 =	simm.s32 @p0 $0x1B8D  }
0xad: {  	_ =	swait.eq @p0 [sflag:s5], $0x1  }
0xae: {  	[sflag:s5] =	ssyncadd.s32 @p0 $0xFFFFFFFF  }
0xaf: {  	s6 =	sshll.u32 @!p0 s1, $0xE  }
0xb0: {  	s6 =	sor.u32 @!p0 $0x4000, s6;
	s5 =	simm.s32 @!p0 $0x1B8D  }
0xb1: {  	s4 =	sshll.u32 @!p0 s4, $0x11;
	s6 =	sadd.s32 @!p0 $0x11B8D, s6;
	_ =	swait.eq @!p0 [sflag:s5], $0x1  }
0xb2: {  	s4 =	sor.u32 @!p0 s4, s6;
	[sflag:s5] =	ssyncadd.s32 @!p0 $0xFFFFFFFF  }
0xb3: {  	s25 =	simm.s32 $0x1B8E;
	s24 =	sld [smem:$0x3FFE];
	[sflag:s4] =	ssyncadd.remote.s32 @!p0 $0x1  }
0xb4: {  	s26 =	simm.s32 $execute0_lowered;
	[smem:$0x3FD2] =	sst s25  }
0xb5: {  	s5 =	sshll.u32 s26, $0x1;
	_ =	strace $0x80000052;
	[dreg:$0x1] =	wrdreg $0xFFFFFFFF  }
0xb6: {  	s28 =	simm.s32 $_size_execute0_lowered;
	s3 =	sadd.s32 s3, s5;
	[dreg:$0x0] =	wrdreg $0x0  }
0xb7: {  	s5 =	sshll.u32 s28, $0x1;
	[dreg:$0x2] =	wrdreg s3  }
0xb8: {  	[dreg:$0x3] =	wrdreg s5  }
0xb9: {  	[dreg:$0x4] =	wrdreg $0xC0  }
0xba: {  	_ =	task [dreg:s22], $0x5FFFF  }
0xbb: {  	[dreg:$0x1] =	wrdreg $0xFFFFFFFF  }
0xbc: {  	[dreg:$0x0] =	wrdreg $0x60  }
0xbd: {  	[dreg:$0x2] =	wrdreg s24  }
0xbe: {  	[dreg:$0x3] =	wrdreg $0xA0000  }
0xbf: {  	[dreg:$0x4] =	wrdreg $0xD  }
0xc0: {  	_ =	task.clear_ibuf [dreg:s22], $0x5FFFF;
	_ =	strace $0x90000052  }
0xc1: {  	s29 =	simm.s32 $0xD;
	_ =	strace $0x80000054  }
0xc2: {  	_ =	swait.ge [sflag:s29], $0x1  }
0xc3: {  	[sflag:s29] =	ssyncadd.s32 $0xFFFFFFFF  }
0xc4: {  	_ =	strace $0x90000054  }
0xc5: {  	_ =	sfence  }
0xc6: {  	s30 =	sld [smem:$0x0];
	_ =	sdelay $0x2  }
0xc7: {  	s31 =	sshll.u32 s1, $0xD;
	s1 =	sshrl.u32 s1, $0x2  }
0xc8: {  	s4 =	sand.u32 $0x4000, s31;
	s1 =	sadd.s32 s1, s30  }
0xc9: {  	s0 =	sor.u32 s4, s0;
	s1 =	sshll.u32 s1, $0x11  }
0xca: {  	s0 =	sor.u32 s1, s0  }
0xcb: {  	s0 =	sadd.s32 $0x8F2B, s0  }
0xcc: {  	[sflag:s0] =	ssyncadd.remote.s32 $0x1  }
0xcd: {  	_ =	sfence.sel $0xFFFF  }
0xce: {  	[dreg:$0x0] =	wrdreg $0xFFFFFFFF;
	(pc) =	sbr.abs _section_cstart, $3  }
0xcf: {  	[dreg:$0x1] =	wrdreg $0xFFFFFFFF  }
0xd0: {  	_ =	task.clear_ibuf [dreg:s22], $0x2FFFF;
	_ =	strace $0x9FFFFFFF  }
0xd1: {  	(tm) =	ssettm $0x7FFFFFFF  }
tec
execute0_lowered:
.L_overlay_start_1:
0x0: {  	(tag) =	ssettag $0x1  }
0x1: {  	s7 =	rddreg [dreg:$0x0];
	s0 =	srdreg.scid  }
0x2: {  	s1 =	rddreg [dreg:$0x1];
	s3 =	simm.s32 $0x0;
	s2 =	stileid.u32  }
0x3: {  	s14 =	simm.s32 $0x1000;
	s15 =	simm.s32 $0x80;
	s16 =	simm.s32 $0x2000  }
0x4: {  	s17 =	simm.s32 $0x1;
	s18 =	simm.s32 $0x6000;
	s19 =	simm.s32 $0xF80  }
0x5: {  	s20 =	simm.s32 $0x1F00;
	s21 =	simm.s32 $0x1F80;
	s9 =	smul.u32 $0x13C00, s2  }
0x6: {  	s8 =	sand.u32 $0x1, s0;
	s0 =	rddreg [dreg:$0x2];
	s11 =	smul.u32 $0x4F000, s2  }
0x7: {  	[smem:$0x7FF] =	sst s3;
	s5 =	sadd.s32 $0x181E00, s7;
	s4 =	smul.u32 $0x27100, s8  }
0x8: {  	s31 =	sshll.u32 s2, $0x6;
	s6 =	smul.u32 $0x13C000, s8;
	s8 =	ssub.s32 $0x2, s8  }
0x9: {  	_ =	strace $0x80000053;
	s28 =	sshrl.u32 s8, $0x1;
	s29 =	sshrl.u32 s11, $0x2  }
0xa: {  	s10 =	sadd.s32 s4, s7;
	s4 =	sadd.s32 $0x16DE00, s7;
	s9 =	sadd.s32 s9, s6  }
0xb: {  	s6 =	sadd.s32 $0x1C400, s7;
	s30 =	ssub.s32 s8, s28;
	s13 =	sadd.s32 s29, s1  }
0xc: {  	s8 =	smul.u32 $0x5000, s2;
	s9 =	sshrl.u32 s9, $0x3;
	s11 =	smax.u32 s30, $0x1  }
0xd: {  	s12 =	sadd.s32 s9, s7;
	s7 =	sor.u32 $0x1C02, s31;
	s9 =	sadd.s32 $0x115C00, s10  }
0xe: {  	s10 =	sadd.s32 $0x1DAE00, s12;
	s12 =	sshrl.u32 s13, $0x3;
	s13 =	simm.s32 $0x2  }
.LBB2_1:
0xf: {  	[spmem:s12], [sflag:s7] =	dma.local [hbm:s6], $0x2780  }
0x10: {  	_ =	swait.ge [sflag:s13], $0x2780  }
0x11: {  	[sflag:s13] =	ssyncset.done $0x0  }
0x12: {  	[sflag:s13] =	ssyncadd.s32 $0xFFFFD880  }
0x13: {  	s22 =	simm.s32 $0x0;
	[bflag:$0x0] =	sbarrier.arrive $0xFFFF  }
.LBB2_2:
0x14: {  	s23 =	sshll.u32 s22, $0xC  }
0x15: {  	s23 =	sadd.s32 s8, s23  }
0x16: {  	s23 =	sshrl.u32 s23, $0x3  }
0x17: {  	s25 =	simm.s32 $0x0;
	s24 =	sadd.s32 s4, s23  }
0x18: {  	[tilespmem:s25], [sflag:$0x2] =	stream.linear.gather [hbm4b:s24+s25], $0x1000, $0x38;
	[tilespmem:$0x1DC00] =	vst v63  }
0x19: {  	_ =	swait.ge [sflag:s13], $0x1000  }
0x1a: {  	[sflag:s13] =	ssyncset.done $0x0  }
0x1b: {  	s23 =	sadd.s32 s5, s23;
	[sflag:s13] =	ssyncadd.s32 $0xFFFFF000  }
0x1c: {  	[tilespmem:s14], [sflag:$0x2] =	stream.linear.gather [hbm4b:s23+s25], $0x1000, $0x38;
	[tilespmem:$0x1DC00] =	vst v63  }
0x1d: {  	_ =	swait.ge [sflag:s13], $0x1000  }
0x1e: {  	[sflag:s13] =	ssyncset.done $0x0  }
0x1f: {  	[sflag:s13] =	ssyncadd.s32 $0xFFFFF000  }
0x20: {  	[tilespmem:s16], [sflag:$0x1] =	stream.indirect.gather [hbm4b:s9+s15], $0x80, s25, s15, $0xb8;
	[tilespmem:$0x1DC00] =	vst v63  }
0x21: {  	_ =	swait.ge [sflag:s17], $0x4000  }
0x22: {  	[sflag:s17] =	ssyncset.done $0x0  }
0x23: {  	s28 =	simm.s32 $0x80;
	[sflag:s17] =	ssyncadd.s32 $0xFFFFC000  }
0x24: {  	[tilespmem:s18], [sflag:$0x1] =	stream.indirect.gather [hbm4b:s9+s15], $0x80, s28, s15, $0xb8;
	[tilespmem:$0x1DC00] =	vst v63  }
0x25: {  	s29 =	simm.s32 $0x1000  }
0x26: {  	[spmem:s1] =	stream.indirect.scatter.add.f32 [tilespmem:s16], [sflag:$0x2], $0x80, s29, s15, $0xb8;
	[tilespmem:$0x1DC00] =	vst v63  }
0x27: {  	_ =	swait.ge [sflag:s13], $0x4000  }
0x28: {  	[sflag:s13] =	ssyncset.done $0x0  }
0x29: {  	[sflag:s13] =	ssyncadd.s32 $0xFFFFC000  }
0x2a: {  	_ =	swait.ge [sflag:s17], $0x4000  }
0x2b: {  	[sflag:s17] =	ssyncset.done $0x0  }
0x2c: {  	s30 =	simm.s32 $0x100;
	[sflag:s17] =	ssyncadd.s32 $0xFFFFC000  }
0x2d: {  	[tilespmem:s16], [sflag:$0x1] =	stream.indirect.gather [hbm4b:s9+s15], $0x80, s30, s15, $0xb8;
	[tilespmem:$0x1DC00] =	vst v63  }
0x2e: {  	s31 =	simm.s32 $0x1080  }
0x2f: {  	[spmem:s1] =	stream.indirect.scatter.add.f32 [tilespmem:s18], [sflag:$0x2], $0x80, s31, s15, $0xb8;
	[tilespmem:$0x1DC00] =	vst v63  }
0x30: {  	_ =	swait.ge [sflag:s13], $0x4000  }
0x31: {  	s23 =	simm.s32 $0x400;
	[sflag:s13] =	ssyncset.done $0x0  }
.LBB2_3:
0x32: {  	p0 =	sne.s32 s23, $0x3800  }
0x33: {  	[sflag:s13] =	ssyncadd.s32 $0xFFFFC000;
	s24 =	smov.u32 s23;
	s23 =	sadd.s32 $0x400, s23  }
0x34: {  	_ = 	snop  }
0x35: {  	_ =	swait.ge [sflag:s17], $0x4000  }
0x36: {  	s24 =	sshra.s32 s24, $0x2;
	[sflag:s17] =	ssyncset.done $0x0  }
0x37: {  	s25 =	sadd.s32 $0x80, s24;
	[sflag:s17] =	ssyncadd.s32 $0xFFFFC000  }
0x38: {  	[tilespmem:s18], [sflag:$0x1] =	stream.indirect.gather [hbm4b:s9+s15], $0x80, s25, s15, $0xb8;
	[tilespmem:$0x1DC00] =	vst v63  }
0x39: {  	s25 =	sadd.s32 $0x1000, s24  }
0x3a: {  	[spmem:s1] =	stream.indirect.scatter.add.f32 [tilespmem:s16], [sflag:$0x2], $0x80, s25, s15, $0xb8;
	[tilespmem:$0x1DC00] =	vst v63  }
0x3b: {  	_ =	swait.ge [sflag:s13], $0x4000  }
0x3c: {  	[sflag:s13] =	ssyncset.done $0x0  }
0x3d: {  	[sflag:s13] =	ssyncadd.s32 $0xFFFFC000  }
0x3e: {  	_ =	swait.ge [sflag:s17], $0x4000  }
0x3f: {  	[sflag:s17] =	ssyncset.done $0x0  }
0x40: {  	s25 =	sadd.s32 $0x100, s24;
	[sflag:s17] =	ssyncadd.s32 $0xFFFFC000  }
0x41: {  	[tilespmem:s16], [sflag:$0x1] =	stream.indirect.gather [hbm4b:s9+s15], $0x80, s25, s15, $0xb8;
	[tilespmem:$0x1DC00] =	vst v63  }
.Ltmp0:
0x42: {  	_ = 	snop;
	(pc) =	sbr.rel @p0 .LBB2_3-.Ltmp0, $4  }
0x43: {  	s24 =	sadd.s32 $0x1080, s24  }
0x44: {  	[spmem:s1] =	stream.indirect.scatter.add.f32 [tilespmem:s18], [sflag:$0x2], $0x80, s24, s15, $0xb8;
	[tilespmem:$0x1DC00] =	vst v63  }
0x45: {  	_ =	swait.ge [sflag:s13], $0x4000  }
0x46: {  	[sflag:s13] =	ssyncset.done $0x0  }
0x47: {  	[sflag:s13] =	ssyncadd.s32 $0xFFFFC000  }
0x48: {  	_ =	swait.ge [sflag:s17], $0x4000  }
0x49: {  	[sflag:s17] =	ssyncset.done $0x0  }
0x4a: {  	[sflag:s17] =	ssyncadd.s32 $0xFFFFC000  }
0x4b: {  	[tilespmem:s18], [sflag:$0x1] =	stream.indirect.gather [hbm4b:s9+s15], $0x80, s19, s15, $0xb8;
	[tilespmem:$0x1DC00] =	vst v63  }
0x4c: {  	_ = 	snop  }
0x4d: {  	[spmem:s1] =	stream.indirect.scatter.add.f32 [tilespmem:s16], [sflag:$0x2], $0x80, s20, s15, $0xb8;
	[tilespmem:$0x1DC00] =	vst v63  }
0x4e: {  	_ =	swait.ge [sflag:s13], $0x4000  }
0x4f: {  	[sflag:s13] =	ssyncset.done $0x0  }
0x50: {  	[sflag:s13] =	ssyncadd.s32 $0xFFFFC000  }
0x51: {  	s22 =	sadd.s32 $0x1, s22;
	_ =	swait.ge [sflag:s17], $0x4000  }
0x52: {  	p0 =	sne.s32 s22, $0x5;
	[sflag:s17] =	ssyncset.done $0x0  }
.Ltmp1:
0x53: {  	[sflag:s17] =	ssyncadd.s32 $0xFFFFC000;
	(pc) =	sbr.rel @p0 .LBB2_2-.Ltmp1, $4  }
0x54: {  	[spmem:s1] =	stream.indirect.scatter.add.f32 [tilespmem:s18], [sflag:$0x2], $0x80, s21, s15, $0xb8;
	[tilespmem:$0x1DC00] =	vst v63  }
0x55: {  	_ =	swait.ge [sflag:s13], $0x4000  }
0x56: {  	[sflag:s13] =	ssyncset.done $0x0  }
0x57: {  	[sflag:s13] =	ssyncadd.s32 $0xFFFFC000  }
0x58: {  	s3 =	sadd.s32 $0x1, s3  }
0x59: {  	p0 =	sne.s32 s3, s11  }
.Ltmp2:
0x5a: {  	[bflag:$0x0] =	sbarrier.arrive $0xFFFF;
	(pc) =	sbr.rel @p0 .LBB2_1-.Ltmp2, $4  }
0x5b: {  	[hbm:s10], [sflag:s7] =	dma.local [spmem:s12], $0x2780  }
0x5c: {  	_ =	swait.ge [sflag:s13], $0x2780  }
0x5d: {  	[sflag:s13] =	ssyncset.done $0x0  }
0x5e: {  	[sflag:s13] =	ssyncadd.s32 $0xFFFFD880  }
0x5f: {  	_ =	sfence.sel $0x180000  }
0x60: {  	[bflag:$0x0] =	sbarrier.arrive $0xFFFF  }
0x61: {  	p0 =	sne.s32 s2, $0x0;
	_ =	strace $0x90000053  }
0x62: {  	s0 =	sadd.s32 @!p0 $0x100000, s0;
	[bflag:$0x2] =	sbarrier.arrive $0xFFFF  }
0x63: {  	[sflag:s0] =	ssyncadd.tile.s32 @!p0 $0x1;
	_ =	shalt  }
.Lfunc_end2:
_tile_overlayer_lowered:
.L_overlay_start_2:
0x64: {  	(tag) =	ssettag $0x2  }
0x65: {  	s0 =	rddreg [dreg:$0x0];
	s2 =	stileid.u32  }
0x66: {  	s1 =	rddreg [dreg:$0x1];
	p0 =	sne.s32 s2, $0x0  }
0x67: {  	s3 =	rddreg [dreg:$0x2];
	[bflag:$0x3] =	sbarrier.arrive $0xFFFF;
	s2 =	simm.s32 @!p0 $0x1C02  }
0x68: {  	[timem:s3], [sflag:s2] =	dma.local @!p0 [hbm:s0], s1  }
0x69: {  	s0 =	simm.s32 @!p0 $0x2  }
0x6a: {  	_ =	swait.ge @!p0 [sflag:s0], s1  }
0x6b: {  	s1 =	ssub.s32 @!p0 $0x0, s1;
	[sflag:s0] =	ssyncset.done @!p0 $0x0  }
0x6c: {  	[sflag:s0] =	ssyncadd.s32 @!p0 s1  }
0x6d: {  	[bflag:$0x3] =	sbarrier.arrive $0xFFFF  }
0x6e: {  	_ =	shalt  }

// kernel: kernel.34.cloned.1.call-start
scs
__scs_entry_jumppad:
0x0: {  	(pc) =	sbr.rel $0x88, $3  }
0x1: {  	(tag) =	ssettag $0x0;
	lr =	simm.s32 $0x1  }
0x2: {  	[smem:$0x3F95] =	sst lr;
	_ =	strace $0xD0000000  }
0x3: {  	_ = 	snop  }
0x4: {  	_ = 	snop  }
0x5: {  	_ = 	snop  }
0x6: {  	_ = 	snop  }
0x7: {  	_ = 	snop  }
__scs_overlays_trampoline_lowered:
0x8: {  	[smem:$0x3FA4] =	sst s0  }
0x9: {  	[smem:$0x3FA5] =	sst s1  }
0xa: {  	[smem:$0x3FA6] =	sst s2  }
0xb: {  	[smem:$0x3FA7] =	sst s3  }
0xc: {  	[smem:$0x3FA8] =	sst s4  }
0xd: {  	[smem:$0x3FA9] =	sst s5  }
0xe: {  	[smem:$0x3FAA] =	sst s6  }
0xf: {  	[smem:$0x3FAB] =	sst s7  }
0x10: {  	[smem:$0x3FAC] =	sst s8  }
0x11: {  	[smem:$0x3FAD] =	sst s9;
	s0 =	simm.s32 @!p0 $0x0  }
0x12: {  	s1 =	sld [smem:$0x3F93];
	s0 =	simm.s32 @p0 $0x1  }
0x13: {  	[smem:$0x3FAE] =	sst s0;
	s0 =	simm.s32 @!p1 $0x0  }
0x14: {  	s2 =	sld [smem:$0x3F92];
	s0 =	simm.s32 @p1 $0x1  }
0x15: {  	[smem:$0x3FAF] =	sst s0;
	s0 =	simm.s32 @!p2 $0x0  }
0x16: {  	s3 =	sld [smem:$0x3FDB];
	s0 =	simm.s32 @p2 $0x1  }
0x17: {  	s4 =	simm.s32 $0x1BF5;
	[smem:$0x3FB1] =	sst s0  }
0x18: {  	s0 =	sld [smem:$0x3F94];
	_ =	swait.ge [sflag:s4], $0x0  }
0x19: {  	s7 =	sld [smem:$0x3F95]  }
0x1a: {  	s8 =	sadd.s32 $0xFFFFE003, lr  }
0x1b: {  	s9 =	sadd.s32 $0xFFFFFEF7, lr;
	s5 =	simm.s32 $0xFFFFFFFF;
	p2 =	slt.u32 s8, $0xFFFFF086  }
0x1c: {  	p1 =	slt.u32 s9, $0xF7A;
	s5 =	simm.s32 @!p2 $0x0  }
0x1d: {  	s5 =	simm.s32 @p1 $0x1;
	p0 =	seq.s32 s7, s2  }
0x1e: {  	s7 =	smul.u32 @!p0 $0xF7A, s2;
	p2 =	seq.s32 @!p0 s5, $0x0  }
0x1f: {  	s9 =	smul.u32 $0xF7A, s1;
	s8 =	simm.s32 @!p0 $0x1BF5;
	p2 =	por !p2, p0  }
0x20: {  	[sflag:s8] =	ssyncset.s32 @!p0 $0xFFFFF086;
	s6 =	sadd.s32 @!p0 s3, s7;
	s7 =	simm.s32 @!p0 $0x108  }
0x21: {  	s3 =	sadd.s32 s3, s9;
	s6 =	sadd.s32 @!p0 $0x88, s6;
	s7 =	simm.s32 @p2 $0x1082  }
0x22: {  	[simem:s7], [sflag:s8] =	dma.local @!p0 [hbm:s6], $0xF7A  }
0x23: {  	s9 =	sor.u32 $0xD0000000, s2;
	s6 =	simm.s32 $0x108;
	_ =	swait.ge @!p0 [sflag:s8], $0x0  }
0x24: {  	s3 =	sadd.s32 $0x88, s3;
	s6 =	simm.s32 @!p1 $0x1082;
	[sflag:s4] =	ssyncset.s32 $0xFFFFF086  }
0x25: {  	[simem:s6], [sflag:s4] =	dma.local [hbm:s3], $0xF7A  }
0x26: {  	[smem:$0x3F95] =	sst s1;
	(tag) =	ssettag s2;
	_ =	strace s9  }
0x27: {  	s1 =	sld [smem:$0x3FA5]  }
0x28: {  	s2 =	sld [smem:$0x3FA6]  }
0x29: {  	s4 =	sld [smem:$0x3FA8]  }
0x2a: {  	p0 =	seq.s32 s5, $0x0;
	s5 =	sld [smem:$0x3FA9]  }
0x2b: {  	s6 =	sld [smem:$0x3FAA]  }
0x2c: {  	s7 =	sld [smem:$0x3FAB]  }
0x2d: {  	s3 =	simm.s32 $0x108;
	s8 =	sld [smem:$0x3FAC]  }
0x2e: {  	s3 =	simm.s32 @!p0 $0x1082;
	s9 =	sld [smem:$0x3FAD]  }
0x2f: {  	lr =	sadd.s32 s0, s3;
	s0 =	sld [smem:$0x3FA4]  }
0x30: {  	s3 =	sld [smem:$0x3FA7]  }
0x31: {  	[smem:$0x3FB0] =	sst s10  }
0x32: {  	s10 =	sld [smem:$0x3FAE];
	_ =	sdelay $0x3  }
0x33: {  	p0 =	seq.s32 s10, $0x1;
	s10 =	sld [smem:$0x3FB0];
	_ =	sdelay $0x3  }
0x34: {  	[smem:$0x3FB0] =	sst s10  }
0x35: {  	s10 =	sld [smem:$0x3FAF];
	_ =	sdelay $0x3  }
0x36: {  	p1 =	seq.s32 s10, $0x1;
	s10 =	sld [smem:$0x3FB0];
	_ =	sdelay $0x3  }
0x37: {  	[smem:$0x3FB0] =	sst s10  }
0x38: {  	s10 =	sld [smem:$0x3FB1]  }
0x39: {  	_ = 	snop;
	(pc) =	sbr.ind lr, $3  }
0x3a: {  	_ = 	snop  }
0x3b: {  	_ = 	snop  }
0x3c: {  	p2 =	seq.s32 s10, $0x1;
	s10 =	sld [smem:$0x3FB0]  }
0x3d: {  	_ =	shalt  }
0x3e: {  	_ =	shalt  }
0x3f: {  	_ =	shalt  }
0x40: {  	_ =	shalt  }
0x41: {  	_ =	shalt  }
0x42: {  	_ =	shalt  }
0x43: {  	_ =	shalt  }
0x44: {  	_ =	shalt  }
0x45: {  	_ =	shalt  }
0x46: {  	_ =	shalt  }
0x47: {  	_ =	shalt  }
0x48: {  	_ =	shalt  }
0x49: {  	_ =	shalt  }
0x4a: {  	_ =	shalt  }
0x4b: {  	_ =	shalt  }
0x4c: {  	_ =	shalt  }
0x4d: {  	_ =	shalt  }
0x4e: {  	_ =	shalt  }
0x4f: {  	_ =	shalt  }
0x50: {  	_ =	shalt  }
0x51: {  	_ =	shalt  }
0x52: {  	_ =	shalt  }
0x53: {  	_ =	shalt  }
0x54: {  	_ =	shalt  }
0x55: {  	_ =	shalt  }
0x56: {  	_ =	shalt  }
0x57: {  	_ =	shalt  }
0x58: {  	_ =	shalt  }
0x59: {  	_ =	shalt  }
0x5a: {  	_ =	shalt  }
0x5b: {  	_ =	shalt  }
0x5c: {  	_ =	shalt  }
0x5d: {  	_ =	shalt  }
0x5e: {  	_ =	shalt  }
0x5f: {  	_ =	shalt  }
0x60: {  	_ =	shalt  }
0x61: {  	_ =	shalt  }
0x62: {  	_ =	shalt  }
0x63: {  	_ =	shalt  }
0x64: {  	_ =	shalt  }
0x65: {  	_ =	shalt  }
0x66: {  	_ =	shalt  }
0x67: {  	_ =	shalt  }
0x68: {  	_ =	shalt  }
0x69: {  	_ =	shalt  }
0x6a: {  	_ =	shalt  }
0x6b: {  	_ =	shalt  }
0x6c: {  	_ =	shalt  }
0x6d: {  	_ =	shalt  }
0x6e: {  	_ =	shalt  }
0x6f: {  	_ =	shalt  }
0x70: {  	_ =	shalt  }
0x71: {  	_ =	shalt  }
0x72: {  	_ =	shalt  }
0x73: {  	_ =	shalt  }
0x74: {  	_ =	shalt  }
0x75: {  	_ =	shalt  }
0x76: {  	_ =	shalt  }
0x77: {  	_ =	shalt  }
0x78: {  	_ =	shalt  }
0x79: {  	_ =	shalt  }
0x7a: {  	_ =	shalt  }
0x7b: {  	_ =	shalt  }
0x7c: {  	_ =	shalt  }
0x7d: {  	_ =	shalt  }
0x7e: {  	_ =	shalt  }
0x7f: {  	_ =	shalt  }
0x80: {  	_ =	shalt  }
0x81: {  	_ =	shalt  }
0x82: {  	_ =	shalt  }
0x83: {  	_ =	shalt  }
0x84: {  	_ =	shalt  }
0x85: {  	_ =	shalt  }
0x86: {  	_ =	shalt  }
0x87: {  	_ =	shalt  }
.Lfunc_end0:
.L_simem_size_0:
called_computation.5_lowered:
.L_overlay_start_0:
0x88: {  	s2 =	sld [smem:$0x3FD9]  }
0x89: {  	s3 =	sld [smem:$0x3FFE];
	_ =	sdelay $0x1  }
0x8a: {  	s1 =	srdreg.scid  }
0x8b: {  	s0 =	sand.u32 $0x1, s1  }
0x8c: {  	s17 =	sshll.u32 s0, $0xA;
	s2 =	sadd.s32 s3, s2  }
0x8d: {  	s2 =	sadd.s32 s2, s17  }
0x8e: {  	[smem:$0x3FBC] =	sst s2  }
0x8f: {  	_ = 	snop  }
0x90: {  	(tm) =	ssettm $0x1  }
0x91: {  	s18 =	sld [smem:$0x3FFB];
	_ =	sdelay $0x3  }
0x92: {  	_ =	strace s18  }
0x93: {  	s2 =	sld [smem:$0x3FFC];
	_ =	sdelay $0x3  }
0x94: {  	_ =	strace s2  }
0x95: {  	s2 =	sld [smem:$0x3FFD];
	_ =	sdelay $0x3  }
0x96: {  	_ =	strace s2  }
0x97: {  	_ =	strace $0x8FFFFFFF  }
0x98: {  	s19 =	sld [smem:$0x3FDB];
	_ =	sdelay $0x1  }
0x99: {  	s20 =	simm.s32 $_scs_section_size  }
0x9a: {  	s4 =	simm.s32 $_size__tile_overlayer_lowered;
	s5 =	simm.s32 $_tile_overlayer_lowered  }
0x9b: {  	s6 =	simm.s32 $0x1BFF;
	s21 =	sshll.u32 s5, $0x1;
	s3 =	sadd.s32 s20, s19  }
0x9c: {  	s22 =	simm.s32 $0x0;
	s4 =	sshll.u32 s4, $0x1;
	s5 =	sadd.s32 s21, s3  }
0x9d: {  	[timem:s22], [sflag:s6] =	dma.local [hbm:s5], s4  }
0x9e: {  	_ =	swait.ge [sflag:s6], s4  }
0x9f: {  	s4 =	ssub.s32 $0x0, s4;
	[sflag:s6] =	ssyncset.done $0x0  }
0xa0: {  	[sflag:s6] =	ssyncadd.s32 s4;
	_ =	sdelay $0x1  }
0xa1: {  	s23 =	simm.s32 $0x1B8B  }
0xa2: {  	_ =	swait.ge [sflag:s23], $0x1  }
0xa3: {  	[sflag:s23] =	ssyncset.done $0x0  }
0xa4: {  	[sflag:s23] =	ssyncadd.s32 $0xFFFFFFFF  }
0xa5: {  	s4 =	sld [smem:$0x0]  }
0xa6: {  	s5 =	sand.u32 $0xFFFFFFFE, s1  }
0xa7: {  	p0 =	sne.s32 s1, s5  }
0xa8: {  	s5 =	sshll.u32 @p0 s5, $0xE  }
0xa9: {  	s5 =	sadd.s32 @p0 $0x11B8D, s5;
	s6 =	sshll.u32 @p0 s4, $0x11  }
0xaa: {  	s5 =	sor.u32 @p0 s6, s5  }
0xab: {  	[sflag:s5] =	ssyncadd.remote.s32 @p0 $0x1;
	_ =	sdelay $0x1  }
0xac: {  	s5 =	simm.s32 @p0 $0x1B8D  }
0xad: {  	_ =	swait.eq @p0 [sflag:s5], $0x1  }
0xae: {  	[sflag:s5] =	ssyncadd.s32 @p0 $0xFFFFFFFF  }
0xaf: {  	s6 =	sshll.u32 @!p0 s1, $0xE  }
0xb0: {  	s6 =	sor.u32 @!p0 $0x4000, s6;
	s5 =	simm.s32 @!p0 $0x1B8D  }
0xb1: {  	s4 =	sshll.u32 @!p0 s4, $0x11;
	s6 =	sadd.s32 @!p0 $0x11B8D, s6;
	_ =	swait.eq @!p0 [sflag:s5], $0x1  }
0xb2: {  	s4 =	sor.u32 @!p0 s4, s6;
	[sflag:s5] =	ssyncadd.s32 @!p0 $0xFFFFFFFF  }
0xb3: {  	s25 =	simm.s32 $0x1B8E;
	s24 =	sld [smem:$0x3FFE];
	[sflag:s4] =	ssyncadd.remote.s32 @!p0 $0x1  }
0xb4: {  	s26 =	simm.s32 $execute0_lowered;
	[smem:$0x3FD2] =	sst s25  }
0xb5: {  	s5 =	sshll.u32 s26, $0x1;
	_ =	strace $0x8000004F;
	[dreg:$0x1] =	wrdreg $0xFFFFFFFF  }
0xb6: {  	s28 =	simm.s32 $_size_execute0_lowered;
	s3 =	sadd.s32 s3, s5;
	[dreg:$0x0] =	wrdreg $0x0  }
0xb7: {  	s5 =	sshll.u32 s28, $0x1;
	[dreg:$0x2] =	wrdreg s3  }
0xb8: {  	[dreg:$0x3] =	wrdreg s5  }
0xb9: {  	[dreg:$0x4] =	wrdreg $0xC0  }
0xba: {  	_ =	task [dreg:s22], $0x5FFFF  }
0xbb: {  	[dreg:$0x1] =	wrdreg $0xFFFFFFFF  }
0xbc: {  	[dreg:$0x0] =	wrdreg $0x60  }
0xbd: {  	[dreg:$0x2] =	wrdreg s24  }
0xbe: {  	[dreg:$0x3] =	wrdreg $0xA0000  }
0xbf: {  	[dreg:$0x4] =	wrdreg $0xE  }
0xc0: {  	_ =	task.clear_ibuf [dreg:s22], $0x5FFFF;
	_ =	strace $0x9000004F  }
0xc1: {  	s29 =	simm.s32 $0xE;
	_ =	strace $0x80000051  }
0xc2: {  	_ =	swait.ge [sflag:s29], $0x1  }
0xc3: {  	[sflag:s29] =	ssyncadd.s32 $0xFFFFFFFF  }
0xc4: {  	_ =	strace $0x90000051  }
0xc5: {  	_ =	sfence  }
0xc6: {  	s30 =	sld [smem:$0x0];
	_ =	sdelay $0x2  }
0xc7: {  	s31 =	sshll.u32 s1, $0xD;
	s1 =	sshrl.u32 s1, $0x2  }
0xc8: {  	s4 =	sand.u32 $0x4000, s31;
	s1 =	sadd.s32 s1, s30  }
0xc9: {  	s0 =	sor.u32 s4, s0;
	s1 =	sshll.u32 s1, $0x11  }
0xca: {  	s0 =	sor.u32 s1, s0  }
0xcb: {  	s0 =	sadd.s32 $0x8F2B, s0  }
0xcc: {  	[sflag:s0] =	ssyncadd.remote.s32 $0x1  }
0xcd: {  	_ =	sfence.sel $0xFFFF  }
0xce: {  	[dreg:$0x0] =	wrdreg $0xFFFFFFFF;
	(pc) =	sbr.abs _section_cstart, $3  }
0xcf: {  	[dreg:$0x1] =	wrdreg $0xFFFFFFFF  }
0xd0: {  	_ =	task.clear_ibuf [dreg:s22], $0x2FFFF;
	_ =	strace $0x9FFFFFFF  }
0xd1: {  	(tm) =	ssettm $0x7FFFFFFF  }
tec
execute0_lowered:
.L_overlay_start_1:
0x0: {  	(tag) =	ssettag $0x1  }
0x1: {  	s7 =	rddreg [dreg:$0x0];
	s0 =	srdreg.scid  }
0x2: {  	s1 =	rddreg [dreg:$0x1];
	s3 =	simm.s32 $0x0;
	s2 =	stileid.u32  }
0x3: {  	s14 =	simm.s32 $0x1000;
	s15 =	simm.s32 $0x80;
	s16 =	simm.s32 $0x2000  }
0x4: {  	s17 =	simm.s32 $0x1;
	s18 =	simm.s32 $0x6000;
	s19 =	simm.s32 $0xF80  }
0x5: {  	s20 =	simm.s32 $0x1F00;
	s21 =	simm.s32 $0x1F80;
	s9 =	smul.u32 $0x13C00, s2  }
0x6: {  	s8 =	sand.u32 $0x1, s0;
	s0 =	rddreg [dreg:$0x2];
	s11 =	smul.u32 $0x4F000, s2  }
0x7: {  	[smem:$0x7FF] =	sst s3;
	s5 =	sadd.s32 $0x177E00, s7;
	s4 =	smul.u32 $0x27100, s8  }
0x8: {  	s31 =	sshll.u32 s2, $0x6;
	s6 =	smul.u32 $0x13C000, s8;
	s8 =	ssub.s32 $0x2, s8  }
0x9: {  	_ =	strace $0x80000050;
	s28 =	sshrl.u32 s8, $0x1;
	s29 =	sshrl.u32 s11, $0x2  }
0xa: {  	s10 =	sadd.s32 s4, s7;
	s4 =	sadd.s32 $0x163E00, s7;
	s9 =	sadd.s32 s9, s6  }
0xb: {  	s6 =	sadd.s32 $0x1C400, s7;
	s30 =	ssub.s32 s8, s28;
	s13 =	sadd.s32 s29, s1  }
0xc: {  	s8 =	smul.u32 $0x5000, s2;
	s9 =	sshrl.u32 s9, $0x3;
	s11 =	smax.u32 s30, $0x1  }
0xd: {  	s12 =	sadd.s32 s9, s7;
	s7 =	sor.u32 $0x1C02, s31;
	s9 =	sadd.s32 $0x115C00, s10  }
0xe: {  	s10 =	sadd.s32 $0x18BE00, s12;
	s12 =	sshrl.u32 s13, $0x3;
	s13 =	simm.s32 $0x2  }
.LBB2_1:
0xf: {  	[spmem:s12], [sflag:s7] =	dma.local [hbm:s6], $0x2780  }
0x10: {  	_ =	swait.ge [sflag:s13], $0x2780  }
0x11: {  	[sflag:s13] =	ssyncset.done $0x0  }
0x12: {  	[sflag:s13] =	ssyncadd.s32 $0xFFFFD880  }
0x13: {  	s22 =	simm.s32 $0x0;
	[bflag:$0x0] =	sbarrier.arrive $0xFFFF  }
.LBB2_2:
0x14: {  	s23 =	sshll.u32 s22, $0xC  }
0x15: {  	s23 =	sadd.s32 s8, s23  }
0x16: {  	s23 =	sshrl.u32 s23, $0x3  }
0x17: {  	s25 =	simm.s32 $0x0;
	s24 =	sadd.s32 s4, s23  }
0x18: {  	[tilespmem:s25], [sflag:$0x2] =	stream.linear.gather [hbm4b:s24+s25], $0x1000, $0x38;
	[tilespmem:$0x1DC00] =	vst v63  }
0x19: {  	_ =	swait.ge [sflag:s13], $0x1000  }
0x1a: {  	[sflag:s13] =	ssyncset.done $0x0  }
0x1b: {  	s23 =	sadd.s32 s5, s23;
	[sflag:s13] =	ssyncadd.s32 $0xFFFFF000  }
0x1c: {  	[tilespmem:s14], [sflag:$0x2] =	stream.linear.gather [hbm4b:s23+s25], $0x1000, $0x38;
	[tilespmem:$0x1DC00] =	vst v63  }
0x1d: {  	_ =	swait.ge [sflag:s13], $0x1000  }
0x1e: {  	[sflag:s13] =	ssyncset.done $0x0  }
0x1f: {  	[sflag:s13] =	ssyncadd.s32 $0xFFFFF000  }
0x20: {  	[tilespmem:s16], [sflag:$0x1] =	stream.indirect.gather [hbm4b:s9+s15], $0x80, s25, s15, $0xb8;
	[tilespmem:$0x1DC00] =	vst v63  }
0x21: {  	_ =	swait.ge [sflag:s17], $0x4000  }
0x22: {  	[sflag:s17] =	ssyncset.done $0x0  }
0x23: {  	s28 =	simm.s32 $0x80;
	[sflag:s17] =	ssyncadd.s32 $0xFFFFC000  }
0x24: {  	[tilespmem:s18], [sflag:$0x1] =	stream.indirect.gather [hbm4b:s9+s15], $0x80, s28, s15, $0xb8;
	[tilespmem:$0x1DC00] =	vst v63  }
0x25: {  	s29 =	simm.s32 $0x1000  }
0x26: {  	[spmem:s1] =	stream.indirect.scatter.add.f32 [tilespmem:s16], [sflag:$0x2], $0x80, s29, s15, $0xb8;
	[tilespmem:$0x1DC00] =	vst v63  }
0x27: {  	_ =	swait.ge [sflag:s13], $0x4000  }
0x28: {  	[sflag:s13] =	ssyncset.done $0x0  }
0x29: {  	[sflag:s13] =	ssyncadd.s32 $0xFFFFC000  }
0x2a: {  	_ =	swait.ge [sflag:s17], $0x4000  }
0x2b: {  	[sflag:s17] =	ssyncset.done $0x0  }
0x2c: {  	s30 =	simm.s32 $0x100;
	[sflag:s17] =	ssyncadd.s32 $0xFFFFC000  }
0x2d: {  	[tilespmem:s16], [sflag:$0x1] =	stream.indirect.gather [hbm4b:s9+s15], $0x80, s30, s15, $0xb8;
	[tilespmem:$0x1DC00] =	vst v63  }
0x2e: {  	s31 =	simm.s32 $0x1080  }
0x2f: {  	[spmem:s1] =	stream.indirect.scatter.add.f32 [tilespmem:s18], [sflag:$0x2], $0x80, s31, s15, $0xb8;
	[tilespmem:$0x1DC00] =	vst v63  }
0x30: {  	_ =	swait.ge [sflag:s13], $0x4000  }
0x31: {  	s23 =	simm.s32 $0x400;
	[sflag:s13] =	ssyncset.done $0x0  }
.LBB2_3:
0x32: {  	p0 =	sne.s32 s23, $0x3800  }
0x33: {  	[sflag:s13] =	ssyncadd.s32 $0xFFFFC000;
	s24 =	smov.u32 s23;
	s23 =	sadd.s32 $0x400, s23  }
0x34: {  	_ = 	snop  }
0x35: {  	_ =	swait.ge [sflag:s17], $0x4000  }
0x36: {  	s24 =	sshra.s32 s24, $0x2;
	[sflag:s17] =	ssyncset.done $0x0  }
0x37: {  	s25 =	sadd.s32 $0x80, s24;
	[sflag:s17] =	ssyncadd.s32 $0xFFFFC000  }
0x38: {  	[tilespmem:s18], [sflag:$0x1] =	stream.indirect.gather [hbm4b:s9+s15], $0x80, s25, s15, $0xb8;
	[tilespmem:$0x1DC00] =	vst v63  }
0x39: {  	s25 =	sadd.s32 $0x1000, s24  }
0x3a: {  	[spmem:s1] =	stream.indirect.scatter.add.f32 [tilespmem:s16], [sflag:$0x2], $0x80, s25, s15, $0xb8;
	[tilespmem:$0x1DC00] =	vst v63  }
0x3b: {  	_ =	swait.ge [sflag:s13], $0x4000  }
0x3c: {  	[sflag:s13] =	ssyncset.done $0x0  }
0x3d: {  	[sflag:s13] =	ssyncadd.s32 $0xFFFFC000  }
0x3e: {  	_ =	swait.ge [sflag:s17], $0x4000  }
0x3f: {  	[sflag:s17] =	ssyncset.done $0x0  }
0x40: {  	s25 =	sadd.s32 $0x100, s24;
	[sflag:s17] =	ssyncadd.s32 $0xFFFFC000  }
0x41: {  	[tilespmem:s16], [sflag:$0x1] =	stream.indirect.gather [hbm4b:s9+s15], $0x80, s25, s15, $0xb8;
	[tilespmem:$0x1DC00] =	vst v63  }
.Ltmp0:
0x42: {  	_ = 	snop;
	(pc) =	sbr.rel @p0 .LBB2_3-.Ltmp0, $4  }
0x43: {  	s24 =	sadd.s32 $0x1080, s24  }
0x44: {  	[spmem:s1] =	stream.indirect.scatter.add.f32 [tilespmem:s18], [sflag:$0x2], $0x80, s24, s15, $0xb8;
	[tilespmem:$0x1DC00] =	vst v63  }
0x45: {  	_ =	swait.ge [sflag:s13], $0x4000  }
0x46: {  	[sflag:s13] =	ssyncset.done $0x0  }
0x47: {  	[sflag:s13] =	ssyncadd.s32 $0xFFFFC000  }
0x48: {  	_ =	swait.ge [sflag:s17], $0x4000  }
0x49: {  	[sflag:s17] =	ssyncset.done $0x0  }
0x4a: {  	[sflag:s17] =	ssyncadd.s32 $0xFFFFC000  }
0x4b: {  	[tilespmem:s18], [sflag:$0x1] =	stream.indirect.gather [hbm4b:s9+s15], $0x80, s19, s15, $0xb8;
	[tilespmem:$0x1DC00] =	vst v63  }
0x4c: {  	_ = 	snop  }
0x4d: {  	[spmem:s1] =	stream.indirect.scatter.add.f32 [tilespmem:s16], [sflag:$0x2], $0x80, s20, s15, $0xb8;
	[tilespmem:$0x1DC00] =	vst v63  }
0x4e: {  	_ =	swait.ge [sflag:s13], $0x4000  }
0x4f: {  	[sflag:s13] =	ssyncset.done $0x0  }
0x50: {  	[sflag:s13] =	ssyncadd.s32 $0xFFFFC000  }
0x51: {  	s22 =	sadd.s32 $0x1, s22;
	_ =	swait.ge [sflag:s17], $0x4000  }
0x52: {  	p0 =	sne.s32 s22, $0x5;
	[sflag:s17] =	ssyncset.done $0x0  }
.Ltmp1:
0x53: {  	[sflag:s17] =	ssyncadd.s32 $0xFFFFC000;
	(pc) =	sbr.rel @p0 .LBB2_2-.Ltmp1, $4  }
0x54: {  	[spmem:s1] =	stream.indirect.scatter.add.f32 [tilespmem:s18], [sflag:$0x2], $0x80, s21, s15, $0xb8;
	[tilespmem:$0x1DC00] =	vst v63  }
0x55: {  	_ =	swait.ge [sflag:s13], $0x4000  }
0x56: {  	[sflag:s13] =	ssyncset.done $0x0  }
0x57: {  	[sflag:s13] =	ssyncadd.s32 $0xFFFFC000  }
0x58: {  	s3 =	sadd.s32 $0x1, s3  }
0x59: {  	p0 =	sne.s32 s3, s11  }
.Ltmp2:
0x5a: {  	[bflag:$0x0] =	sbarrier.arrive $0xFFFF;
	(pc) =	sbr.rel @p0 .LBB2_1-.Ltmp2, $4  }
0x5b: {  	[hbm:s10], [sflag:s7] =	dma.local [spmem:s12], $0x2780  }
0x5c: {  	_ =	swait.ge [sflag:s13], $0x2780  }
0x5d: {  	[sflag:s13] =	ssyncset.done $0x0  }
0x5e: {  	[sflag:s13] =	ssyncadd.s32 $0xFFFFD880  }
0x5f: {  	_ =	sfence.sel $0x180000  }
0x60: {  	[bflag:$0x0] =	sbarrier.arrive $0xFFFF  }
0x61: {  	p0 =	sne.s32 s2, $0x0;
	_ =	strace $0x90000050  }
0x62: {  	s0 =	sadd.s32 @!p0 $0x100000, s0;
	[bflag:$0x2] =	sbarrier.arrive $0xFFFF  }
0x63: {  	[sflag:s0] =	ssyncadd.tile.s32 @!p0 $0x1;
	_ =	shalt  }
.Lfunc_end2:
_tile_overlayer_lowered:
.L_overlay_start_2:
0x64: {  	(tag) =	ssettag $0x2  }
0x65: {  	s0 =	rddreg [dreg:$0x0];
	s2 =	stileid.u32  }
0x66: {  	s1 =	rddreg [dreg:$0x1];
	p0 =	sne.s32 s2, $0x0  }
0x67: {  	s3 =	rddreg [dreg:$0x2];
	[bflag:$0x3] =	sbarrier.arrive $0xFFFF;
	s2 =	simm.s32 @!p0 $0x1C02  }
0x68: {  	[timem:s3], [sflag:s2] =	dma.local @!p0 [hbm:s0], s1  }
0x69: {  	s0 =	simm.s32 @!p0 $0x2  }
0x6a: {  	_ =	swait.ge @!p0 [sflag:s0], s1  }
0x6b: {  	s1 =	ssub.s32 @!p0 $0x0, s1;
	[sflag:s0] =	ssyncset.done @!p0 $0x0  }
0x6c: {  	[sflag:s0] =	ssyncadd.s32 @!p0 s1  }
0x6d: {  	[bflag:$0x3] =	sbarrier.arrive $0xFFFF  }
0x6e: {  	_ =	shalt  }

// kernel: kernel.37.cloned.1.call-start
scs
__scs_entry_jumppad:
0x0: {  	(pc) =	sbr.rel $0x88, $3  }
0x1: {  	(tag) =	ssettag $0x0;
	lr =	simm.s32 $0x1  }
0x2: {  	[smem:$0x3F95] =	sst lr;
	_ =	strace $0xD0000000  }
0x3: {  	_ = 	snop  }
0x4: {  	_ = 	snop  }
0x5: {  	_ = 	snop  }
0x6: {  	_ = 	snop  }
0x7: {  	_ = 	snop  }
__scs_overlays_trampoline_lowered:
0x8: {  	[smem:$0x3FA4] =	sst s0  }
0x9: {  	[smem:$0x3FA5] =	sst s1  }
0xa: {  	[smem:$0x3FA6] =	sst s2  }
0xb: {  	[smem:$0x3FA7] =	sst s3  }
0xc: {  	[smem:$0x3FA8] =	sst s4  }
0xd: {  	[smem:$0x3FA9] =	sst s5  }
0xe: {  	[smem:$0x3FAA] =	sst s6  }
0xf: {  	[smem:$0x3FAB] =	sst s7  }
0x10: {  	[smem:$0x3FAC] =	sst s8  }
0x11: {  	[smem:$0x3FAD] =	sst s9;
	s0 =	simm.s32 @!p0 $0x0  }
0x12: {  	s1 =	sld [smem:$0x3F93];
	s0 =	simm.s32 @p0 $0x1  }
0x13: {  	[smem:$0x3FAE] =	sst s0;
	s0 =	simm.s32 @!p1 $0x0  }
0x14: {  	s2 =	sld [smem:$0x3F92];
	s0 =	simm.s32 @p1 $0x1  }
0x15: {  	[smem:$0x3FAF] =	sst s0;
	s0 =	simm.s32 @!p2 $0x0  }
0x16: {  	s3 =	sld [smem:$0x3FDB];
	s0 =	simm.s32 @p2 $0x1  }
0x17: {  	s4 =	simm.s32 $0x1BF5;
	[smem:$0x3FB1] =	sst s0  }
0x18: {  	s0 =	sld [smem:$0x3F94];
	_ =	swait.ge [sflag:s4], $0x0  }
0x19: {  	s7 =	sld [smem:$0x3F95]  }
0x1a: {  	s8 =	sadd.s32 $0xFFFFE003, lr  }
0x1b: {  	s9 =	sadd.s32 $0xFFFFFEF7, lr;
	s5 =	simm.s32 $0xFFFFFFFF;
	p2 =	slt.u32 s8, $0xFFFFF086  }
0x1c: {  	p1 =	slt.u32 s9, $0xF7A;
	s5 =	simm.s32 @!p2 $0x0  }
0x1d: {  	s5 =	simm.s32 @p1 $0x1;
	p0 =	seq.s32 s7, s2  }
0x1e: {  	s7 =	smul.u32 @!p0 $0xF7A, s2;
	p2 =	seq.s32 @!p0 s5, $0x0  }
0x1f: {  	s9 =	smul.u32 $0xF7A, s1;
	s8 =	simm.s32 @!p0 $0x1BF5;
	p2 =	por !p2, p0  }
0x20: {  	[sflag:s8] =	ssyncset.s32 @!p0 $0xFFFFF086;
	s6 =	sadd.s32 @!p0 s3, s7;
	s7 =	simm.s32 @!p0 $0x108  }
0x21: {  	s3 =	sadd.s32 s3, s9;
	s6 =	sadd.s32 @!p0 $0x88, s6;
	s7 =	simm.s32 @p2 $0x1082  }
0x22: {  	[simem:s7], [sflag:s8] =	dma.local @!p0 [hbm:s6], $0xF7A  }
0x23: {  	s9 =	sor.u32 $0xD0000000, s2;
	s6 =	simm.s32 $0x108;
	_ =	swait.ge @!p0 [sflag:s8], $0x0  }
0x24: {  	s3 =	sadd.s32 $0x88, s3;
	s6 =	simm.s32 @!p1 $0x1082;
	[sflag:s4] =	ssyncset.s32 $0xFFFFF086  }
0x25: {  	[simem:s6], [sflag:s4] =	dma.local [hbm:s3], $0xF7A  }
0x26: {  	[smem:$0x3F95] =	sst s1;
	(tag) =	ssettag s2;
	_ =	strace s9  }
0x27: {  	s1 =	sld [smem:$0x3FA5]  }
0x28: {  	s2 =	sld [smem:$0x3FA6]  }
0x29: {  	s4 =	sld [smem:$0x3FA8]  }
0x2a: {  	p0 =	seq.s32 s5, $0x0;
	s5 =	sld [smem:$0x3FA9]  }
0x2b: {  	s6 =	sld [smem:$0x3FAA]  }
0x2c: {  	s7 =	sld [smem:$0x3FAB]  }
0x2d: {  	s3 =	simm.s32 $0x108;
	s8 =	sld [smem:$0x3FAC]  }
0x2e: {  	s3 =	simm.s32 @!p0 $0x1082;
	s9 =	sld [smem:$0x3FAD]  }
0x2f: {  	lr =	sadd.s32 s0, s3;
	s0 =	sld [smem:$0x3FA4]  }
0x30: {  	s3 =	sld [smem:$0x3FA7]  }
0x31: {  	[smem:$0x3FB0] =	sst s10  }
0x32: {  	s10 =	sld [smem:$0x3FAE];
	_ =	sdelay $0x3  }
0x33: {  	p0 =	seq.s32 s10, $0x1;
	s10 =	sld [smem:$0x3FB0];
	_ =	sdelay $0x3  }
0x34: {  	[smem:$0x3FB0] =	sst s10  }
0x35: {  	s10 =	sld [smem:$0x3FAF];
	_ =	sdelay $0x3  }
0x36: {  	p1 =	seq.s32 s10, $0x1;
	s10 =	sld [smem:$0x3FB0];
	_ =	sdelay $0x3  }
0x37: {  	[smem:$0x3FB0] =	sst s10  }
0x38: {  	s10 =	sld [smem:$0x3FB1]  }
0x39: {  	_ = 	snop;
	(pc) =	sbr.ind lr, $3  }
0x3a: {  	_ = 	snop  }
0x3b: {  	_ = 	snop  }
0x3c: {  	p2 =	seq.s32 s10, $0x1;
	s10 =	sld [smem:$0x3FB0]  }
0x3d: {  	_ =	shalt  }
0x3e: {  	_ =	shalt  }
0x3f: {  	_ =	shalt  }
0x40: {  	_ =	shalt  }
0x41: {  	_ =	shalt  }
0x42: {  	_ =	shalt  }
0x43: {  	_ =	shalt  }
0x44: {  	_ =	shalt  }
0x45: {  	_ =	shalt  }
0x46: {  	_ =	shalt  }
0x47: {  	_ =	shalt  }
0x48: {  	_ =	shalt  }
0x49: {  	_ =	shalt  }
0x4a: {  	_ =	shalt  }
0x4b: {  	_ =	shalt  }
0x4c: {  	_ =	shalt  }
0x4d: {  	_ =	shalt  }
0x4e: {  	_ =	shalt  }
0x4f: {  	_ =	shalt  }
0x50: {  	_ =	shalt  }
0x51: {  	_ =	shalt  }
0x52: {  	_ =	shalt  }
0x53: {  	_ =	shalt  }
0x54: {  	_ =	shalt  }
0x55: {  	_ =	shalt  }
0x56: {  	_ =	shalt  }
0x57: {  	_ =	shalt  }
0x58: {  	_ =	shalt  }
0x59: {  	_ =	shalt  }
0x5a: {  	_ =	shalt  }
0x5b: {  	_ =	shalt  }
0x5c: {  	_ =	shalt  }
0x5d: {  	_ =	shalt  }
0x5e: {  	_ =	shalt  }
0x5f: {  	_ =	shalt  }
0x60: {  	_ =	shalt  }
0x61: {  	_ =	shalt  }
0x62: {  	_ =	shalt  }
0x63: {  	_ =	shalt  }
0x64: {  	_ =	shalt  }
0x65: {  	_ =	shalt  }
0x66: {  	_ =	shalt  }
0x67: {  	_ =	shalt  }
0x68: {  	_ =	shalt  }
0x69: {  	_ =	shalt  }
0x6a: {  	_ =	shalt  }
0x6b: {  	_ =	shalt  }
0x6c: {  	_ =	shalt  }
0x6d: {  	_ =	shalt  }
0x6e: {  	_ =	shalt  }
0x6f: {  	_ =	shalt  }
0x70: {  	_ =	shalt  }
0x71: {  	_ =	shalt  }
0x72: {  	_ =	shalt  }
0x73: {  	_ =	shalt  }
0x74: {  	_ =	shalt  }
0x75: {  	_ =	shalt  }
0x76: {  	_ =	shalt  }
0x77: {  	_ =	shalt  }
0x78: {  	_ =	shalt  }
0x79: {  	_ =	shalt  }
0x7a: {  	_ =	shalt  }
0x7b: {  	_ =	shalt  }
0x7c: {  	_ =	shalt  }
0x7d: {  	_ =	shalt  }
0x7e: {  	_ =	shalt  }
0x7f: {  	_ =	shalt  }
0x80: {  	_ =	shalt  }
0x81: {  	_ =	shalt  }
0x82: {  	_ =	shalt  }
0x83: {  	_ =	shalt  }
0x84: {  	_ =	shalt  }
0x85: {  	_ =	shalt  }
0x86: {  	_ =	shalt  }
0x87: {  	_ =	shalt  }
.Lfunc_end0:
.L_simem_size_0:
called_computation.6_lowered:
.L_overlay_start_0:
0x88: {  	s2 =	sld [smem:$0x3FD9]  }
0x89: {  	s3 =	sld [smem:$0x3FFE];
	_ =	sdelay $0x1  }
0x8a: {  	s1 =	srdreg.scid  }
0x8b: {  	s0 =	sand.u32 $0x1, s1  }
0x8c: {  	s15 =	sshll.u32 s0, $0xA;
	s2 =	sadd.s32 s3, s2  }
0x8d: {  	s2 =	sadd.s32 s2, s15  }
0x8e: {  	[smem:$0x3FBC] =	sst s2  }
0x8f: {  	_ = 	snop  }
0x90: {  	s2 =	sld [smem:$0x3FD0];
	_ =	sdelay $0x2  }
0x91: {  	s4 =	simm.s32 $0xF;
	s16 =	simm.s32 $0x10  }
0x92: {  	[smem:s16], [sflag:s4] =	dma.local [hbm:s2], $0x1  }
0x93: {  	_ =	swait.eq [sflag:s4], $0x1  }
0x94: {  	[sflag:s4] =	ssyncset.done $0x0  }
0x95: {  	s17 =	sld [smem:$0x10];
	[sflag:s4] =	ssyncadd.s32 $0xFFFFFFFF  }
0x96: {  	s18 =	sld [smem:$0x11];
	(tm) =	ssettm $0x1  }
0x97: {  	s19 =	sld [smem:$0x3FFB];
	_ =	sdelay $0x3  }
0x98: {  	_ =	strace s19  }
0x99: {  	s2 =	sld [smem:$0x3FFC];
	_ =	sdelay $0x3  }
0x9a: {  	_ =	strace s2  }
0x9b: {  	s2 =	sld [smem:$0x3FFD];
	_ =	sdelay $0x3  }
0x9c: {  	_ =	strace s2  }
0x9d: {  	_ =	strace $0x8FFFFFFF  }
0x9e: {  	s20 =	sld [smem:$0x3FDB];
	_ =	sdelay $0x1  }
0x9f: {  	s5 =	simm.s32 $_scs_section_size  }
0xa0: {  	s6 =	simm.s32 $_size__tile_overlayer_lowered;
	s7 =	simm.s32 $_tile_overlayer_lowered  }
0xa1: {  	s8 =	simm.s32 $0x1BFF;
	s21 =	sshll.u32 s7, $0x1;
	s5 =	sadd.s32 s5, s20  }
0xa2: {  	s22 =	simm.s32 $0x0;
	s6 =	sshll.u32 s6, $0x1;
	s7 =	sadd.s32 s21, s5  }
0xa3: {  	[timem:s22], [sflag:s8] =	dma.local [hbm:s7], s6  }
0xa4: {  	_ =	swait.ge [sflag:s8], s6  }
0xa5: {  	s6 =	ssub.s32 $0x0, s6;
	[sflag:s8] =	ssyncset.done $0x0  }
0xa6: {  	[sflag:s8] =	ssyncadd.s32 s6;
	_ =	sdelay $0x1  }
0xa7: {  	s23 =	simm.s32 $0x1B8B  }
0xa8: {  	_ =	swait.ge [sflag:s23], $0x1  }
0xa9: {  	[sflag:s23] =	ssyncset.done $0x0  }
0xaa: {  	[sflag:s23] =	ssyncadd.s32 $0xFFFFFFFF  }
0xab: {  	s6 =	sld [smem:$0x0]  }
0xac: {  	s7 =	sand.u32 $0xFFFFFFFE, s1  }
0xad: {  	p0 =	sne.s32 s1, s7  }
0xae: {  	s7 =	sshll.u32 @p0 s7, $0xE  }
0xaf: {  	s7 =	sadd.s32 @p0 $0x11B8D, s7;
	s8 =	sshll.u32 @p0 s6, $0x11  }
0xb0: {  	s7 =	sor.u32 @p0 s8, s7  }
0xb1: {  	[sflag:s7] =	ssyncadd.remote.s32 @p0 $0x1;
	_ =	sdelay $0x1  }
0xb2: {  	s7 =	simm.s32 @p0 $0x1B8D  }
0xb3: {  	_ =	swait.eq @p0 [sflag:s7], $0x1  }
0xb4: {  	[sflag:s7] =	ssyncadd.s32 @p0 $0xFFFFFFFF  }
0xb5: {  	s8 =	sshll.u32 @!p0 s1, $0xE  }
0xb6: {  	s8 =	sor.u32 @!p0 $0x4000, s8;
	s7 =	simm.s32 @!p0 $0x1B8D  }
0xb7: {  	s6 =	sshll.u32 @!p0 s6, $0x11;
	s8 =	sadd.s32 @!p0 $0x11B8D, s8;
	_ =	swait.eq @!p0 [sflag:s7], $0x1  }
0xb8: {  	s6 =	sor.u32 @!p0 s6, s8;
	[sflag:s7] =	ssyncadd.s32 @!p0 $0xFFFFFFFF  }
0xb9: {  	s25 =	simm.s32 $0x1B8E;
	s24 =	sld [smem:$0x3FFE];
	[sflag:s6] =	ssyncadd.remote.s32 @!p0 $0x1  }
0xba: {  	s26 =	simm.s32 $execute0_lowered;
	[smem:$0x3FD2] =	sst s25  }
0xbb: {  	s7 =	sshll.u32 s26, $0x1;
	_ =	strace $0x8000005E;
	[dreg:$0x1] =	wrdreg $0xFFFFFFFF  }
0xbc: {  	s28 =	simm.s32 $_size_execute0_lowered;
	s5 =	sadd.s32 s5, s7;
	[dreg:$0x0] =	wrdreg $0x0  }
0xbd: {  	s7 =	sshll.u32 s28, $0x1;
	[dreg:$0x2] =	wrdreg s5  }
0xbe: {  	[dreg:$0x3] =	wrdreg s7  }
0xbf: {  	[dreg:$0x4] =	wrdreg $0xC0  }
0xc0: {  	_ =	task [dreg:s22], $0x5FFFF  }
0xc1: {  	[dreg:$0x1] =	wrdreg $0xFFFFFFFF  }
0xc2: {  	[dreg:$0x0] =	wrdreg $0x60  }
0xc3: {  	[dreg:$0x2] =	wrdreg s18  }
0xc4: {  	[dreg:$0x3] =	wrdreg s17  }
0xc5: {  	[dreg:$0x4] =	wrdreg s24  }
0xc6: {  	[dreg:$0x5] =	wrdreg $0xA0000  }
0xc7: {  	[dreg:$0x6] =	wrdreg $0x9  }
0xc8: {  	_ =	task.clear_ibuf [dreg:s22], $0x7FFFF;
	_ =	strace $0x9000005E  }
0xc9: {  	s29 =	simm.s32 $0x9;
	_ =	strace $0x80000060  }
0xca: {  	_ =	swait.ge [sflag:s29], $0x1  }
0xcb: {  	[sflag:s29] =	ssyncadd.s32 $0xFFFFFFFF  }
0xcc: {  	_ =	strace $0x90000060  }
0xcd: {  	_ =	sfence  }
0xce: {  	s30 =	sld [smem:$0x0];
	_ =	sdelay $0x2  }
0xcf: {  	s31 =	sshll.u32 s1, $0xD;
	s1 =	sshrl.u32 s1, $0x2  }
0xd0: {  	s4 =	sand.u32 $0x4000, s31;
	s1 =	sadd.s32 s1, s30  }
0xd1: {  	s0 =	sor.u32 s4, s0;
	s1 =	sshll.u32 s1, $0x11  }
0xd2: {  	s0 =	sor.u32 s1, s0  }
0xd3: {  	s0 =	sadd.s32 $0x8F2B, s0  }
0xd4: {  	[sflag:s0] =	ssyncadd.remote.s32 $0x1  }
0xd5: {  	_ =	sfence.sel $0xFFFF  }
0xd6: {  	[dreg:$0x0] =	wrdreg $0xFFFFFFFF;
	(pc) =	sbr.abs _section_cstart, $3  }
0xd7: {  	[dreg:$0x1] =	wrdreg $0xFFFFFFFF  }
0xd8: {  	_ =	task.clear_ibuf [dreg:s22], $0x2FFFF;
	_ =	strace $0x9FFFFFFF  }
0xd9: {  	(tm) =	ssettm $0x7FFFFFFF  }
tec
execute0_lowered:
.L_overlay_start_1:
0x0: {  	(tag) =	ssettag $0x1  }
0x1: {  	s9 =	rddreg [dreg:$0x0]  }
0x2: {  	s0 =	rddreg [dreg:$0x1]  }
0x3: {  	s7 =	rddreg [dreg:$0x2]  }
0x4: {  	s1 =	srdreg.scid;
	s3 =	rddreg [dreg:$0x3]  }
0x5: {  	s2 =	stileid.u32;
	s4 =	simm.s32 $0x0;
	s15 =	simm.s32 $0x80  }
0x6: {  	s16 =	simm.s32 $0x2000;
	s17 =	simm.s32 $0x1;
	s18 =	simm.s32 $0x6000  }
0x7: {  	s19 =	simm.s32 $0xF80;
	s20 =	simm.s32 $0x1F00;
	s6 =	smul.u32 $0x13C00, s2  }
0x8: {  	s8 =	sand.u32 $0x1, s1;
	s1 =	rddreg [dreg:$0x4];
	s11 =	smul.u32 $0x4F000, s2  }
0x9: {  	s21 =	simm.s32 $0x1F80;
	[smem:$0x7FF] =	sst s4;
	s5 =	smul.u32 $0x13C000, s8  }
0xa: {  	s31 =	sshll.u32 s2, $0x6;
	s30 =	ssub.s32 $0x2, s8;
	s13 =	smul.u32 $0x27100, s8  }
0xb: {  	_ =	strace $0x8000005F;
	s8 =	smul.u32 $0x5000, s2;
	s12 =	sshrl.u32 s30, $0x1  }
0xc: {  	s11 =	sshrl.u32 s11, $0x2;
	s6 =	sadd.s32 s6, s5;
	s5 =	sadd.s32 $0xBCC00, s7  }
0xd: {  	s12 =	ssub.s32 s30, s12;
	s14 =	sadd.s32 s11, s3;
	s9 =	sadd.s32 s9, s13  }
0xe: {  	s13 =	simm.s32 $0x2;
	s10 =	sshrl.u32 s6, $0x3;
	s6 =	sadd.s32 $0x1C400, s7  }
0xf: {  	s11 =	smax.u32 s12, $0x1;
	s12 =	sshrl.u32 s14, $0x3;
	s10 =	sadd.s32 s10, s7  }
0x10: {  	s14 =	simm.s32 $0x1000;
	s7 =	sor.u32 $0x1C02, s31;
	s10 =	sadd.s32 $0x229E00, s10  }
.LBB2_1:
0x11: {  	[spmem:s12], [sflag:s7] =	dma.local [hbm:s6], $0x2780  }
0x12: {  	_ =	swait.ge [sflag:s13], $0x2780  }
0x13: {  	[sflag:s13] =	ssyncset.done $0x0  }
0x14: {  	[sflag:s13] =	ssyncadd.s32 $0xFFFFD880  }
0x15: {  	s22 =	simm.s32 $0x0;
	[bflag:$0x0] =	sbarrier.arrive $0xFFFF  }
.LBB2_2:
0x16: {  	s23 =	sshll.u32 s22, $0xC  }
0x17: {  	s23 =	sadd.s32 s8, s23  }
0x18: {  	s23 =	sshrl.u32 s23, $0x3  }
0x19: {  	s25 =	simm.s32 $0x0;
	s24 =	sadd.s32 s0, s23  }
0x1a: {  	[tilespmem:s25], [sflag:$0x2] =	stream.linear.gather [hbm4b:s24+s25], $0x1000, $0x38;
	[tilespmem:$0x1DC00] =	vst v63  }
0x1b: {  	_ =	swait.ge [sflag:s13], $0x1000  }
0x1c: {  	[sflag:s13] =	ssyncset.done $0x0  }
0x1d: {  	s23 =	sadd.s32 s5, s23;
	[sflag:s13] =	ssyncadd.s32 $0xFFFFF000  }
0x1e: {  	[tilespmem:s14], [sflag:$0x2] =	stream.linear.gather [hbm4b:s23+s25], $0x1000, $0x38;
	[tilespmem:$0x1DC00] =	vst v63  }
0x1f: {  	_ =	swait.ge [sflag:s13], $0x1000  }
0x20: {  	[sflag:s13] =	ssyncset.done $0x0  }
0x21: {  	[sflag:s13] =	ssyncadd.s32 $0xFFFFF000  }
0x22: {  	[tilespmem:s16], [sflag:$0x1] =	stream.indirect.gather [hbm4b:s9+s15], $0x80, s25, s15, $0xb8;
	[tilespmem:$0x1DC00] =	vst v63  }
0x23: {  	_ =	swait.ge [sflag:s17], $0x4000  }
0x24: {  	[sflag:s17] =	ssyncset.done $0x0  }
0x25: {  	s28 =	simm.s32 $0x80;
	[sflag:s17] =	ssyncadd.s32 $0xFFFFC000  }
0x26: {  	[tilespmem:s18], [sflag:$0x1] =	stream.indirect.gather [hbm4b:s9+s15], $0x80, s28, s15, $0xb8;
	[tilespmem:$0x1DC00] =	vst v63  }
0x27: {  	s29 =	simm.s32 $0x1000  }
0x28: {  	[spmem:s3] =	stream.indirect.scatter.add.f32 [tilespmem:s16], [sflag:$0x2], $0x80, s29, s15, $0xb8;
	[tilespmem:$0x1DC00] =	vst v63  }
0x29: {  	_ =	swait.ge [sflag:s13], $0x4000  }
0x2a: {  	[sflag:s13] =	ssyncset.done $0x0  }
0x2b: {  	[sflag:s13] =	ssyncadd.s32 $0xFFFFC000  }
0x2c: {  	_ =	swait.ge [sflag:s17], $0x4000  }
0x2d: {  	[sflag:s17] =	ssyncset.done $0x0  }
0x2e: {  	s30 =	simm.s32 $0x100;
	[sflag:s17] =	ssyncadd.s32 $0xFFFFC000  }
0x2f: {  	[tilespmem:s16], [sflag:$0x1] =	stream.indirect.gather [hbm4b:s9+s15], $0x80, s30, s15, $0xb8;
	[tilespmem:$0x1DC00] =	vst v63  }
0x30: {  	s31 =	simm.s32 $0x1080  }
0x31: {  	[spmem:s3] =	stream.indirect.scatter.add.f32 [tilespmem:s18], [sflag:$0x2], $0x80, s31, s15, $0xb8;
	[tilespmem:$0x1DC00] =	vst v63  }
0x32: {  	_ =	swait.ge [sflag:s13], $0x4000  }
0x33: {  	s23 =	simm.s32 $0x400;
	[sflag:s13] =	ssyncset.done $0x0  }
.LBB2_3:
0x34: {  	p0 =	sne.s32 s23, $0x3800  }
0x35: {  	[sflag:s13] =	ssyncadd.s32 $0xFFFFC000;
	s24 =	smov.u32 s23;
	s23 =	sadd.s32 $0x400, s23  }
0x36: {  	_ = 	snop  }
0x37: {  	_ =	swait.ge [sflag:s17], $0x4000  }
0x38: {  	s24 =	sshra.s32 s24, $0x2;
	[sflag:s17] =	ssyncset.done $0x0  }
0x39: {  	s25 =	sadd.s32 $0x80, s24;
	[sflag:s17] =	ssyncadd.s32 $0xFFFFC000  }
0x3a: {  	[tilespmem:s18], [sflag:$0x1] =	stream.indirect.gather [hbm4b:s9+s15], $0x80, s25, s15, $0xb8;
	[tilespmem:$0x1DC00] =	vst v63  }
0x3b: {  	s25 =	sadd.s32 $0x1000, s24  }
0x3c: {  	[spmem:s3] =	stream.indirect.scatter.add.f32 [tilespmem:s16], [sflag:$0x2], $0x80, s25, s15, $0xb8;
	[tilespmem:$0x1DC00] =	vst v63  }
0x3d: {  	_ =	swait.ge [sflag:s13], $0x4000  }
0x3e: {  	[sflag:s13] =	ssyncset.done $0x0  }
0x3f: {  	[sflag:s13] =	ssyncadd.s32 $0xFFFFC000  }
0x40: {  	_ =	swait.ge [sflag:s17], $0x4000  }
0x41: {  	[sflag:s17] =	ssyncset.done $0x0  }
0x42: {  	s25 =	sadd.s32 $0x100, s24;
	[sflag:s17] =	ssyncadd.s32 $0xFFFFC000  }
0x43: {  	[tilespmem:s16], [sflag:$0x1] =	stream.indirect.gather [hbm4b:s9+s15], $0x80, s25, s15, $0xb8;
	[tilespmem:$0x1DC00] =	vst v63  }
.Ltmp0:
0x44: {  	_ = 	snop;
	(pc) =	sbr.rel @p0 .LBB2_3-.Ltmp0, $4  }
0x45: {  	s24 =	sadd.s32 $0x1080, s24  }
0x46: {  	[spmem:s3] =	stream.indirect.scatter.add.f32 [tilespmem:s18], [sflag:$0x2], $0x80, s24, s15, $0xb8;
	[tilespmem:$0x1DC00] =	vst v63  }
0x47: {  	_ =	swait.ge [sflag:s13], $0x4000  }
0x48: {  	[sflag:s13] =	ssyncset.done $0x0  }
0x49: {  	[sflag:s13] =	ssyncadd.s32 $0xFFFFC000  }
0x4a: {  	_ =	swait.ge [sflag:s17], $0x4000  }
0x4b: {  	[sflag:s17] =	ssyncset.done $0x0  }
0x4c: {  	[sflag:s17] =	ssyncadd.s32 $0xFFFFC000  }
0x4d: {  	[tilespmem:s18], [sflag:$0x1] =	stream.indirect.gather [hbm4b:s9+s15], $0x80, s19, s15, $0xb8;
	[tilespmem:$0x1DC00] =	vst v63  }
0x4e: {  	_ = 	snop  }
0x4f: {  	[spmem:s3] =	stream.indirect.scatter.add.f32 [tilespmem:s16], [sflag:$0x2], $0x80, s20, s15, $0xb8;
	[tilespmem:$0x1DC00] =	vst v63  }
0x50: {  	_ =	swait.ge [sflag:s13], $0x4000  }
0x51: {  	[sflag:s13] =	ssyncset.done $0x0  }
0x52: {  	[sflag:s13] =	ssyncadd.s32 $0xFFFFC000  }
0x53: {  	s22 =	sadd.s32 $0x1, s22;
	_ =	swait.ge [sflag:s17], $0x4000  }
0x54: {  	p0 =	sne.s32 s22, $0x5;
	[sflag:s17] =	ssyncset.done $0x0  }
.Ltmp1:
0x55: {  	[sflag:s17] =	ssyncadd.s32 $0xFFFFC000;
	(pc) =	sbr.rel @p0 .LBB2_2-.Ltmp1, $4  }
0x56: {  	[spmem:s3] =	stream.indirect.scatter.add.f32 [tilespmem:s18], [sflag:$0x2], $0x80, s21, s15, $0xb8;
	[tilespmem:$0x1DC00] =	vst v63  }
0x57: {  	_ =	swait.ge [sflag:s13], $0x4000  }
0x58: {  	[sflag:s13] =	ssyncset.done $0x0  }
0x59: {  	[sflag:s13] =	ssyncadd.s32 $0xFFFFC000  }
0x5a: {  	s4 =	sadd.s32 $0x1, s4  }
0x5b: {  	p0 =	sne.s32 s4, s11  }
.Ltmp2:
0x5c: {  	[bflag:$0x0] =	sbarrier.arrive $0xFFFF;
	(pc) =	sbr.rel @p0 .LBB2_1-.Ltmp2, $4  }
0x5d: {  	[hbm:s10], [sflag:s7] =	dma.local [spmem:s12], $0x2780  }
0x5e: {  	_ =	swait.ge [sflag:s13], $0x2780  }
0x5f: {  	[sflag:s13] =	ssyncset.done $0x0  }
0x60: {  	[sflag:s13] =	ssyncadd.s32 $0xFFFFD880  }
0x61: {  	_ =	sfence.sel $0x180000  }
0x62: {  	[bflag:$0x0] =	sbarrier.arrive $0xFFFF  }
0x63: {  	p0 =	sne.s32 s2, $0x0;
	_ =	strace $0x9000005F  }
0x64: {  	s0 =	sadd.s32 @!p0 $0x100000, s1;
	[bflag:$0x2] =	sbarrier.arrive $0xFFFF  }
0x65: {  	[sflag:s0] =	ssyncadd.tile.s32 @!p0 $0x1;
	_ =	shalt  }
.Lfunc_end2:
_tile_overlayer_lowered:
.L_overlay_start_2:
0x66: {  	(tag) =	ssettag $0x2  }
0x67: {  	s0 =	rddreg [dreg:$0x0];
	s2 =	stileid.u32  }
0x68: {  	s1 =	rddreg [dreg:$0x1];
	p0 =	sne.s32 s2, $0x0  }
0x69: {  	s3 =	rddreg [dreg:$0x2];
	[bflag:$0x3] =	sbarrier.arrive $0xFFFF;
	s2 =	simm.s32 @!p0 $0x1C02  }
0x6a: {  	[timem:s3], [sflag:s2] =	dma.local @!p0 [hbm:s0], s1  }
0x6b: {  	s0 =	simm.s32 @!p0 $0x2  }
0x6c: {  	_ =	swait.ge @!p0 [sflag:s0], s1  }
0x6d: {  	s1 =	ssub.s32 @!p0 $0x0, s1;
	[sflag:s0] =	ssyncset.done @!p0 $0x0  }
0x6e: {  	[sflag:s0] =	ssyncadd.s32 @!p0 s1  }
0x6f: {  	[bflag:$0x3] =	sbarrier.arrive $0xFFFF  }
0x70: {  	_ =	shalt  }

// kernel: kernel.40.cloned.1.call-start
scs
__scs_entry_jumppad:
0x0: {  	(pc) =	sbr.rel $0x88, $3  }
0x1: {  	(tag) =	ssettag $0x0;
	lr =	simm.s32 $0x1  }
0x2: {  	[smem:$0x3F95] =	sst lr;
	_ =	strace $0xD0000000  }
0x3: {  	_ = 	snop  }
0x4: {  	_ = 	snop  }
0x5: {  	_ = 	snop  }
0x6: {  	_ = 	snop  }
0x7: {  	_ = 	snop  }
__scs_overlays_trampoline_lowered:
0x8: {  	[smem:$0x3FA4] =	sst s0  }
0x9: {  	[smem:$0x3FA5] =	sst s1  }
0xa: {  	[smem:$0x3FA6] =	sst s2  }
0xb: {  	[smem:$0x3FA7] =	sst s3  }
0xc: {  	[smem:$0x3FA8] =	sst s4  }
0xd: {  	[smem:$0x3FA9] =	sst s5  }
0xe: {  	[smem:$0x3FAA] =	sst s6  }
0xf: {  	[smem:$0x3FAB] =	sst s7  }
0x10: {  	[smem:$0x3FAC] =	sst s8  }
0x11: {  	[smem:$0x3FAD] =	sst s9;
	s0 =	simm.s32 @!p0 $0x0  }
0x12: {  	s1 =	sld [smem:$0x3F93];
	s0 =	simm.s32 @p0 $0x1  }
0x13: {  	[smem:$0x3FAE] =	sst s0;
	s0 =	simm.s32 @!p1 $0x0  }
0x14: {  	s2 =	sld [smem:$0x3F92];
	s0 =	simm.s32 @p1 $0x1  }
0x15: {  	[smem:$0x3FAF] =	sst s0;
	s0 =	simm.s32 @!p2 $0x0  }
0x16: {  	s3 =	sld [smem:$0x3FDB];
	s0 =	simm.s32 @p2 $0x1  }
0x17: {  	s4 =	simm.s32 $0x1BF5;
	[smem:$0x3FB1] =	sst s0  }
0x18: {  	s0 =	sld [smem:$0x3F94];
	_ =	swait.ge [sflag:s4], $0x0  }
0x19: {  	s7 =	sld [smem:$0x3F95]  }
0x1a: {  	s8 =	sadd.s32 $0xFFFFE003, lr  }
0x1b: {  	s9 =	sadd.s32 $0xFFFFFEF7, lr;
	s5 =	simm.s32 $0xFFFFFFFF;
	p2 =	slt.u32 s8, $0xFFFFF086  }
0x1c: {  	p1 =	slt.u32 s9, $0xF7A;
	s5 =	simm.s32 @!p2 $0x0  }
0x1d: {  	s5 =	simm.s32 @p1 $0x1;
	p0 =	seq.s32 s7, s2  }
0x1e: {  	s7 =	smul.u32 @!p0 $0xF7A, s2;
	p2 =	seq.s32 @!p0 s5, $0x0  }
0x1f: {  	s9 =	smul.u32 $0xF7A, s1;
	s8 =	simm.s32 @!p0 $0x1BF5;
	p2 =	por !p2, p0  }
0x20: {  	[sflag:s8] =	ssyncset.s32 @!p0 $0xFFFFF086;
	s6 =	sadd.s32 @!p0 s3, s7;
	s7 =	simm.s32 @!p0 $0x108  }
0x21: {  	s3 =	sadd.s32 s3, s9;
	s6 =	sadd.s32 @!p0 $0x88, s6;
	s7 =	simm.s32 @p2 $0x1082  }
0x22: {  	[simem:s7], [sflag:s8] =	dma.local @!p0 [hbm:s6], $0xF7A  }
0x23: {  	s9 =	sor.u32 $0xD0000000, s2;
	s6 =	simm.s32 $0x108;
	_ =	swait.ge @!p0 [sflag:s8], $0x0  }
0x24: {  	s3 =	sadd.s32 $0x88, s3;
	s6 =	simm.s32 @!p1 $0x1082;
	[sflag:s4] =	ssyncset.s32 $0xFFFFF086  }
0x25: {  	[simem:s6], [sflag:s4] =	dma.local [hbm:s3], $0xF7A  }
0x26: {  	[smem:$0x3F95] =	sst s1;
	(tag) =	ssettag s2;
	_ =	strace s9  }
0x27: {  	s1 =	sld [smem:$0x3FA5]  }
0x28: {  	s2 =	sld [smem:$0x3FA6]  }
0x29: {  	s4 =	sld [smem:$0x3FA8]  }
0x2a: {  	p0 =	seq.s32 s5, $0x0;
	s5 =	sld [smem:$0x3FA9]  }
0x2b: {  	s6 =	sld [smem:$0x3FAA]  }
0x2c: {  	s7 =	sld [smem:$0x3FAB]  }
0x2d: {  	s3 =	simm.s32 $0x108;
	s8 =	sld [smem:$0x3FAC]  }
0x2e: {  	s3 =	simm.s32 @!p0 $0x1082;
	s9 =	sld [smem:$0x3FAD]  }
0x2f: {  	lr =	sadd.s32 s0, s3;
	s0 =	sld [smem:$0x3FA4]  }
0x30: {  	s3 =	sld [smem:$0x3FA7]  }
0x31: {  	[smem:$0x3FB0] =	sst s10  }
0x32: {  	s10 =	sld [smem:$0x3FAE];
	_ =	sdelay $0x3  }
0x33: {  	p0 =	seq.s32 s10, $0x1;
	s10 =	sld [smem:$0x3FB0];
	_ =	sdelay $0x3  }
0x34: {  	[smem:$0x3FB0] =	sst s10  }
0x35: {  	s10 =	sld [smem:$0x3FAF];
	_ =	sdelay $0x3  }
0x36: {  	p1 =	seq.s32 s10, $0x1;
	s10 =	sld [smem:$0x3FB0];
	_ =	sdelay $0x3  }
0x37: {  	[smem:$0x3FB0] =	sst s10  }
0x38: {  	s10 =	sld [smem:$0x3FB1]  }
0x39: {  	_ = 	snop;
	(pc) =	sbr.ind lr, $3  }
0x3a: {  	_ = 	snop  }
0x3b: {  	_ = 	snop  }
0x3c: {  	p2 =	seq.s32 s10, $0x1;
	s10 =	sld [smem:$0x3FB0]  }
0x3d: {  	_ =	shalt  }
0x3e: {  	_ =	shalt  }
0x3f: {  	_ =	shalt  }
0x40: {  	_ =	shalt  }
0x41: {  	_ =	shalt  }
0x42: {  	_ =	shalt  }
0x43: {  	_ =	shalt  }
0x44: {  	_ =	shalt  }
0x45: {  	_ =	shalt  }
0x46: {  	_ =	shalt  }
0x47: {  	_ =	shalt  }
0x48: {  	_ =	shalt  }
0x49: {  	_ =	shalt  }
0x4a: {  	_ =	shalt  }
0x4b: {  	_ =	shalt  }
0x4c: {  	_ =	shalt  }
0x4d: {  	_ =	shalt  }
0x4e: {  	_ =	shalt  }
0x4f: {  	_ =	shalt  }
0x50: {  	_ =	shalt  }
0x51: {  	_ =	shalt  }
0x52: {  	_ =	shalt  }
0x53: {  	_ =	shalt  }
0x54: {  	_ =	shalt  }
0x55: {  	_ =	shalt  }
0x56: {  	_ =	shalt  }
0x57: {  	_ =	shalt  }
0x58: {  	_ =	shalt  }
0x59: {  	_ =	shalt  }
0x5a: {  	_ =	shalt  }
0x5b: {  	_ =	shalt  }
0x5c: {  	_ =	shalt  }
0x5d: {  	_ =	shalt  }
0x5e: {  	_ =	shalt  }
0x5f: {  	_ =	shalt  }
0x60: {  	_ =	shalt  }
0x61: {  	_ =	shalt  }
0x62: {  	_ =	shalt  }
0x63: {  	_ =	shalt  }
0x64: {  	_ =	shalt  }
0x65: {  	_ =	shalt  }
0x66: {  	_ =	shalt  }
0x67: {  	_ =	shalt  }
0x68: {  	_ =	shalt  }
0x69: {  	_ =	shalt  }
0x6a: {  	_ =	shalt  }
0x6b: {  	_ =	shalt  }
0x6c: {  	_ =	shalt  }
0x6d: {  	_ =	shalt  }
0x6e: {  	_ =	shalt  }
0x6f: {  	_ =	shalt  }
0x70: {  	_ =	shalt  }
0x71: {  	_ =	shalt  }
0x72: {  	_ =	shalt  }
0x73: {  	_ =	shalt  }
0x74: {  	_ =	shalt  }
0x75: {  	_ =	shalt  }
0x76: {  	_ =	shalt  }
0x77: {  	_ =	shalt  }
0x78: {  	_ =	shalt  }
0x79: {  	_ =	shalt  }
0x7a: {  	_ =	shalt  }
0x7b: {  	_ =	shalt  }
0x7c: {  	_ =	shalt  }
0x7d: {  	_ =	shalt  }
0x7e: {  	_ =	shalt  }
0x7f: {  	_ =	shalt  }
0x80: {  	_ =	shalt  }
0x81: {  	_ =	shalt  }
0x82: {  	_ =	shalt  }
0x83: {  	_ =	shalt  }
0x84: {  	_ =	shalt  }
0x85: {  	_ =	shalt  }
0x86: {  	_ =	shalt  }
0x87: {  	_ =	shalt  }
.Lfunc_end0:
.L_simem_size_0:
called_computation.7_lowered:
.L_overlay_start_0:
0x88: {  	s2 =	sld [smem:$0x3FD9]  }
0x89: {  	s3 =	sld [smem:$0x3FFE];
	_ =	sdelay $0x1  }
0x8a: {  	s1 =	srdreg.scid  }
0x8b: {  	s0 =	sand.u32 $0x1, s1  }
0x8c: {  	s15 =	sshll.u32 s0, $0xA;
	s2 =	sadd.s32 s3, s2  }
0x8d: {  	s2 =	sadd.s32 s2, s15  }
0x8e: {  	[smem:$0x3FBC] =	sst s2  }
0x8f: {  	_ = 	snop  }
0x90: {  	s2 =	sld [smem:$0x3FD0];
	_ =	sdelay $0x2  }
0x91: {  	s16 =	simm.s32 $0xF;
	s4 =	simm.s32 $0x10  }
0x92: {  	[smem:s4], [sflag:s16] =	dma.local [hbm:s2], $0x1  }
0x93: {  	_ =	swait.eq [sflag:s16], $0x1  }
0x94: {  	[sflag:s16] =	ssyncset.done $0x0  }
0x95: {  	[sflag:s16] =	ssyncadd.s32 $0xFFFFFFFF  }
0x96: {  	s17 =	sld [smem:$0x11];
	(tm) =	ssettm $0x1  }
0x97: {  	s18 =	sld [smem:$0x3FFB];
	_ =	sdelay $0x3  }
0x98: {  	_ =	strace s18  }
0x99: {  	s2 =	sld [smem:$0x3FFC];
	_ =	sdelay $0x3  }
0x9a: {  	_ =	strace s2  }
0x9b: {  	s2 =	sld [smem:$0x3FFD];
	_ =	sdelay $0x3  }
0x9c: {  	_ =	strace s2  }
0x9d: {  	_ =	strace $0x8FFFFFFF  }
0x9e: {  	s19 =	sld [smem:$0x3FDB];
	_ =	sdelay $0x1  }
0x9f: {  	s20 =	simm.s32 $_scs_section_size  }
0xa0: {  	s5 =	simm.s32 $_size__tile_overlayer_lowered;
	s6 =	simm.s32 $_tile_overlayer_lowered  }
0xa1: {  	s7 =	simm.s32 $0x1BFF;
	s21 =	sshll.u32 s6, $0x1;
	s4 =	sadd.s32 s20, s19  }
0xa2: {  	s22 =	simm.s32 $0x0;
	s5 =	sshll.u32 s5, $0x1;
	s6 =	sadd.s32 s21, s4  }
0xa3: {  	[timem:s22], [sflag:s7] =	dma.local [hbm:s6], s5  }
0xa4: {  	_ =	swait.ge [sflag:s7], s5  }
0xa5: {  	s5 =	ssub.s32 $0x0, s5;
	[sflag:s7] =	ssyncset.done $0x0  }
0xa6: {  	[sflag:s7] =	ssyncadd.s32 s5;
	_ =	sdelay $0x1  }
0xa7: {  	s23 =	simm.s32 $0x1B8B  }
0xa8: {  	_ =	swait.ge [sflag:s23], $0x1  }
0xa9: {  	[sflag:s23] =	ssyncset.done $0x0  }
0xaa: {  	[sflag:s23] =	ssyncadd.s32 $0xFFFFFFFF  }
0xab: {  	s5 =	sld [smem:$0x0]  }
0xac: {  	s6 =	sand.u32 $0xFFFFFFFE, s1  }
0xad: {  	p0 =	sne.s32 s1, s6  }
0xae: {  	s6 =	sshll.u32 @p0 s6, $0xE  }
0xaf: {  	s6 =	sadd.s32 @p0 $0x11B8D, s6;
	s7 =	sshll.u32 @p0 s5, $0x11  }
0xb0: {  	s6 =	sor.u32 @p0 s7, s6  }
0xb1: {  	[sflag:s6] =	ssyncadd.remote.s32 @p0 $0x1;
	_ =	sdelay $0x1  }
0xb2: {  	s6 =	simm.s32 @p0 $0x1B8D  }
0xb3: {  	_ =	swait.eq @p0 [sflag:s6], $0x1  }
0xb4: {  	[sflag:s6] =	ssyncadd.s32 @p0 $0xFFFFFFFF  }
0xb5: {  	s7 =	sshll.u32 @!p0 s1, $0xE  }
0xb6: {  	s7 =	sor.u32 @!p0 $0x4000, s7;
	s6 =	simm.s32 @!p0 $0x1B8D  }
0xb7: {  	s5 =	sshll.u32 @!p0 s5, $0x11;
	s7 =	sadd.s32 @!p0 $0x11B8D, s7;
	_ =	swait.eq @!p0 [sflag:s6], $0x1  }
0xb8: {  	s5 =	sor.u32 @!p0 s5, s7;
	[sflag:s6] =	ssyncadd.s32 @!p0 $0xFFFFFFFF  }
0xb9: {  	s25 =	simm.s32 $0x1B8E;
	s24 =	sld [smem:$0x3FFE];
	[sflag:s5] =	ssyncadd.remote.s32 @!p0 $0x1  }
0xba: {  	s26 =	simm.s32 $execute0_lowered;
	[smem:$0x3FD2] =	sst s25  }
0xbb: {  	s6 =	sshll.u32 s26, $0x1;
	_ =	strace $0x8000005B;
	[dreg:$0x1] =	wrdreg $0xFFFFFFFF  }
0xbc: {  	s28 =	simm.s32 $_size_execute0_lowered;
	s4 =	sadd.s32 s4, s6;
	[dreg:$0x0] =	wrdreg $0x0  }
0xbd: {  	s6 =	sshll.u32 s28, $0x1;
	[dreg:$0x2] =	wrdreg s4  }
0xbe: {  	[dreg:$0x3] =	wrdreg s6  }
0xbf: {  	[dreg:$0x4] =	wrdreg $0xC0  }
0xc0: {  	_ =	task [dreg:s22], $0x5FFFF  }
0xc1: {  	[dreg:$0x1] =	wrdreg $0xFFFFFFFF  }
0xc2: {  	[dreg:$0x0] =	wrdreg $0x60  }
0xc3: {  	[dreg:$0x2] =	wrdreg s17  }
0xc4: {  	[dreg:$0x3] =	wrdreg s24  }
0xc5: {  	[dreg:$0x4] =	wrdreg $0xA0000  }
0xc6: {  	[dreg:$0x5] =	wrdreg $0xA  }
0xc7: {  	_ =	task.clear_ibuf [dreg:s22], $0x6FFFF;
	_ =	strace $0x9000005B  }
0xc8: {  	s29 =	simm.s32 $0xA;
	_ =	strace $0x8000005D  }
0xc9: {  	_ =	swait.ge [sflag:s29], $0x1  }
0xca: {  	[sflag:s29] =	ssyncadd.s32 $0xFFFFFFFF  }
0xcb: {  	_ =	strace $0x9000005D  }
0xcc: {  	_ =	sfence  }
0xcd: {  	s30 =	sld [smem:$0x0];
	_ =	sdelay $0x2  }
0xce: {  	s31 =	sshll.u32 s1, $0xD;
	s1 =	sshrl.u32 s1, $0x2  }
0xcf: {  	s4 =	sand.u32 $0x4000, s31;
	s1 =	sadd.s32 s1, s30  }
0xd0: {  	s0 =	sor.u32 s4, s0;
	s1 =	sshll.u32 s1, $0x11  }
0xd1: {  	s0 =	sor.u32 s1, s0  }
0xd2: {  	s0 =	sadd.s32 $0x8F2B, s0  }
0xd3: {  	[sflag:s0] =	ssyncadd.remote.s32 $0x1  }
0xd4: {  	_ =	sfence.sel $0xFFFF  }
0xd5: {  	[dreg:$0x0] =	wrdreg $0xFFFFFFFF;
	(pc) =	sbr.abs _section_cstart, $3  }
0xd6: {  	[dreg:$0x1] =	wrdreg $0xFFFFFFFF  }
0xd7: {  	_ =	task.clear_ibuf [dreg:s22], $0x2FFFF;
	_ =	strace $0x9FFFFFFF  }
0xd8: {  	(tm) =	ssettm $0x7FFFFFFF  }
0xd9: {  	_ =	shalt  }
tec
execute0_lowered:
.L_overlay_start_1:
0x0: {  	(tag) =	ssettag $0x1  }
0x1: {  	s9 =	rddreg [dreg:$0x0]  }
0x2: {  	s7 =	rddreg [dreg:$0x1];
	s0 =	srdreg.scid  }
0x3: {  	s2 =	rddreg [dreg:$0x2];
	s1 =	stileid.u32  }
0x4: {  	s3 =	simm.s32 $0x0;
	s15 =	simm.s32 $0x80;
	s16 =	simm.s32 $0x2000  }
0x5: {  	s17 =	simm.s32 $0x1;
	s18 =	simm.s32 $0x6000;
	s19 =	simm.s32 $0xF80  }
0x6: {  	s20 =	simm.s32 $0x1F00;
	s21 =	simm.s32 $0x1F80;
	s6 =	smul.u32 $0x13C00, s1  }
0x7: {  	s8 =	sand.u32 $0x1, s0;
	s0 =	rddreg [dreg:$0x3];
	s11 =	smul.u32 $0x4F000, s1  }
0x8: {  	[smem:$0x7FF] =	sst s3;
	s4 =	sadd.s32 $0x16DE00, s7;
	s5 =	smul.u32 $0x13C000, s8  }
0x9: {  	s31 =	sshll.u32 s1, $0x6;
	s30 =	ssub.s32 $0x2, s8;
	s13 =	smul.u32 $0x27100, s8  }
0xa: {  	_ =	strace $0x8000005C;
	s8 =	smul.u32 $0x5000, s1;
	s12 =	sshrl.u32 s30, $0x1  }
0xb: {  	s11 =	sshrl.u32 s11, $0x2;
	s6 =	sadd.s32 s6, s5;
	s5 =	sadd.s32 $0x181E00, s7  }
0xc: {  	s12 =	ssub.s32 s30, s12;
	s14 =	sadd.s32 s11, s2;
	s9 =	sadd.s32 s9, s13  }
0xd: {  	s13 =	simm.s32 $0x2;
	s10 =	sshrl.u32 s6, $0x3;
	s6 =	sadd.s32 $0x1C400, s7  }
0xe: {  	s11 =	smax.u32 s12, $0x1;
	s12 =	sshrl.u32 s14, $0x3;
	s10 =	sadd.s32 s10, s7  }
0xf: {  	s14 =	simm.s32 $0x1000;
	s7 =	sor.u32 $0x1C02, s31;
	s10 =	sadd.s32 $0x1DAE00, s10  }
.LBB2_1:
0x10: {  	[spmem:s12], [sflag:s7] =	dma.local [hbm:s6], $0x2780  }
0x11: {  	_ =	swait.ge [sflag:s13], $0x2780  }
0x12: {  	[sflag:s13] =	ssyncset.done $0x0  }
0x13: {  	[sflag:s13] =	ssyncadd.s32 $0xFFFFD880  }
0x14: {  	s22 =	simm.s32 $0x0;
	[bflag:$0x0] =	sbarrier.arrive $0xFFFF  }
.LBB2_2:
0x15: {  	s23 =	sshll.u32 s22, $0xC  }
0x16: {  	s23 =	sadd.s32 s8, s23  }
0x17: {  	s23 =	sshrl.u32 s23, $0x3  }
0x18: {  	s25 =	simm.s32 $0x0;
	s24 =	sadd.s32 s4, s23  }
0x19: {  	[tilespmem:s25], [sflag:$0x2] =	stream.linear.gather [hbm4b:s24+s25], $0x1000, $0x38;
	[tilespmem:$0x1DC00] =	vst v63  }
0x1a: {  	_ =	swait.ge [sflag:s13], $0x1000  }
0x1b: {  	[sflag:s13] =	ssyncset.done $0x0  }
0x1c: {  	s23 =	sadd.s32 s5, s23;
	[sflag:s13] =	ssyncadd.s32 $0xFFFFF000  }
0x1d: {  	[tilespmem:s14], [sflag:$0x2] =	stream.linear.gather [hbm4b:s23+s25], $0x1000, $0x38;
	[tilespmem:$0x1DC00] =	vst v63  }
0x1e: {  	_ =	swait.ge [sflag:s13], $0x1000  }
0x1f: {  	[sflag:s13] =	ssyncset.done $0x0  }
0x20: {  	[sflag:s13] =	ssyncadd.s32 $0xFFFFF000  }
0x21: {  	[tilespmem:s16], [sflag:$0x1] =	stream.indirect.gather [hbm4b:s9+s15], $0x80, s25, s15, $0xb8;
	[tilespmem:$0x1DC00] =	vst v63  }
0x22: {  	_ =	swait.ge [sflag:s17], $0x4000  }
0x23: {  	[sflag:s17] =	ssyncset.done $0x0  }
0x24: {  	s28 =	simm.s32 $0x80;
	[sflag:s17] =	ssyncadd.s32 $0xFFFFC000  }
0x25: {  	[tilespmem:s18], [sflag:$0x1] =	stream.indirect.gather [hbm4b:s9+s15], $0x80, s28, s15, $0xb8;
	[tilespmem:$0x1DC00] =	vst v63  }
0x26: {  	s29 =	simm.s32 $0x1000  }
0x27: {  	[spmem:s2] =	stream.indirect.scatter.add.f32 [tilespmem:s16], [sflag:$0x2], $0x80, s29, s15, $0xb8;
	[tilespmem:$0x1DC00] =	vst v63  }
0x28: {  	_ =	swait.ge [sflag:s13], $0x4000  }
0x29: {  	[sflag:s13] =	ssyncset.done $0x0  }
0x2a: {  	[sflag:s13] =	ssyncadd.s32 $0xFFFFC000  }
0x2b: {  	_ =	swait.ge [sflag:s17], $0x4000  }
0x2c: {  	[sflag:s17] =	ssyncset.done $0x0  }
0x2d: {  	s30 =	simm.s32 $0x100;
	[sflag:s17] =	ssyncadd.s32 $0xFFFFC000  }
0x2e: {  	[tilespmem:s16], [sflag:$0x1] =	stream.indirect.gather [hbm4b:s9+s15], $0x80, s30, s15, $0xb8;
	[tilespmem:$0x1DC00] =	vst v63  }
0x2f: {  	s31 =	simm.s32 $0x1080  }
0x30: {  	[spmem:s2] =	stream.indirect.scatter.add.f32 [tilespmem:s18], [sflag:$0x2], $0x80, s31, s15, $0xb8;
	[tilespmem:$0x1DC00] =	vst v63  }
0x31: {  	_ =	swait.ge [sflag:s13], $0x4000  }
0x32: {  	s23 =	simm.s32 $0x400;
	[sflag:s13] =	ssyncset.done $0x0  }
.LBB2_3:
0x33: {  	p0 =	sne.s32 s23, $0x3800  }
0x34: {  	[sflag:s13] =	ssyncadd.s32 $0xFFFFC000;
	s24 =	smov.u32 s23;
	s23 =	sadd.s32 $0x400, s23  }
0x35: {  	_ = 	snop  }
0x36: {  	_ =	swait.ge [sflag:s17], $0x4000  }
0x37: {  	s24 =	sshra.s32 s24, $0x2;
	[sflag:s17] =	ssyncset.done $0x0  }
0x38: {  	s25 =	sadd.s32 $0x80, s24;
	[sflag:s17] =	ssyncadd.s32 $0xFFFFC000  }
0x39: {  	[tilespmem:s18], [sflag:$0x1] =	stream.indirect.gather [hbm4b:s9+s15], $0x80, s25, s15, $0xb8;
	[tilespmem:$0x1DC00] =	vst v63  }
0x3a: {  	s25 =	sadd.s32 $0x1000, s24  }
0x3b: {  	[spmem:s2] =	stream.indirect.scatter.add.f32 [tilespmem:s16], [sflag:$0x2], $0x80, s25, s15, $0xb8;
	[tilespmem:$0x1DC00] =	vst v63  }
0x3c: {  	_ =	swait.ge [sflag:s13], $0x4000  }
0x3d: {  	[sflag:s13] =	ssyncset.done $0x0  }
0x3e: {  	[sflag:s13] =	ssyncadd.s32 $0xFFFFC000  }
0x3f: {  	_ =	swait.ge [sflag:s17], $0x4000  }
0x40: {  	[sflag:s17] =	ssyncset.done $0x0  }
0x41: {  	s25 =	sadd.s32 $0x100, s24;
	[sflag:s17] =	ssyncadd.s32 $0xFFFFC000  }
0x42: {  	[tilespmem:s16], [sflag:$0x1] =	stream.indirect.gather [hbm4b:s9+s15], $0x80, s25, s15, $0xb8;
	[tilespmem:$0x1DC00] =	vst v63  }
.Ltmp0:
0x43: {  	_ = 	snop;
	(pc) =	sbr.rel @p0 .LBB2_3-.Ltmp0, $4  }
0x44: {  	s24 =	sadd.s32 $0x1080, s24  }
0x45: {  	[spmem:s2] =	stream.indirect.scatter.add.f32 [tilespmem:s18], [sflag:$0x2], $0x80, s24, s15, $0xb8;
	[tilespmem:$0x1DC00] =	vst v63  }
0x46: {  	_ =	swait.ge [sflag:s13], $0x4000  }
0x47: {  	[sflag:s13] =	ssyncset.done $0x0  }
0x48: {  	[sflag:s13] =	ssyncadd.s32 $0xFFFFC000  }
0x49: {  	_ =	swait.ge [sflag:s17], $0x4000  }
0x4a: {  	[sflag:s17] =	ssyncset.done $0x0  }
0x4b: {  	[sflag:s17] =	ssyncadd.s32 $0xFFFFC000  }
0x4c: {  	[tilespmem:s18], [sflag:$0x1] =	stream.indirect.gather [hbm4b:s9+s15], $0x80, s19, s15, $0xb8;
	[tilespmem:$0x1DC00] =	vst v63  }
0x4d: {  	_ = 	snop  }
0x4e: {  	[spmem:s2] =	stream.indirect.scatter.add.f32 [tilespmem:s16], [sflag:$0x2], $0x80, s20, s15, $0xb8;
	[tilespmem:$0x1DC00] =	vst v63  }
0x4f: {  	_ =	swait.ge [sflag:s13], $0x4000  }
0x50: {  	[sflag:s13] =	ssyncset.done $0x0  }
0x51: {  	[sflag:s13] =	ssyncadd.s32 $0xFFFFC000  }
0x52: {  	s22 =	sadd.s32 $0x1, s22;
	_ =	swait.ge [sflag:s17], $0x4000  }
0x53: {  	p0 =	sne.s32 s22, $0x5;
	[sflag:s17] =	ssyncset.done $0x0  }
.Ltmp1:
0x54: {  	[sflag:s17] =	ssyncadd.s32 $0xFFFFC000;
	(pc) =	sbr.rel @p0 .LBB2_2-.Ltmp1, $4  }
0x55: {  	[spmem:s2] =	stream.indirect.scatter.add.f32 [tilespmem:s18], [sflag:$0x2], $0x80, s21, s15, $0xb8;
	[tilespmem:$0x1DC00] =	vst v63  }
0x56: {  	_ =	swait.ge [sflag:s13], $0x4000  }
0x57: {  	[sflag:s13] =	ssyncset.done $0x0  }
0x58: {  	[sflag:s13] =	ssyncadd.s32 $0xFFFFC000  }
0x59: {  	s3 =	sadd.s32 $0x1, s3  }
0x5a: {  	p0 =	sne.s32 s3, s11  }
.Ltmp2:
0x5b: {  	[bflag:$0x0] =	sbarrier.arrive $0xFFFF;
	(pc) =	sbr.rel @p0 .LBB2_1-.Ltmp2, $4  }
0x5c: {  	[hbm:s10], [sflag:s7] =	dma.local [spmem:s12], $0x2780  }
0x5d: {  	_ =	swait.ge [sflag:s13], $0x2780  }
0x5e: {  	[sflag:s13] =	ssyncset.done $0x0  }
0x5f: {  	[sflag:s13] =	ssyncadd.s32 $0xFFFFD880  }
0x60: {  	_ =	sfence.sel $0x180000  }
0x61: {  	[bflag:$0x0] =	sbarrier.arrive $0xFFFF  }
0x62: {  	p0 =	sne.s32 s1, $0x0;
	_ =	strace $0x9000005C  }
0x63: {  	s0 =	sadd.s32 @!p0 $0x100000, s0;
	[bflag:$0x2] =	sbarrier.arrive $0xFFFF  }
0x64: {  	[sflag:s0] =	ssyncadd.tile.s32 @!p0 $0x1;
	_ =	shalt  }
.Lfunc_end2:
_tile_overlayer_lowered:
.L_overlay_start_2:
0x65: {  	(tag) =	ssettag $0x2  }
0x66: {  	s0 =	rddreg [dreg:$0x0];
	s2 =	stileid.u32  }
0x67: {  	s1 =	rddreg [dreg:$0x1];
	p0 =	sne.s32 s2, $0x0  }
0x68: {  	s3 =	rddreg [dreg:$0x2];
	[bflag:$0x3] =	sbarrier.arrive $0xFFFF;
	s2 =	simm.s32 @!p0 $0x1C02  }
0x69: {  	[timem:s3], [sflag:s2] =	dma.local @!p0 [hbm:s0], s1  }
0x6a: {  	s0 =	simm.s32 @!p0 $0x2  }
0x6b: {  	_ =	swait.ge @!p0 [sflag:s0], s1  }
0x6c: {  	s1 =	ssub.s32 @!p0 $0x0, s1;
	[sflag:s0] =	ssyncset.done @!p0 $0x0  }
0x6d: {  	[sflag:s0] =	ssyncadd.s32 @!p0 s1  }
0x6e: {  	[bflag:$0x3] =	sbarrier.arrive $0xFFFF  }
0x6f: {  	_ =	shalt  }

// kernel: kernel.43.cloned.1.call-start
scs
__scs_entry_jumppad:
0x0: {  	(pc) =	sbr.rel $0x88, $3  }
0x1: {  	(tag) =	ssettag $0x0;
	lr =	simm.s32 $0x1  }
0x2: {  	[smem:$0x3F95] =	sst lr;
	_ =	strace $0xD0000000  }
0x3: {  	_ = 	snop  }
0x4: {  	_ = 	snop  }
0x5: {  	_ = 	snop  }
0x6: {  	_ = 	snop  }
0x7: {  	_ = 	snop  }
__scs_overlays_trampoline_lowered:
0x8: {  	[smem:$0x3FA4] =	sst s0  }
0x9: {  	[smem:$0x3FA5] =	sst s1  }
0xa: {  	[smem:$0x3FA6] =	sst s2  }
0xb: {  	[smem:$0x3FA7] =	sst s3  }
0xc: {  	[smem:$0x3FA8] =	sst s4  }
0xd: {  	[smem:$0x3FA9] =	sst s5  }
0xe: {  	[smem:$0x3FAA] =	sst s6  }
0xf: {  	[smem:$0x3FAB] =	sst s7  }
0x10: {  	[smem:$0x3FAC] =	sst s8  }
0x11: {  	[smem:$0x3FAD] =	sst s9;
	s0 =	simm.s32 @!p0 $0x0  }
0x12: {  	s1 =	sld [smem:$0x3F93];
	s0 =	simm.s32 @p0 $0x1  }
0x13: {  	[smem:$0x3FAE] =	sst s0;
	s0 =	simm.s32 @!p1 $0x0  }
0x14: {  	s2 =	sld [smem:$0x3F92];
	s0 =	simm.s32 @p1 $0x1  }
0x15: {  	[smem:$0x3FAF] =	sst s0;
	s0 =	simm.s32 @!p2 $0x0  }
0x16: {  	s3 =	sld [smem:$0x3FDB];
	s0 =	simm.s32 @p2 $0x1  }
0x17: {  	s4 =	simm.s32 $0x1BF5;
	[smem:$0x3FB1] =	sst s0  }
0x18: {  	s0 =	sld [smem:$0x3F94];
	_ =	swait.ge [sflag:s4], $0x0  }
0x19: {  	s7 =	sld [smem:$0x3F95]  }
0x1a: {  	s8 =	sadd.s32 $0xFFFFE003, lr  }
0x1b: {  	s9 =	sadd.s32 $0xFFFFFEF7, lr;
	s5 =	simm.s32 $0xFFFFFFFF;
	p2 =	slt.u32 s8, $0xFFFFF086  }
0x1c: {  	p1 =	slt.u32 s9, $0xF7A;
	s5 =	simm.s32 @!p2 $0x0  }
0x1d: {  	s5 =	simm.s32 @p1 $0x1;
	p0 =	seq.s32 s7, s2  }
0x1e: {  	s7 =	smul.u32 @!p0 $0xF7A, s2;
	p2 =	seq.s32 @!p0 s5, $0x0  }
0x1f: {  	s9 =	smul.u32 $0xF7A, s1;
	s8 =	simm.s32 @!p0 $0x1BF5;
	p2 =	por !p2, p0  }
0x20: {  	[sflag:s8] =	ssyncset.s32 @!p0 $0xFFFFF086;
	s6 =	sadd.s32 @!p0 s3, s7;
	s7 =	simm.s32 @!p0 $0x108  }
0x21: {  	s3 =	sadd.s32 s3, s9;
	s6 =	sadd.s32 @!p0 $0x88, s6;
	s7 =	simm.s32 @p2 $0x1082  }
0x22: {  	[simem:s7], [sflag:s8] =	dma.local @!p0 [hbm:s6], $0xF7A  }
0x23: {  	s9 =	sor.u32 $0xD0000000, s2;
	s6 =	simm.s32 $0x108;
	_ =	swait.ge @!p0 [sflag:s8], $0x0  }
0x24: {  	s3 =	sadd.s32 $0x88, s3;
	s6 =	simm.s32 @!p1 $0x1082;
	[sflag:s4] =	ssyncset.s32 $0xFFFFF086  }
0x25: {  	[simem:s6], [sflag:s4] =	dma.local [hbm:s3], $0xF7A  }
0x26: {  	[smem:$0x3F95] =	sst s1;
	(tag) =	ssettag s2;
	_ =	strace s9  }
0x27: {  	s1 =	sld [smem:$0x3FA5]  }
0x28: {  	s2 =	sld [smem:$0x3FA6]  }
0x29: {  	s4 =	sld [smem:$0x3FA8]  }
0x2a: {  	p0 =	seq.s32 s5, $0x0;
	s5 =	sld [smem:$0x3FA9]  }
0x2b: {  	s6 =	sld [smem:$0x3FAA]  }
0x2c: {  	s7 =	sld [smem:$0x3FAB]  }
0x2d: {  	s3 =	simm.s32 $0x108;
	s8 =	sld [smem:$0x3FAC]  }
0x2e: {  	s3 =	simm.s32 @!p0 $0x1082;
	s9 =	sld [smem:$0x3FAD]  }
0x2f: {  	lr =	sadd.s32 s0, s3;
	s0 =	sld [smem:$0x3FA4]  }
0x30: {  	s3 =	sld [smem:$0x3FA7]  }
0x31: {  	[smem:$0x3FB0] =	sst s10  }
0x32: {  	s10 =	sld [smem:$0x3FAE];
	_ =	sdelay $0x3  }
0x33: {  	p0 =	seq.s32 s10, $0x1;
	s10 =	sld [smem:$0x3FB0];
	_ =	sdelay $0x3  }
0x34: {  	[smem:$0x3FB0] =	sst s10  }
0x35: {  	s10 =	sld [smem:$0x3FAF];
	_ =	sdelay $0x3  }
0x36: {  	p1 =	seq.s32 s10, $0x1;
	s10 =	sld [smem:$0x3FB0];
	_ =	sdelay $0x3  }
0x37: {  	[smem:$0x3FB0] =	sst s10  }
0x38: {  	s10 =	sld [smem:$0x3FB1]  }
0x39: {  	_ = 	snop;
	(pc) =	sbr.ind lr, $3  }
0x3a: {  	_ = 	snop  }
0x3b: {  	_ = 	snop  }
0x3c: {  	p2 =	seq.s32 s10, $0x1;
	s10 =	sld [smem:$0x3FB0]  }
0x3d: {  	_ =	shalt  }
0x3e: {  	_ =	shalt  }
0x3f: {  	_ =	shalt  }
0x40: {  	_ =	shalt  }
0x41: {  	_ =	shalt  }
0x42: {  	_ =	shalt  }
0x43: {  	_ =	shalt  }
0x44: {  	_ =	shalt  }
0x45: {  	_ =	shalt  }
0x46: {  	_ =	shalt  }
0x47: {  	_ =	shalt  }
0x48: {  	_ =	shalt  }
0x49: {  	_ =	shalt  }
0x4a: {  	_ =	shalt  }
0x4b: {  	_ =	shalt  }
0x4c: {  	_ =	shalt  }
0x4d: {  	_ =	shalt  }
0x4e: {  	_ =	shalt  }
0x4f: {  	_ =	shalt  }
0x50: {  	_ =	shalt  }
0x51: {  	_ =	shalt  }
0x52: {  	_ =	shalt  }
0x53: {  	_ =	shalt  }
0x54: {  	_ =	shalt  }
0x55: {  	_ =	shalt  }
0x56: {  	_ =	shalt  }
0x57: {  	_ =	shalt  }
0x58: {  	_ =	shalt  }
0x59: {  	_ =	shalt  }
0x5a: {  	_ =	shalt  }
0x5b: {  	_ =	shalt  }
0x5c: {  	_ =	shalt  }
0x5d: {  	_ =	shalt  }
0x5e: {  	_ =	shalt  }
0x5f: {  	_ =	shalt  }
0x60: {  	_ =	shalt  }
0x61: {  	_ =	shalt  }
0x62: {  	_ =	shalt  }
0x63: {  	_ =	shalt  }
0x64: {  	_ =	shalt  }
0x65: {  	_ =	shalt  }
0x66: {  	_ =	shalt  }
0x67: {  	_ =	shalt  }
0x68: {  	_ =	shalt  }
0x69: {  	_ =	shalt  }
0x6a: {  	_ =	shalt  }
0x6b: {  	_ =	shalt  }
0x6c: {  	_ =	shalt  }
0x6d: {  	_ =	shalt  }
0x6e: {  	_ =	shalt  }
0x6f: {  	_ =	shalt  }
0x70: {  	_ =	shalt  }
0x71: {  	_ =	shalt  }
0x72: {  	_ =	shalt  }
0x73: {  	_ =	shalt  }
0x74: {  	_ =	shalt  }
0x75: {  	_ =	shalt  }
0x76: {  	_ =	shalt  }
0x77: {  	_ =	shalt  }
0x78: {  	_ =	shalt  }
0x79: {  	_ =	shalt  }
0x7a: {  	_ =	shalt  }
0x7b: {  	_ =	shalt  }
0x7c: {  	_ =	shalt  }
0x7d: {  	_ =	shalt  }
0x7e: {  	_ =	shalt  }
0x7f: {  	_ =	shalt  }
0x80: {  	_ =	shalt  }
0x81: {  	_ =	shalt  }
0x82: {  	_ =	shalt  }
0x83: {  	_ =	shalt  }
0x84: {  	_ =	shalt  }
0x85: {  	_ =	shalt  }
0x86: {  	_ =	shalt  }
0x87: {  	_ =	shalt  }
.Lfunc_end0:
.L_simem_size_0:
called_computation.8_lowered:
.L_overlay_start_0:
0x88: {  	s2 =	sld [smem:$0x3FD9]  }
0x89: {  	s3 =	sld [smem:$0x3FFE];
	_ =	sdelay $0x1  }
0x8a: {  	s1 =	srdreg.scid  }
0x8b: {  	s0 =	sand.u32 $0x1, s1  }
0x8c: {  	s14 =	sshll.u32 s0, $0xA;
	s2 =	sadd.s32 s3, s2  }
0x8d: {  	s2 =	sadd.s32 s2, s14  }
0x8e: {  	[smem:$0x3FBC] =	sst s2  }
0x8f: {  	_ = 	snop  }
0x90: {  	s2 =	sld [smem:$0x3FD0];
	_ =	sdelay $0x2  }
0x91: {  	s15 =	simm.s32 $0xF;
	s4 =	simm.s32 $0x10  }
0x92: {  	[smem:s4], [sflag:s15] =	dma.local [hbm:s2], $0x1  }
0x93: {  	_ =	swait.eq [sflag:s15], $0x1  }
0x94: {  	[sflag:s15] =	ssyncset.done $0x0  }
0x95: {  	[sflag:s15] =	ssyncadd.s32 $0xFFFFFFFF  }
0x96: {  	s16 =	sld [smem:$0x11];
	(tm) =	ssettm $0x1  }
0x97: {  	s17 =	sld [smem:$0x3FFB];
	_ =	sdelay $0x3  }
0x98: {  	_ =	strace s17  }
0x99: {  	s3 =	sld [smem:$0x3FFC];
	_ =	sdelay $0x3  }
0x9a: {  	_ =	strace s3  }
0x9b: {  	s3 =	sld [smem:$0x3FFD];
	_ =	sdelay $0x3  }
0x9c: {  	_ =	strace s3  }
0x9d: {  	_ =	strace $0x8FFFFFFF  }
0x9e: {  	s18 =	sld [smem:$0x3FDB];
	_ =	sdelay $0x1  }
0x9f: {  	s19 =	simm.s32 $_scs_section_size  }
0xa0: {  	s5 =	simm.s32 $_size__tile_overlayer_lowered;
	s6 =	simm.s32 $_tile_overlayer_lowered  }
0xa1: {  	s22 =	simm.s32 $0x1BFF;
	s21 =	sshll.u32 s6, $0x1;
	s3 =	sadd.s32 s19, s18  }
0xa2: {  	s7 =	simm.s32 $0x0;
	s20 =	sshll.u32 s5, $0x1;
	s5 =	sadd.s32 s21, s3  }
0xa3: {  	[timem:s7], [sflag:s22] =	dma.local [hbm:s5], s20  }
0xa4: {  	_ =	swait.ge [sflag:s22], s20  }
0xa5: {  	s4 =	ssub.s32 $0x0, s20;
	[sflag:s22] =	ssyncset.done $0x0  }
0xa6: {  	[sflag:s22] =	ssyncadd.s32 s4;
	_ =	sdelay $0x1  }
0xa7: {  	s23 =	simm.s32 $0x1B8B  }
0xa8: {  	_ =	swait.ge [sflag:s23], $0x1  }
0xa9: {  	[sflag:s23] =	ssyncset.done $0x0  }
0xaa: {  	s25 =	simm.s32 $0x1B8E;
	s24 =	sld [smem:$0x3FFE];
	[sflag:s23] =	ssyncadd.s32 $0xFFFFFFFF  }
0xab: {  	s26 =	simm.s32 $execute0_lowered;
	[smem:$0x3FD2] =	sst s25  }
0xac: {  	s5 =	sshll.u32 s26, $0x1;
	_ =	strace $0x80000058;
	[dreg:$0x1] =	wrdreg $0xFFFFFFFF  }
0xad: {  	s28 =	simm.s32 $_size_execute0_lowered;
	s3 =	sadd.s32 s3, s5;
	[dreg:$0x0] =	wrdreg $0x0  }
0xae: {  	s5 =	sshll.u32 s28, $0x1;
	[dreg:$0x2] =	wrdreg s3  }
0xaf: {  	[dreg:$0x3] =	wrdreg s5  }
0xb0: {  	[dreg:$0x4] =	wrdreg $0xC0  }
0xb1: {  	_ =	task [dreg:s7], $0x5FFFF  }
0xb2: {  	[dreg:$0x1] =	wrdreg $0xFFFFFFFF  }
0xb3: {  	[dreg:$0x0] =	wrdreg $0x60  }
0xb4: {  	[dreg:$0x2] =	wrdreg s16  }
0xb5: {  	[dreg:$0x3] =	wrdreg s24  }
0xb6: {  	[dreg:$0x4] =	wrdreg $0xA0000  }
0xb7: {  	[dreg:$0x5] =	wrdreg $0xB  }
0xb8: {  	_ =	task.clear_ibuf [dreg:s7], $0x6FFFF;
	_ =	strace $0x90000058  }
0xb9: {  	s29 =	simm.s32 $0xB;
	_ =	strace $0x8000005A  }
0xba: {  	_ =	swait.ge [sflag:s29], $0x1  }
0xbb: {  	[sflag:s29] =	ssyncadd.s32 $0xFFFFFFFF  }
0xbc: {  	_ =	strace $0x9000005A  }
0xbd: {  	_ =	sfence  }
0xbe: {  	s30 =	sld [smem:$0x0];
	_ =	sdelay $0x2  }
0xbf: {  	s31 =	sshll.u32 s1, $0xD;
	s1 =	sshrl.u32 s1, $0x2  }
0xc0: {  	s3 =	sand.u32 $0x4000, s31;
	s1 =	sadd.s32 s1, s30  }
0xc1: {  	s0 =	sor.u32 s3, s0;
	s1 =	sshll.u32 s1, $0x11  }
0xc2: {  	s0 =	sor.u32 s1, s0  }
0xc3: {  	s0 =	sadd.s32 $0x8F2B, s0  }
0xc4: {  	[sflag:s0] =	ssyncadd.remote.s32 $0x1  }
0xc5: {  	_ =	sfence.sel $0xFFFF  }
0xc6: {  	[dreg:$0x0] =	wrdreg $0xFFFFFFFF;
	(pc) =	sbr.abs _section_cstart, $3  }
0xc7: {  	[dreg:$0x1] =	wrdreg $0xFFFFFFFF  }
0xc8: {  	_ =	task.clear_ibuf [dreg:s7], $0x2FFFF;
	_ =	strace $0x9FFFFFFF  }
0xc9: {  	(tm) =	ssettm $0x7FFFFFFF  }
tec
execute0_lowered:
.L_overlay_start_1:
0x0: {  	(tag) =	ssettag $0x1  }
0x1: {  	s9 =	rddreg [dreg:$0x0]  }
0x2: {  	s7 =	rddreg [dreg:$0x1];
	s0 =	srdreg.scid  }
0x3: {  	s2 =	rddreg [dreg:$0x2];
	s1 =	stileid.u32  }
0x4: {  	s3 =	simm.s32 $0x0;
	s15 =	simm.s32 $0x80;
	s16 =	simm.s32 $0x2000  }
0x5: {  	s17 =	simm.s32 $0x1;
	s18 =	simm.s32 $0x6000;
	s19 =	simm.s32 $0xF80  }
0x6: {  	s20 =	simm.s32 $0x1F00;
	s21 =	simm.s32 $0x1F80;
	s6 =	smul.u32 $0x13C00, s1  }
0x7: {  	s8 =	sand.u32 $0x1, s0;
	s0 =	rddreg [dreg:$0x3];
	s11 =	smul.u32 $0x4F000, s1  }
0x8: {  	[smem:$0x7FF] =	sst s3;
	s4 =	sadd.s32 $0x163E00, s7;
	s5 =	smul.u32 $0x13C000, s8  }
0x9: {  	s31 =	sshll.u32 s1, $0x6;
	s30 =	ssub.s32 $0x2, s8;
	s13 =	smul.u32 $0x27100, s8  }
0xa: {  	_ =	strace $0x80000059;
	s8 =	smul.u32 $0x5000, s1;
	s12 =	sshrl.u32 s30, $0x1  }
0xb: {  	s11 =	sshrl.u32 s11, $0x2;
	s6 =	sadd.s32 s6, s5;
	s5 =	sadd.s32 $0x177E00, s7  }
0xc: {  	s12 =	ssub.s32 s30, s12;
	s14 =	sadd.s32 s11, s2;
	s9 =	sadd.s32 s9, s13  }
0xd: {  	s13 =	simm.s32 $0x2;
	s10 =	sshrl.u32 s6, $0x3;
	s6 =	sadd.s32 $0x1C400, s7  }
0xe: {  	s11 =	smax.u32 s12, $0x1;
	s12 =	sshrl.u32 s14, $0x3;
	s10 =	sadd.s32 s10, s7  }
0xf: {  	s14 =	simm.s32 $0x1000;
	s7 =	sor.u32 $0x1C02, s31;
	s10 =	sadd.s32 $0x18BE00, s10  }
.LBB2_1:
0x10: {  	[spmem:s12], [sflag:s7] =	dma.local [hbm:s6], $0x2780  }
0x11: {  	_ =	swait.ge [sflag:s13], $0x2780  }
0x12: {  	[sflag:s13] =	ssyncset.done $0x0  }
0x13: {  	[sflag:s13] =	ssyncadd.s32 $0xFFFFD880  }
0x14: {  	s22 =	simm.s32 $0x0;
	[bflag:$0x0] =	sbarrier.arrive $0xFFFF  }
.LBB2_2:
0x15: {  	s23 =	sshll.u32 s22, $0xC  }
0x16: {  	s23 =	sadd.s32 s8, s23  }
0x17: {  	s23 =	sshrl.u32 s23, $0x3  }
0x18: {  	s25 =	simm.s32 $0x0;
	s24 =	sadd.s32 s4, s23  }
0x19: {  	[tilespmem:s25], [sflag:$0x2] =	stream.linear.gather [hbm4b:s24+s25], $0x1000, $0x38;
	[tilespmem:$0x1DC00] =	vst v63  }
0x1a: {  	_ =	swait.ge [sflag:s13], $0x1000  }
0x1b: {  	[sflag:s13] =	ssyncset.done $0x0  }
0x1c: {  	s23 =	sadd.s32 s5, s23;
	[sflag:s13] =	ssyncadd.s32 $0xFFFFF000  }
0x1d: {  	[tilespmem:s14], [sflag:$0x2] =	stream.linear.gather [hbm4b:s23+s25], $0x1000, $0x38;
	[tilespmem:$0x1DC00] =	vst v63  }
0x1e: {  	_ =	swait.ge [sflag:s13], $0x1000  }
0x1f: {  	[sflag:s13] =	ssyncset.done $0x0  }
0x20: {  	[sflag:s13] =	ssyncadd.s32 $0xFFFFF000  }
0x21: {  	[tilespmem:s16], [sflag:$0x1] =	stream.indirect.gather [hbm4b:s9+s15], $0x80, s25, s15, $0xb8;
	[tilespmem:$0x1DC00] =	vst v63  }
0x22: {  	_ =	swait.ge [sflag:s17], $0x4000  }
0x23: {  	[sflag:s17] =	ssyncset.done $0x0  }
0x24: {  	s28 =	simm.s32 $0x80;
	[sflag:s17] =	ssyncadd.s32 $0xFFFFC000  }
0x25: {  	[tilespmem:s18], [sflag:$0x1] =	stream.indirect.gather [hbm4b:s9+s15], $0x80, s28, s15, $0xb8;
	[tilespmem:$0x1DC00] =	vst v63  }
0x26: {  	s29 =	simm.s32 $0x1000  }
0x27: {  	[spmem:s2] =	stream.indirect.scatter.add.f32 [tilespmem:s16], [sflag:$0x2], $0x80, s29, s15, $0xb8;
	[tilespmem:$0x1DC00] =	vst v63  }
0x28: {  	_ =	swait.ge [sflag:s13], $0x4000  }
0x29: {  	[sflag:s13] =	ssyncset.done $0x0  }
0x2a: {  	[sflag:s13] =	ssyncadd.s32 $0xFFFFC000  }
0x2b: {  	_ =	swait.ge [sflag:s17], $0x4000  }
0x2c: {  	[sflag:s17] =	ssyncset.done $0x0  }
0x2d: {  	s30 =	simm.s32 $0x100;
	[sflag:s17] =	ssyncadd.s32 $0xFFFFC000  }
0x2e: {  	[tilespmem:s16], [sflag:$0x1] =	stream.indirect.gather [hbm4b:s9+s15], $0x80, s30, s15, $0xb8;
	[tilespmem:$0x1DC00] =	vst v63  }
0x2f: {  	s31 =	simm.s32 $0x1080  }
0x30: {  	[spmem:s2] =	stream.indirect.scatter.add.f32 [tilespmem:s18], [sflag:$0x2], $0x80, s31, s15, $0xb8;
	[tilespmem:$0x1DC00] =	vst v63  }
0x31: {  	_ =	swait.ge [sflag:s13], $0x4000  }
0x32: {  	s23 =	simm.s32 $0x400;
	[sflag:s13] =	ssyncset.done $0x0  }
.LBB2_3:
0x33: {  	p0 =	sne.s32 s23, $0x3800  }
0x34: {  	[sflag:s13] =	ssyncadd.s32 $0xFFFFC000;
	s24 =	smov.u32 s23;
	s23 =	sadd.s32 $0x400, s23  }
0x35: {  	_ = 	snop  }
0x36: {  	_ =	swait.ge [sflag:s17], $0x4000  }
0x37: {  	s24 =	sshra.s32 s24, $0x2;
	[sflag:s17] =	ssyncset.done $0x0  }
0x38: {  	s25 =	sadd.s32 $0x80, s24;
	[sflag:s17] =	ssyncadd.s32 $0xFFFFC000  }
0x39: {  	[tilespmem:s18], [sflag:$0x1] =	stream.indirect.gather [hbm4b:s9+s15], $0x80, s25, s15, $0xb8;
	[tilespmem:$0x1DC00] =	vst v63  }
0x3a: {  	s25 =	sadd.s32 $0x1000, s24  }
0x3b: {  	[spmem:s2] =	stream.indirect.scatter.add.f32 [tilespmem:s16], [sflag:$0x2], $0x80, s25, s15, $0xb8;
	[tilespmem:$0x1DC00] =	vst v63  }
0x3c: {  	_ =	swait.ge [sflag:s13], $0x4000  }
0x3d: {  	[sflag:s13] =	ssyncset.done $0x0  }
0x3e: {  	[sflag:s13] =	ssyncadd.s32 $0xFFFFC000  }
0x3f: {  	_ =	swait.ge [sflag:s17], $0x4000  }
0x40: {  	[sflag:s17] =	ssyncset.done $0x0  }
0x41: {  	s25 =	sadd.s32 $0x100, s24;
	[sflag:s17] =	ssyncadd.s32 $0xFFFFC000  }
0x42: {  	[tilespmem:s16], [sflag:$0x1] =	stream.indirect.gather [hbm4b:s9+s15], $0x80, s25, s15, $0xb8;
	[tilespmem:$0x1DC00] =	vst v63  }
.Ltmp0:
0x43: {  	_ = 	snop;
	(pc) =	sbr.rel @p0 .LBB2_3-.Ltmp0, $4  }
0x44: {  	s24 =	sadd.s32 $0x1080, s24  }
0x45: {  	[spmem:s2] =	stream.indirect.scatter.add.f32 [tilespmem:s18], [sflag:$0x2], $0x80, s24, s15, $0xb8;
	[tilespmem:$0x1DC00] =	vst v63  }
0x46: {  	_ =	swait.ge [sflag:s13], $0x4000  }
0x47: {  	[sflag:s13] =	ssyncset.done $0x0  }
0x48: {  	[sflag:s13] =	ssyncadd.s32 $0xFFFFC000  }
0x49: {  	_ =	swait.ge [sflag:s17], $0x4000  }
0x4a: {  	[sflag:s17] =	ssyncset.done $0x0  }
0x4b: {  	[sflag:s17] =	ssyncadd.s32 $0xFFFFC000  }
0x4c: {  	[tilespmem:s18], [sflag:$0x1] =	stream.indirect.gather [hbm4b:s9+s15], $0x80, s19, s15, $0xb8;
	[tilespmem:$0x1DC00] =	vst v63  }
0x4d: {  	_ = 	snop  }
0x4e: {  	[spmem:s2] =	stream.indirect.scatter.add.f32 [tilespmem:s16], [sflag:$0x2], $0x80, s20, s15, $0xb8;
	[tilespmem:$0x1DC00] =	vst v63  }
0x4f: {  	_ =	swait.ge [sflag:s13], $0x4000  }
0x50: {  	[sflag:s13] =	ssyncset.done $0x0  }
0x51: {  	[sflag:s13] =	ssyncadd.s32 $0xFFFFC000  }
0x52: {  	s22 =	sadd.s32 $0x1, s22;
	_ =	swait.ge [sflag:s17], $0x4000  }
0x53: {  	p0 =	sne.s32 s22, $0x5;
	[sflag:s17] =	ssyncset.done $0x0  }
.Ltmp1:
0x54: {  	[sflag:s17] =	ssyncadd.s32 $0xFFFFC000;
	(pc) =	sbr.rel @p0 .LBB2_2-.Ltmp1, $4  }
0x55: {  	[spmem:s2] =	stream.indirect.scatter.add.f32 [tilespmem:s18], [sflag:$0x2], $0x80, s21, s15, $0xb8;
	[tilespmem:$0x1DC00] =	vst v63  }
0x56: {  	_ =	swait.ge [sflag:s13], $0x4000  }
0x57: {  	[sflag:s13] =	ssyncset.done $0x0  }
0x58: {  	[sflag:s13] =	ssyncadd.s32 $0xFFFFC000  }
0x59: {  	s3 =	sadd.s32 $0x1, s3  }
0x5a: {  	p0 =	sne.s32 s3, s11  }
.Ltmp2:
0x5b: {  	[bflag:$0x0] =	sbarrier.arrive $0xFFFF;
	(pc) =	sbr.rel @p0 .LBB2_1-.Ltmp2, $4  }
0x5c: {  	[hbm:s10], [sflag:s7] =	dma.local [spmem:s12], $0x2780  }
0x5d: {  	_ =	swait.ge [sflag:s13], $0x2780  }
0x5e: {  	[sflag:s13] =	ssyncset.done $0x0  }
0x5f: {  	[sflag:s13] =	ssyncadd.s32 $0xFFFFD880  }
0x60: {  	_ =	sfence.sel $0x180000  }
0x61: {  	[bflag:$0x0] =	sbarrier.arrive $0xFFFF  }
0x62: {  	p0 =	sne.s32 s1, $0x0;
	_ =	strace $0x90000059  }
0x63: {  	s0 =	sadd.s32 @!p0 $0x100000, s0;
	[bflag:$0x2] =	sbarrier.arrive $0xFFFF  }
0x64: {  	[sflag:s0] =	ssyncadd.tile.s32 @!p0 $0x1;
	_ =	shalt  }
.Lfunc_end2:
_tile_overlayer_lowered:
.L_overlay_start_2:
0x65: {  	(tag) =	ssettag $0x2  }
0x66: {  	s0 =	rddreg [dreg:$0x0];
	s2 =	stileid.u32  }
0x67: {  	s1 =	rddreg [dreg:$0x1];
	p0 =	sne.s32 s2, $0x0  }
0x68: {  	s3 =	rddreg [dreg:$0x2];
	[bflag:$0x3] =	sbarrier.arrive $0xFFFF;
	s2 =	simm.s32 @!p0 $0x1C02  }
0x69: {  	[timem:s3], [sflag:s2] =	dma.local @!p0 [hbm:s0], s1  }
0x6a: {  	s0 =	simm.s32 @!p0 $0x2  }
0x6b: {  	_ =	swait.ge @!p0 [sflag:s0], s1  }
0x6c: {  	s1 =	ssub.s32 @!p0 $0x0, s1;
	[sflag:s0] =	ssyncset.done @!p0 $0x0  }
0x6d: {  	[sflag:s0] =	ssyncadd.s32 @!p0 s1  }
0x6e: {  	[bflag:$0x3] =	sbarrier.arrive $0xFFFF  }
0x6f: {  	_ =	shalt  }

// kernel: kernel.46.cloned.1.call-start
scs
__scs_entry_jumppad:
0x0: {  	(pc) =	sbr.rel $0x88, $3  }
0x1: {  	(tag) =	ssettag $0x0;
	lr =	simm.s32 $0x1  }
0x2: {  	[smem:$0x3F95] =	sst lr;
	_ =	strace $0xD0000000  }
0x3: {  	_ = 	snop  }
0x4: {  	_ = 	snop  }
0x5: {  	_ = 	snop  }
0x6: {  	_ = 	snop  }
0x7: {  	_ = 	snop  }
__scs_overlays_trampoline_lowered:
0x8: {  	[smem:$0x3FA4] =	sst s0  }
0x9: {  	[smem:$0x3FA5] =	sst s1  }
0xa: {  	[smem:$0x3FA6] =	sst s2  }
0xb: {  	[smem:$0x3FA7] =	sst s3  }
0xc: {  	[smem:$0x3FA8] =	sst s4  }
0xd: {  	[smem:$0x3FA9] =	sst s5  }
0xe: {  	[smem:$0x3FAA] =	sst s6  }
0xf: {  	[smem:$0x3FAB] =	sst s7  }
0x10: {  	[smem:$0x3FAC] =	sst s8  }
0x11: {  	[smem:$0x3FAD] =	sst s9;
	s0 =	simm.s32 @!p0 $0x0  }
0x12: {  	s1 =	sld [smem:$0x3F93];
	s0 =	simm.s32 @p0 $0x1  }
0x13: {  	[smem:$0x3FAE] =	sst s0;
	s0 =	simm.s32 @!p1 $0x0  }
0x14: {  	s2 =	sld [smem:$0x3F92];
	s0 =	simm.s32 @p1 $0x1  }
0x15: {  	[smem:$0x3FAF] =	sst s0;
	s0 =	simm.s32 @!p2 $0x0  }
0x16: {  	s3 =	sld [smem:$0x3FDB];
	s0 =	simm.s32 @p2 $0x1  }
0x17: {  	s4 =	simm.s32 $0x1BF5;
	[smem:$0x3FB1] =	sst s0  }
0x18: {  	s0 =	sld [smem:$0x3F94];
	_ =	swait.ge [sflag:s4], $0x0  }
0x19: {  	s7 =	sld [smem:$0x3F95]  }
0x1a: {  	s8 =	sadd.s32 $0xFFFFE003, lr  }
0x1b: {  	s9 =	sadd.s32 $0xFFFFFEF7, lr;
	s5 =	simm.s32 $0xFFFFFFFF;
	p2 =	slt.u32 s8, $0xFFFFF086  }
0x1c: {  	p1 =	slt.u32 s9, $0xF7A;
	s5 =	simm.s32 @!p2 $0x0  }
0x1d: {  	s5 =	simm.s32 @p1 $0x1;
	p0 =	seq.s32 s7, s2  }
0x1e: {  	s7 =	smul.u32 @!p0 $0xF7A, s2;
	p2 =	seq.s32 @!p0 s5, $0x0  }
0x1f: {  	s9 =	smul.u32 $0xF7A, s1;
	s8 =	simm.s32 @!p0 $0x1BF5;
	p2 =	por !p2, p0  }
0x20: {  	[sflag:s8] =	ssyncset.s32 @!p0 $0xFFFFF086;
	s6 =	sadd.s32 @!p0 s3, s7;
	s7 =	simm.s32 @!p0 $0x108  }
0x21: {  	s3 =	sadd.s32 s3, s9;
	s6 =	sadd.s32 @!p0 $0x88, s6;
	s7 =	simm.s32 @p2 $0x1082  }
0x22: {  	[simem:s7], [sflag:s8] =	dma.local @!p0 [hbm:s6], $0xF7A  }
0x23: {  	s9 =	sor.u32 $0xD0000000, s2;
	s6 =	simm.s32 $0x108;
	_ =	swait.ge @!p0 [sflag:s8], $0x0  }
0x24: {  	s3 =	sadd.s32 $0x88, s3;
	s6 =	simm.s32 @!p1 $0x1082;
	[sflag:s4] =	ssyncset.s32 $0xFFFFF086  }
0x25: {  	[simem:s6], [sflag:s4] =	dma.local [hbm:s3], $0xF7A  }
0x26: {  	[smem:$0x3F95] =	sst s1;
	(tag) =	ssettag s2;
	_ =	strace s9  }
0x27: {  	s1 =	sld [smem:$0x3FA5]  }
0x28: {  	s2 =	sld [smem:$0x3FA6]  }
0x29: {  	s4 =	sld [smem:$0x3FA8]  }
0x2a: {  	p0 =	seq.s32 s5, $0x0;
	s5 =	sld [smem:$0x3FA9]  }
0x2b: {  	s6 =	sld [smem:$0x3FAA]  }
0x2c: {  	s7 =	sld [smem:$0x3FAB]  }
0x2d: {  	s3 =	simm.s32 $0x108;
	s8 =	sld [smem:$0x3FAC]  }
0x2e: {  	s3 =	simm.s32 @!p0 $0x1082;
	s9 =	sld [smem:$0x3FAD]  }
0x2f: {  	lr =	sadd.s32 s0, s3;
	s0 =	sld [smem:$0x3FA4]  }
0x30: {  	s3 =	sld [smem:$0x3FA7]  }
0x31: {  	[smem:$0x3FB0] =	sst s10  }
0x32: {  	s10 =	sld [smem:$0x3FAE];
	_ =	sdelay $0x3  }
0x33: {  	p0 =	seq.s32 s10, $0x1;
	s10 =	sld [smem:$0x3FB0];
	_ =	sdelay $0x3  }
0x34: {  	[smem:$0x3FB0] =	sst s10  }
0x35: {  	s10 =	sld [smem:$0x3FAF];
	_ =	sdelay $0x3  }
0x36: {  	p1 =	seq.s32 s10, $0x1;
	s10 =	sld [smem:$0x3FB0];
	_ =	sdelay $0x3  }
0x37: {  	[smem:$0x3FB0] =	sst s10  }
0x38: {  	s10 =	sld [smem:$0x3FB1]  }
0x39: {  	_ = 	snop;
	(pc) =	sbr.ind lr, $3  }
0x3a: {  	_ = 	snop  }
0x3b: {  	_ = 	snop  }
0x3c: {  	p2 =	seq.s32 s10, $0x1;
	s10 =	sld [smem:$0x3FB0]  }
0x3d: {  	_ =	shalt  }
0x3e: {  	_ =	shalt  }
0x3f: {  	_ =	shalt  }
0x40: {  	_ =	shalt  }
0x41: {  	_ =	shalt  }
0x42: {  	_ =	shalt  }
0x43: {  	_ =	shalt  }
0x44: {  	_ =	shalt  }
0x45: {  	_ =	shalt  }
0x46: {  	_ =	shalt  }
0x47: {  	_ =	shalt  }
0x48: {  	_ =	shalt  }
0x49: {  	_ =	shalt  }
0x4a: {  	_ =	shalt  }
0x4b: {  	_ =	shalt  }
0x4c: {  	_ =	shalt  }
0x4d: {  	_ =	shalt  }
0x4e: {  	_ =	shalt  }
0x4f: {  	_ =	shalt  }
0x50: {  	_ =	shalt  }
0x51: {  	_ =	shalt  }
0x52: {  	_ =	shalt  }
0x53: {  	_ =	shalt  }
0x54: {  	_ =	shalt  }
0x55: {  	_ =	shalt  }
0x56: {  	_ =	shalt  }
0x57: {  	_ =	shalt  }
0x58: {  	_ =	shalt  }
0x59: {  	_ =	shalt  }
0x5a: {  	_ =	shalt  }
0x5b: {  	_ =	shalt  }
0x5c: {  	_ =	shalt  }
0x5d: {  	_ =	shalt  }
0x5e: {  	_ =	shalt  }
0x5f: {  	_ =	shalt  }
0x60: {  	_ =	shalt  }
0x61: {  	_ =	shalt  }
0x62: {  	_ =	shalt  }
0x63: {  	_ =	shalt  }
0x64: {  	_ =	shalt  }
0x65: {  	_ =	shalt  }
0x66: {  	_ =	shalt  }
0x67: {  	_ =	shalt  }
0x68: {  	_ =	shalt  }
0x69: {  	_ =	shalt  }
0x6a: {  	_ =	shalt  }
0x6b: {  	_ =	shalt  }
0x6c: {  	_ =	shalt  }
0x6d: {  	_ =	shalt  }
0x6e: {  	_ =	shalt  }
0x6f: {  	_ =	shalt  }
0x70: {  	_ =	shalt  }
0x71: {  	_ =	shalt  }
0x72: {  	_ =	shalt  }
0x73: {  	_ =	shalt  }
0x74: {  	_ =	shalt  }
0x75: {  	_ =	shalt  }
0x76: {  	_ =	shalt  }
0x77: {  	_ =	shalt  }
0x78: {  	_ =	shalt  }
0x79: {  	_ =	shalt  }
0x7a: {  	_ =	shalt  }
0x7b: {  	_ =	shalt  }
0x7c: {  	_ =	shalt  }
0x7d: {  	_ =	shalt  }
0x7e: {  	_ =	shalt  }
0x7f: {  	_ =	shalt  }
0x80: {  	_ =	shalt  }
0x81: {  	_ =	shalt  }
0x82: {  	_ =	shalt  }
0x83: {  	_ =	shalt  }
0x84: {  	_ =	shalt  }
0x85: {  	_ =	shalt  }
0x86: {  	_ =	shalt  }
0x87: {  	_ =	shalt  }
.Lfunc_end0:
.L_simem_size_0:
called_computation.9_lowered:
.L_overlay_start_0:
0x88: {  	s2 =	sld [smem:$0x3FD9]  }
0x89: {  	s3 =	sld [smem:$0x3FFE];
	_ =	sdelay $0x1  }
0x8a: {  	s1 =	srdreg.scid  }
0x8b: {  	s0 =	sand.u32 $0x1, s1  }
0x8c: {  	s15 =	sshll.u32 s0, $0xA;
	s2 =	sadd.s32 s3, s2  }
0x8d: {  	s2 =	sadd.s32 s2, s15  }
0x8e: {  	[smem:$0x3FBC] =	sst s2  }
0x8f: {  	_ = 	snop  }
0x90: {  	s2 =	sld [smem:$0x3FD0];
	_ =	sdelay $0x2  }
0x91: {  	s4 =	simm.s32 $0xF;
	s16 =	simm.s32 $0x10  }
0x92: {  	[smem:s16], [sflag:s4] =	dma.local [hbm:s2], $0x1  }
0x93: {  	_ =	swait.eq [sflag:s4], $0x1  }
0x94: {  	[sflag:s4] =	ssyncset.done $0x0  }
0x95: {  	s17 =	sld [smem:$0x10];
	[sflag:s4] =	ssyncadd.s32 $0xFFFFFFFF  }
0x96: {  	s18 =	sld [smem:$0x11];
	(tm) =	ssettm $0x1  }
0x97: {  	s19 =	sld [smem:$0x3FFB];
	_ =	sdelay $0x3  }
0x98: {  	_ =	strace s19  }
0x99: {  	s2 =	sld [smem:$0x3FFC];
	_ =	sdelay $0x3  }
0x9a: {  	_ =	strace s2  }
0x9b: {  	s2 =	sld [smem:$0x3FFD];
	_ =	sdelay $0x3  }
0x9c: {  	_ =	strace s2  }
0x9d: {  	_ =	strace $0x8FFFFFFF  }
0x9e: {  	s20 =	sld [smem:$0x3FDB];
	_ =	sdelay $0x1  }
0x9f: {  	s5 =	simm.s32 $_scs_section_size  }
0xa0: {  	s6 =	simm.s32 $_size__tile_overlayer_lowered;
	s7 =	simm.s32 $_tile_overlayer_lowered  }
0xa1: {  	s8 =	simm.s32 $0x1BFF;
	s21 =	sshll.u32 s7, $0x1;
	s5 =	sadd.s32 s5, s20  }
0xa2: {  	s22 =	simm.s32 $0x0;
	s6 =	sshll.u32 s6, $0x1;
	s7 =	sadd.s32 s21, s5  }
0xa3: {  	[timem:s22], [sflag:s8] =	dma.local [hbm:s7], s6  }
0xa4: {  	_ =	swait.ge [sflag:s8], s6  }
0xa5: {  	s6 =	ssub.s32 $0x0, s6;
	[sflag:s8] =	ssyncset.done $0x0  }
0xa6: {  	[sflag:s8] =	ssyncadd.s32 s6;
	_ =	sdelay $0x1  }
0xa7: {  	s23 =	simm.s32 $0x1B8B  }
0xa8: {  	_ =	swait.ge [sflag:s23], $0x1  }
0xa9: {  	[sflag:s23] =	ssyncset.done $0x0  }
0xaa: {  	[sflag:s23] =	ssyncadd.s32 $0xFFFFFFFF  }
0xab: {  	s6 =	sld [smem:$0x0]  }
0xac: {  	s7 =	sand.u32 $0xFFFFFFFE, s1  }
0xad: {  	p0 =	sne.s32 s1, s7  }
0xae: {  	s7 =	sshll.u32 @p0 s7, $0xE  }
0xaf: {  	s7 =	sadd.s32 @p0 $0x11B8D, s7;
	s8 =	sshll.u32 @p0 s6, $0x11  }
0xb0: {  	s7 =	sor.u32 @p0 s8, s7  }
0xb1: {  	[sflag:s7] =	ssyncadd.remote.s32 @p0 $0x1;
	_ =	sdelay $0x1  }
0xb2: {  	s7 =	simm.s32 @p0 $0x1B8D  }
0xb3: {  	_ =	swait.eq @p0 [sflag:s7], $0x1  }
0xb4: {  	[sflag:s7] =	ssyncadd.s32 @p0 $0xFFFFFFFF  }
0xb5: {  	s8 =	sshll.u32 @!p0 s1, $0xE  }
0xb6: {  	s8 =	sor.u32 @!p0 $0x4000, s8;
	s7 =	simm.s32 @!p0 $0x1B8D  }
0xb7: {  	s6 =	sshll.u32 @!p0 s6, $0x11;
	s8 =	sadd.s32 @!p0 $0x11B8D, s8;
	_ =	swait.eq @!p0 [sflag:s7], $0x1  }
0xb8: {  	s6 =	sor.u32 @!p0 s6, s8;
	[sflag:s7] =	ssyncadd.s32 @!p0 $0xFFFFFFFF  }
0xb9: {  	s25 =	simm.s32 $0x1B8E;
	s24 =	sld [smem:$0x3FFE];
	[sflag:s6] =	ssyncadd.remote.s32 @!p0 $0x1  }
0xba: {  	s26 =	simm.s32 $execute0_lowered;
	[smem:$0x3FD2] =	sst s25  }
0xbb: {  	s7 =	sshll.u32 s26, $0x1;
	_ =	strace $0x80000067;
	[dreg:$0x1] =	wrdreg $0xFFFFFFFF  }
0xbc: {  	s28 =	simm.s32 $_size_execute0_lowered;
	s5 =	sadd.s32 s5, s7;
	[dreg:$0x0] =	wrdreg $0x0  }
0xbd: {  	s7 =	sshll.u32 s28, $0x1;
	[dreg:$0x2] =	wrdreg s5  }
0xbe: {  	[dreg:$0x3] =	wrdreg s7  }
0xbf: {  	[dreg:$0x4] =	wrdreg $0xC0  }
0xc0: {  	_ =	task [dreg:s22], $0x5FFFF  }
0xc1: {  	[dreg:$0x1] =	wrdreg $0xFFFFFFFF  }
0xc2: {  	[dreg:$0x0] =	wrdreg $0x60  }
0xc3: {  	[dreg:$0x2] =	wrdreg s18  }
0xc4: {  	[dreg:$0x3] =	wrdreg s17  }
0xc5: {  	[dreg:$0x4] =	wrdreg s24  }
0xc6: {  	[dreg:$0x5] =	wrdreg $0xA0000  }
0xc7: {  	[dreg:$0x6] =	wrdreg $0x9  }
0xc8: {  	_ =	task.clear_ibuf [dreg:s22], $0x7FFFF;
	_ =	strace $0x90000067  }
0xc9: {  	s29 =	simm.s32 $0x9;
	_ =	strace $0x80000069  }
0xca: {  	_ =	swait.ge [sflag:s29], $0x1  }
0xcb: {  	[sflag:s29] =	ssyncadd.s32 $0xFFFFFFFF  }
0xcc: {  	_ =	strace $0x90000069  }
0xcd: {  	_ =	sfence  }
0xce: {  	s30 =	sld [smem:$0x0];
	_ =	sdelay $0x2  }
0xcf: {  	s31 =	sshll.u32 s1, $0xD;
	s1 =	sshrl.u32 s1, $0x2  }
0xd0: {  	s4 =	sand.u32 $0x4000, s31;
	s1 =	sadd.s32 s1, s30  }
0xd1: {  	s0 =	sor.u32 s4, s0;
	s1 =	sshll.u32 s1, $0x11  }
0xd2: {  	s0 =	sor.u32 s1, s0  }
0xd3: {  	s0 =	sadd.s32 $0x8F2B, s0  }
0xd4: {  	[sflag:s0] =	ssyncadd.remote.s32 $0x1  }
0xd5: {  	_ =	sfence.sel $0xFFFF  }
0xd6: {  	[dreg:$0x0] =	wrdreg $0xFFFFFFFF;
	(pc) =	sbr.abs _section_cstart, $3  }
0xd7: {  	[dreg:$0x1] =	wrdreg $0xFFFFFFFF  }
0xd8: {  	_ =	task.clear_ibuf [dreg:s22], $0x2FFFF;
	_ =	strace $0x9FFFFFFF  }
0xd9: {  	(tm) =	ssettm $0x7FFFFFFF  }
tec
execute0_lowered:
.L_overlay_start_1:
0x0: {  	(tag) =	ssettag $0x1  }
0x1: {  	s9 =	rddreg [dreg:$0x0]  }
0x2: {  	s0 =	rddreg [dreg:$0x1]  }
0x3: {  	s7 =	rddreg [dreg:$0x2]  }
0x4: {  	s1 =	srdreg.scid;
	s3 =	rddreg [dreg:$0x3]  }
0x5: {  	s2 =	stileid.u32;
	s4 =	simm.s32 $0x0;
	s15 =	simm.s32 $0x80  }
0x6: {  	s16 =	simm.s32 $0x2000;
	s17 =	simm.s32 $0x1;
	s18 =	simm.s32 $0x6000  }
0x7: {  	s19 =	simm.s32 $0xF80;
	s20 =	simm.s32 $0x1F00;
	s6 =	smul.u32 $0x13C00, s2  }
0x8: {  	s8 =	sand.u32 $0x1, s1;
	s1 =	rddreg [dreg:$0x4];
	s11 =	smul.u32 $0x4F000, s2  }
0x9: {  	s21 =	simm.s32 $0x1F80;
	[smem:$0x7FF] =	sst s4;
	s5 =	smul.u32 $0x13C000, s8  }
0xa: {  	s31 =	sshll.u32 s2, $0x6;
	s30 =	ssub.s32 $0x2, s8;
	s13 =	smul.u32 $0x27100, s8  }
0xb: {  	_ =	strace $0x80000068;
	s8 =	smul.u32 $0x5000, s2;
	s12 =	sshrl.u32 s30, $0x1  }
0xc: {  	s11 =	sshrl.u32 s11, $0x2;
	s6 =	sadd.s32 s6, s5;
	s5 =	sadd.s32 $0xBCC00, s7  }
0xd: {  	s12 =	ssub.s32 s30, s12;
	s14 =	sadd.s32 s11, s3;
	s9 =	sadd.s32 s9, s13  }
0xe: {  	s13 =	simm.s32 $0x2;
	s10 =	sshrl.u32 s6, $0x3;
	s6 =	sadd.s32 $0x1C400, s7  }
0xf: {  	s11 =	smax.u32 s12, $0x1;
	s12 =	sshrl.u32 s14, $0x3;
	s10 =	sadd.s32 s10, s7  }
0x10: {  	s14 =	simm.s32 $0x1000;
	s7 =	sor.u32 $0x1C02, s31;
	s10 =	sadd.s32 $0x229E00, s10  }
.LBB2_1:
0x11: {  	[spmem:s12], [sflag:s7] =	dma.local [hbm:s6], $0x2780  }
0x12: {  	_ =	swait.ge [sflag:s13], $0x2780  }
0x13: {  	[sflag:s13] =	ssyncset.done $0x0  }
0x14: {  	[sflag:s13] =	ssyncadd.s32 $0xFFFFD880  }
0x15: {  	s22 =	simm.s32 $0x0;
	[bflag:$0x0] =	sbarrier.arrive $0xFFFF  }
.LBB2_2:
0x16: {  	s23 =	sshll.u32 s22, $0xC  }
0x17: {  	s23 =	sadd.s32 s8, s23  }
0x18: {  	s23 =	sshrl.u32 s23, $0x3  }
0x19: {  	s25 =	simm.s32 $0x0;
	s24 =	sadd.s32 s0, s23  }
0x1a: {  	[tilespmem:s25], [sflag:$0x2] =	stream.linear.gather [hbm4b:s24+s25], $0x1000, $0x38;
	[tilespmem:$0x1DC00] =	vst v63  }
0x1b: {  	_ =	swait.ge [sflag:s13], $0x1000  }
0x1c: {  	[sflag:s13] =	ssyncset.done $0x0  }
0x1d: {  	s23 =	sadd.s32 s5, s23;
	[sflag:s13] =	ssyncadd.s32 $0xFFFFF000  }
0x1e: {  	[tilespmem:s14], [sflag:$0x2] =	stream.linear.gather [hbm4b:s23+s25], $0x1000, $0x38;
	[tilespmem:$0x1DC00] =	vst v63  }
0x1f: {  	_ =	swait.ge [sflag:s13], $0x1000  }
0x20: {  	[sflag:s13] =	ssyncset.done $0x0  }
0x21: {  	[sflag:s13] =	ssyncadd.s32 $0xFFFFF000  }
0x22: {  	[tilespmem:s16], [sflag:$0x1] =	stream.indirect.gather [hbm4b:s9+s15], $0x80, s25, s15, $0xb8;
	[tilespmem:$0x1DC00] =	vst v63  }
0x23: {  	_ =	swait.ge [sflag:s17], $0x4000  }
0x24: {  	[sflag:s17] =	ssyncset.done $0x0  }
0x25: {  	s28 =	simm.s32 $0x80;
	[sflag:s17] =	ssyncadd.s32 $0xFFFFC000  }
0x26: {  	[tilespmem:s18], [sflag:$0x1] =	stream.indirect.gather [hbm4b:s9+s15], $0x80, s28, s15, $0xb8;
	[tilespmem:$0x1DC00] =	vst v63  }
0x27: {  	s29 =	simm.s32 $0x1000  }
0x28: {  	[spmem:s3] =	stream.indirect.scatter.add.f32 [tilespmem:s16], [sflag:$0x2], $0x80, s29, s15, $0xb8;
	[tilespmem:$0x1DC00] =	vst v63  }
0x29: {  	_ =	swait.ge [sflag:s13], $0x4000  }
0x2a: {  	[sflag:s13] =	ssyncset.done $0x0  }
0x2b: {  	[sflag:s13] =	ssyncadd.s32 $0xFFFFC000  }
0x2c: {  	_ =	swait.ge [sflag:s17], $0x4000  }
0x2d: {  	[sflag:s17] =	ssyncset.done $0x0  }
0x2e: {  	s30 =	simm.s32 $0x100;
	[sflag:s17] =	ssyncadd.s32 $0xFFFFC000  }
0x2f: {  	[tilespmem:s16], [sflag:$0x1] =	stream.indirect.gather [hbm4b:s9+s15], $0x80, s30, s15, $0xb8;
	[tilespmem:$0x1DC00] =	vst v63  }
0x30: {  	s31 =	simm.s32 $0x1080  }
0x31: {  	[spmem:s3] =	stream.indirect.scatter.add.f32 [tilespmem:s18], [sflag:$0x2], $0x80, s31, s15, $0xb8;
	[tilespmem:$0x1DC00] =	vst v63  }
0x32: {  	_ =	swait.ge [sflag:s13], $0x4000  }
0x33: {  	s23 =	simm.s32 $0x400;
	[sflag:s13] =	ssyncset.done $0x0  }
.LBB2_3:
0x34: {  	p0 =	sne.s32 s23, $0x3800  }
0x35: {  	[sflag:s13] =	ssyncadd.s32 $0xFFFFC000;
	s24 =	smov.u32 s23;
	s23 =	sadd.s32 $0x400, s23  }
0x36: {  	_ = 	snop  }
0x37: {  	_ =	swait.ge [sflag:s17], $0x4000  }
0x38: {  	s24 =	sshra.s32 s24, $0x2;
	[sflag:s17] =	ssyncset.done $0x0  }
0x39: {  	s25 =	sadd.s32 $0x80, s24;
	[sflag:s17] =	ssyncadd.s32 $0xFFFFC000  }
0x3a: {  	[tilespmem:s18], [sflag:$0x1] =	stream.indirect.gather [hbm4b:s9+s15], $0x80, s25, s15, $0xb8;
	[tilespmem:$0x1DC00] =	vst v63  }
0x3b: {  	s25 =	sadd.s32 $0x1000, s24  }
0x3c: {  	[spmem:s3] =	stream.indirect.scatter.add.f32 [tilespmem:s16], [sflag:$0x2], $0x80, s25, s15, $0xb8;
	[tilespmem:$0x1DC00] =	vst v63  }
0x3d: {  	_ =	swait.ge [sflag:s13], $0x4000  }
0x3e: {  	[sflag:s13] =	ssyncset.done $0x0  }
0x3f: {  	[sflag:s13] =	ssyncadd.s32 $0xFFFFC000  }
0x40: {  	_ =	swait.ge [sflag:s17], $0x4000  }
0x41: {  	[sflag:s17] =	ssyncset.done $0x0  }
0x42: {  	s25 =	sadd.s32 $0x100, s24;
	[sflag:s17] =	ssyncadd.s32 $0xFFFFC000  }
0x43: {  	[tilespmem:s16], [sflag:$0x1] =	stream.indirect.gather [hbm4b:s9+s15], $0x80, s25, s15, $0xb8;
	[tilespmem:$0x1DC00] =	vst v63  }
.Ltmp0:
0x44: {  	_ = 	snop;
	(pc) =	sbr.rel @p0 .LBB2_3-.Ltmp0, $4  }
0x45: {  	s24 =	sadd.s32 $0x1080, s24  }
0x46: {  	[spmem:s3] =	stream.indirect.scatter.add.f32 [tilespmem:s18], [sflag:$0x2], $0x80, s24, s15, $0xb8;
	[tilespmem:$0x1DC00] =	vst v63  }
0x47: {  	_ =	swait.ge [sflag:s13], $0x4000  }
0x48: {  	[sflag:s13] =	ssyncset.done $0x0  }
0x49: {  	[sflag:s13] =	ssyncadd.s32 $0xFFFFC000  }
0x4a: {  	_ =	swait.ge [sflag:s17], $0x4000  }
0x4b: {  	[sflag:s17] =	ssyncset.done $0x0  }
0x4c: {  	[sflag:s17] =	ssyncadd.s32 $0xFFFFC000  }
0x4d: {  	[tilespmem:s18], [sflag:$0x1] =	stream.indirect.gather [hbm4b:s9+s15], $0x80, s19, s15, $0xb8;
	[tilespmem:$0x1DC00] =	vst v63  }
0x4e: {  	_ = 	snop  }
0x4f: {  	[spmem:s3] =	stream.indirect.scatter.add.f32 [tilespmem:s16], [sflag:$0x2], $0x80, s20, s15, $0xb8;
	[tilespmem:$0x1DC00] =	vst v63  }
0x50: {  	_ =	swait.ge [sflag:s13], $0x4000  }
0x51: {  	[sflag:s13] =	ssyncset.done $0x0  }
0x52: {  	[sflag:s13] =	ssyncadd.s32 $0xFFFFC000  }
0x53: {  	s22 =	sadd.s32 $0x1, s22;
	_ =	swait.ge [sflag:s17], $0x4000  }
0x54: {  	p0 =	sne.s32 s22, $0x5;
	[sflag:s17] =	ssyncset.done $0x0  }
.Ltmp1:
0x55: {  	[sflag:s17] =	ssyncadd.s32 $0xFFFFC000;
	(pc) =	sbr.rel @p0 .LBB2_2-.Ltmp1, $4  }
0x56: {  	[spmem:s3] =	stream.indirect.scatter.add.f32 [tilespmem:s18], [sflag:$0x2], $0x80, s21, s15, $0xb8;
	[tilespmem:$0x1DC00] =	vst v63  }
0x57: {  	_ =	swait.ge [sflag:s13], $0x4000  }
0x58: {  	[sflag:s13] =	ssyncset.done $0x0  }
0x59: {  	[sflag:s13] =	ssyncadd.s32 $0xFFFFC000  }
0x5a: {  	s4 =	sadd.s32 $0x1, s4  }
0x5b: {  	p0 =	sne.s32 s4, s11  }
.Ltmp2:
0x5c: {  	[bflag:$0x0] =	sbarrier.arrive $0xFFFF;
	(pc) =	sbr.rel @p0 .LBB2_1-.Ltmp2, $4  }
0x5d: {  	[hbm:s10], [sflag:s7] =	dma.local [spmem:s12], $0x2780  }
0x5e: {  	_ =	swait.ge [sflag:s13], $0x2780  }
0x5f: {  	[sflag:s13] =	ssyncset.done $0x0  }
0x60: {  	[sflag:s13] =	ssyncadd.s32 $0xFFFFD880  }
0x61: {  	_ =	sfence.sel $0x180000  }
0x62: {  	[bflag:$0x0] =	sbarrier.arrive $0xFFFF  }
0x63: {  	p0 =	sne.s32 s2, $0x0;
	_ =	strace $0x90000068  }
0x64: {  	s0 =	sadd.s32 @!p0 $0x100000, s1;
	[bflag:$0x2] =	sbarrier.arrive $0xFFFF  }
0x65: {  	[sflag:s0] =	ssyncadd.tile.s32 @!p0 $0x1;
	_ =	shalt  }
.Lfunc_end2:
_tile_overlayer_lowered:
.L_overlay_start_2:
0x66: {  	(tag) =	ssettag $0x2  }
0x67: {  	s0 =	rddreg [dreg:$0x0];
	s2 =	stileid.u32  }
0x68: {  	s1 =	rddreg [dreg:$0x1];
	p0 =	sne.s32 s2, $0x0  }
0x69: {  	s3 =	rddreg [dreg:$0x2];
	[bflag:$0x3] =	sbarrier.arrive $0xFFFF;
	s2 =	simm.s32 @!p0 $0x1C02  }
0x6a: {  	[timem:s3], [sflag:s2] =	dma.local @!p0 [hbm:s0], s1  }
0x6b: {  	s0 =	simm.s32 @!p0 $0x2  }
0x6c: {  	_ =	swait.ge @!p0 [sflag:s0], s1  }
0x6d: {  	s1 =	ssub.s32 @!p0 $0x0, s1;
	[sflag:s0] =	ssyncset.done @!p0 $0x0  }
0x6e: {  	[sflag:s0] =	ssyncadd.s32 @!p0 s1  }
0x6f: {  	[bflag:$0x3] =	sbarrier.arrive $0xFFFF  }
0x70: {  	_ =	shalt  }

// kernel: kernel.49.cloned.1.call-start
scs
__scs_entry_jumppad:
0x0: {  	(pc) =	sbr.rel $0x88, $3  }
0x1: {  	(tag) =	ssettag $0x0;
	lr =	simm.s32 $0x1  }
0x2: {  	[smem:$0x3F95] =	sst lr;
	_ =	strace $0xD0000000  }
0x3: {  	_ = 	snop  }
0x4: {  	_ = 	snop  }
0x5: {  	_ = 	snop  }
0x6: {  	_ = 	snop  }
0x7: {  	_ = 	snop  }
__scs_overlays_trampoline_lowered:
0x8: {  	[smem:$0x3FA4] =	sst s0  }
0x9: {  	[smem:$0x3FA5] =	sst s1  }
0xa: {  	[smem:$0x3FA6] =	sst s2  }
0xb: {  	[smem:$0x3FA7] =	sst s3  }
0xc: {  	[smem:$0x3FA8] =	sst s4  }
0xd: {  	[smem:$0x3FA9] =	sst s5  }
0xe: {  	[smem:$0x3FAA] =	sst s6  }
0xf: {  	[smem:$0x3FAB] =	sst s7  }
0x10: {  	[smem:$0x3FAC] =	sst s8  }
0x11: {  	[smem:$0x3FAD] =	sst s9;
	s0 =	simm.s32 @!p0 $0x0  }
0x12: {  	s1 =	sld [smem:$0x3F93];
	s0 =	simm.s32 @p0 $0x1  }
0x13: {  	[smem:$0x3FAE] =	sst s0;
	s0 =	simm.s32 @!p1 $0x0  }
0x14: {  	s2 =	sld [smem:$0x3F92];
	s0 =	simm.s32 @p1 $0x1  }
0x15: {  	[smem:$0x3FAF] =	sst s0;
	s0 =	simm.s32 @!p2 $0x0  }
0x16: {  	s3 =	sld [smem:$0x3FDB];
	s0 =	simm.s32 @p2 $0x1  }
0x17: {  	s4 =	simm.s32 $0x1BF5;
	[smem:$0x3FB1] =	sst s0  }
0x18: {  	s0 =	sld [smem:$0x3F94];
	_ =	swait.ge [sflag:s4], $0x0  }
0x19: {  	s7 =	sld [smem:$0x3F95]  }
0x1a: {  	s8 =	sadd.s32 $0xFFFFE003, lr  }
0x1b: {  	s9 =	sadd.s32 $0xFFFFFEF7, lr;
	s5 =	simm.s32 $0xFFFFFFFF;
	p2 =	slt.u32 s8, $0xFFFFF086  }
0x1c: {  	p1 =	slt.u32 s9, $0xF7A;
	s5 =	simm.s32 @!p2 $0x0  }
0x1d: {  	s5 =	simm.s32 @p1 $0x1;
	p0 =	seq.s32 s7, s2  }
0x1e: {  	s7 =	smul.u32 @!p0 $0xF7A, s2;
	p2 =	seq.s32 @!p0 s5, $0x0  }
0x1f: {  	s9 =	smul.u32 $0xF7A, s1;
	s8 =	simm.s32 @!p0 $0x1BF5;
	p2 =	por !p2, p0  }
0x20: {  	[sflag:s8] =	ssyncset.s32 @!p0 $0xFFFFF086;
	s6 =	sadd.s32 @!p0 s3, s7;
	s7 =	simm.s32 @!p0 $0x108  }
0x21: {  	s3 =	sadd.s32 s3, s9;
	s6 =	sadd.s32 @!p0 $0x88, s6;
	s7 =	simm.s32 @p2 $0x1082  }
0x22: {  	[simem:s7], [sflag:s8] =	dma.local @!p0 [hbm:s6], $0xF7A  }
0x23: {  	s9 =	sor.u32 $0xD0000000, s2;
	s6 =	simm.s32 $0x108;
	_ =	swait.ge @!p0 [sflag:s8], $0x0  }
0x24: {  	s3 =	sadd.s32 $0x88, s3;
	s6 =	simm.s32 @!p1 $0x1082;
	[sflag:s4] =	ssyncset.s32 $0xFFFFF086  }
0x25: {  	[simem:s6], [sflag:s4] =	dma.local [hbm:s3], $0xF7A  }
0x26: {  	[smem:$0x3F95] =	sst s1;
	(tag) =	ssettag s2;
	_ =	strace s9  }
0x27: {  	s1 =	sld [smem:$0x3FA5]  }
0x28: {  	s2 =	sld [smem:$0x3FA6]  }
0x29: {  	s4 =	sld [smem:$0x3FA8]  }
0x2a: {  	p0 =	seq.s32 s5, $0x0;
	s5 =	sld [smem:$0x3FA9]  }
0x2b: {  	s6 =	sld [smem:$0x3FAA]  }
0x2c: {  	s7 =	sld [smem:$0x3FAB]  }
0x2d: {  	s3 =	simm.s32 $0x108;
	s8 =	sld [smem:$0x3FAC]  }
0x2e: {  	s3 =	simm.s32 @!p0 $0x1082;
	s9 =	sld [smem:$0x3FAD]  }
0x2f: {  	lr =	sadd.s32 s0, s3;
	s0 =	sld [smem:$0x3FA4]  }
0x30: {  	s3 =	sld [smem:$0x3FA7]  }
0x31: {  	[smem:$0x3FB0] =	sst s10  }
0x32: {  	s10 =	sld [smem:$0x3FAE];
	_ =	sdelay $0x3  }
0x33: {  	p0 =	seq.s32 s10, $0x1;
	s10 =	sld [smem:$0x3FB0];
	_ =	sdelay $0x3  }
0x34: {  	[smem:$0x3FB0] =	sst s10  }
0x35: {  	s10 =	sld [smem:$0x3FAF];
	_ =	sdelay $0x3  }
0x36: {  	p1 =	seq.s32 s10, $0x1;
	s10 =	sld [smem:$0x3FB0];
	_ =	sdelay $0x3  }
0x37: {  	[smem:$0x3FB0] =	sst s10  }
0x38: {  	s10 =	sld [smem:$0x3FB1]  }
0x39: {  	_ = 	snop;
	(pc) =	sbr.ind lr, $3  }
0x3a: {  	_ = 	snop  }
0x3b: {  	_ = 	snop  }
0x3c: {  	p2 =	seq.s32 s10, $0x1;
	s10 =	sld [smem:$0x3FB0]  }
0x3d: {  	_ =	shalt  }
0x3e: {  	_ =	shalt  }
0x3f: {  	_ =	shalt  }
0x40: {  	_ =	shalt  }
0x41: {  	_ =	shalt  }
0x42: {  	_ =	shalt  }
0x43: {  	_ =	shalt  }
0x44: {  	_ =	shalt  }
0x45: {  	_ =	shalt  }
0x46: {  	_ =	shalt  }
0x47: {  	_ =	shalt  }
0x48: {  	_ =	shalt  }
0x49: {  	_ =	shalt  }
0x4a: {  	_ =	shalt  }
0x4b: {  	_ =	shalt  }
0x4c: {  	_ =	shalt  }
0x4d: {  	_ =	shalt  }
0x4e: {  	_ =	shalt  }
0x4f: {  	_ =	shalt  }
0x50: {  	_ =	shalt  }
0x51: {  	_ =	shalt  }
0x52: {  	_ =	shalt  }
0x53: {  	_ =	shalt  }
0x54: {  	_ =	shalt  }
0x55: {  	_ =	shalt  }
0x56: {  	_ =	shalt  }
0x57: {  	_ =	shalt  }
0x58: {  	_ =	shalt  }
0x59: {  	_ =	shalt  }
0x5a: {  	_ =	shalt  }
0x5b: {  	_ =	shalt  }
0x5c: {  	_ =	shalt  }
0x5d: {  	_ =	shalt  }
0x5e: {  	_ =	shalt  }
0x5f: {  	_ =	shalt  }
0x60: {  	_ =	shalt  }
0x61: {  	_ =	shalt  }
0x62: {  	_ =	shalt  }
0x63: {  	_ =	shalt  }
0x64: {  	_ =	shalt  }
0x65: {  	_ =	shalt  }
0x66: {  	_ =	shalt  }
0x67: {  	_ =	shalt  }
0x68: {  	_ =	shalt  }
0x69: {  	_ =	shalt  }
0x6a: {  	_ =	shalt  }
0x6b: {  	_ =	shalt  }
0x6c: {  	_ =	shalt  }
0x6d: {  	_ =	shalt  }
0x6e: {  	_ =	shalt  }
0x6f: {  	_ =	shalt  }
0x70: {  	_ =	shalt  }
0x71: {  	_ =	shalt  }
0x72: {  	_ =	shalt  }
0x73: {  	_ =	shalt  }
0x74: {  	_ =	shalt  }
0x75: {  	_ =	shalt  }
0x76: {  	_ =	shalt  }
0x77: {  	_ =	shalt  }
0x78: {  	_ =	shalt  }
0x79: {  	_ =	shalt  }
0x7a: {  	_ =	shalt  }
0x7b: {  	_ =	shalt  }
0x7c: {  	_ =	shalt  }
0x7d: {  	_ =	shalt  }
0x7e: {  	_ =	shalt  }
0x7f: {  	_ =	shalt  }
0x80: {  	_ =	shalt  }
0x81: {  	_ =	shalt  }
0x82: {  	_ =	shalt  }
0x83: {  	_ =	shalt  }
0x84: {  	_ =	shalt  }
0x85: {  	_ =	shalt  }
0x86: {  	_ =	shalt  }
0x87: {  	_ =	shalt  }
.Lfunc_end0:
.L_simem_size_0:
called_computation.10_lowered:
.L_overlay_start_0:
0x88: {  	s2 =	sld [smem:$0x3FD9]  }
0x89: {  	s3 =	sld [smem:$0x3FFE];
	_ =	sdelay $0x1  }
0x8a: {  	s1 =	srdreg.scid  }
0x8b: {  	s0 =	sand.u32 $0x1, s1  }
0x8c: {  	s15 =	sshll.u32 s0, $0xA;
	s2 =	sadd.s32 s3, s2  }
0x8d: {  	s2 =	sadd.s32 s2, s15  }
0x8e: {  	[smem:$0x3FBC] =	sst s2  }
0x8f: {  	_ = 	snop  }
0x90: {  	s2 =	sld [smem:$0x3FD0];
	_ =	sdelay $0x2  }
0x91: {  	s16 =	simm.s32 $0xF;
	s4 =	simm.s32 $0x10  }
0x92: {  	[smem:s4], [sflag:s16] =	dma.local [hbm:s2], $0x1  }
0x93: {  	_ =	swait.eq [sflag:s16], $0x1  }
0x94: {  	[sflag:s16] =	ssyncset.done $0x0  }
0x95: {  	[sflag:s16] =	ssyncadd.s32 $0xFFFFFFFF  }
0x96: {  	s17 =	sld [smem:$0x11];
	(tm) =	ssettm $0x1  }
0x97: {  	s18 =	sld [smem:$0x3FFB];
	_ =	sdelay $0x3  }
0x98: {  	_ =	strace s18  }
0x99: {  	s2 =	sld [smem:$0x3FFC];
	_ =	sdelay $0x3  }
0x9a: {  	_ =	strace s2  }
0x9b: {  	s2 =	sld [smem:$0x3FFD];
	_ =	sdelay $0x3  }
0x9c: {  	_ =	strace s2  }
0x9d: {  	_ =	strace $0x8FFFFFFF  }
0x9e: {  	s19 =	sld [smem:$0x3FDB];
	_ =	sdelay $0x1  }
0x9f: {  	s20 =	simm.s32 $_scs_section_size  }
0xa0: {  	s5 =	simm.s32 $_size__tile_overlayer_lowered;
	s6 =	simm.s32 $_tile_overlayer_lowered  }
0xa1: {  	s7 =	simm.s32 $0x1BFF;
	s21 =	sshll.u32 s6, $0x1;
	s4 =	sadd.s32 s20, s19  }
0xa2: {  	s22 =	simm.s32 $0x0;
	s5 =	sshll.u32 s5, $0x1;
	s6 =	sadd.s32 s21, s4  }
0xa3: {  	[timem:s22], [sflag:s7] =	dma.local [hbm:s6], s5  }
0xa4: {  	_ =	swait.ge [sflag:s7], s5  }
0xa5: {  	s5 =	ssub.s32 $0x0, s5;
	[sflag:s7] =	ssyncset.done $0x0  }
0xa6: {  	[sflag:s7] =	ssyncadd.s32 s5;
	_ =	sdelay $0x1  }
0xa7: {  	s23 =	simm.s32 $0x1B8B  }
0xa8: {  	_ =	swait.ge [sflag:s23], $0x1  }
0xa9: {  	[sflag:s23] =	ssyncset.done $0x0  }
0xaa: {  	[sflag:s23] =	ssyncadd.s32 $0xFFFFFFFF  }
0xab: {  	s5 =	sld [smem:$0x0]  }
0xac: {  	s6 =	sand.u32 $0xFFFFFFFE, s1  }
0xad: {  	p0 =	sne.s32 s1, s6  }
0xae: {  	s6 =	sshll.u32 @p0 s6, $0xE  }
0xaf: {  	s6 =	sadd.s32 @p0 $0x11B8D, s6;
	s7 =	sshll.u32 @p0 s5, $0x11  }
0xb0: {  	s6 =	sor.u32 @p0 s7, s6  }
0xb1: {  	[sflag:s6] =	ssyncadd.remote.s32 @p0 $0x1;
	_ =	sdelay $0x1  }
0xb2: {  	s6 =	simm.s32 @p0 $0x1B8D  }
0xb3: {  	_ =	swait.eq @p0 [sflag:s6], $0x1  }
0xb4: {  	[sflag:s6] =	ssyncadd.s32 @p0 $0xFFFFFFFF  }
0xb5: {  	s7 =	sshll.u32 @!p0 s1, $0xE  }
0xb6: {  	s7 =	sor.u32 @!p0 $0x4000, s7;
	s6 =	simm.s32 @!p0 $0x1B8D  }
0xb7: {  	s5 =	sshll.u32 @!p0 s5, $0x11;
	s7 =	sadd.s32 @!p0 $0x11B8D, s7;
	_ =	swait.eq @!p0 [sflag:s6], $0x1  }
0xb8: {  	s5 =	sor.u32 @!p0 s5, s7;
	[sflag:s6] =	ssyncadd.s32 @!p0 $0xFFFFFFFF  }
0xb9: {  	s25 =	simm.s32 $0x1B8E;
	s24 =	sld [smem:$0x3FFE];
	[sflag:s5] =	ssyncadd.remote.s32 @!p0 $0x1  }
0xba: {  	s26 =	simm.s32 $execute0_lowered;
	[smem:$0x3FD2] =	sst s25  }
0xbb: {  	s6 =	sshll.u32 s26, $0x1;
	_ =	strace $0x80000064;
	[dreg:$0x1] =	wrdreg $0xFFFFFFFF  }
0xbc: {  	s28 =	simm.s32 $_size_execute0_lowered;
	s4 =	sadd.s32 s4, s6;
	[dreg:$0x0] =	wrdreg $0x0  }
0xbd: {  	s6 =	sshll.u32 s28, $0x1;
	[dreg:$0x2] =	wrdreg s4  }
0xbe: {  	[dreg:$0x3] =	wrdreg s6  }
0xbf: {  	[dreg:$0x4] =	wrdreg $0xC0  }
0xc0: {  	_ =	task [dreg:s22], $0x5FFFF  }
0xc1: {  	[dreg:$0x1] =	wrdreg $0xFFFFFFFF  }
0xc2: {  	[dreg:$0x0] =	wrdreg $0x60  }
0xc3: {  	[dreg:$0x2] =	wrdreg s17  }
0xc4: {  	[dreg:$0x3] =	wrdreg s24  }
0xc5: {  	[dreg:$0x4] =	wrdreg $0xA0000  }
0xc6: {  	[dreg:$0x5] =	wrdreg $0xA  }
0xc7: {  	_ =	task.clear_ibuf [dreg:s22], $0x6FFFF;
	_ =	strace $0x90000064  }
0xc8: {  	s29 =	simm.s32 $0xA;
	_ =	strace $0x80000066  }
0xc9: {  	_ =	swait.ge [sflag:s29], $0x1  }
0xca: {  	[sflag:s29] =	ssyncadd.s32 $0xFFFFFFFF  }
0xcb: {  	_ =	strace $0x90000066  }
0xcc: {  	_ =	sfence  }
0xcd: {  	s30 =	sld [smem:$0x0];
	_ =	sdelay $0x2  }
0xce: {  	s31 =	sshll.u32 s1, $0xD;
	s1 =	sshrl.u32 s1, $0x2  }
0xcf: {  	s4 =	sand.u32 $0x4000, s31;
	s1 =	sadd.s32 s1, s30  }
0xd0: {  	s0 =	sor.u32 s4, s0;
	s1 =	sshll.u32 s1, $0x11  }
0xd1: {  	s0 =	sor.u32 s1, s0  }
0xd2: {  	s0 =	sadd.s32 $0x8F2B, s0  }
0xd3: {  	[sflag:s0] =	ssyncadd.remote.s32 $0x1  }
0xd4: {  	_ =	sfence.sel $0xFFFF  }
0xd5: {  	[dreg:$0x0] =	wrdreg $0xFFFFFFFF;
	(pc) =	sbr.abs _section_cstart, $3  }
0xd6: {  	[dreg:$0x1] =	wrdreg $0xFFFFFFFF  }
0xd7: {  	_ =	task.clear_ibuf [dreg:s22], $0x2FFFF;
	_ =	strace $0x9FFFFFFF  }
0xd8: {  	(tm) =	ssettm $0x7FFFFFFF  }
0xd9: {  	_ =	shalt  }
tec
execute0_lowered:
.L_overlay_start_1:
0x0: {  	(tag) =	ssettag $0x1  }
0x1: {  	s9 =	rddreg [dreg:$0x0]  }
0x2: {  	s7 =	rddreg [dreg:$0x1];
	s0 =	srdreg.scid  }
0x3: {  	s2 =	rddreg [dreg:$0x2];
	s1 =	stileid.u32  }
0x4: {  	s3 =	simm.s32 $0x0;
	s15 =	simm.s32 $0x80;
	s16 =	simm.s32 $0x2000  }
0x5: {  	s17 =	simm.s32 $0x1;
	s18 =	simm.s32 $0x6000;
	s19 =	simm.s32 $0xF80  }
0x6: {  	s20 =	simm.s32 $0x1F00;
	s21 =	simm.s32 $0x1F80;
	s6 =	smul.u32 $0x13C00, s1  }
0x7: {  	s8 =	sand.u32 $0x1, s0;
	s0 =	rddreg [dreg:$0x3];
	s11 =	smul.u32 $0x4F000, s1  }
0x8: {  	[smem:$0x7FF] =	sst s3;
	s4 =	sadd.s32 $0x16DE00, s7;
	s5 =	smul.u32 $0x13C000, s8  }
0x9: {  	s31 =	sshll.u32 s1, $0x6;
	s30 =	ssub.s32 $0x2, s8;
	s13 =	smul.u32 $0x27100, s8  }
0xa: {  	_ =	strace $0x80000065;
	s8 =	smul.u32 $0x5000, s1;
	s12 =	sshrl.u32 s30, $0x1  }
0xb: {  	s11 =	sshrl.u32 s11, $0x2;
	s6 =	sadd.s32 s6, s5;
	s5 =	sadd.s32 $0x181E00, s7  }
0xc: {  	s12 =	ssub.s32 s30, s12;
	s14 =	sadd.s32 s11, s2;
	s9 =	sadd.s32 s9, s13  }
0xd: {  	s13 =	simm.s32 $0x2;
	s10 =	sshrl.u32 s6, $0x3;
	s6 =	sadd.s32 $0x1C400, s7  }
0xe: {  	s11 =	smax.u32 s12, $0x1;
	s12 =	sshrl.u32 s14, $0x3;
	s10 =	sadd.s32 s10, s7  }
0xf: {  	s14 =	simm.s32 $0x1000;
	s7 =	sor.u32 $0x1C02, s31;
	s10 =	sadd.s32 $0x1DAE00, s10  }
.LBB2_1:
0x10: {  	[spmem:s12], [sflag:s7] =	dma.local [hbm:s6], $0x2780  }
0x11: {  	_ =	swait.ge [sflag:s13], $0x2780  }
0x12: {  	[sflag:s13] =	ssyncset.done $0x0  }
0x13: {  	[sflag:s13] =	ssyncadd.s32 $0xFFFFD880  }
0x14: {  	s22 =	simm.s32 $0x0;
	[bflag:$0x0] =	sbarrier.arrive $0xFFFF  }
.LBB2_2:
0x15: {  	s23 =	sshll.u32 s22, $0xC  }
0x16: {  	s23 =	sadd.s32 s8, s23  }
0x17: {  	s23 =	sshrl.u32 s23, $0x3  }
0x18: {  	s25 =	simm.s32 $0x0;
	s24 =	sadd.s32 s4, s23  }
0x19: {  	[tilespmem:s25], [sflag:$0x2] =	stream.linear.gather [hbm4b:s24+s25], $0x1000, $0x38;
	[tilespmem:$0x1DC00] =	vst v63  }
0x1a: {  	_ =	swait.ge [sflag:s13], $0x1000  }
0x1b: {  	[sflag:s13] =	ssyncset.done $0x0  }
0x1c: {  	s23 =	sadd.s32 s5, s23;
	[sflag:s13] =	ssyncadd.s32 $0xFFFFF000  }
0x1d: {  	[tilespmem:s14], [sflag:$0x2] =	stream.linear.gather [hbm4b:s23+s25], $0x1000, $0x38;
	[tilespmem:$0x1DC00] =	vst v63  }
0x1e: {  	_ =	swait.ge [sflag:s13], $0x1000  }
0x1f: {  	[sflag:s13] =	ssyncset.done $0x0  }
0x20: {  	[sflag:s13] =	ssyncadd.s32 $0xFFFFF000  }
0x21: {  	[tilespmem:s16], [sflag:$0x1] =	stream.indirect.gather [hbm4b:s9+s15], $0x80, s25, s15, $0xb8;
	[tilespmem:$0x1DC00] =	vst v63  }
0x22: {  	_ =	swait.ge [sflag:s17], $0x4000  }
0x23: {  	[sflag:s17] =	ssyncset.done $0x0  }
0x24: {  	s28 =	simm.s32 $0x80;
	[sflag:s17] =	ssyncadd.s32 $0xFFFFC000  }
0x25: {  	[tilespmem:s18], [sflag:$0x1] =	stream.indirect.gather [hbm4b:s9+s15], $0x80, s28, s15, $0xb8;
	[tilespmem:$0x1DC00] =	vst v63  }
0x26: {  	s29 =	simm.s32 $0x1000  }
0x27: {  	[spmem:s2] =	stream.indirect.scatter.add.f32 [tilespmem:s16], [sflag:$0x2], $0x80, s29, s15, $0xb8;
	[tilespmem:$0x1DC00] =	vst v63  }
0x28: {  	_ =	swait.ge [sflag:s13], $0x4000  }
0x29: {  	[sflag:s13] =	ssyncset.done $0x0  }
0x2a: {  	[sflag:s13] =	ssyncadd.s32 $0xFFFFC000  }
0x2b: {  	_ =	swait.ge [sflag:s17], $0x4000  }
0x2c: {  	[sflag:s17] =	ssyncset.done $0x0  }
0x2d: {  	s30 =	simm.s32 $0x100;
	[sflag:s17] =	ssyncadd.s32 $0xFFFFC000  }
0x2e: {  	[tilespmem:s16], [sflag:$0x1] =	stream.indirect.gather [hbm4b:s9+s15], $0x80, s30, s15, $0xb8;
	[tilespmem:$0x1DC00] =	vst v63  }
0x2f: {  	s31 =	simm.s32 $0x1080  }
0x30: {  	[spmem:s2] =	stream.indirect.scatter.add.f32 [tilespmem:s18], [sflag:$0x2], $0x80, s31, s15, $0xb8;
	[tilespmem:$0x1DC00] =	vst v63  }
0x31: {  	_ =	swait.ge [sflag:s13], $0x4000  }
0x32: {  	s23 =	simm.s32 $0x400;
	[sflag:s13] =	ssyncset.done $0x0  }
.LBB2_3:
0x33: {  	p0 =	sne.s32 s23, $0x3800  }
0x34: {  	[sflag:s13] =	ssyncadd.s32 $0xFFFFC000;
	s24 =	smov.u32 s23;
	s23 =	sadd.s32 $0x400, s23  }
0x35: {  	_ = 	snop  }
0x36: {  	_ =	swait.ge [sflag:s17], $0x4000  }
0x37: {  	s24 =	sshra.s32 s24, $0x2;
	[sflag:s17] =	ssyncset.done $0x0  }
0x38: {  	s25 =	sadd.s32 $0x80, s24;
	[sflag:s17] =	ssyncadd.s32 $0xFFFFC000  }
0x39: {  	[tilespmem:s18], [sflag:$0x1] =	stream.indirect.gather [hbm4b:s9+s15], $0x80, s25, s15, $0xb8;
	[tilespmem:$0x1DC00] =	vst v63  }
0x3a: {  	s25 =	sadd.s32 $0x1000, s24  }
0x3b: {  	[spmem:s2] =	stream.indirect.scatter.add.f32 [tilespmem:s16], [sflag:$0x2], $0x80, s25, s15, $0xb8;
	[tilespmem:$0x1DC00] =	vst v63  }
0x3c: {  	_ =	swait.ge [sflag:s13], $0x4000  }
0x3d: {  	[sflag:s13] =	ssyncset.done $0x0  }
0x3e: {  	[sflag:s13] =	ssyncadd.s32 $0xFFFFC000  }
0x3f: {  	_ =	swait.ge [sflag:s17], $0x4000  }
0x40: {  	[sflag:s17] =	ssyncset.done $0x0  }
0x41: {  	s25 =	sadd.s32 $0x100, s24;
	[sflag:s17] =	ssyncadd.s32 $0xFFFFC000  }
0x42: {  	[tilespmem:s16], [sflag:$0x1] =	stream.indirect.gather [hbm4b:s9+s15], $0x80, s25, s15, $0xb8;
	[tilespmem:$0x1DC00] =	vst v63  }
.Ltmp0:
0x43: {  	_ = 	snop;
	(pc) =	sbr.rel @p0 .LBB2_3-.Ltmp0, $4  }
0x44: {  	s24 =	sadd.s32 $0x1080, s24  }
0x45: {  	[spmem:s2] =	stream.indirect.scatter.add.f32 [tilespmem:s18], [sflag:$0x2], $0x80, s24, s15, $0xb8;
	[tilespmem:$0x1DC00] =	vst v63  }
0x46: {  	_ =	swait.ge [sflag:s13], $0x4000  }
0x47: {  	[sflag:s13] =	ssyncset.done $0x0  }
0x48: {  	[sflag:s13] =	ssyncadd.s32 $0xFFFFC000  }
0x49: {  	_ =	swait.ge [sflag:s17], $0x4000  }
0x4a: {  	[sflag:s17] =	ssyncset.done $0x0  }
0x4b: {  	[sflag:s17] =	ssyncadd.s32 $0xFFFFC000  }
0x4c: {  	[tilespmem:s18], [sflag:$0x1] =	stream.indirect.gather [hbm4b:s9+s15], $0x80, s19, s15, $0xb8;
	[tilespmem:$0x1DC00] =	vst v63  }
0x4d: {  	_ = 	snop  }
0x4e: {  	[spmem:s2] =	stream.indirect.scatter.add.f32 [tilespmem:s16], [sflag:$0x2], $0x80, s20, s15, $0xb8;
	[tilespmem:$0x1DC00] =	vst v63  }
0x4f: {  	_ =	swait.ge [sflag:s13], $0x4000  }
0x50: {  	[sflag:s13] =	ssyncset.done $0x0  }
0x51: {  	[sflag:s13] =	ssyncadd.s32 $0xFFFFC000  }
0x52: {  	s22 =	sadd.s32 $0x1, s22;
	_ =	swait.ge [sflag:s17], $0x4000  }
0x53: {  	p0 =	sne.s32 s22, $0x5;
	[sflag:s17] =	ssyncset.done $0x0  }
.Ltmp1:
0x54: {  	[sflag:s17] =	ssyncadd.s32 $0xFFFFC000;
	(pc) =	sbr.rel @p0 .LBB2_2-.Ltmp1, $4  }
0x55: {  	[spmem:s2] =	stream.indirect.scatter.add.f32 [tilespmem:s18], [sflag:$0x2], $0x80, s21, s15, $0xb8;
	[tilespmem:$0x1DC00] =	vst v63  }
0x56: {  	_ =	swait.ge [sflag:s13], $0x4000  }
0x57: {  	[sflag:s13] =	ssyncset.done $0x0  }
0x58: {  	[sflag:s13] =	ssyncadd.s32 $0xFFFFC000  }
0x59: {  	s3 =	sadd.s32 $0x1, s3  }
0x5a: {  	p0 =	sne.s32 s3, s11  }
.Ltmp2:
0x5b: {  	[bflag:$0x0] =	sbarrier.arrive $0xFFFF;
	(pc) =	sbr.rel @p0 .LBB2_1-.Ltmp2, $4  }
0x5c: {  	[hbm:s10], [sflag:s7] =	dma.local [spmem:s12], $0x2780  }
0x5d: {  	_ =	swait.ge [sflag:s13], $0x2780  }
0x5e: {  	[sflag:s13] =	ssyncset.done $0x0  }
0x5f: {  	[sflag:s13] =	ssyncadd.s32 $0xFFFFD880  }
0x60: {  	_ =	sfence.sel $0x180000  }
0x61: {  	[bflag:$0x0] =	sbarrier.arrive $0xFFFF  }
0x62: {  	p0 =	sne.s32 s1, $0x0;
	_ =	strace $0x90000065  }
0x63: {  	s0 =	sadd.s32 @!p0 $0x100000, s0;
	[bflag:$0x2] =	sbarrier.arrive $0xFFFF  }
0x64: {  	[sflag:s0] =	ssyncadd.tile.s32 @!p0 $0x1;
	_ =	shalt  }
.Lfunc_end2:
_tile_overlayer_lowered:
.L_overlay_start_2:
0x65: {  	(tag) =	ssettag $0x2  }
0x66: {  	s0 =	rddreg [dreg:$0x0];
	s2 =	stileid.u32  }
0x67: {  	s1 =	rddreg [dreg:$0x1];
	p0 =	sne.s32 s2, $0x0  }
0x68: {  	s3 =	rddreg [dreg:$0x2];
	[bflag:$0x3] =	sbarrier.arrive $0xFFFF;
	s2 =	simm.s32 @!p0 $0x1C02  }
0x69: {  	[timem:s3], [sflag:s2] =	dma.local @!p0 [hbm:s0], s1  }
0x6a: {  	s0 =	simm.s32 @!p0 $0x2  }
0x6b: {  	_ =	swait.ge @!p0 [sflag:s0], s1  }
0x6c: {  	s1 =	ssub.s32 @!p0 $0x0, s1;
	[sflag:s0] =	ssyncset.done @!p0 $0x0  }
0x6d: {  	[sflag:s0] =	ssyncadd.s32 @!p0 s1  }
0x6e: {  	[bflag:$0x3] =	sbarrier.arrive $0xFFFF  }
0x6f: {  	_ =	shalt  }

// kernel: kernel.52.cloned.1.call-start
scs
__scs_entry_jumppad:
0x0: {  	(pc) =	sbr.rel $0x88, $3  }
0x1: {  	(tag) =	ssettag $0x0;
	lr =	simm.s32 $0x1  }
0x2: {  	[smem:$0x3F95] =	sst lr;
	_ =	strace $0xD0000000  }
0x3: {  	_ = 	snop  }
0x4: {  	_ = 	snop  }
0x5: {  	_ = 	snop  }
0x6: {  	_ = 	snop  }
0x7: {  	_ = 	snop  }
__scs_overlays_trampoline_lowered:
0x8: {  	[smem:$0x3FA4] =	sst s0  }
0x9: {  	[smem:$0x3FA5] =	sst s1  }
0xa: {  	[smem:$0x3FA6] =	sst s2  }
0xb: {  	[smem:$0x3FA7] =	sst s3  }
0xc: {  	[smem:$0x3FA8] =	sst s4  }
0xd: {  	[smem:$0x3FA9] =	sst s5  }
0xe: {  	[smem:$0x3FAA] =	sst s6  }
0xf: {  	[smem:$0x3FAB] =	sst s7  }
0x10: {  	[smem:$0x3FAC] =	sst s8  }
0x11: {  	[smem:$0x3FAD] =	sst s9;
	s0 =	simm.s32 @!p0 $0x0  }
0x12: {  	s1 =	sld [smem:$0x3F93];
	s0 =	simm.s32 @p0 $0x1  }
0x13: {  	[smem:$0x3FAE] =	sst s0;
	s0 =	simm.s32 @!p1 $0x0  }
0x14: {  	s2 =	sld [smem:$0x3F92];
	s0 =	simm.s32 @p1 $0x1  }
0x15: {  	[smem:$0x3FAF] =	sst s0;
	s0 =	simm.s32 @!p2 $0x0  }
0x16: {  	s3 =	sld [smem:$0x3FDB];
	s0 =	simm.s32 @p2 $0x1  }
0x17: {  	s4 =	simm.s32 $0x1BF5;
	[smem:$0x3FB1] =	sst s0  }
0x18: {  	s0 =	sld [smem:$0x3F94];
	_ =	swait.ge [sflag:s4], $0x0  }
0x19: {  	s7 =	sld [smem:$0x3F95]  }
0x1a: {  	s8 =	sadd.s32 $0xFFFFE003, lr  }
0x1b: {  	s9 =	sadd.s32 $0xFFFFFEF7, lr;
	s5 =	simm.s32 $0xFFFFFFFF;
	p2 =	slt.u32 s8, $0xFFFFF086  }
0x1c: {  	p1 =	slt.u32 s9, $0xF7A;
	s5 =	simm.s32 @!p2 $0x0  }
0x1d: {  	s5 =	simm.s32 @p1 $0x1;
	p0 =	seq.s32 s7, s2  }
0x1e: {  	s7 =	smul.u32 @!p0 $0xF7A, s2;
	p2 =	seq.s32 @!p0 s5, $0x0  }
0x1f: {  	s9 =	smul.u32 $0xF7A, s1;
	s8 =	simm.s32 @!p0 $0x1BF5;
	p2 =	por !p2, p0  }
0x20: {  	[sflag:s8] =	ssyncset.s32 @!p0 $0xFFFFF086;
	s6 =	sadd.s32 @!p0 s3, s7;
	s7 =	simm.s32 @!p0 $0x108  }
0x21: {  	s3 =	sadd.s32 s3, s9;
	s6 =	sadd.s32 @!p0 $0x88, s6;
	s7 =	simm.s32 @p2 $0x1082  }
0x22: {  	[simem:s7], [sflag:s8] =	dma.local @!p0 [hbm:s6], $0xF7A  }
0x23: {  	s9 =	sor.u32 $0xD0000000, s2;
	s6 =	simm.s32 $0x108;
	_ =	swait.ge @!p0 [sflag:s8], $0x0  }
0x24: {  	s3 =	sadd.s32 $0x88, s3;
	s6 =	simm.s32 @!p1 $0x1082;
	[sflag:s4] =	ssyncset.s32 $0xFFFFF086  }
0x25: {  	[simem:s6], [sflag:s4] =	dma.local [hbm:s3], $0xF7A  }
0x26: {  	[smem:$0x3F95] =	sst s1;
	(tag) =	ssettag s2;
	_ =	strace s9  }
0x27: {  	s1 =	sld [smem:$0x3FA5]  }
0x28: {  	s2 =	sld [smem:$0x3FA6]  }
0x29: {  	s4 =	sld [smem:$0x3FA8]  }
0x2a: {  	p0 =	seq.s32 s5, $0x0;
	s5 =	sld [smem:$0x3FA9]  }
0x2b: {  	s6 =	sld [smem:$0x3FAA]  }
0x2c: {  	s7 =	sld [smem:$0x3FAB]  }
0x2d: {  	s3 =	simm.s32 $0x108;
	s8 =	sld [smem:$0x3FAC]  }
0x2e: {  	s3 =	simm.s32 @!p0 $0x1082;
	s9 =	sld [smem:$0x3FAD]  }
0x2f: {  	lr =	sadd.s32 s0, s3;
	s0 =	sld [smem:$0x3FA4]  }
0x30: {  	s3 =	sld [smem:$0x3FA7]  }
0x31: {  	[smem:$0x3FB0] =	sst s10  }
0x32: {  	s10 =	sld [smem:$0x3FAE];
	_ =	sdelay $0x3  }
0x33: {  	p0 =	seq.s32 s10, $0x1;
	s10 =	sld [smem:$0x3FB0];
	_ =	sdelay $0x3  }
0x34: {  	[smem:$0x3FB0] =	sst s10  }
0x35: {  	s10 =	sld [smem:$0x3FAF];
	_ =	sdelay $0x3  }
0x36: {  	p1 =	seq.s32 s10, $0x1;
	s10 =	sld [smem:$0x3FB0];
	_ =	sdelay $0x3  }
0x37: {  	[smem:$0x3FB0] =	sst s10  }
0x38: {  	s10 =	sld [smem:$0x3FB1]  }
0x39: {  	_ = 	snop;
	(pc) =	sbr.ind lr, $3  }
0x3a: {  	_ = 	snop  }
0x3b: {  	_ = 	snop  }
0x3c: {  	p2 =	seq.s32 s10, $0x1;
	s10 =	sld [smem:$0x3FB0]  }
0x3d: {  	_ =	shalt  }
0x3e: {  	_ =	shalt  }
0x3f: {  	_ =	shalt  }
0x40: {  	_ =	shalt  }
0x41: {  	_ =	shalt  }
0x42: {  	_ =	shalt  }
0x43: {  	_ =	shalt  }
0x44: {  	_ =	shalt  }
0x45: {  	_ =	shalt  }
0x46: {  	_ =	shalt  }
0x47: {  	_ =	shalt  }
0x48: {  	_ =	shalt  }
0x49: {  	_ =	shalt  }
0x4a: {  	_ =	shalt  }
0x4b: {  	_ =	shalt  }
0x4c: {  	_ =	shalt  }
0x4d: {  	_ =	shalt  }
0x4e: {  	_ =	shalt  }
0x4f: {  	_ =	shalt  }
0x50: {  	_ =	shalt  }
0x51: {  	_ =	shalt  }
0x52: {  	_ =	shalt  }
0x53: {  	_ =	shalt  }
0x54: {  	_ =	shalt  }
0x55: {  	_ =	shalt  }
0x56: {  	_ =	shalt  }
0x57: {  	_ =	shalt  }
0x58: {  	_ =	shalt  }
0x59: {  	_ =	shalt  }
0x5a: {  	_ =	shalt  }
0x5b: {  	_ =	shalt  }
0x5c: {  	_ =	shalt  }
0x5d: {  	_ =	shalt  }
0x5e: {  	_ =	shalt  }
0x5f: {  	_ =	shalt  }
0x60: {  	_ =	shalt  }
0x61: {  	_ =	shalt  }
0x62: {  	_ =	shalt  }
0x63: {  	_ =	shalt  }
0x64: {  	_ =	shalt  }
0x65: {  	_ =	shalt  }
0x66: {  	_ =	shalt  }
0x67: {  	_ =	shalt  }
0x68: {  	_ =	shalt  }
0x69: {  	_ =	shalt  }
0x6a: {  	_ =	shalt  }
0x6b: {  	_ =	shalt  }
0x6c: {  	_ =	shalt  }
0x6d: {  	_ =	shalt  }
0x6e: {  	_ =	shalt  }
0x6f: {  	_ =	shalt  }
0x70: {  	_ =	shalt  }
0x71: {  	_ =	shalt  }
0x72: {  	_ =	shalt  }
0x73: {  	_ =	shalt  }
0x74: {  	_ =	shalt  }
0x75: {  	_ =	shalt  }
0x76: {  	_ =	shalt  }
0x77: {  	_ =	shalt  }
0x78: {  	_ =	shalt  }
0x79: {  	_ =	shalt  }
0x7a: {  	_ =	shalt  }
0x7b: {  	_ =	shalt  }
0x7c: {  	_ =	shalt  }
0x7d: {  	_ =	shalt  }
0x7e: {  	_ =	shalt  }
0x7f: {  	_ =	shalt  }
0x80: {  	_ =	shalt  }
0x81: {  	_ =	shalt  }
0x82: {  	_ =	shalt  }
0x83: {  	_ =	shalt  }
0x84: {  	_ =	shalt  }
0x85: {  	_ =	shalt  }
0x86: {  	_ =	shalt  }
0x87: {  	_ =	shalt  }
.Lfunc_end0:
.L_simem_size_0:
called_computation.11_lowered:
.L_overlay_start_0:
0x88: {  	s2 =	sld [smem:$0x3FD9]  }
0x89: {  	s3 =	sld [smem:$0x3FFE];
	_ =	sdelay $0x1  }
0x8a: {  	s1 =	srdreg.scid  }
0x8b: {  	s0 =	sand.u32 $0x1, s1  }
0x8c: {  	s14 =	sshll.u32 s0, $0xA;
	s2 =	sadd.s32 s3, s2  }
0x8d: {  	s2 =	sadd.s32 s2, s14  }
0x8e: {  	[smem:$0x3FBC] =	sst s2  }
0x8f: {  	_ = 	snop  }
0x90: {  	s2 =	sld [smem:$0x3FD0];
	_ =	sdelay $0x2  }
0x91: {  	s15 =	simm.s32 $0xF;
	s4 =	simm.s32 $0x10  }
0x92: {  	[smem:s4], [sflag:s15] =	dma.local [hbm:s2], $0x1  }
0x93: {  	_ =	swait.eq [sflag:s15], $0x1  }
0x94: {  	[sflag:s15] =	ssyncset.done $0x0  }
0x95: {  	[sflag:s15] =	ssyncadd.s32 $0xFFFFFFFF  }
0x96: {  	s16 =	sld [smem:$0x11];
	(tm) =	ssettm $0x1  }
0x97: {  	s17 =	sld [smem:$0x3FFB];
	_ =	sdelay $0x3  }
0x98: {  	_ =	strace s17  }
0x99: {  	s3 =	sld [smem:$0x3FFC];
	_ =	sdelay $0x3  }
0x9a: {  	_ =	strace s3  }
0x9b: {  	s3 =	sld [smem:$0x3FFD];
	_ =	sdelay $0x3  }
0x9c: {  	_ =	strace s3  }
0x9d: {  	_ =	strace $0x8FFFFFFF  }
0x9e: {  	s18 =	sld [smem:$0x3FDB];
	_ =	sdelay $0x1  }
0x9f: {  	s19 =	simm.s32 $_scs_section_size  }
0xa0: {  	s5 =	simm.s32 $_size__tile_overlayer_lowered;
	s6 =	simm.s32 $_tile_overlayer_lowered  }
0xa1: {  	s22 =	simm.s32 $0x1BFF;
	s21 =	sshll.u32 s6, $0x1;
	s3 =	sadd.s32 s19, s18  }
0xa2: {  	s7 =	simm.s32 $0x0;
	s20 =	sshll.u32 s5, $0x1;
	s5 =	sadd.s32 s21, s3  }
0xa3: {  	[timem:s7], [sflag:s22] =	dma.local [hbm:s5], s20  }
0xa4: {  	_ =	swait.ge [sflag:s22], s20  }
0xa5: {  	s4 =	ssub.s32 $0x0, s20;
	[sflag:s22] =	ssyncset.done $0x0  }
0xa6: {  	[sflag:s22] =	ssyncadd.s32 s4;
	_ =	sdelay $0x1  }
0xa7: {  	s23 =	simm.s32 $0x1B8B  }
0xa8: {  	_ =	swait.ge [sflag:s23], $0x1  }
0xa9: {  	[sflag:s23] =	ssyncset.done $0x0  }
0xaa: {  	s25 =	simm.s32 $0x1B8E;
	s24 =	sld [smem:$0x3FFE];
	[sflag:s23] =	ssyncadd.s32 $0xFFFFFFFF  }
0xab: {  	s26 =	simm.s32 $execute0_lowered;
	[smem:$0x3FD2] =	sst s25  }
0xac: {  	s5 =	sshll.u32 s26, $0x1;
	_ =	strace $0x80000061;
	[dreg:$0x1] =	wrdreg $0xFFFFFFFF  }
0xad: {  	s28 =	simm.s32 $_size_execute0_lowered;
	s3 =	sadd.s32 s3, s5;
	[dreg:$0x0] =	wrdreg $0x0  }
0xae: {  	s5 =	sshll.u32 s28, $0x1;
	[dreg:$0x2] =	wrdreg s3  }
0xaf: {  	[dreg:$0x3] =	wrdreg s5  }
0xb0: {  	[dreg:$0x4] =	wrdreg $0xC0  }
0xb1: {  	_ =	task [dreg:s7], $0x5FFFF  }
0xb2: {  	[dreg:$0x1] =	wrdreg $0xFFFFFFFF  }
0xb3: {  	[dreg:$0x0] =	wrdreg $0x60  }
0xb4: {  	[dreg:$0x2] =	wrdreg s16  }
0xb5: {  	[dreg:$0x3] =	wrdreg s24  }
0xb6: {  	[dreg:$0x4] =	wrdreg $0xA0000  }
0xb7: {  	[dreg:$0x5] =	wrdreg $0xB  }
0xb8: {  	_ =	task.clear_ibuf [dreg:s7], $0x6FFFF;
	_ =	strace $0x90000061  }
0xb9: {  	s29 =	simm.s32 $0xB;
	_ =	strace $0x80000063  }
0xba: {  	_ =	swait.ge [sflag:s29], $0x1  }
0xbb: {  	[sflag:s29] =	ssyncadd.s32 $0xFFFFFFFF  }
0xbc: {  	_ =	strace $0x90000063  }
0xbd: {  	_ =	sfence  }
0xbe: {  	s30 =	sld [smem:$0x0];
	_ =	sdelay $0x2  }
0xbf: {  	s31 =	sshll.u32 s1, $0xD;
	s1 =	sshrl.u32 s1, $0x2  }
0xc0: {  	s3 =	sand.u32 $0x4000, s31;
	s1 =	sadd.s32 s1, s30  }
0xc1: {  	s0 =	sor.u32 s3, s0;
	s1 =	sshll.u32 s1, $0x11  }
0xc2: {  	s0 =	sor.u32 s1, s0  }
0xc3: {  	s0 =	sadd.s32 $0x8F2B, s0  }
0xc4: {  	[sflag:s0] =	ssyncadd.remote.s32 $0x1  }
0xc5: {  	_ =	sfence.sel $0xFFFF  }
0xc6: {  	[dreg:$0x0] =	wrdreg $0xFFFFFFFF;
	(pc) =	sbr.abs _section_cstart, $3  }
0xc7: {  	[dreg:$0x1] =	wrdreg $0xFFFFFFFF  }
0xc8: {  	_ =	task.clear_ibuf [dreg:s7], $0x2FFFF;
	_ =	strace $0x9FFFFFFF  }
0xc9: {  	(tm) =	ssettm $0x7FFFFFFF  }
tec
execute0_lowered:
.L_overlay_start_1:
0x0: {  	(tag) =	ssettag $0x1  }
0x1: {  	s9 =	rddreg [dreg:$0x0]  }
0x2: {  	s7 =	rddreg [dreg:$0x1];
	s0 =	srdreg.scid  }
0x3: {  	s2 =	rddreg [dreg:$0x2];
	s1 =	stileid.u32  }
0x4: {  	s3 =	simm.s32 $0x0;
	s15 =	simm.s32 $0x80;
	s16 =	simm.s32 $0x2000  }
0x5: {  	s17 =	simm.s32 $0x1;
	s18 =	simm.s32 $0x6000;
	s19 =	simm.s32 $0xF80  }
0x6: {  	s20 =	simm.s32 $0x1F00;
	s21 =	simm.s32 $0x1F80;
	s6 =	smul.u32 $0x13C00, s1  }
0x7: {  	s8 =	sand.u32 $0x1, s0;
	s0 =	rddreg [dreg:$0x3];
	s11 =	smul.u32 $0x4F000, s1  }
0x8: {  	[smem:$0x7FF] =	sst s3;
	s4 =	sadd.s32 $0x163E00, s7;
	s5 =	smul.u32 $0x13C000, s8  }
0x9: {  	s31 =	sshll.u32 s1, $0x6;
	s30 =	ssub.s32 $0x2, s8;
	s13 =	smul.u32 $0x27100, s8  }
0xa: {  	_ =	strace $0x80000062;
	s8 =	smul.u32 $0x5000, s1;
	s12 =	sshrl.u32 s30, $0x1  }
0xb: {  	s11 =	sshrl.u32 s11, $0x2;
	s6 =	sadd.s32 s6, s5;
	s5 =	sadd.s32 $0x177E00, s7  }
0xc: {  	s12 =	ssub.s32 s30, s12;
	s14 =	sadd.s32 s11, s2;
	s9 =	sadd.s32 s9, s13  }
0xd: {  	s13 =	simm.s32 $0x2;
	s10 =	sshrl.u32 s6, $0x3;
	s6 =	sadd.s32 $0x1C400, s7  }
0xe: {  	s11 =	smax.u32 s12, $0x1;
	s12 =	sshrl.u32 s14, $0x3;
	s10 =	sadd.s32 s10, s7  }
0xf: {  	s14 =	simm.s32 $0x1000;
	s7 =	sor.u32 $0x1C02, s31;
	s10 =	sadd.s32 $0x18BE00, s10  }
.LBB2_1:
0x10: {  	[spmem:s12], [sflag:s7] =	dma.local [hbm:s6], $0x2780  }
0x11: {  	_ =	swait.ge [sflag:s13], $0x2780  }
0x12: {  	[sflag:s13] =	ssyncset.done $0x0  }
0x13: {  	[sflag:s13] =	ssyncadd.s32 $0xFFFFD880  }
0x14: {  	s22 =	simm.s32 $0x0;
	[bflag:$0x0] =	sbarrier.arrive $0xFFFF  }
.LBB2_2:
0x15: {  	s23 =	sshll.u32 s22, $0xC  }
0x16: {  	s23 =	sadd.s32 s8, s23  }
0x17: {  	s23 =	sshrl.u32 s23, $0x3  }
0x18: {  	s25 =	simm.s32 $0x0;
	s24 =	sadd.s32 s4, s23  }
0x19: {  	[tilespmem:s25], [sflag:$0x2] =	stream.linear.gather [hbm4b:s24+s25], $0x1000, $0x38;
	[tilespmem:$0x1DC00] =	vst v63  }
0x1a: {  	_ =	swait.ge [sflag:s13], $0x1000  }
0x1b: {  	[sflag:s13] =	ssyncset.done $0x0  }
0x1c: {  	s23 =	sadd.s32 s5, s23;
	[sflag:s13] =	ssyncadd.s32 $0xFFFFF000  }
0x1d: {  	[tilespmem:s14], [sflag:$0x2] =	stream.linear.gather [hbm4b:s23+s25], $0x1000, $0x38;
	[tilespmem:$0x1DC00] =	vst v63  }
0x1e: {  	_ =	swait.ge [sflag:s13], $0x1000  }
0x1f: {  	[sflag:s13] =	ssyncset.done $0x0  }
0x20: {  	[sflag:s13] =	ssyncadd.s32 $0xFFFFF000  }
0x21: {  	[tilespmem:s16], [sflag:$0x1] =	stream.indirect.gather [hbm4b:s9+s15], $0x80, s25, s15, $0xb8;
	[tilespmem:$0x1DC00] =	vst v63  }
0x22: {  	_ =	swait.ge [sflag:s17], $0x4000  }
0x23: {  	[sflag:s17] =	ssyncset.done $0x0  }
0x24: {  	s28 =	simm.s32 $0x80;
	[sflag:s17] =	ssyncadd.s32 $0xFFFFC000  }
0x25: {  	[tilespmem:s18], [sflag:$0x1] =	stream.indirect.gather [hbm4b:s9+s15], $0x80, s28, s15, $0xb8;
	[tilespmem:$0x1DC00] =	vst v63  }
0x26: {  	s29 =	simm.s32 $0x1000  }
0x27: {  	[spmem:s2] =	stream.indirect.scatter.add.f32 [tilespmem:s16], [sflag:$0x2], $0x80, s29, s15, $0xb8;
	[tilespmem:$0x1DC00] =	vst v63  }
0x28: {  	_ =	swait.ge [sflag:s13], $0x4000  }
0x29: {  	[sflag:s13] =	ssyncset.done $0x0  }
0x2a: {  	[sflag:s13] =	ssyncadd.s32 $0xFFFFC000  }
0x2b: {  	_ =	swait.ge [sflag:s17], $0x4000  }
0x2c: {  	[sflag:s17] =	ssyncset.done $0x0  }
0x2d: {  	s30 =	simm.s32 $0x100;
	[sflag:s17] =	ssyncadd.s32 $0xFFFFC000  }
0x2e: {  	[tilespmem:s16], [sflag:$0x1] =	stream.indirect.gather [hbm4b:s9+s15], $0x80, s30, s15, $0xb8;
	[tilespmem:$0x1DC00] =	vst v63  }
0x2f: {  	s31 =	simm.s32 $0x1080  }
0x30: {  	[spmem:s2] =	stream.indirect.scatter.add.f32 [tilespmem:s18], [sflag:$0x2], $0x80, s31, s15, $0xb8;
	[tilespmem:$0x1DC00] =	vst v63  }
0x31: {  	_ =	swait.ge [sflag:s13], $0x4000  }
0x32: {  	s23 =	simm.s32 $0x400;
	[sflag:s13] =	ssyncset.done $0x0  }
.LBB2_3:
0x33: {  	p0 =	sne.s32 s23, $0x3800  }
0x34: {  	[sflag:s13] =	ssyncadd.s32 $0xFFFFC000;
	s24 =	smov.u32 s23;
	s23 =	sadd.s32 $0x400, s23  }
0x35: {  	_ = 	snop  }
0x36: {  	_ =	swait.ge [sflag:s17], $0x4000  }
0x37: {  	s24 =	sshra.s32 s24, $0x2;
	[sflag:s17] =	ssyncset.done $0x0  }
0x38: {  	s25 =	sadd.s32 $0x80, s24;
	[sflag:s17] =	ssyncadd.s32 $0xFFFFC000  }
0x39: {  	[tilespmem:s18], [sflag:$0x1] =	stream.indirect.gather [hbm4b:s9+s15], $0x80, s25, s15, $0xb8;
	[tilespmem:$0x1DC00] =	vst v63  }
0x3a: {  	s25 =	sadd.s32 $0x1000, s24  }
0x3b: {  	[spmem:s2] =	stream.indirect.scatter.add.f32 [tilespmem:s16], [sflag:$0x2], $0x80, s25, s15, $0xb8;
	[tilespmem:$0x1DC00] =	vst v63  }
0x3c: {  	_ =	swait.ge [sflag:s13], $0x4000  }
0x3d: {  	[sflag:s13] =	ssyncset.done $0x0  }
0x3e: {  	[sflag:s13] =	ssyncadd.s32 $0xFFFFC000  }
0x3f: {  	_ =	swait.ge [sflag:s17], $0x4000  }
0x40: {  	[sflag:s17] =	ssyncset.done $0x0  }
0x41: {  	s25 =	sadd.s32 $0x100, s24;
	[sflag:s17] =	ssyncadd.s32 $0xFFFFC000  }
0x42: {  	[tilespmem:s16], [sflag:$0x1] =	stream.indirect.gather [hbm4b:s9+s15], $0x80, s25, s15, $0xb8;
	[tilespmem:$0x1DC00] =	vst v63  }
.Ltmp0:
0x43: {  	_ = 	snop;
	(pc) =	sbr.rel @p0 .LBB2_3-.Ltmp0, $4  }
0x44: {  	s24 =	sadd.s32 $0x1080, s24  }
0x45: {  	[spmem:s2] =	stream.indirect.scatter.add.f32 [tilespmem:s18], [sflag:$0x2], $0x80, s24, s15, $0xb8;
	[tilespmem:$0x1DC00] =	vst v63  }
0x46: {  	_ =	swait.ge [sflag:s13], $0x4000  }
0x47: {  	[sflag:s13] =	ssyncset.done $0x0  }
0x48: {  	[sflag:s13] =	ssyncadd.s32 $0xFFFFC000  }
0x49: {  	_ =	swait.ge [sflag:s17], $0x4000  }
0x4a: {  	[sflag:s17] =	ssyncset.done $0x0  }
0x4b: {  	[sflag:s17] =	ssyncadd.s32 $0xFFFFC000  }
0x4c: {  	[tilespmem:s18], [sflag:$0x1] =	stream.indirect.gather [hbm4b:s9+s15], $0x80, s19, s15, $0xb8;
	[tilespmem:$0x1DC00] =	vst v63  }
0x4d: {  	_ = 	snop  }
0x4e: {  	[spmem:s2] =	stream.indirect.scatter.add.f32 [tilespmem:s16], [sflag:$0x2], $0x80, s20, s15, $0xb8;
	[tilespmem:$0x1DC00] =	vst v63  }
0x4f: {  	_ =	swait.ge [sflag:s13], $0x4000  }
0x50: {  	[sflag:s13] =	ssyncset.done $0x0  }
0x51: {  	[sflag:s13] =	ssyncadd.s32 $0xFFFFC000  }
0x52: {  	s22 =	sadd.s32 $0x1, s22;
	_ =	swait.ge [sflag:s17], $0x4000  }
0x53: {  	p0 =	sne.s32 s22, $0x5;
	[sflag:s17] =	ssyncset.done $0x0  }
.Ltmp1:
0x54: {  	[sflag:s17] =	ssyncadd.s32 $0xFFFFC000;
	(pc) =	sbr.rel @p0 .LBB2_2-.Ltmp1, $4  }
0x55: {  	[spmem:s2] =	stream.indirect.scatter.add.f32 [tilespmem:s18], [sflag:$0x2], $0x80, s21, s15, $0xb8;
	[tilespmem:$0x1DC00] =	vst v63  }
0x56: {  	_ =	swait.ge [sflag:s13], $0x4000  }
0x57: {  	[sflag:s13] =	ssyncset.done $0x0  }
0x58: {  	[sflag:s13] =	ssyncadd.s32 $0xFFFFC000  }
0x59: {  	s3 =	sadd.s32 $0x1, s3  }
0x5a: {  	p0 =	sne.s32 s3, s11  }
.Ltmp2:
0x5b: {  	[bflag:$0x0] =	sbarrier.arrive $0xFFFF;
	(pc) =	sbr.rel @p0 .LBB2_1-.Ltmp2, $4  }
0x5c: {  	[hbm:s10], [sflag:s7] =	dma.local [spmem:s12], $0x2780  }
0x5d: {  	_ =	swait.ge [sflag:s13], $0x2780  }
0x5e: {  	[sflag:s13] =	ssyncset.done $0x0  }
0x5f: {  	[sflag:s13] =	ssyncadd.s32 $0xFFFFD880  }
0x60: {  	_ =	sfence.sel $0x180000  }
0x61: {  	[bflag:$0x0] =	sbarrier.arrive $0xFFFF  }
0x62: {  	p0 =	sne.s32 s1, $0x0;
	_ =	strace $0x90000062  }
0x63: {  	s0 =	sadd.s32 @!p0 $0x100000, s0;
	[bflag:$0x2] =	sbarrier.arrive $0xFFFF  }
0x64: {  	[sflag:s0] =	ssyncadd.tile.s32 @!p0 $0x1;
	_ =	shalt  }
.Lfunc_end2:
_tile_overlayer_lowered:
.L_overlay_start_2:
0x65: {  	(tag) =	ssettag $0x2  }
0x66: {  	s0 =	rddreg [dreg:$0x0];
	s2 =	stileid.u32  }
0x67: {  	s1 =	rddreg [dreg:$0x1];
	p0 =	sne.s32 s2, $0x0  }
0x68: {  	s3 =	rddreg [dreg:$0x2];
	[bflag:$0x3] =	sbarrier.arrive $0xFFFF;
	s2 =	simm.s32 @!p0 $0x1C02  }
0x69: {  	[timem:s3], [sflag:s2] =	dma.local @!p0 [hbm:s0], s1  }
0x6a: {  	s0 =	simm.s32 @!p0 $0x2  }
0x6b: {  	_ =	swait.ge @!p0 [sflag:s0], s1  }
0x6c: {  	s1 =	ssub.s32 @!p0 $0x0, s1;
	[sflag:s0] =	ssyncset.done @!p0 $0x0  }
0x6d: {  	[sflag:s0] =	ssyncadd.s32 @!p0 s1  }
0x6e: {  	[bflag:$0x3] =	sbarrier.arrive $0xFFFF  }
0x6f: {  	_ =	shalt  }

</sc_bundles>
